<compile_context>
chip_gen: v7x
topology: tpu7x:2x2x1
jax: 0.10.2.dev20260603
libtpu: 0.0.44.dev20260713+nightly
codegen_flags: <defaults>
</compile_context>

<pallas_src>
import functools

import jax
import jax.numpy as jnp
from jax import lax
from jax.experimental import pallas as pl
from jax.experimental.pallas import tpu as pltpu
from jax.experimental.pallas import tpu_sc as plsc

N = 10000
D = 128
E = 320000
NP = 10240
EP = 327680
NW = 32
CPT = 80
CH = 128
RPT = NP // 16
HR = NP // 16
BLK = 1024

_mesh = plsc.VectorSubcoreMesh(core_axis_name="c", subcore_axis_name="s")
_sc_params = pltpu.CompilerParams(needs_layout_passes=False)


@functools.partial(
    pl.kernel,
    mesh=_mesh,
    out_type=jax.ShapeDtypeStruct((2, NP), jnp.float32),
    scratch_types=[
        pltpu.VMEM_SHARED((16, NP), jnp.float32),
        pltpu.VMEM((NP,), jnp.float32),
        pltpu.VMEM((CPT, CH), jnp.int32),
        pltpu.VMEM((16, NP // 16), jnp.float32),
        pltpu.VMEM((NP // 16,), jnp.float32),
    ],
    compiler_params=_sc_params,
)
def _deg_hist(dst_hbm, out_hbm, hist_sh, hist_v, dst_v, red_v, out_v):
    c = lax.axis_index("c")
    s = lax.axis_index("s")
    wid = c * 16 + s
    zz = jnp.zeros((16,), jnp.float32)

    def _zh(i, _):
        hist_v[pl.ds(i * 16, 16)] = zz
        return 0

    lax.fori_loop(0, NP // 16, _zh, 0)
    pltpu.sync_copy(dst_hbm.at[pl.ds(wid * CPT, CPT)], dst_v)

    ones = jnp.ones((16,), jnp.float32)

    def _acc(i, _):
        for j in range(8):
            dv = dst_v[i, pl.ds(j * 16, 16)]
            plsc.addupdate_scatter(hist_v, [dv], ones)
        return 0

    lax.fori_loop(0, CPT, _acc, 0)
    pltpu.sync_copy(hist_v, hist_sh.at[s])
    plsc.subcore_barrier()
    pltpu.sync_copy(hist_sh.at[:, pl.ds(s * (NP // 16), NP // 16)], red_v)

    def _red(cc, _):
        acc = red_v[0, pl.ds(cc * 16, 16)]
        for r in range(1, 16):
            acc = acc + red_v[r, pl.ds(cc * 16, 16)]
        out_v[pl.ds(cc * 16, 16)] = acc
        return 0

    lax.fori_loop(0, NP // 256, _red, 0)
    pltpu.sync_copy(out_v, out_hbm.at[c, pl.ds(s * (NP // 16), NP // 16)])


NB = 4
ECH = 80
EPH = 32
C0PH = 4
C1PH = 4


@functools.partial(
    pl.kernel,
    mesh=_mesh,
    out_type=jax.ShapeDtypeStruct((2, NP, D), jnp.float32),
    scratch_types=[
        pltpu.VMEM_SHARED((NP, D), jnp.float32),
        pltpu.VMEM((NB, ECH, D), jnp.float32),
        pltpu.VMEM((EPH, ECH), jnp.int32),
        pltpu.VMEM((EPH, ECH), jnp.int32),
        pltpu.SemaphoreType.DMA,
        pltpu.SemaphoreType.DMA,
        pltpu.SemaphoreType.DMA,
        pltpu.SemaphoreType.DMA,
        pltpu.SemaphoreType.DMA,
        pltpu.SemaphoreType.DMA,
        pltpu.SemaphoreType.DMA,
        pltpu.SemaphoreType.DMA,
    ],
    compiler_params=_sc_params,
)
def _edge_agg(g_hbm, src_hbm, dst_hbm, out_hbm, acc_sh, rows_v, src_v, dst_v,
              g0, g1, g2, g3, s0, s1, s2, s3):
    c = lax.axis_index("c")
    s = lax.axis_index("s")
    gs = (g0, g1, g2, g3)
    ss = (s0, s1, s2, s3)
    n_ph = jnp.where(c == 0, C0PH, C1PH)
    chunk0 = jnp.where(c == 0, s * (C0PH * EPH),
                       16 * C0PH * EPH + s * (C1PH * EPH))
    zz = jnp.zeros((16,), jnp.float32)

    def _zrow(i, _):
        for j in range(D // 16):
            rows_v[0, i, pl.ds(j * 16, 16)] = zz
        return 0

    lax.fori_loop(0, ECH, _zrow, 0)
    for k in range(RPT // ECH):
        pltpu.sync_copy(rows_v.at[0], acc_sh.at[pl.ds(s * RPT + k * ECH, ECH)])
    plsc.subcore_barrier()

    def _phase(p, _):
        off = chunk0 + p * EPH
        pltpu.sync_copy(src_hbm.at[pl.ds(off, EPH)], src_v)
        pltpu.sync_copy(dst_hbm.at[pl.ds(off, EPH)], dst_v)
        for b in range(NB):
            pltpu.async_copy(g_hbm.at[src_v.at[b]], rows_v.at[b], gs[b])

        def _step(ip, _):
            base = ip * NB
            for b in range(NB):
                ic = base + b
                pltpu.make_async_copy(g_hbm.at[src_v.at[ic]], rows_v.at[b],
                                      gs[b]).wait()
                pltpu.async_copy(rows_v.at[b], acc_sh.at[dst_v.at[ic]], ss[b],
                                 add=True)
            for b in range(NB):
                pltpu.make_async_copy(rows_v.at[b],
                                      acc_sh.at[dst_v.at[base + b]],
                                      ss[b]).wait()
                pltpu.async_copy(g_hbm.at[src_v.at[base + NB + b]],
                                 rows_v.at[b], gs[b])
            return 0

        lax.fori_loop(0, EPH // NB - 1, _step, 0)
        base = EPH - NB
        for b in range(NB):
            ic = base + b
            pltpu.make_async_copy(g_hbm.at[src_v.at[ic]], rows_v.at[b],
                                  gs[b]).wait()
            pltpu.async_copy(rows_v.at[b], acc_sh.at[dst_v.at[ic]], ss[b],
                             add=True)
        for b in range(NB):
            pltpu.make_async_copy(rows_v.at[b], acc_sh.at[dst_v.at[base + b]],
                                  ss[b]).wait()
        return 0

    lax.fori_loop(0, n_ph, _phase, 0)
    plsc.subcore_barrier()
    for k in range(RPT // ECH):
        r0 = s * RPT + k * ECH
        pltpu.sync_copy(acc_sh.at[pl.ds(r0, ECH)], out_hbm.at[c, pl.ds(r0, ECH)])


def _t1_body(x_ref, w_ref, degt_ref, g_ref, dis_ref):
    d = degt_ref[...]
    dis = lax.rsqrt(d[:, 0:1] + d[:, 1:2] + 1.0)
    g_ref[...] = jnp.dot(x_ref[...], w_ref[...],
                         preferred_element_type=jnp.float32) * dis
    dis_ref[...] = dis


def _t2_body(p_ref, g1_ref, dis_ref, b1_ref, w2_ref, g2_ref):
    dis = dis_ref[...]
    z = jnp.maximum((p_ref[0] + p_ref[1] + g1_ref[...]) * dis + b1_ref[...], 0.0)
    g2_ref[...] = jnp.dot(z, w2_ref[...],
                          preferred_element_type=jnp.float32) * dis


def _t3_body(p_ref, g2_ref, dis_ref, b2_ref, o_ref):
    o_ref[...] = (p_ref[0] + p_ref[1] + g2_ref[...]) * dis_ref[...] + b2_ref[...]


def _t1(xp, W1, degt):
    return pl.pallas_call(
        _t1_body,
        grid=(NP // BLK,),
        in_specs=[
            pl.BlockSpec((BLK, D), lambda i: (i, 0)),
            pl.BlockSpec((D, D), lambda i: (0, 0)),
            pl.BlockSpec((BLK, 2), lambda i: (i, 0)),
        ],
        out_specs=[
            pl.BlockSpec((BLK, D), lambda i: (i, 0)),
            pl.BlockSpec((BLK, 1), lambda i: (i, 0)),
        ],
        out_shape=[
            jax.ShapeDtypeStruct((NP, D), jnp.float32),
            jax.ShapeDtypeStruct((NP, 1), jnp.float32),
        ],
    )(xp, W1, degt)


def _t2(p1, g1, dis, b1, W2):
    return pl.pallas_call(
        _t2_body,
        grid=(NP // BLK,),
        in_specs=[
            pl.BlockSpec((2, BLK, D), lambda i: (0, i, 0)),
            pl.BlockSpec((BLK, D), lambda i: (i, 0)),
            pl.BlockSpec((BLK, 1), lambda i: (i, 0)),
            pl.BlockSpec((1, D), lambda i: (0, 0)),
            pl.BlockSpec((D, D), lambda i: (0, 0)),
        ],
        out_specs=pl.BlockSpec((BLK, D), lambda i: (i, 0)),
        out_shape=jax.ShapeDtypeStruct((NP, D), jnp.float32),
    )(p1, g1, dis, b1, W2)


def _t3(p2, g2, dis, b2):
    return pl.pallas_call(
        _t3_body,
        grid=(NP // BLK,),
        in_specs=[
            pl.BlockSpec((2, BLK, D), lambda i: (0, i, 0)),
            pl.BlockSpec((BLK, D), lambda i: (i, 0)),
            pl.BlockSpec((BLK, 1), lambda i: (i, 0)),
            pl.BlockSpec((1, D), lambda i: (0, 0)),
        ],
        out_specs=pl.BlockSpec((BLK, D), lambda i: (i, 0)),
        out_shape=jax.ShapeDtypeStruct((NP, D), jnp.float32),
    )(p2, g2, dis, b2)


def kernel(x, edge_index, W1, b1, W2, b2):
    ei = edge_index.astype(jnp.int32)
    fill = N + jnp.arange(EP - E, dtype=jnp.int32) % (NP - N)
    src = jnp.concatenate([ei[0], fill]).reshape(EP // CH, CH)
    dst = jnp.concatenate([ei[1], fill]).reshape(EP // CH, CH)
    xp = jnp.pad(x, ((0, NP - N), (0, 0)))

    src_e = src.reshape(EP // ECH, ECH)
    dst_e = dst.reshape(EP // ECH, ECH)

    degp = _deg_hist(dst)
    degt = degp.T
    g1, dis = _t1(xp, W1, degt)
    p1 = _edge_agg(g1, src_e, dst_e)
    g2 = _t2(p1, g1, dis, b1.reshape(1, D), W2)
    p2 = _edge_agg(g2, src_e, dst_e)
    out = _t3(p2, g2, dis, b2.reshape(1, D))
    return out[:N]

# --- scband reference (transcript-rebuilt; emitter-appended) ---
"""Pipeline reference for scband-category-informed-gnn-88794153877955 (READ-ONLY COPY).

The authoritative reference and input builder live on the scoring server;
editing this copy changes nothing except your own understanding.
"""

import jax, jax.numpy as jnp
import numpy as np

N_NODES = 10000
D = 128
N_EDGES = 320000


def gcn_conv(x, edge_index, W, b):
    n = x.shape[0]
    src = edge_index[0]
    dst = edge_index[1]
    # add self loops with weight 1.0 (PyG GCNConv default)
    loop = jnp.arange(n, dtype=edge_index.dtype)
    src = jnp.concatenate([src, loop])
    dst = jnp.concatenate([dst, loop])
    ew = jnp.ones(src.shape[0], dtype=x.dtype)
    # symmetric normalization: deg over dst
    deg = jnp.zeros(n, dtype=x.dtype).at[dst].add(ew)
    deg_inv_sqrt = jnp.where(deg > 0, deg ** -0.5, 0.0)
    norm = deg_inv_sqrt[src] * ew * deg_inv_sqrt[dst]
    # linear transform then message passing
    h = x @ W
    msg = h[src] * norm[:, None]
    out = jnp.zeros((n, h.shape[1]), dtype=x.dtype).at[dst].add(msg)
    return out + b


def setup_inputs(seed: int = 0) -> dict:
    key = jax.random.key(seed)
    kx, ke, kw1, kw2 = jax.random.split(key, 4)
    x = jax.random.normal(kx, (N_NODES, D), dtype=jnp.float32)
    edge_index = jax.random.randint(ke, (2, N_EDGES), 0, N_NODES, dtype=jnp.int64)
    s1 = (1.0 / D) ** 0.5
    W1 = jax.random.uniform(kw1, (D, D), dtype=jnp.float32, minval=-s1, maxval=s1)
    b1 = jnp.zeros((D,), dtype=jnp.float32)
    W2 = jax.random.uniform(kw2, (D, D), dtype=jnp.float32, minval=-s1, maxval=s1)
    b2 = jnp.zeros((D,), dtype=jnp.float32)
    return {"x": x, "edge_index": edge_index, "W1": W1, "b1": b1, "W2": W2, "b2": b2}


def reference(x, edge_index, W1, b1, W2, b2):
    h = gcn_conv(x, edge_index, W1, b1)
    h = jax.nn.relu(h)
    # dropout p=0.0 -> identity
    h = gcn_conv(h, edge_index, W2, b2)
    return h

if __name__ == "__main__":
    import jax
    _d = setup_inputs()
    print(jax.jit(kernel)(*tuple(_d.values())))

</pallas_src>

<mosaic_0001>
#map = affine_map<(d0, d1) -> (0, 0)>
#map1 = affine_map<(d0, d1) -> (0, 0, 0)>
module attributes {stable_mosaic.version = 14 : i64} {
  func.func @_edge_agg(%arg0: i32, %arg1: i32, %arg2: memref<10240x128xf32, #tpu.memory_space<hbm>>, %arg3: memref<4096x80xi32, #tpu.memory_space<hbm>>, %arg4: memref<4096x80xi32, #tpu.memory_space<hbm>>, %arg5: memref<2x10240x128xf32, #tpu.memory_space<hbm>>, %arg6: memref<10240x128xf32, #tpu.memory_space<vmem_shared>>, %arg7: memref<4x80x128xf32, #tpu.memory_space<vmem>>, %arg8: memref<32x80xi32, #tpu.memory_space<vmem>>, %arg9: memref<32x80xi32, #tpu.memory_space<vmem>>, %arg10: memref<!tpu.dma_semaphore, #tpu.memory_space<semaphore_mem>>, %arg11: memref<!tpu.dma_semaphore, #tpu.memory_space<semaphore_mem>>, %arg12: memref<!tpu.dma_semaphore, #tpu.memory_space<semaphore_mem>>, %arg13: memref<!tpu.dma_semaphore, #tpu.memory_space<semaphore_mem>>, %arg14: memref<!tpu.dma_semaphore, #tpu.memory_space<semaphore_mem>>, %arg15: memref<!tpu.dma_semaphore, #tpu.memory_space<semaphore_mem>>, %arg16: memref<!tpu.dma_semaphore, #tpu.memory_space<semaphore_mem>>, %arg17: memref<!tpu.dma_semaphore, #tpu.memory_space<semaphore_mem>>) attributes {dimension_semantics = [#tpu.dimension_semantics<core_parallel>, #tpu.dimension_semantics<subcore_parallel>], iteration_bounds = array<i64: 2, 16>, scalar_prefetch = 0 : i64, scratch_operands = 12 : i64, tpu.core_type = #tpu.core_type<sc_vector_subcore>, window_params = [{transform_indices = #map}, {transform_indices = #map}, {transform_indices = #map}, {transform_indices = #map1}]} {
    %eq3A = arith.constant 0 : i32
    %eq3A_0 = arith.cmpi eq, %arg0, %eq3A : i32
    %jit3A = arith.constant 4 : i32
    %jit3A_1 = arith.constant 4 : i32
    %select_n3A = arith.select %eq3A_0, %jit3A, %jit3A_1 : i32
    %eq3A_2 = arith.constant 0 : i32
    %eq3A_3 = arith.cmpi eq, %arg0, %eq3A_2 : i32
    %mul3A = arith.constant 128 : i32
    %mul3A_4 = arith.muli %arg1, %mul3A : i32
    %mul3A_5 = arith.constant 128 : i32
    %mul3A_6 = arith.muli %arg1, %mul3A_5 : i32
    %add3A = arith.constant 2048 : i32
    %add3A_7 = arith.addi %add3A, %mul3A_6 : i32
    %select_n3A_8 = arith.select %eq3A_3, %mul3A_4, %add3A_7 : i32
    %broadcast_in_dim3A = arith.constant 0.000000e+00 : f32
    %broadcast_in_dim3A_9 = vector.broadcast %broadcast_in_dim3A : f32 to vector<16xf32>
    %scan3A = arith.constant 0 : i32
    %scan3A_10 = arith.constant 0 : i32
    %scan3A_11 = arith.constant 80 : i32
    %scan3A_12 = arith.addi %scan3A_10, %scan3A_11 : i32
    %scan3A_13 = arith.constant 1 : i32
    %scan3A_14 = scf.for %scan3A_99 = %scan3A_10 to %scan3A_12 step %scan3A_13 iter_args(%scan3A_100 = %scan3A) -> (i32)  : i32 {
      %swap3A = arith.constant 0 : i32
      %swap3A_101 = arith.index_cast %swap3A : i32 to index
      %swap3A_102 = arith.index_cast %scan3A_99 : i32 to index
      %swap3A_103 = arith.constant 0 : index
      %swap3A_104 = tpu.vector_load %arg7[%swap3A_101, %swap3A_102, %swap3A_103] {strides = array<i32>} : memref<4x80x128xf32, #tpu.memory_space<vmem>>, vector<16xf32>,
      tpu.vector_store %arg7[%swap3A_101, %swap3A_102, %swap3A_103], %broadcast_in_dim3A_9 {strides = array<i32>} : memref<4x80x128xf32, #tpu.memory_space<vmem>>, vector<16xf32>,
      %swap3A_105 = arith.constant 0 : i32
      %swap3A_106 = arith.index_cast %swap3A_105 : i32 to index
      %swap3A_107 = arith.index_cast %scan3A_99 : i32 to index
      %swap3A_108 = arith.constant 16 : index
      %swap3A_109 = tpu.vector_load %arg7[%swap3A_106, %swap3A_107, %swap3A_108] {strides = array<i32>} : memref<4x80x128xf32, #tpu.memory_space<vmem>>, vector<16xf32>,
      tpu.vector_store %arg7[%swap3A_106, %swap3A_107, %swap3A_108], %broadcast_in_dim3A_9 {strides = array<i32>} : memref<4x80x128xf32, #tpu.memory_space<vmem>>, vector<16xf32>,
      %swap3A_110 = arith.constant 0 : i32
      %swap3A_111 = arith.index_cast %swap3A_110 : i32 to index
      %swap3A_112 = arith.index_cast %scan3A_99 : i32 to index
      %swap3A_113 = arith.constant 32 : index
      %swap3A_114 = tpu.vector_load %arg7[%swap3A_111, %swap3A_112, %swap3A_113] {strides = array<i32>} : memref<4x80x128xf32, #tpu.memory_space<vmem>>, vector<16xf32>,
      tpu.vector_store %arg7[%swap3A_111, %swap3A_112, %swap3A_113], %broadcast_in_dim3A_9 {strides = array<i32>} : memref<4x80x128xf32, #tpu.memory_space<vmem>>, vector<16xf32>,
      %swap3A_115 = arith.constant 0 : i32
      %swap3A_116 = arith.index_cast %swap3A_115 : i32 to index
      %swap3A_117 = arith.index_cast %scan3A_99 : i32 to index
      %swap3A_118 = arith.constant 48 : index
      %swap3A_119 = tpu.vector_load %arg7[%swap3A_116, %swap3A_117, %swap3A_118] {strides = array<i32>} : memref<4x80x128xf32, #tpu.memory_space<vmem>>, vector<16xf32>,
      tpu.vector_store %arg7[%swap3A_116, %swap3A_117, %swap3A_118], %broadcast_in_dim3A_9 {strides = array<i32>} : memref<4x80x128xf32, #tpu.memory_space<vmem>>, vector<16xf32>,
      %swap3A_120 = arith.constant 0 : i32
      %swap3A_121 = arith.index_cast %swap3A_120 : i32 to index
      %swap3A_122 = arith.index_cast %scan3A_99 : i32 to index
      %swap3A_123 = arith.constant 64 : index
      %swap3A_124 = tpu.vector_load %arg7[%swap3A_121, %swap3A_122, %swap3A_123] {strides = array<i32>} : memref<4x80x128xf32, #tpu.memory_space<vmem>>, vector<16xf32>,
      tpu.vector_store %arg7[%swap3A_121, %swap3A_122, %swap3A_123], %broadcast_in_dim3A_9 {strides = array<i32>} : memref<4x80x128xf32, #tpu.memory_space<vmem>>, vector<16xf32>,
      %swap3A_125 = arith.constant 0 : i32
      %swap3A_126 = arith.index_cast %swap3A_125 : i32 to index
      %swap3A_127 = arith.index_cast %scan3A_99 : i32 to index
      %swap3A_128 = arith.constant 80 : index
      %swap3A_129 = tpu.vector_load %arg7[%swap3A_126, %swap3A_127, %swap3A_128] {strides = array<i32>} : memref<4x80x128xf32, #tpu.memory_space<vmem>>, vector<16xf32>,
      tpu.vector_store %arg7[%swap3A_126, %swap3A_127, %swap3A_128], %broadcast_in_dim3A_9 {strides = array<i32>} : memref<4x80x128xf32, #tpu.memory_space<vmem>>, vector<16xf32>,
      %swap3A_130 = arith.constant 0 : i32
      %swap3A_131 = arith.index_cast %swap3A_130 : i32 to index
      %swap3A_132 = arith.index_cast %scan3A_99 : i32 to index
      %swap3A_133 = arith.constant 96 : index
      %swap3A_134 = tpu.vector_load %arg7[%swap3A_131, %swap3A_132, %swap3A_133] {strides = array<i32>} : memref<4x80x128xf32, #tpu.memory_space<vmem>>, vector<16xf32>,
      tpu.vector_store %arg7[%swap3A_131, %swap3A_132, %swap3A_133], %broadcast_in_dim3A_9 {strides = array<i32>} : memref<4x80x128xf32, #tpu.memory_space<vmem>>, vector<16xf32>,
      %swap3A_135 = arith.constant 0 : i32
      %swap3A_136 = arith.index_cast %swap3A_135 : i32 to index
      %swap3A_137 = arith.index_cast %scan3A_99 : i32 to index
      %swap3A_138 = arith.constant 112 : index
      %swap3A_139 = tpu.vector_load %arg7[%swap3A_136, %swap3A_137, %swap3A_138] {strides = array<i32>} : memref<4x80x128xf32, #tpu.memory_space<vmem>>, vector<16xf32>,
      tpu.vector_store %arg7[%swap3A_136, %swap3A_137, %swap3A_138], %broadcast_in_dim3A_9 {strides = array<i32>} : memref<4x80x128xf32, #tpu.memory_space<vmem>>, vector<16xf32>,
      %scan3A_140 = arith.constant 0 : i32
      scf.yield %scan3A_140 : i32
    }
    %scan3A_15 = arith.constant 80 : i32
    %mul3A_16 = arith.constant 640 : i32
    %mul3A_17 = arith.muli %arg1, %mul3A_16 : i32
    %add3A_18 = arith.constant 0 : i32
    %add3A_19 = arith.addi %mul3A_17, %add3A_18 : i32
    %run_scoped3A = arith.constant 0 : i32
    "tpu.region"() ({
      %run_scoped3A_99 = tpu.sem_alloc : memref<!tpu.dma_semaphore, #tpu.memory_space<semaphore_mem>>
      %dma_start3A = arith.constant 0 : i32
      %dma_start3A_100 = arith.constant 0 : i32
      %dma_start3A_101 = tpu.memref_slice %arg7[%run_scoped3A, %dma_start3A, %dma_start3A_100] : memref<4x80x128xf32, #tpu.memory_space<vmem>> -> memref<1x80x128xf32, #tpu.memory_space<vmem>>
      %dma_start3A_102 = tpu.memref_squeeze %dma_start3A_101 : memref<1x80x128xf32, #tpu.memory_space<vmem>> -> memref<80x128xf32, #tpu.memory_space<vmem>>
      %dma_start3A_103 = arith.constant 0 : i32
      %dma_start3A_104 = tpu.memref_slice %arg6[%add3A_19, %dma_start3A_103] : memref<10240x128xf32, #tpu.memory_space<vmem_shared>> -> memref<80x128xf32, #tpu.memory_space<vmem_shared>>
      %dma_start3A_105 = arith.constant 0 : i32
      %dma_start3A_106 = tpu.memref_slice %arg6[%add3A_19, %dma_start3A_105] : memref<10240x128xf32, #tpu.memory_space<vmem_shared>> -> memref<80x128xf32, #tpu.memory_space<vmem_shared>>
      %dma_start3A_107 = arith.constant 0 : i32
      %dma_start3A_108 = arith.constant 0 : i32
      %dma_start3A_109 = tpu.memref_slice %arg7[%run_scoped3A, %dma_start3A_107, %dma_start3A_108] : memref<4x80x128xf32, #tpu.memory_space<vmem>> -> memref<1x80x128xf32, #tpu.memory_space<vmem>>
      %dma_start3A_110 = tpu.memref_squeeze %dma_start3A_109 : memref<1x80x128xf32, #tpu.memory_space<vmem>> -> memref<80x128xf32, #tpu.memory_space<vmem>>
      tpu.enqueue_dma source(%dma_start3A_110 : memref<80x128xf32, #tpu.memory_space<vmem>>) target(%dma_start3A_106 : memref<80x128xf32, #tpu.memory_space<vmem_shared>>) target_semaphore(%run_scoped3A_99 : memref<!tpu.dma_semaphore, #tpu.memory_space<semaphore_mem>>)
      %dma_wait3A = arith.constant 0 : i32
      %dma_wait3A_111 = arith.constant 0 : i32
      %dma_wait3A_112 = tpu.memref_slice %arg7[%run_scoped3A, %dma_wait3A, %dma_wait3A_111] : memref<4x80x128xf32, #tpu.memory_space<vmem>> -> memref<1x80x128xf32, #tpu.memory_space<vmem>>
      %dma_wait3A_113 = tpu.memref_squeeze %dma_wait3A_112 : memref<1x80x128xf32, #tpu.memory_space<vmem>> -> memref<80x128xf32, #tpu.memory_space<vmem>>
      %dma_wait3A_114 = arith.constant 0 : i32
      %dma_wait3A_115 = tpu.memref_slice %arg6[%add3A_19, %dma_wait3A_114] : memref<10240x128xf32, #tpu.memory_space<vmem_shared>> -> memref<80x128xf32, #tpu.memory_space<vmem_shared>>
      %dma_wait3A_116 = arith.constant 0 : i32
      %dma_wait3A_117 = tpu.memref_slice %arg6[%add3A_19, %dma_wait3A_116] : memref<10240x128xf32, #tpu.memory_space<vmem_shared>> -> memref<80x128xf32, #tpu.memory_space<vmem_shared>>
      %dma_wait3A_118 = arith.constant 0 : i32
      %dma_wait3A_119 = arith.constant 0 : i32
      %dma_wait3A_120 = tpu.memref_slice %arg7[%run_scoped3A, %dma_wait3A_118, %dma_wait3A_119] : memref<4x80x128xf32, #tpu.memory_space<vmem>> -> memref<1x80x128xf32, #tpu.memory_space<vmem>>
      %dma_wait3A_121 = tpu.memref_squeeze %dma_wait3A_120 : memref<1x80x128xf32, #tpu.memory_space<vmem>> -> memref<80x128xf32, #tpu.memory_space<vmem>>
      tpu.wait_dma2 semaphore(%run_scoped3A_99 : memref<!tpu.dma_semaphore, #tpu.memory_space<semaphore_mem>>) src(%dma_wait3A_121 : memref<80x128xf32, #tpu.memory_space<vmem>>) dst(%dma_wait3A_117 : memref<80x128xf32, #tpu.memory_space<vmem_shared>>)
      tpu.yield
    }) : () -> ()
    %mul3A_20 = arith.constant 640 : i32
    %mul3A_21 = arith.muli %arg1, %mul3A_20 : i32
    %add3A_22 = arith.constant 80 : i32
    %add3A_23 = arith.addi %mul3A_21, %add3A_22 : i32
    %run_scoped3A_24 = arith.constant 0 : i32
    "tpu.region"() ({
      %run_scoped3A_99 = tpu.sem_alloc : memref<!tpu.dma_semaphore, #tpu.memory_space<semaphore_mem>>
      %dma_start3A = arith.constant 0 : i32
      %dma_start3A_100 = arith.constant 0 : i32
      %dma_start3A_101 = tpu.memref_slice %arg7[%run_scoped3A_24, %dma_start3A, %dma_start3A_100] : memref<4x80x128xf32, #tpu.memory_space<vmem>> -> memref<1x80x128xf32, #tpu.memory_space<vmem>>
      %dma_start3A_102 = tpu.memref_squeeze %dma_start3A_101 : memref<1x80x128xf32, #tpu.memory_space<vmem>> -> memref<80x128xf32, #tpu.memory_space<vmem>>
      %dma_start3A_103 = arith.constant 0 : i32
      %dma_start3A_104 = tpu.memref_slice %arg6[%add3A_23, %dma_start3A_103] : memref<10240x128xf32, #tpu.memory_space<vmem_shared>> -> memref<80x128xf32, #tpu.memory_space<vmem_shared>>
      %dma_start3A_105 = arith.constant 0 : i32
      %dma_start3A_106 = tpu.memref_slice %arg6[%add3A_23, %dma_start3A_105] : memref<10240x128xf32, #tpu.memory_space<vmem_shared>> -> memref<80x128xf32, #tpu.memory_space<vmem_shared>>
      %dma_start3A_107 = arith.constant 0 : i32
      %dma_start3A_108 = arith.constant 0 : i32
      %dma_start3A_109 = tpu.memref_slice %arg7[%run_scoped3A_24, %dma_start3A_107, %dma_start3A_108] : memref<4x80x128xf32, #tpu.memory_space<vmem>> -> memref<1x80x128xf32, #tpu.memory_space<vmem>>
      %dma_start3A_110 = tpu.memref_squeeze %dma_start3A_109 : memref<1x80x128xf32, #tpu.memory_space<vmem>> -> memref<80x128xf32, #tpu.memory_space<vmem>>
      tpu.enqueue_dma source(%dma_start3A_110 : memref<80x128xf32, #tpu.memory_space<vmem>>) target(%dma_start3A_106 : memref<80x128xf32, #tpu.memory_space<vmem_shared>>) target_semaphore(%run_scoped3A_99 : memref<!tpu.dma_semaphore, #tpu.memory_space<semaphore_mem>>)
      %dma_wait3A = arith.constant 0 : i32
      %dma_wait3A_111 = arith.constant 0 : i32
      %dma_wait3A_112 = tpu.memref_slice %arg7[%run_scoped3A_24, %dma_wait3A, %dma_wait3A_111] : memref<4x80x128xf32, #tpu.memory_space<vmem>> -> memref<1x80x128xf32, #tpu.memory_space<vmem>>
      %dma_wait3A_113 = tpu.memref_squeeze %dma_wait3A_112 : memref<1x80x128xf32, #tpu.memory_space<vmem>> -> memref<80x128xf32, #tpu.memory_space<vmem>>
      %dma_wait3A_114 = arith.constant 0 : i32
      %dma_wait3A_115 = tpu.memref_slice %arg6[%add3A_23, %dma_wait3A_114] : memref<10240x128xf32, #tpu.memory_space<vmem_shared>> -> memref<80x128xf32, #tpu.memory_space<vmem_shared>>
      %dma_wait3A_116 = arith.constant 0 : i32
      %dma_wait3A_117 = tpu.memref_slice %arg6[%add3A_23, %dma_wait3A_116] : memref<10240x128xf32, #tpu.memory_space<vmem_shared>> -> memref<80x128xf32, #tpu.memory_space<vmem_shared>>
      %dma_wait3A_118 = arith.constant 0 : i32
      %dma_wait3A_119 = arith.constant 0 : i32
      %dma_wait3A_120 = tpu.memref_slice %arg7[%run_scoped3A_24, %dma_wait3A_118, %dma_wait3A_119] : memref<4x80x128xf32, #tpu.memory_space<vmem>> -> memref<1x80x128xf32, #tpu.memory_space<vmem>>
      %dma_wait3A_121 = tpu.memref_squeeze %dma_wait3A_120 : memref<1x80x128xf32, #tpu.memory_space<vmem>> -> memref<80x128xf32, #tpu.memory_space<vmem>>
      tpu.wait_dma2 semaphore(%run_scoped3A_99 : memref<!tpu.dma_semaphore, #tpu.memory_space<semaphore_mem>>) src(%dma_wait3A_121 : memref<80x128xf32, #tpu.memory_space<vmem>>) dst(%dma_wait3A_117 : memref<80x128xf32, #tpu.memory_space<vmem_shared>>)
      tpu.yield
    }) : () -> ()
    %mul3A_25 = arith.constant 640 : i32
    %mul3A_26 = arith.muli %arg1, %mul3A_25 : i32
    %add3A_27 = arith.constant 160 : i32
    %add3A_28 = arith.addi %mul3A_26, %add3A_27 : i32
    %run_scoped3A_29 = arith.constant 0 : i32
    "tpu.region"() ({
      %run_scoped3A_99 = tpu.sem_alloc : memref<!tpu.dma_semaphore, #tpu.memory_space<semaphore_mem>>
      %dma_start3A = arith.constant 0 : i32
      %dma_start3A_100 = arith.constant 0 : i32
      %dma_start3A_101 = tpu.memref_slice %arg7[%run_scoped3A_29, %dma_start3A, %dma_start3A_100] : memref<4x80x128xf32, #tpu.memory_space<vmem>> -> memref<1x80x128xf32, #tpu.memory_space<vmem>>
      %dma_start3A_102 = tpu.memref_squeeze %dma_start3A_101 : memref<1x80x128xf32, #tpu.memory_space<vmem>> -> memref<80x128xf32, #tpu.memory_space<vmem>>
      %dma_start3A_103 = arith.constant 0 : i32
      %dma_start3A_104 = tpu.memref_slice %arg6[%add3A_28, %dma_start3A_103] : memref<10240x128xf32, #tpu.memory_space<vmem_shared>> -> memref<80x128xf32, #tpu.memory_space<vmem_shared>>
      %dma_start3A_105 = arith.constant 0 : i32
      %dma_start3A_106 = tpu.memref_slice %arg6[%add3A_28, %dma_start3A_105] : memref<10240x128xf32, #tpu.memory_space<vmem_shared>> -> memref<80x128xf32, #tpu.memory_space<vmem_shared>>
      %dma_start3A_107 = arith.constant 0 : i32
      %dma_start3A_108 = arith.constant 0 : i32
      %dma_start3A_109 = tpu.memref_slice %arg7[%run_scoped3A_29, %dma_start3A_107, %dma_start3A_108] : memref<4x80x128xf32, #tpu.memory_space<vmem>> -> memref<1x80x128xf32, #tpu.memory_space<vmem>>
      %dma_start3A_110 = tpu.memref_squeeze %dma_start3A_109 : memref<1x80x128xf32, #tpu.memory_space<vmem>> -> memref<80x128xf32, #tpu.memory_space<vmem>>
      tpu.enqueue_dma source(%dma_start3A_110 : memref<80x128xf32, #tpu.memory_space<vmem>>) target(%dma_start3A_106 : memref<80x128xf32, #tpu.memory_space<vmem_shared>>) target_semaphore(%run_scoped3A_99 : memref<!tpu.dma_semaphore, #tpu.memory_space<semaphore_mem>>)
      %dma_wait3A = arith.constant 0 : i32
      %dma_wait3A_111 = arith.constant 0 : i32
      %dma_wait3A_112 = tpu.memref_slice %arg7[%run_scoped3A_29, %dma_wait3A, %dma_wait3A_111] : memref<4x80x128xf32, #tpu.memory_space<vmem>> -> memref<1x80x128xf32, #tpu.memory_space<vmem>>
      %dma_wait3A_113 = tpu.memref_squeeze %dma_wait3A_112 : memref<1x80x128xf32, #tpu.memory_space<vmem>> -> memref<80x128xf32, #tpu.memory_space<vmem>>
      %dma_wait3A_114 = arith.constant 0 : i32
      %dma_wait3A_115 = tpu.memref_slice %arg6[%add3A_28, %dma_wait3A_114] : memref<10240x128xf32, #tpu.memory_space<vmem_shared>> -> memref<80x128xf32, #tpu.memory_space<vmem_shared>>
      %dma_wait3A_116 = arith.constant 0 : i32
      %dma_wait3A_117 = tpu.memref_slice %arg6[%add3A_28, %dma_wait3A_116] : memref<10240x128xf32, #tpu.memory_space<vmem_shared>> -> memref<80x128xf32, #tpu.memory_space<vmem_shared>>
      %dma_wait3A_118 = arith.constant 0 : i32
      %dma_wait3A_119 = arith.constant 0 : i32
      %dma_wait3A_120 = tpu.memref_slice %arg7[%run_scoped3A_29, %dma_wait3A_118, %dma_wait3A_119] : memref<4x80x128xf32, #tpu.memory_space<vmem>> -> memref<1x80x128xf32, #tpu.memory_space<vmem>>
      %dma_wait3A_121 = tpu.memref_squeeze %dma_wait3A_120 : memref<1x80x128xf32, #tpu.memory_space<vmem>> -> memref<80x128xf32, #tpu.memory_space<vmem>>
      tpu.wait_dma2 semaphore(%run_scoped3A_99 : memref<!tpu.dma_semaphore, #tpu.memory_space<semaphore_mem>>) src(%dma_wait3A_121 : memref<80x128xf32, #tpu.memory_space<vmem>>) dst(%dma_wait3A_117 : memref<80x128xf32, #tpu.memory_space<vmem_shared>>)
      tpu.yield
    }) : () -> ()
    %mul3A_30 = arith.constant 640 : i32
    %mul3A_31 = arith.muli %arg1, %mul3A_30 : i32
    %add3A_32 = arith.constant 240 : i32
    %add3A_33 = arith.addi %mul3A_31, %add3A_32 : i32
    %run_scoped3A_34 = arith.constant 0 : i32
    "tpu.region"() ({
      %run_scoped3A_99 = tpu.sem_alloc : memref<!tpu.dma_semaphore, #tpu.memory_space<semaphore_mem>>
      %dma_start3A = arith.constant 0 : i32
      %dma_start3A_100 = arith.constant 0 : i32
      %dma_start3A_101 = tpu.memref_slice %arg7[%run_scoped3A_34, %dma_start3A, %dma_start3A_100] : memref<4x80x128xf32, #tpu.memory_space<vmem>> -> memref<1x80x128xf32, #tpu.memory_space<vmem>>
      %dma_start3A_102 = tpu.memref_squeeze %dma_start3A_101 : memref<1x80x128xf32, #tpu.memory_space<vmem>> -> memref<80x128xf32, #tpu.memory_space<vmem>>
      %dma_start3A_103 = arith.constant 0 : i32
      %dma_start3A_104 = tpu.memref_slice %arg6[%add3A_33, %dma_start3A_103] : memref<10240x128xf32, #tpu.memory_space<vmem_shared>> -> memref<80x128xf32, #tpu.memory_space<vmem_shared>>
      %dma_start3A_105 = arith.constant 0 : i32
      %dma_start3A_106 = tpu.memref_slice %arg6[%add3A_33, %dma_start3A_105] : memref<10240x128xf32, #tpu.memory_space<vmem_shared>> -> memref<80x128xf32, #tpu.memory_space<vmem_shared>>
      %dma_start3A_107 = arith.constant 0 : i32
      %dma_start3A_108 = arith.constant 0 : i32
      %dma_start3A_109 = tpu.memref_slice %arg7[%run_scoped3A_34, %dma_start3A_107, %dma_start3A_108] : memref<4x80x128xf32, #tpu.memory_space<vmem>> -> memref<1x80x128xf32, #tpu.memory_space<vmem>>
      %dma_start3A_110 = tpu.memref_squeeze %dma_start3A_109 : memref<1x80x128xf32, #tpu.memory_space<vmem>> -> memref<80x128xf32, #tpu.memory_space<vmem>>
      tpu.enqueue_dma source(%dma_start3A_110 : memref<80x128xf32, #tpu.memory_space<vmem>>) target(%dma_start3A_106 : memref<80x128xf32, #tpu.memory_space<vmem_shared>>) target_semaphore(%run_scoped3A_99 : memref<!tpu.dma_semaphore, #tpu.memory_space<semaphore_mem>>)
      %dma_wait3A = arith.constant 0 : i32
      %dma_wait3A_111 = arith.constant 0 : i32
      %dma_wait3A_112 = tpu.memref_slice %arg7[%run_scoped3A_34, %dma_wait3A, %dma_wait3A_111] : memref<4x80x128xf32, #tpu.memory_space<vmem>> -> memref<1x80x128xf32, #tpu.memory_space<vmem>>
      %dma_wait3A_113 = tpu.memref_squeeze %dma_wait3A_112 : memref<1x80x128xf32, #tpu.memory_space<vmem>> -> memref<80x128xf32, #tpu.memory_space<vmem>>
      %dma_wait3A_114 = arith.constant 0 : i32
      %dma_wait3A_115 = tpu.memref_slice %arg6[%add3A_33, %dma_wait3A_114] : memref<10240x128xf32, #tpu.memory_space<vmem_shared>> -> memref<80x128xf32, #tpu.memory_space<vmem_shared>>
      %dma_wait3A_116 = arith.constant 0 : i32
      %dma_wait3A_117 = tpu.memref_slice %arg6[%add3A_33, %dma_wait3A_116] : memref<10240x128xf32, #tpu.memory_space<vmem_shared>> -> memref<80x128xf32, #tpu.memory_space<vmem_shared>>
      %dma_wait3A_118 = arith.constant 0 : i32
      %dma_wait3A_119 = arith.constant 0 : i32
      %dma_wait3A_120 = tpu.memref_slice %arg7[%run_scoped3A_34, %dma_wait3A_118, %dma_wait3A_119] : memref<4x80x128xf32, #tpu.memory_space<vmem>> -> memref<1x80x128xf32, #tpu.memory_space<vmem>>
      %dma_wait3A_121 = tpu.memref_squeeze %dma_wait3A_120 : memref<1x80x128xf32, #tpu.memory_space<vmem>> -> memref<80x128xf32, #tpu.memory_space<vmem>>
      tpu.wait_dma2 semaphore(%run_scoped3A_99 : memref<!tpu.dma_semaphore, #tpu.memory_space<semaphore_mem>>) src(%dma_wait3A_121 : memref<80x128xf32, #tpu.memory_space<vmem>>) dst(%dma_wait3A_117 : memref<80x128xf32, #tpu.memory_space<vmem_shared>>)
      tpu.yield
    }) : () -> ()
    %mul3A_35 = arith.constant 640 : i32
    %mul3A_36 = arith.muli %arg1, %mul3A_35 : i32
    %add3A_37 = arith.constant 320 : i32
    %add3A_38 = arith.addi %mul3A_36, %add3A_37 : i32
    %run_scoped3A_39 = arith.constant 0 : i32
    "tpu.region"() ({
      %run_scoped3A_99 = tpu.sem_alloc : memref<!tpu.dma_semaphore, #tpu.memory_space<semaphore_mem>>
      %dma_start3A = arith.constant 0 : i32
      %dma_start3A_100 = arith.constant 0 : i32
      %dma_start3A_101 = tpu.memref_slice %arg7[%run_scoped3A_39, %dma_start3A, %dma_start3A_100] : memref<4x80x128xf32, #tpu.memory_space<vmem>> -> memref<1x80x128xf32, #tpu.memory_space<vmem>>
      %dma_start3A_102 = tpu.memref_squeeze %dma_start3A_101 : memref<1x80x128xf32, #tpu.memory_space<vmem>> -> memref<80x128xf32, #tpu.memory_space<vmem>>
      %dma_start3A_103 = arith.constant 0 : i32
      %dma_start3A_104 = tpu.memref_slice %arg6[%add3A_38, %dma_start3A_103] : memref<10240x128xf32, #tpu.memory_space<vmem_shared>> -> memref<80x128xf32, #tpu.memory_space<vmem_shared>>
      %dma_start3A_105 = arith.constant 0 : i32
      %dma_start3A_106 = tpu.memref_slice %arg6[%add3A_38, %dma_start3A_105] : memref<10240x128xf32, #tpu.memory_space<vmem_shared>> -> memref<80x128xf32, #tpu.memory_space<vmem_shared>>
      %dma_start3A_107 = arith.constant 0 : i32
      %dma_start3A_108 = arith.constant 0 : i32
      %dma_start3A_109 = tpu.memref_slice %arg7[%run_scoped3A_39, %dma_start3A_107, %dma_start3A_108] : memref<4x80x128xf32, #tpu.memory_space<vmem>> -> memref<1x80x128xf32, #tpu.memory_space<vmem>>
      %dma_start3A_110 = tpu.memref_squeeze %dma_start3A_109 : memref<1x80x128xf32, #tpu.memory_space<vmem>> -> memref<80x128xf32, #tpu.memory_space<vmem>>
      tpu.enqueue_dma source(%dma_start3A_110 : memref<80x128xf32, #tpu.memory_space<vmem>>) target(%dma_start3A_106 : memref<80x128xf32, #tpu.memory_space<vmem_shared>>) target_semaphore(%run_scoped3A_99 : memref<!tpu.dma_semaphore, #tpu.memory_space<semaphore_mem>>)
      %dma_wait3A = arith.constant 0 : i32
      %dma_wait3A_111 = arith.constant 0 : i32
      %dma_wait3A_112 = tpu.memref_slice %arg7[%run_scoped3A_39, %dma_wait3A, %dma_wait3A_111] : memref<4x80x128xf32, #tpu.memory_space<vmem>> -> memref<1x80x128xf32, #tpu.memory_space<vmem>>
      %dma_wait3A_113 = tpu.memref_squeeze %dma_wait3A_112 : memref<1x80x128xf32, #tpu.memory_space<vmem>> -> memref<80x128xf32, #tpu.memory_space<vmem>>
      %dma_wait3A_114 = arith.constant 0 : i32
      %dma_wait3A_115 = tpu.memref_slice %arg6[%add3A_38, %dma_wait3A_114] : memref<10240x128xf32, #tpu.memory_space<vmem_shared>> -> memref<80x128xf32, #tpu.memory_space<vmem_shared>>
      %dma_wait3A_116 = arith.constant 0 : i32
      %dma_wait3A_117 = tpu.memref_slice %arg6[%add3A_38, %dma_wait3A_116] : memref<10240x128xf32, #tpu.memory_space<vmem_shared>> -> memref<80x128xf32, #tpu.memory_space<vmem_shared>>
      %dma_wait3A_118 = arith.constant 0 : i32
      %dma_wait3A_119 = arith.constant 0 : i32
      %dma_wait3A_120 = tpu.memref_slice %arg7[%run_scoped3A_39, %dma_wait3A_118, %dma_wait3A_119] : memref<4x80x128xf32, #tpu.memory_space<vmem>> -> memref<1x80x128xf32, #tpu.memory_space<vmem>>
      %dma_wait3A_121 = tpu.memref_squeeze %dma_wait3A_120 : memref<1x80x128xf32, #tpu.memory_space<vmem>> -> memref<80x128xf32, #tpu.memory_space<vmem>>
      tpu.wait_dma2 semaphore(%run_scoped3A_99 : memref<!tpu.dma_semaphore, #tpu.memory_space<semaphore_mem>>) src(%dma_wait3A_121 : memref<80x128xf32, #tpu.memory_space<vmem>>) dst(%dma_wait3A_117 : memref<80x128xf32, #tpu.memory_space<vmem_shared>>)
      tpu.yield
    }) : () -> ()
    %mul3A_40 = arith.constant 640 : i32
    %mul3A_41 = arith.muli %arg1, %mul3A_40 : i32
    %add3A_42 = arith.constant 400 : i32
    %add3A_43 = arith.addi %mul3A_41, %add3A_42 : i32
    %run_scoped3A_44 = arith.constant 0 : i32
    "tpu.region"() ({
      %run_scoped3A_99 = tpu.sem_alloc : memref<!tpu.dma_semaphore, #tpu.memory_space<semaphore_mem>>
      %dma_start3A = arith.constant 0 : i32
      %dma_start3A_100 = arith.constant 0 : i32
      %dma_start3A_101 = tpu.memref_slice %arg7[%run_scoped3A_44, %dma_start3A, %dma_start3A_100] : memref<4x80x128xf32, #tpu.memory_space<vmem>> -> memref<1x80x128xf32, #tpu.memory_space<vmem>>
      %dma_start3A_102 = tpu.memref_squeeze %dma_start3A_101 : memref<1x80x128xf32, #tpu.memory_space<vmem>> -> memref<80x128xf32, #tpu.memory_space<vmem>>
      %dma_start3A_103 = arith.constant 0 : i32
      %dma_start3A_104 = tpu.memref_slice %arg6[%add3A_43, %dma_start3A_103] : memref<10240x128xf32, #tpu.memory_space<vmem_shared>> -> memref<80x128xf32, #tpu.memory_space<vmem_shared>>
      %dma_start3A_105 = arith.constant 0 : i32
      %dma_start3A_106 = tpu.memref_slice %arg6[%add3A_43, %dma_start3A_105] : memref<10240x128xf32, #tpu.memory_space<vmem_shared>> -> memref<80x128xf32, #tpu.memory_space<vmem_shared>>
      %dma_start3A_107 = arith.constant 0 : i32
      %dma_start3A_108 = arith.constant 0 : i32
      %dma_start3A_109 = tpu.memref_slice %arg7[%run_scoped3A_44, %dma_start3A_107, %dma_start3A_108] : memref<4x80x128xf32, #tpu.memory_space<vmem>> -> memref<1x80x128xf32, #tpu.memory_space<vmem>>
      %dma_start3A_110 = tpu.memref_squeeze %dma_start3A_109 : memref<1x80x128xf32, #tpu.memory_space<vmem>> -> memref<80x128xf32, #tpu.memory_space<vmem>>
      tpu.enqueue_dma source(%dma_start3A_110 : memref<80x128xf32, #tpu.memory_space<vmem>>) target(%dma_start3A_106 : memref<80x128xf32, #tpu.memory_space<vmem_shared>>) target_semaphore(%run_scoped3A_99 : memref<!tpu.dma_semaphore, #tpu.memory_space<semaphore_mem>>)
      %dma_wait3A = arith.constant 0 : i32
      %dma_wait3A_111 = arith.constant 0 : i32
      %dma_wait3A_112 = tpu.memref_slice %arg7[%run_scoped3A_44, %dma_wait3A, %dma_wait3A_111] : memref<4x80x128xf32, #tpu.memory_space<vmem>> -> memref<1x80x128xf32, #tpu.memory_space<vmem>>
      %dma_wait3A_113 = tpu.memref_squeeze %dma_wait3A_112 : memref<1x80x128xf32, #tpu.memory_space<vmem>> -> memref<80x128xf32, #tpu.memory_space<vmem>>
      %dma_wait3A_114 = arith.constant 0 : i32
      %dma_wait3A_115 = tpu.memref_slice %arg6[%add3A_43, %dma_wait3A_114] : memref<10240x128xf32, #tpu.memory_space<vmem_shared>> -> memref<80x128xf32, #tpu.memory_space<vmem_shared>>
      %dma_wait3A_116 = arith.constant 0 : i32
      %dma_wait3A_117 = tpu.memref_slice %arg6[%add3A_43, %dma_wait3A_116] : memref<10240x128xf32, #tpu.memory_space<vmem_shared>> -> memref<80x128xf32, #tpu.memory_space<vmem_shared>>
      %dma_wait3A_118 = arith.constant 0 : i32
      %dma_wait3A_119 = arith.constant 0 : i32
      %dma_wait3A_120 = tpu.memref_slice %arg7[%run_scoped3A_44, %dma_wait3A_118, %dma_wait3A_119] : memref<4x80x128xf32, #tpu.memory_space<vmem>> -> memref<1x80x128xf32, #tpu.memory_space<vmem>>
      %dma_wait3A_121 = tpu.memref_squeeze %dma_wait3A_120 : memref<1x80x128xf32, #tpu.memory_space<vmem>> -> memref<80x128xf32, #tpu.memory_space<vmem>>
      tpu.wait_dma2 semaphore(%run_scoped3A_99 : memref<!tpu.dma_semaphore, #tpu.memory_space<semaphore_mem>>) src(%dma_wait3A_121 : memref<80x128xf32, #tpu.memory_space<vmem>>) dst(%dma_wait3A_117 : memref<80x128xf32, #tpu.memory_space<vmem_shared>>)
      tpu.yield
    }) : () -> ()
    %mul3A_45 = arith.constant 640 : i32
    %mul3A_46 = arith.muli %arg1, %mul3A_45 : i32
    %add3A_47 = arith.constant 480 : i32
    %add3A_48 = arith.addi %mul3A_46, %add3A_47 : i32
    %run_scoped3A_49 = arith.constant 0 : i32
    "tpu.region"() ({
      %run_scoped3A_99 = tpu.sem_alloc : memref<!tpu.dma_semaphore, #tpu.memory_space<semaphore_mem>>
      %dma_start3A = arith.constant 0 : i32
      %dma_start3A_100 = arith.constant 0 : i32
      %dma_start3A_101 = tpu.memref_slice %arg7[%run_scoped3A_49, %dma_start3A, %dma_start3A_100] : memref<4x80x128xf32, #tpu.memory_space<vmem>> -> memref<1x80x128xf32, #tpu.memory_space<vmem>>
      %dma_start3A_102 = tpu.memref_squeeze %dma_start3A_101 : memref<1x80x128xf32, #tpu.memory_space<vmem>> -> memref<80x128xf32, #tpu.memory_space<vmem>>
      %dma_start3A_103 = arith.constant 0 : i32
      %dma_start3A_104 = tpu.memref_slice %arg6[%add3A_48, %dma_start3A_103] : memref<10240x128xf32, #tpu.memory_space<vmem_shared>> -> memref<80x128xf32, #tpu.memory_space<vmem_shared>>
      %dma_start3A_105 = arith.constant 0 : i32
      %dma_start3A_106 = tpu.memref_slice %arg6[%add3A_48, %dma_start3A_105] : memref<10240x128xf32, #tpu.memory_space<vmem_shared>> -> memref<80x128xf32, #tpu.memory_space<vmem_shared>>
      %dma_start3A_107 = arith.constant 0 : i32
      %dma_start3A_108 = arith.constant 0 : i32
      %dma_start3A_109 = tpu.memref_slice %arg7[%run_scoped3A_49, %dma_start3A_107, %dma_start3A_108] : memref<4x80x128xf32, #tpu.memory_space<vmem>> -> memref<1x80x128xf32, #tpu.memory_space<vmem>>
      %dma_start3A_110 = tpu.memref_squeeze %dma_start3A_109 : memref<1x80x128xf32, #tpu.memory_space<vmem>> -> memref<80x128xf32, #tpu.memory_space<vmem>>
      tpu.enqueue_dma source(%dma_start3A_110 : memref<80x128xf32, #tpu.memory_space<vmem>>) target(%dma_start3A_106 : memref<80x128xf32, #tpu.memory_space<vmem_shared>>) target_semaphore(%run_scoped3A_99 : memref<!tpu.dma_semaphore, #tpu.memory_space<semaphore_mem>>)
      %dma_wait3A = arith.constant 0 : i32
      %dma_wait3A_111 = arith.constant 0 : i32
      %dma_wait3A_112 = tpu.memref_slice %arg7[%run_scoped3A_49, %dma_wait3A, %dma_wait3A_111] : memref<4x80x128xf32, #tpu.memory_space<vmem>> -> memref<1x80x128xf32, #tpu.memory_space<vmem>>
      %dma_wait3A_113 = tpu.memref_squeeze %dma_wait3A_112 : memref<1x80x128xf32, #tpu.memory_space<vmem>> -> memref<80x128xf32, #tpu.memory_space<vmem>>
      %dma_wait3A_114 = arith.constant 0 : i32
      %dma_wait3A_115 = tpu.memref_slice %arg6[%add3A_48, %dma_wait3A_114] : memref<10240x128xf32, #tpu.memory_space<vmem_shared>> -> memref<80x128xf32, #tpu.memory_space<vmem_shared>>
      %dma_wait3A_116 = arith.constant 0 : i32
      %dma_wait3A_117 = tpu.memref_slice %arg6[%add3A_48, %dma_wait3A_116] : memref<10240x128xf32, #tpu.memory_space<vmem_shared>> -> memref<80x128xf32, #tpu.memory_space<vmem_shared>>
      %dma_wait3A_118 = arith.constant 0 : i32
      %dma_wait3A_119 = arith.constant 0 : i32
      %dma_wait3A_120 = tpu.memref_slice %arg7[%run_scoped3A_49, %dma_wait3A_118, %dma_wait3A_119] : memref<4x80x128xf32, #tpu.memory_space<vmem>> -> memref<1x80x128xf32, #tpu.memory_space<vmem>>
      %dma_wait3A_121 = tpu.memref_squeeze %dma_wait3A_120 : memref<1x80x128xf32, #tpu.memory_space<vmem>> -> memref<80x128xf32, #tpu.memory_space<vmem>>
      tpu.wait_dma2 semaphore(%run_scoped3A_99 : memref<!tpu.dma_semaphore, #tpu.memory_space<semaphore_mem>>) src(%dma_wait3A_121 : memref<80x128xf32, #tpu.memory_space<vmem>>) dst(%dma_wait3A_117 : memref<80x128xf32, #tpu.memory_space<vmem_shared>>)
      tpu.yield
    }) : () -> ()
    %mul3A_50 = arith.constant 640 : i32
    %mul3A_51 = arith.muli %arg1, %mul3A_50 : i32
    %add3A_52 = arith.constant 560 : i32
    %add3A_53 = arith.addi %mul3A_51, %add3A_52 : i32
    %run_scoped3A_54 = arith.constant 0 : i32
    "tpu.region"() ({
      %run_scoped3A_99 = tpu.sem_alloc : memref<!tpu.dma_semaphore, #tpu.memory_space<semaphore_mem>>
      %dma_start3A = arith.constant 0 : i32
      %dma_start3A_100 = arith.constant 0 : i32
      %dma_start3A_101 = tpu.memref_slice %arg7[%run_scoped3A_54, %dma_start3A, %dma_start3A_100] : memref<4x80x128xf32, #tpu.memory_space<vmem>> -> memref<1x80x128xf32, #tpu.memory_space<vmem>>
      %dma_start3A_102 = tpu.memref_squeeze %dma_start3A_101 : memref<1x80x128xf32, #tpu.memory_space<vmem>> -> memref<80x128xf32, #tpu.memory_space<vmem>>
      %dma_start3A_103 = arith.constant 0 : i32
      %dma_start3A_104 = tpu.memref_slice %arg6[%add3A_53, %dma_start3A_103] : memref<10240x128xf32, #tpu.memory_space<vmem_shared>> -> memref<80x128xf32, #tpu.memory_space<vmem_shared>>
      %dma_start3A_105 = arith.constant 0 : i32
      %dma_start3A_106 = tpu.memref_slice %arg6[%add3A_53, %dma_start3A_105] : memref<10240x128xf32, #tpu.memory_space<vmem_shared>> -> memref<80x128xf32, #tpu.memory_space<vmem_shared>>
      %dma_start3A_107 = arith.constant 0 : i32
      %dma_start3A_108 = arith.constant 0 : i32
      %dma_start3A_109 = tpu.memref_slice %arg7[%run_scoped3A_54, %dma_start3A_107, %dma_start3A_108] : memref<4x80x128xf32, #tpu.memory_space<vmem>> -> memref<1x80x128xf32, #tpu.memory_space<vmem>>
      %dma_start3A_110 = tpu.memref_squeeze %dma_start3A_109 : memref<1x80x128xf32, #tpu.memory_space<vmem>> -> memref<80x128xf32, #tpu.memory_space<vmem>>
      tpu.enqueue_dma source(%dma_start3A_110 : memref<80x128xf32, #tpu.memory_space<vmem>>) target(%dma_start3A_106 : memref<80x128xf32, #tpu.memory_space<vmem_shared>>) target_semaphore(%run_scoped3A_99 : memref<!tpu.dma_semaphore, #tpu.memory_space<semaphore_mem>>)
      %dma_wait3A = arith.constant 0 : i32
      %dma_wait3A_111 = arith.constant 0 : i32
      %dma_wait3A_112 = tpu.memref_slice %arg7[%run_scoped3A_54, %dma_wait3A, %dma_wait3A_111] : memref<4x80x128xf32, #tpu.memory_space<vmem>> -> memref<1x80x128xf32, #tpu.memory_space<vmem>>
      %dma_wait3A_113 = tpu.memref_squeeze %dma_wait3A_112 : memref<1x80x128xf32, #tpu.memory_space<vmem>> -> memref<80x128xf32, #tpu.memory_space<vmem>>
      %dma_wait3A_114 = arith.constant 0 : i32
      %dma_wait3A_115 = tpu.memref_slice %arg6[%add3A_53, %dma_wait3A_114] : memref<10240x128xf32, #tpu.memory_space<vmem_shared>> -> memref<80x128xf32, #tpu.memory_space<vmem_shared>>
      %dma_wait3A_116 = arith.constant 0 : i32
      %dma_wait3A_117 = tpu.memref_slice %arg6[%add3A_53, %dma_wait3A_116] : memref<10240x128xf32, #tpu.memory_space<vmem_shared>> -> memref<80x128xf32, #tpu.memory_space<vmem_shared>>
      %dma_wait3A_118 = arith.constant 0 : i32
      %dma_wait3A_119 = arith.constant 0 : i32
      %dma_wait3A_120 = tpu.memref_slice %arg7[%run_scoped3A_54, %dma_wait3A_118, %dma_wait3A_119] : memref<4x80x128xf32, #tpu.memory_space<vmem>> -> memref<1x80x128xf32, #tpu.memory_space<vmem>>
      %dma_wait3A_121 = tpu.memref_squeeze %dma_wait3A_120 : memref<1x80x128xf32, #tpu.memory_space<vmem>> -> memref<80x128xf32, #tpu.memory_space<vmem>>
      tpu.wait_dma2 semaphore(%run_scoped3A_99 : memref<!tpu.dma_semaphore, #tpu.memory_space<semaphore_mem>>) src(%dma_wait3A_121 : memref<80x128xf32, #tpu.memory_space<vmem>>) dst(%dma_wait3A_117 : memref<80x128xf32, #tpu.memory_space<vmem_shared>>)
      tpu.yield
    }) : () -> ()
    %barrier3A = arith.constant 0 : index
    tpu.barrier barrier_id(%barrier3A)
    %while3A = arith.constant 0 : i32
    %while3A_55 = arith.constant 0 : i32
    %while3A_56 = arith.subi %select_n3A, %while3A : i32
    %while3A_57 = arith.addi %while3A, %while3A_56 : i32
    %while3A_58 = arith.constant 1 : i32
    %while3A_59 = arith.divsi %while3A_56, %while3A_58 : i32
    %while3A_60 = arith.muli %while3A_59, %while3A_58 : i32
    %while3A_61 = arith.addi %while3A, %while3A_60 : i32
    %while3A_62 = arith.constant 1 : i32
    %while3A_63 = scf.for %while3A_99 = %while3A to %while3A_61 step %while3A_62 iter_args(%while3A_100 = %while3A_55) -> (i32)  : i32 {
      %mul3A_101 = arith.constant 32 : i32
      %mul3A_102 = arith.muli %while3A_99, %mul3A_101 : i32
      %add3A_103 = arith.addi %select_n3A_8, %mul3A_102 : i32
      "tpu.region"() ({
        %run_scoped3A_302 = tpu.sem_alloc : memref<!tpu.dma_semaphore, #tpu.memory_space<semaphore_mem>>
        %dma_start3A_303 = arith.constant 0 : i32
        %dma_start3A_304 = tpu.memref_slice %arg3[%add3A_103, %dma_start3A_303] : memref<4096x80xi32, #tpu.memory_space<hbm>> -> memref<32x80xi32, #tpu.memory_space<hbm>>
        %dma_start3A_305 = arith.constant 0 : i32
        %dma_start3A_306 = tpu.memref_slice %arg3[%add3A_103, %dma_start3A_305] : memref<4096x80xi32, #tpu.memory_space<hbm>> -> memref<32x80xi32, #tpu.memory_space<hbm>>
        tpu.enqueue_dma source(%dma_start3A_306 : memref<32x80xi32, #tpu.memory_space<hbm>>) target(%arg8 : memref<32x80xi32, #tpu.memory_space<vmem>>) target_semaphore(%run_scoped3A_302 : memref<!tpu.dma_semaphore, #tpu.memory_space<semaphore_mem>>)
        %dma_wait3A_307 = arith.constant 0 : i32
        %dma_wait3A_308 = tpu.memref_slice %arg3[%add3A_103, %dma_wait3A_307] : memref<4096x80xi32, #tpu.memory_space<hbm>> -> memref<32x80xi32, #tpu.memory_space<hbm>>
        %dma_wait3A_309 = arith.constant 0 : i32
        %dma_wait3A_310 = tpu.memref_slice %arg3[%add3A_103, %dma_wait3A_309] : memref<4096x80xi32, #tpu.memory_space<hbm>> -> memref<32x80xi32, #tpu.memory_space<hbm>>
        tpu.wait_dma2 semaphore(%run_scoped3A_302 : memref<!tpu.dma_semaphore, #tpu.memory_space<semaphore_mem>>) src(%dma_wait3A_310 : memref<32x80xi32, #tpu.memory_space<hbm>>) dst(%arg8 : memref<32x80xi32, #tpu.memory_space<vmem>>)
        tpu.yield
      }) : () -> ()
      "tpu.region"() ({
        %run_scoped3A_302 = tpu.sem_alloc : memref<!tpu.dma_semaphore, #tpu.memory_space<semaphore_mem>>
        %dma_start3A_303 = arith.constant 0 : i32
        %dma_start3A_304 = tpu.memref_slice %arg4[%add3A_103, %dma_start3A_303] : memref<4096x80xi32, #tpu.memory_space<hbm>> -> memref<32x80xi32, #tpu.memory_space<hbm>>
        %dma_start3A_305 = arith.constant 0 : i32
        %dma_start3A_306 = tpu.memref_slice %arg4[%add3A_103, %dma_start3A_305] : memref<4096x80xi32, #tpu.memory_space<hbm>> -> memref<32x80xi32, #tpu.memory_space<hbm>>
        tpu.enqueue_dma source(%dma_start3A_306 : memref<32x80xi32, #tpu.memory_space<hbm>>) target(%arg9 : memref<32x80xi32, #tpu.memory_space<vmem>>) target_semaphore(%run_scoped3A_302 : memref<!tpu.dma_semaphore, #tpu.memory_space<semaphore_mem>>)
        %dma_wait3A_307 = arith.constant 0 : i32
        %dma_wait3A_308 = tpu.memref_slice %arg4[%add3A_103, %dma_wait3A_307] : memref<4096x80xi32, #tpu.memory_space<hbm>> -> memref<32x80xi32, #tpu.memory_space<hbm>>
        %dma_wait3A_309 = arith.constant 0 : i32
        %dma_wait3A_310 = tpu.memref_slice %arg4[%add3A_103, %dma_wait3A_309] : memref<4096x80xi32, #tpu.memory_space<hbm>> -> memref<32x80xi32, #tpu.memory_space<hbm>>
        tpu.wait_dma2 semaphore(%run_scoped3A_302 : memref<!tpu.dma_semaphore, #tpu.memory_space<semaphore_mem>>) src(%dma_wait3A_310 : memref<32x80xi32, #tpu.memory_space<hbm>>) dst(%arg9 : memref<32x80xi32, #tpu.memory_space<vmem>>)
        tpu.yield
      }) : () -> ()
      %dma_start3A = arith.constant 0 : i32
      %dma_start3A_104 = arith.constant 0 : i32
      %dma_start3A_105 = arith.constant 0 : i32
      %dma_start3A_106 = arith.constant 0 : i32
      %dma_start3A_107 = tpu.memref_slice %arg7[%dma_start3A_104, %dma_start3A_105, %dma_start3A_106] : memref<4x80x128xf32, #tpu.memory_space<vmem>> -> memref<1x80x128xf32, #tpu.memory_space<vmem>>
      %dma_start3A_108 = tpu.memref_squeeze %dma_start3A_107 : memref<1x80x128xf32, #tpu.memory_space<vmem>> -> memref<80x128xf32, #tpu.memory_space<vmem>>
      %dma_start3A_109 = arith.constant 0 : i32
      %dma_start3A_110 = tpu.memref_slice %arg8[%dma_start3A, %dma_start3A_109] : memref<32x80xi32, #tpu.memory_space<vmem>> -> memref<1x80xi32, #tpu.memory_space<vmem>>
      %dma_start3A_111 = tpu.memref_squeeze %dma_start3A_110 : memref<1x80xi32, #tpu.memory_space<vmem>> -> memref<80xi32, #tpu.memory_space<vmem>>
      %dma_start3A_112 = arith.constant 0 : i32
      %dma_start3A_113 = arith.constant 0 : i32
      %dma_start3A_114 = tpu.memref_slice %arg2[%dma_start3A_112, %dma_start3A_113] : memref<10240x128xf32, #tpu.memory_space<hbm>> -> memref<10240x128xf32, #tpu.memory_space<hbm>>
      tpu.enqueue_indirect_dma source(%dma_start3A_114 : memref<10240x128xf32, #tpu.memory_space<hbm>>) target(%dma_start3A_108 : memref<80x128xf32, #tpu.memory_space<vmem>>) offsets(%dma_start3A_111 : memref<80xi32, #tpu.memory_space<vmem>>) semaphore(%arg10 : memref<!tpu.dma_semaphore, #tpu.memory_space<semaphore_mem>>)
      %dma_start3A_115 = arith.constant 1 : i32
      %dma_start3A_116 = arith.constant 1 : i32
      %dma_start3A_117 = arith.constant 0 : i32
      %dma_start3A_118 = arith.constant 0 : i32
      %dma_start3A_119 = tpu.memref_slice %arg7[%dma_start3A_116, %dma_start3A_117, %dma_start3A_118] : memref<4x80x128xf32, #tpu.memory_space<vmem>> -> memref<1x80x128xf32, #tpu.memory_space<vmem>>
      %dma_start3A_120 = tpu.memref_squeeze %dma_start3A_119 : memref<1x80x128xf32, #tpu.memory_space<vmem>> -> memref<80x128xf32, #tpu.memory_space<vmem>>
      %dma_start3A_121 = arith.constant 0 : i32
      %dma_start3A_122 = tpu.memref_slice %arg8[%dma_start3A_115, %dma_start3A_121] : memref<32x80xi32, #tpu.memory_space<vmem>> -> memref<1x80xi32, #tpu.memory_space<vmem>>
      %dma_start3A_123 = tpu.memref_squeeze %dma_start3A_122 : memref<1x80xi32, #tpu.memory_space<vmem>> -> memref<80xi32, #tpu.memory_space<vmem>>
      %dma_start3A_124 = arith.constant 0 : i32
      %dma_start3A_125 = arith.constant 0 : i32
      %dma_start3A_126 = tpu.memref_slice %arg2[%dma_start3A_124, %dma_start3A_125] : memref<10240x128xf32, #tpu.memory_space<hbm>> -> memref<10240x128xf32, #tpu.memory_space<hbm>>
      tpu.enqueue_indirect_dma source(%dma_start3A_126 : memref<10240x128xf32, #tpu.memory_space<hbm>>) target(%dma_start3A_120 : memref<80x128xf32, #tpu.memory_space<vmem>>) offsets(%dma_start3A_123 : memref<80xi32, #tpu.memory_space<vmem>>) semaphore(%arg11 : memref<!tpu.dma_semaphore, #tpu.memory_space<semaphore_mem>>)
      %dma_start3A_127 = arith.constant 2 : i32
      %dma_start3A_128 = arith.constant 2 : i32
      %dma_start3A_129 = arith.constant 0 : i32
      %dma_start3A_130 = arith.constant 0 : i32
      %dma_start3A_131 = tpu.memref_slice %arg7[%dma_start3A_128, %dma_start3A_129, %dma_start3A_130] : memref<4x80x128xf32, #tpu.memory_space<vmem>> -> memref<1x80x128xf32, #tpu.memory_space<vmem>>
      %dma_start3A_132 = tpu.memref_squeeze %dma_start3A_131 : memref<1x80x128xf32, #tpu.memory_space<vmem>> -> memref<80x128xf32, #tpu.memory_space<vmem>>
      %dma_start3A_133 = arith.constant 0 : i32
      %dma_start3A_134 = tpu.memref_slice %arg8[%dma_start3A_127, %dma_start3A_133] : memref<32x80xi32, #tpu.memory_space<vmem>> -> memref<1x80xi32, #tpu.memory_space<vmem>>
      %dma_start3A_135 = tpu.memref_squeeze %dma_start3A_134 : memref<1x80xi32, #tpu.memory_space<vmem>> -> memref<80xi32, #tpu.memory_space<vmem>>
      %dma_start3A_136 = arith.constant 0 : i32
      %dma_start3A_137 = arith.constant 0 : i32
      %dma_start3A_138 = tpu.memref_slice %arg2[%dma_start3A_136, %dma_start3A_137] : memref<10240x128xf32, #tpu.memory_space<hbm>> -> memref<10240x128xf32, #tpu.memory_space<hbm>>
      tpu.enqueue_indirect_dma source(%dma_start3A_138 : memref<10240x128xf32, #tpu.memory_space<hbm>>) target(%dma_start3A_132 : memref<80x128xf32, #tpu.memory_space<vmem>>) offsets(%dma_start3A_135 : memref<80xi32, #tpu.memory_space<vmem>>) semaphore(%arg12 : memref<!tpu.dma_semaphore, #tpu.memory_space<semaphore_mem>>)
      %dma_start3A_139 = arith.constant 3 : i32
      %dma_start3A_140 = arith.constant 3 : i32
      %dma_start3A_141 = arith.constant 0 : i32
      %dma_start3A_142 = arith.constant 0 : i32
      %dma_start3A_143 = tpu.memref_slice %arg7[%dma_start3A_140, %dma_start3A_141, %dma_start3A_142] : memref<4x80x128xf32, #tpu.memory_space<vmem>> -> memref<1x80x128xf32, #tpu.memory_space<vmem>>
      %dma_start3A_144 = tpu.memref_squeeze %dma_start3A_143 : memref<1x80x128xf32, #tpu.memory_space<vmem>> -> memref<80x128xf32, #tpu.memory_space<vmem>>
      %dma_start3A_145 = arith.constant 0 : i32
      %dma_start3A_146 = tpu.memref_slice %arg8[%dma_start3A_139, %dma_start3A_145] : memref<32x80xi32, #tpu.memory_space<vmem>> -> memref<1x80xi32, #tpu.memory_space<vmem>>
      %dma_start3A_147 = tpu.memref_squeeze %dma_start3A_146 : memref<1x80xi32, #tpu.memory_space<vmem>> -> memref<80xi32, #tpu.memory_space<vmem>>
      %dma_start3A_148 = arith.constant 0 : i32
      %dma_start3A_149 = arith.constant 0 : i32
      %dma_start3A_150 = tpu.memref_slice %arg2[%dma_start3A_148, %dma_start3A_149] : memref<10240x128xf32, #tpu.memory_space<hbm>> -> memref<10240x128xf32, #tpu.memory_space<hbm>>
      tpu.enqueue_indirect_dma source(%dma_start3A_150 : memref<10240x128xf32, #tpu.memory_space<hbm>>) target(%dma_start3A_144 : memref<80x128xf32, #tpu.memory_space<vmem>>) offsets(%dma_start3A_147 : memref<80xi32, #tpu.memory_space<vmem>>) semaphore(%arg13 : memref<!tpu.dma_semaphore, #tpu.memory_space<semaphore_mem>>)
      %scan3A_151 = arith.constant 0 : i32
      %scan3A_152 = arith.constant 0 : i32
      %scan3A_153 = arith.constant 7 : i32
      %scan3A_154 = arith.addi %scan3A_152, %scan3A_153 : i32
      %scan3A_155 = arith.constant 1 : i32
      %scan3A_156 = scf.for %scan3A_302 = %scan3A_152 to %scan3A_154 step %scan3A_155 iter_args(%scan3A_303 = %scan3A_151) -> (i32)  : i32 {
        %mul3A_304 = arith.constant 4 : i32
        %mul3A_305 = arith.muli %scan3A_302, %mul3A_304 : i32
        %add3A_306 = arith.constant 0 : i32
        %add3A_307 = arith.addi %mul3A_305, %add3A_306 : i32
        %dma_wait3A_308 = arith.constant 0 : i32
        %dma_wait3A_309 = arith.constant 0 : i32
        %dma_wait3A_310 = arith.constant 0 : i32
        %dma_wait3A_311 = tpu.memref_slice %arg7[%dma_wait3A_308, %dma_wait3A_309, %dma_wait3A_310] : memref<4x80x128xf32, #tpu.memory_space<vmem>> -> memref<1x80x128xf32, #tpu.memory_space<vmem>>
        %dma_wait3A_312 = tpu.memref_squeeze %dma_wait3A_311 : memref<1x80x128xf32, #tpu.memory_space<vmem>> -> memref<80x128xf32, #tpu.memory_space<vmem>>
        %dma_wait3A_313 = arith.constant 0 : i32
        %dma_wait3A_314 = tpu.memref_slice %arg8[%add3A_307, %dma_wait3A_313] : memref<32x80xi32, #tpu.memory_space<vmem>> -> memref<1x80xi32, #tpu.memory_space<vmem>>
        %dma_wait3A_315 = tpu.memref_squeeze %dma_wait3A_314 : memref<1x80xi32, #tpu.memory_space<vmem>> -> memref<80xi32, #tpu.memory_space<vmem>>
        %dma_wait3A_316 = arith.constant 0 : i32
        %dma_wait3A_317 = arith.constant 0 : i32
        %dma_wait3A_318 = tpu.memref_slice %arg2[%dma_wait3A_316, %dma_wait3A_317] : memref<10240x128xf32, #tpu.memory_space<hbm>> -> memref<10240x128xf32, #tpu.memory_space<hbm>>
        tpu.wait_indirect_dma semaphore(%arg10 : memref<!tpu.dma_semaphore, #tpu.memory_space<semaphore_mem>>) src(%dma_wait3A_318 : memref<10240x128xf32, #tpu.memory_space<hbm>>) dst(%dma_wait3A_312 : memref<80x128xf32, #tpu.memory_space<vmem>>)
        %dma_start3A_319 = arith.constant 0 : i32
        %dma_start3A_320 = arith.constant 0 : i32
        %dma_start3A_321 = arith.constant 0 : i32
        %dma_start3A_322 = tpu.memref_slice %arg7[%dma_start3A_319, %dma_start3A_320, %dma_start3A_321] : memref<4x80x128xf32, #tpu.memory_space<vmem>> -> memref<1x80x128xf32, #tpu.memory_space<vmem>>
        %dma_start3A_323 = tpu.memref_squeeze %dma_start3A_322 : memref<1x80x128xf32, #tpu.memory_space<vmem>> -> memref<80x128xf32, #tpu.memory_space<vmem>>
        %dma_start3A_324 = arith.constant 0 : i32
        %dma_start3A_325 = tpu.memref_slice %arg9[%add3A_307, %dma_start3A_324] : memref<32x80xi32, #tpu.memory_space<vmem>> -> memref<1x80xi32, #tpu.memory_space<vmem>>
        %dma_start3A_326 = tpu.memref_squeeze %dma_start3A_325 : memref<1x80xi32, #tpu.memory_space<vmem>> -> memref<80xi32, #tpu.memory_space<vmem>>
        %dma_start3A_327 = arith.constant 0 : i32
        %dma_start3A_328 = arith.constant 0 : i32
        %dma_start3A_329 = tpu.memref_slice %arg6[%dma_start3A_327, %dma_start3A_328] : memref<10240x128xf32, #tpu.memory_space<vmem_shared>> -> memref<10240x128xf32, #tpu.memory_space<vmem_shared>>
        tpu.enqueue_indirect_dma source(%dma_start3A_323 : memref<80x128xf32, #tpu.memory_space<vmem>>) target(%dma_start3A_329 : memref<10240x128xf32, #tpu.memory_space<vmem_shared>>) offsets(%dma_start3A_326 : memref<80xi32, #tpu.memory_space<vmem>>) semaphore(%arg14 : memref<!tpu.dma_semaphore, #tpu.memory_space<semaphore_mem>>) {add = true}
        %add3A_330 = arith.constant 1 : i32
        %add3A_331 = arith.addi %mul3A_305, %add3A_330 : i32
        %dma_wait3A_332 = arith.constant 1 : i32
        %dma_wait3A_333 = arith.constant 0 : i32
        %dma_wait3A_334 = arith.constant 0 : i32
        %dma_wait3A_335 = tpu.memref_slice %arg7[%dma_wait3A_332, %dma_wait3A_333, %dma_wait3A_334] : memref<4x80x128xf32, #tpu.memory_space<vmem>> -> memref<1x80x128xf32, #tpu.memory_space<vmem>>
        %dma_wait3A_336 = tpu.memref_squeeze %dma_wait3A_335 : memref<1x80x128xf32, #tpu.memory_space<vmem>> -> memref<80x128xf32, #tpu.memory_space<vmem>>
        %dma_wait3A_337 = arith.constant 0 : i32
        %dma_wait3A_338 = tpu.memref_slice %arg8[%add3A_331, %dma_wait3A_337] : memref<32x80xi32, #tpu.memory_space<vmem>> -> memref<1x80xi32, #tpu.memory_space<vmem>>
        %dma_wait3A_339 = tpu.memref_squeeze %dma_wait3A_338 : memref<1x80xi32, #tpu.memory_space<vmem>> -> memref<80xi32, #tpu.memory_space<vmem>>
        %dma_wait3A_340 = arith.constant 0 : i32
        %dma_wait3A_341 = arith.constant 0 : i32
        %dma_wait3A_342 = tpu.memref_slice %arg2[%dma_wait3A_340, %dma_wait3A_341] : memref<10240x128xf32, #tpu.memory_space<hbm>> -> memref<10240x128xf32, #tpu.memory_space<hbm>>
        tpu.wait_indirect_dma semaphore(%arg11 : memref<!tpu.dma_semaphore, #tpu.memory_space<semaphore_mem>>) src(%dma_wait3A_342 : memref<10240x128xf32, #tpu.memory_space<hbm>>) dst(%dma_wait3A_336 : memref<80x128xf32, #tpu.memory_space<vmem>>)
        %dma_start3A_343 = arith.constant 1 : i32
        %dma_start3A_344 = arith.constant 0 : i32
        %dma_start3A_345 = arith.constant 0 : i32
        %dma_start3A_346 = tpu.memref_slice %arg7[%dma_start3A_343, %dma_start3A_344, %dma_start3A_345] : memref<4x80x128xf32, #tpu.memory_space<vmem>> -> memref<1x80x128xf32, #tpu.memory_space<vmem>>
        %dma_start3A_347 = tpu.memref_squeeze %dma_start3A_346 : memref<1x80x128xf32, #tpu.memory_space<vmem>> -> memref<80x128xf32, #tpu.memory_space<vmem>>
        %dma_start3A_348 = arith.constant 0 : i32
        %dma_start3A_349 = tpu.memref_slice %arg9[%add3A_331, %dma_start3A_348] : memref<32x80xi32, #tpu.memory_space<vmem>> -> memref<1x80xi32, #tpu.memory_space<vmem>>
        %dma_start3A_350 = tpu.memref_squeeze %dma_start3A_349 : memref<1x80xi32, #tpu.memory_space<vmem>> -> memref<80xi32, #tpu.memory_space<vmem>>
        %dma_start3A_351 = arith.constant 0 : i32
        %dma_start3A_352 = arith.constant 0 : i32
        %dma_start3A_353 = tpu.memref_slice %arg6[%dma_start3A_351, %dma_start3A_352] : memref<10240x128xf32, #tpu.memory_space<vmem_shared>> -> memref<10240x128xf32, #tpu.memory_space<vmem_shared>>
        tpu.enqueue_indirect_dma source(%dma_start3A_347 : memref<80x128xf32, #tpu.memory_space<vmem>>) target(%dma_start3A_353 : memref<10240x128xf32, #tpu.memory_space<vmem_shared>>) offsets(%dma_start3A_350 : memref<80xi32, #tpu.memory_space<vmem>>) semaphore(%arg15 : memref<!tpu.dma_semaphore, #tpu.memory_space<semaphore_mem>>) {add = true}
        %add3A_354 = arith.constant 2 : i32
        %add3A_355 = arith.addi %mul3A_305, %add3A_354 : i32
        %dma_wait3A_356 = arith.constant 2 : i32
        %dma_wait3A_357 = arith.constant 0 : i32
        %dma_wait3A_358 = arith.constant 0 : i32
        %dma_wait3A_359 = tpu.memref_slice %arg7[%dma_wait3A_356, %dma_wait3A_357, %dma_wait3A_358] : memref<4x80x128xf32, #tpu.memory_space<vmem>> -> memref<1x80x128xf32, #tpu.memory_space<vmem>>
        %dma_wait3A_360 = tpu.memref_squeeze %dma_wait3A_359 : memref<1x80x128xf32, #tpu.memory_space<vmem>> -> memref<80x128xf32, #tpu.memory_space<vmem>>
        %dma_wait3A_361 = arith.constant 0 : i32
        %dma_wait3A_362 = tpu.memref_slice %arg8[%add3A_355, %dma_wait3A_361] : memref<32x80xi32, #tpu.memory_space<vmem>> -> memref<1x80xi32, #tpu.memory_space<vmem>>
        %dma_wait3A_363 = tpu.memref_squeeze %dma_wait3A_362 : memref<1x80xi32, #tpu.memory_space<vmem>> -> memref<80xi32, #tpu.memory_space<vmem>>
        %dma_wait3A_364 = arith.constant 0 : i32
        %dma_wait3A_365 = arith.constant 0 : i32
        %dma_wait3A_366 = tpu.memref_slice %arg2[%dma_wait3A_364, %dma_wait3A_365] : memref<10240x128xf32, #tpu.memory_space<hbm>> -> memref<10240x128xf32, #tpu.memory_space<hbm>>
        tpu.wait_indirect_dma semaphore(%arg12 : memref<!tpu.dma_semaphore, #tpu.memory_space<semaphore_mem>>) src(%dma_wait3A_366 : memref<10240x128xf32, #tpu.memory_space<hbm>>) dst(%dma_wait3A_360 : memref<80x128xf32, #tpu.memory_space<vmem>>)
        %dma_start3A_367 = arith.constant 2 : i32
        %dma_start3A_368 = arith.constant 0 : i32
        %dma_start3A_369 = arith.constant 0 : i32
        %dma_start3A_370 = tpu.memref_slice %arg7[%dma_start3A_367, %dma_start3A_368, %dma_start3A_369] : memref<4x80x128xf32, #tpu.memory_space<vmem>> -> memref<1x80x128xf32, #tpu.memory_space<vmem>>
        %dma_start3A_371 = tpu.memref_squeeze %dma_start3A_370 : memref<1x80x128xf32, #tpu.memory_space<vmem>> -> memref<80x128xf32, #tpu.memory_space<vmem>>
        %dma_start3A_372 = arith.constant 0 : i32
        %dma_start3A_373 = tpu.memref_slice %arg9[%add3A_355, %dma_start3A_372] : memref<32x80xi32, #tpu.memory_space<vmem>> -> memref<1x80xi32, #tpu.memory_space<vmem>>
        %dma_start3A_374 = tpu.memref_squeeze %dma_start3A_373 : memref<1x80xi32, #tpu.memory_space<vmem>> -> memref<80xi32, #tpu.memory_space<vmem>>
        %dma_start3A_375 = arith.constant 0 : i32
        %dma_start3A_376 = arith.constant 0 : i32
        %dma_start3A_377 = tpu.memref_slice %arg6[%dma_start3A_375, %dma_start3A_376] : memref<10240x128xf32, #tpu.memory_space<vmem_shared>> -> memref<10240x128xf32, #tpu.memory_space<vmem_shared>>
        tpu.enqueue_indirect_dma source(%dma_start3A_371 : memref<80x128xf32, #tpu.memory_space<vmem>>) target(%dma_start3A_377 : memref<10240x128xf32, #tpu.memory_space<vmem_shared>>) offsets(%dma_start3A_374 : memref<80xi32, #tpu.memory_space<vmem>>) semaphore(%arg16 : memref<!tpu.dma_semaphore, #tpu.memory_space<semaphore_mem>>) {add = true}
        %add3A_378 = arith.constant 3 : i32
        %add3A_379 = arith.addi %mul3A_305, %add3A_378 : i32
        %dma_wait3A_380 = arith.constant 3 : i32
        %dma_wait3A_381 = arith.constant 0 : i32
        %dma_wait3A_382 = arith.constant 0 : i32
        %dma_wait3A_383 = tpu.memref_slice %arg7[%dma_wait3A_380, %dma_wait3A_381, %dma_wait3A_382] : memref<4x80x128xf32, #tpu.memory_space<vmem>> -> memref<1x80x128xf32, #tpu.memory_space<vmem>>
        %dma_wait3A_384 = tpu.memref_squeeze %dma_wait3A_383 : memref<1x80x128xf32, #tpu.memory_space<vmem>> -> memref<80x128xf32, #tpu.memory_space<vmem>>
        %dma_wait3A_385 = arith.constant 0 : i32
        %dma_wait3A_386 = tpu.memref_slice %arg8[%add3A_379, %dma_wait3A_385] : memref<32x80xi32, #tpu.memory_space<vmem>> -> memref<1x80xi32, #tpu.memory_space<vmem>>
        %dma_wait3A_387 = tpu.memref_squeeze %dma_wait3A_386 : memref<1x80xi32, #tpu.memory_space<vmem>> -> memref<80xi32, #tpu.memory_space<vmem>>
        %dma_wait3A_388 = arith.constant 0 : i32
        %dma_wait3A_389 = arith.constant 0 : i32
        %dma_wait3A_390 = tpu.memref_slice %arg2[%dma_wait3A_388, %dma_wait3A_389] : memref<10240x128xf32, #tpu.memory_space<hbm>> -> memref<10240x128xf32, #tpu.memory_space<hbm>>
        tpu.wait_indirect_dma semaphore(%arg13 : memref<!tpu.dma_semaphore, #tpu.memory_space<semaphore_mem>>) src(%dma_wait3A_390 : memref<10240x128xf32, #tpu.memory_space<hbm>>) dst(%dma_wait3A_384 : memref<80x128xf32, #tpu.memory_space<vmem>>)
        %dma_start3A_391 = arith.constant 3 : i32
        %dma_start3A_392 = arith.constant 0 : i32
        %dma_start3A_393 = arith.constant 0 : i32
        %dma_start3A_394 = tpu.memref_slice %arg7[%dma_start3A_391, %dma_start3A_392, %dma_start3A_393] : memref<4x80x128xf32, #tpu.memory_space<vmem>> -> memref<1x80x128xf32, #tpu.memory_space<vmem>>
        %dma_start3A_395 = tpu.memref_squeeze %dma_start3A_394 : memref<1x80x128xf32, #tpu.memory_space<vmem>> -> memref<80x128xf32, #tpu.memory_space<vmem>>
        %dma_start3A_396 = arith.constant 0 : i32
        %dma_start3A_397 = tpu.memref_slice %arg9[%add3A_379, %dma_start3A_396] : memref<32x80xi32, #tpu.memory_space<vmem>> -> memref<1x80xi32, #tpu.memory_space<vmem>>
        %dma_start3A_398 = tpu.memref_squeeze %dma_start3A_397 : memref<1x80xi32, #tpu.memory_space<vmem>> -> memref<80xi32, #tpu.memory_space<vmem>>
        %dma_start3A_399 = arith.constant 0 : i32
        %dma_start3A_400 = arith.constant 0 : i32
        %dma_start3A_401 = tpu.memref_slice %arg6[%dma_start3A_399, %dma_start3A_400] : memref<10240x128xf32, #tpu.memory_space<vmem_shared>> -> memref<10240x128xf32, #tpu.memory_space<vmem_shared>>
        tpu.enqueue_indirect_dma source(%dma_start3A_395 : memref<80x128xf32, #tpu.memory_space<vmem>>) target(%dma_start3A_401 : memref<10240x128xf32, #tpu.memory_space<vmem_shared>>) offsets(%dma_start3A_398 : memref<80xi32, #tpu.memory_space<vmem>>) semaphore(%arg17 : memref<!tpu.dma_semaphore, #tpu.memory_space<semaphore_mem>>) {add = true}
        %add3A_402 = arith.constant 0 : i32
        %add3A_403 = arith.addi %mul3A_305, %add3A_402 : i32
        %dma_wait3A_404 = arith.constant 0 : i32
        %dma_wait3A_405 = arith.constant 0 : i32
        %dma_wait3A_406 = arith.constant 0 : i32
        %dma_wait3A_407 = tpu.memref_slice %arg7[%dma_wait3A_404, %dma_wait3A_405, %dma_wait3A_406] : memref<4x80x128xf32, #tpu.memory_space<vmem>> -> memref<1x80x128xf32, #tpu.memory_space<vmem>>
        %dma_wait3A_408 = tpu.memref_squeeze %dma_wait3A_407 : memref<1x80x128xf32, #tpu.memory_space<vmem>> -> memref<80x128xf32, #tpu.memory_space<vmem>>
        %dma_wait3A_409 = arith.constant 0 : i32
        %dma_wait3A_410 = tpu.memref_slice %arg9[%add3A_403, %dma_wait3A_409] : memref<32x80xi32, #tpu.memory_space<vmem>> -> memref<1x80xi32, #tpu.memory_space<vmem>>
        %dma_wait3A_411 = tpu.memref_squeeze %dma_wait3A_410 : memref<1x80xi32, #tpu.memory_space<vmem>> -> memref<80xi32, #tpu.memory_space<vmem>>
        %dma_wait3A_412 = arith.constant 0 : i32
        %dma_wait3A_413 = arith.constant 0 : i32
        %dma_wait3A_414 = tpu.memref_slice %arg6[%dma_wait3A_412, %dma_wait3A_413] : memref<10240x128xf32, #tpu.memory_space<vmem_shared>> -> memref<10240x128xf32, #tpu.memory_space<vmem_shared>>
        tpu.wait_indirect_dma semaphore(%arg14 : memref<!tpu.dma_semaphore, #tpu.memory_space<semaphore_mem>>) src(%dma_wait3A_408 : memref<80x128xf32, #tpu.memory_space<vmem>>) dst(%dma_wait3A_414 : memref<10240x128xf32, #tpu.memory_space<vmem_shared>>)
        %add3A_415 = arith.constant 4 : i32
        %add3A_416 = arith.addi %mul3A_305, %add3A_415 : i32
        %add3A_417 = arith.constant 0 : i32
        %add3A_418 = arith.addi %add3A_416, %add3A_417 : i32
        %dma_start3A_419 = arith.constant 0 : i32
        %dma_start3A_420 = arith.constant 0 : i32
        %dma_start3A_421 = arith.constant 0 : i32
        %dma_start3A_422 = tpu.memref_slice %arg7[%dma_start3A_419, %dma_start3A_420, %dma_start3A_421] : memref<4x80x128xf32, #tpu.memory_space<vmem>> -> memref<1x80x128xf32, #tpu.memory_space<vmem>>
        %dma_start3A_423 = tpu.memref_squeeze %dma_start3A_422 : memref<1x80x128xf32, #tpu.memory_space<vmem>> -> memref<80x128xf32, #tpu.memory_space<vmem>>
        %dma_start3A_424 = arith.constant 0 : i32
        %dma_start3A_425 = tpu.memref_slice %arg8[%add3A_418, %dma_start3A_424] : memref<32x80xi32, #tpu.memory_space<vmem>> -> memref<1x80xi32, #tpu.memory_space<vmem>>
        %dma_start3A_426 = tpu.memref_squeeze %dma_start3A_425 : memref<1x80xi32, #tpu.memory_space<vmem>> -> memref<80xi32, #tpu.memory_space<vmem>>
        %dma_start3A_427 = arith.constant 0 : i32
        %dma_start3A_428 = arith.constant 0 : i32
        %dma_start3A_429 = tpu.memref_slice %arg2[%dma_start3A_427, %dma_start3A_428] : memref<10240x128xf32, #tpu.memory_space<hbm>> -> memref<10240x128xf32, #tpu.memory_space<hbm>>
        tpu.enqueue_indirect_dma source(%dma_start3A_429 : memref<10240x128xf32, #tpu.memory_space<hbm>>) target(%dma_start3A_423 : memref<80x128xf32, #tpu.memory_space<vmem>>) offsets(%dma_start3A_426 : memref<80xi32, #tpu.memory_space<vmem>>) semaphore(%arg10 : memref<!tpu.dma_semaphore, #tpu.memory_space<semaphore_mem>>)
        %add3A_430 = arith.constant 1 : i32
        %add3A_431 = arith.addi %mul3A_305, %add3A_430 : i32
        %dma_wait3A_432 = arith.constant 1 : i32
        %dma_wait3A_433 = arith.constant 0 : i32
        %dma_wait3A_434 = arith.constant 0 : i32
        %dma_wait3A_435 = tpu.memref_slice %arg7[%dma_wait3A_432, %dma_wait3A_433, %dma_wait3A_434] : memref<4x80x128xf32, #tpu.memory_space<vmem>> -> memref<1x80x128xf32, #tpu.memory_space<vmem>>
        %dma_wait3A_436 = tpu.memref_squeeze %dma_wait3A_435 : memref<1x80x128xf32, #tpu.memory_space<vmem>> -> memref<80x128xf32, #tpu.memory_space<vmem>>
        %dma_wait3A_437 = arith.constant 0 : i32
        %dma_wait3A_438 = tpu.memref_slice %arg9[%add3A_431, %dma_wait3A_437] : memref<32x80xi32, #tpu.memory_space<vmem>> -> memref<1x80xi32, #tpu.memory_space<vmem>>
        %dma_wait3A_439 = tpu.memref_squeeze %dma_wait3A_438 : memref<1x80xi32, #tpu.memory_space<vmem>> -> memref<80xi32, #tpu.memory_space<vmem>>
        %dma_wait3A_440 = arith.constant 0 : i32
        %dma_wait3A_441 = arith.constant 0 : i32
        %dma_wait3A_442 = tpu.memref_slice %arg6[%dma_wait3A_440, %dma_wait3A_441] : memref<10240x128xf32, #tpu.memory_space<vmem_shared>> -> memref<10240x128xf32, #tpu.memory_space<vmem_shared>>
        tpu.wait_indirect_dma semaphore(%arg15 : memref<!tpu.dma_semaphore, #tpu.memory_space<semaphore_mem>>) src(%dma_wait3A_436 : memref<80x128xf32, #tpu.memory_space<vmem>>) dst(%dma_wait3A_442 : memref<10240x128xf32, #tpu.memory_space<vmem_shared>>)
        %add3A_443 = arith.constant 4 : i32
        %add3A_444 = arith.addi %mul3A_305, %add3A_443 : i32
        %add3A_445 = arith.constant 1 : i32
        %add3A_446 = arith.addi %add3A_444, %add3A_445 : i32
        %dma_start3A_447 = arith.constant 1 : i32
        %dma_start3A_448 = arith.constant 0 : i32
        %dma_start3A_449 = arith.constant 0 : i32
        %dma_start3A_450 = tpu.memref_slice %arg7[%dma_start3A_447, %dma_start3A_448, %dma_start3A_449] : memref<4x80x128xf32, #tpu.memory_space<vmem>> -> memref<1x80x128xf32, #tpu.memory_space<vmem>>
        %dma_start3A_451 = tpu.memref_squeeze %dma_start3A_450 : memref<1x80x128xf32, #tpu.memory_space<vmem>> -> memref<80x128xf32, #tpu.memory_space<vmem>>
        %dma_start3A_452 = arith.constant 0 : i32
        %dma_start3A_453 = tpu.memref_slice %arg8[%add3A_446, %dma_start3A_452] : memref<32x80xi32, #tpu.memory_space<vmem>> -> memref<1x80xi32, #tpu.memory_space<vmem>>
        %dma_start3A_454 = tpu.memref_squeeze %dma_start3A_453 : memref<1x80xi32, #tpu.memory_space<vmem>> -> memref<80xi32, #tpu.memory_space<vmem>>
        %dma_start3A_455 = arith.constant 0 : i32
        %dma_start3A_456 = arith.constant 0 : i32
        %dma_start3A_457 = tpu.memref_slice %arg2[%dma_start3A_455, %dma_start3A_456] : memref<10240x128xf32, #tpu.memory_space<hbm>> -> memref<10240x128xf32, #tpu.memory_space<hbm>>
        tpu.enqueue_indirect_dma source(%dma_start3A_457 : memref<10240x128xf32, #tpu.memory_space<hbm>>) target(%dma_start3A_451 : memref<80x128xf32, #tpu.memory_space<vmem>>) offsets(%dma_start3A_454 : memref<80xi32, #tpu.memory_space<vmem>>) semaphore(%arg11 : memref<!tpu.dma_semaphore, #tpu.memory_space<semaphore_mem>>)
        %add3A_458 = arith.constant 2 : i32
        %add3A_459 = arith.addi %mul3A_305, %add3A_458 : i32
        %dma_wait3A_460 = arith.constant 2 : i32
        %dma_wait3A_461 = arith.constant 0 : i32
        %dma_wait3A_462 = arith.constant 0 : i32
        %dma_wait3A_463 = tpu.memref_slice %arg7[%dma_wait3A_460, %dma_wait3A_461, %dma_wait3A_462] : memref<4x80x128xf32, #tpu.memory_space<vmem>> -> memref<1x80x128xf32, #tpu.memory_space<vmem>>
        %dma_wait3A_464 = tpu.memref_squeeze %dma_wait3A_463 : memref<1x80x128xf32, #tpu.memory_space<vmem>> -> memref<80x128xf32, #tpu.memory_space<vmem>>
        %dma_wait3A_465 = arith.constant 0 : i32
        %dma_wait3A_466 = tpu.memref_slice %arg9[%add3A_459, %dma_wait3A_465] : memref<32x80xi32, #tpu.memory_space<vmem>> -> memref<1x80xi32, #tpu.memory_space<vmem>>
        %dma_wait3A_467 = tpu.memref_squeeze %dma_wait3A_466 : memref<1x80xi32, #tpu.memory_space<vmem>> -> memref<80xi32, #tpu.memory_space<vmem>>
        %dma_wait3A_468 = arith.constant 0 : i32
        %dma_wait3A_469 = arith.constant 0 : i32
        %dma_wait3A_470 = tpu.memref_slice %arg6[%dma_wait3A_468, %dma_wait3A_469] : memref<10240x128xf32, #tpu.memory_space<vmem_shared>> -> memref<10240x128xf32, #tpu.memory_space<vmem_shared>>
        tpu.wait_indirect_dma semaphore(%arg16 : memref<!tpu.dma_semaphore, #tpu.memory_space<semaphore_mem>>) src(%dma_wait3A_464 : memref<80x128xf32, #tpu.memory_space<vmem>>) dst(%dma_wait3A_470 : memref<10240x128xf32, #tpu.memory_space<vmem_shared>>)
        %add3A_471 = arith.constant 4 : i32
        %add3A_472 = arith.addi %mul3A_305, %add3A_471 : i32
        %add3A_473 = arith.constant 2 : i32
        %add3A_474 = arith.addi %add3A_472, %add3A_473 : i32
        %dma_start3A_475 = arith.constant 2 : i32
        %dma_start3A_476 = arith.constant 0 : i32
        %dma_start3A_477 = arith.constant 0 : i32
        %dma_start3A_478 = tpu.memref_slice %arg7[%dma_start3A_475, %dma_start3A_476, %dma_start3A_477] : memref<4x80x128xf32, #tpu.memory_space<vmem>> -> memref<1x80x128xf32, #tpu.memory_space<vmem>>
        %dma_start3A_479 = tpu.memref_squeeze %dma_start3A_478 : memref<1x80x128xf32, #tpu.memory_space<vmem>> -> memref<80x128xf32, #tpu.memory_space<vmem>>
        %dma_start3A_480 = arith.constant 0 : i32
        %dma_start3A_481 = tpu.memref_slice %arg8[%add3A_474, %dma_start3A_480] : memref<32x80xi32, #tpu.memory_space<vmem>> -> memref<1x80xi32, #tpu.memory_space<vmem>>
        %dma_start3A_482 = tpu.memref_squeeze %dma_start3A_481 : memref<1x80xi32, #tpu.memory_space<vmem>> -> memref<80xi32, #tpu.memory_space<vmem>>
        %dma_start3A_483 = arith.constant 0 : i32
        %dma_start3A_484 = arith.constant 0 : i32
        %dma_start3A_485 = tpu.memref_slice %arg2[%dma_start3A_483, %dma_start3A_484] : memref<10240x128xf32, #tpu.memory_space<hbm>> -> memref<10240x128xf32, #tpu.memory_space<hbm>>
        tpu.enqueue_indirect_dma source(%dma_start3A_485 : memref<10240x128xf32, #tpu.memory_space<hbm>>) target(%dma_start3A_479 : memref<80x128xf32, #tpu.memory_space<vmem>>) offsets(%dma_start3A_482 : memref<80xi32, #tpu.memory_space<vmem>>) semaphore(%arg12 : memref<!tpu.dma_semaphore, #tpu.memory_space<semaphore_mem>>)
        %add3A_486 = arith.constant 3 : i32
        %add3A_487 = arith.addi %mul3A_305, %add3A_486 : i32
        %dma_wait3A_488 = arith.constant 3 : i32
        %dma_wait3A_489 = arith.constant 0 : i32
        %dma_wait3A_490 = arith.constant 0 : i32
        %dma_wait3A_491 = tpu.memref_slice %arg7[%dma_wait3A_488, %dma_wait3A_489, %dma_wait3A_490] : memref<4x80x128xf32, #tpu.memory_space<vmem>> -> memref<1x80x128xf32, #tpu.memory_space<vmem>>
        %dma_wait3A_492 = tpu.memref_squeeze %dma_wait3A_491 : memref<1x80x128xf32, #tpu.memory_space<vmem>> -> memref<80x128xf32, #tpu.memory_space<vmem>>
        %dma_wait3A_493 = arith.constant 0 : i32
        %dma_wait3A_494 = tpu.memref_slice %arg9[%add3A_487, %dma_wait3A_493] : memref<32x80xi32, #tpu.memory_space<vmem>> -> memref<1x80xi32, #tpu.memory_space<vmem>>
        %dma_wait3A_495 = tpu.memref_squeeze %dma_wait3A_494 : memref<1x80xi32, #tpu.memory_space<vmem>> -> memref<80xi32, #tpu.memory_space<vmem>>
        %dma_wait3A_496 = arith.constant 0 : i32
        %dma_wait3A_497 = arith.constant 0 : i32
        %dma_wait3A_498 = tpu.memref_slice %arg6[%dma_wait3A_496, %dma_wait3A_497] : memref<10240x128xf32, #tpu.memory_space<vmem_shared>> -> memref<10240x128xf32, #tpu.memory_space<vmem_shared>>
        tpu.wait_indirect_dma semaphore(%arg17 : memref<!tpu.dma_semaphore, #tpu.memory_space<semaphore_mem>>) src(%dma_wait3A_492 : memref<80x128xf32, #tpu.memory_space<vmem>>) dst(%dma_wait3A_498 : memref<10240x128xf32, #tpu.memory_space<vmem_shared>>)
        %add3A_499 = arith.constant 4 : i32
        %add3A_500 = arith.addi %mul3A_305, %add3A_499 : i32
        %add3A_501 = arith.constant 3 : i32
        %add3A_502 = arith.addi %add3A_500, %add3A_501 : i32
        %dma_start3A_503 = arith.constant 3 : i32
        %dma_start3A_504 = arith.constant 0 : i32
        %dma_start3A_505 = arith.constant 0 : i32
        %dma_start3A_506 = tpu.memref_slice %arg7[%dma_start3A_503, %dma_start3A_504, %dma_start3A_505] : memref<4x80x128xf32, #tpu.memory_space<vmem>> -> memref<1x80x128xf32, #tpu.memory_space<vmem>>
        %dma_start3A_507 = tpu.memref_squeeze %dma_start3A_506 : memref<1x80x128xf32, #tpu.memory_space<vmem>> -> memref<80x128xf32, #tpu.memory_space<vmem>>
        %dma_start3A_508 = arith.constant 0 : i32
        %dma_start3A_509 = tpu.memref_slice %arg8[%add3A_502, %dma_start3A_508] : memref<32x80xi32, #tpu.memory_space<vmem>> -> memref<1x80xi32, #tpu.memory_space<vmem>>
        %dma_start3A_510 = tpu.memref_squeeze %dma_start3A_509 : memref<1x80xi32, #tpu.memory_space<vmem>> -> memref<80xi32, #tpu.memory_space<vmem>>
        %dma_start3A_511 = arith.constant 0 : i32
        %dma_start3A_512 = arith.constant 0 : i32
        %dma_start3A_513 = tpu.memref_slice %arg2[%dma_start3A_511, %dma_start3A_512] : memref<10240x128xf32, #tpu.memory_space<hbm>> -> memref<10240x128xf32, #tpu.memory_space<hbm>>
        tpu.enqueue_indirect_dma source(%dma_start3A_513 : memref<10240x128xf32, #tpu.memory_space<hbm>>) target(%dma_start3A_507 : memref<80x128xf32, #tpu.memory_space<vmem>>) offsets(%dma_start3A_510 : memref<80xi32, #tpu.memory_space<vmem>>) semaphore(%arg13 : memref<!tpu.dma_semaphore, #tpu.memory_space<semaphore_mem>>)
        %scan3A_514 = arith.constant 0 : i32
        scf.yield %scan3A_514 : i32
      }
      %scan3A_157 = arith.constant 7 : i32
      %dma_wait3A = arith.constant 28 : i32
      %dma_wait3A_158 = arith.constant 0 : i32
      %dma_wait3A_159 = arith.constant 0 : i32
      %dma_wait3A_160 = arith.constant 0 : i32
      %dma_wait3A_161 = tpu.memref_slice %arg7[%dma_wait3A_158, %dma_wait3A_159, %dma_wait3A_160] : memref<4x80x128xf32, #tpu.memory_space<vmem>> -> memref<1x80x128xf32, #tpu.memory_space<vmem>>
      %dma_wait3A_162 = tpu.memref_squeeze %dma_wait3A_161 : memref<1x80x128xf32, #tpu.memory_space<vmem>> -> memref<80x128xf32, #tpu.memory_space<vmem>>
      %dma_wait3A_163 = arith.constant 0 : i32
      %dma_wait3A_164 = tpu.memref_slice %arg8[%dma_wait3A, %dma_wait3A_163] : memref<32x80xi32, #tpu.memory_space<vmem>> -> memref<1x80xi32, #tpu.memory_space<vmem>>
      %dma_wait3A_165 = tpu.memref_squeeze %dma_wait3A_164 : memref<1x80xi32, #tpu.memory_space<vmem>> -> memref<80xi32, #tpu.memory_space<vmem>>
      %dma_wait3A_166 = arith.constant 0 : i32
      %dma_wait3A_167 = arith.constant 0 : i32
      %dma_wait3A_168 = tpu.memref_slice %arg2[%dma_wait3A_166, %dma_wait3A_167] : memref<10240x128xf32, #tpu.memory_space<hbm>> -> memref<10240x128xf32, #tpu.memory_space<hbm>>
      tpu.wait_indirect_dma semaphore(%arg10 : memref<!tpu.dma_semaphore, #tpu.memory_space<semaphore_mem>>) src(%dma_wait3A_168 : memref<10240x128xf32, #tpu.memory_space<hbm>>) dst(%dma_wait3A_162 : memref<80x128xf32, #tpu.memory_space<vmem>>)
      %dma_start3A_169 = arith.constant 0 : i32
      %dma_start3A_170 = arith.constant 28 : i32
      %dma_start3A_171 = arith.constant 0 : i32
      %dma_start3A_172 = arith.constant 0 : i32
      %dma_start3A_173 = tpu.memref_slice %arg7[%dma_start3A_169, %dma_start3A_171, %dma_start3A_172] : memref<4x80x128xf32, #tpu.memory_space<vmem>> -> memref<1x80x128xf32, #tpu.memory_space<vmem>>
      %dma_start3A_174 = tpu.memref_squeeze %dma_start3A_173 : memref<1x80x128xf32, #tpu.memory_space<vmem>> -> memref<80x128xf32, #tpu.memory_space<vmem>>
      %dma_start3A_175 = arith.constant 0 : i32
      %dma_start3A_176 = tpu.memref_slice %arg9[%dma_start3A_170, %dma_start3A_175] : memref<32x80xi32, #tpu.memory_space<vmem>> -> memref<1x80xi32, #tpu.memory_space<vmem>>
      %dma_start3A_177 = tpu.memref_squeeze %dma_start3A_176 : memref<1x80xi32, #tpu.memory_space<vmem>> -> memref<80xi32, #tpu.memory_space<vmem>>
      %dma_start3A_178 = arith.constant 0 : i32
      %dma_start3A_179 = arith.constant 0 : i32
      %dma_start3A_180 = tpu.memref_slice %arg6[%dma_start3A_178, %dma_start3A_179] : memref<10240x128xf32, #tpu.memory_space<vmem_shared>> -> memref<10240x128xf32, #tpu.memory_space<vmem_shared>>
      tpu.enqueue_indirect_dma source(%dma_start3A_174 : memref<80x128xf32, #tpu.memory_space<vmem>>) target(%dma_start3A_180 : memref<10240x128xf32, #tpu.memory_space<vmem_shared>>) offsets(%dma_start3A_177 : memref<80xi32, #tpu.memory_space<vmem>>) semaphore(%arg14 : memref<!tpu.dma_semaphore, #tpu.memory_space<semaphore_mem>>) {add = true}
      %dma_wait3A_181 = arith.constant 29 : i32
      %dma_wait3A_182 = arith.constant 1 : i32
      %dma_wait3A_183 = arith.constant 0 : i32
      %dma_wait3A_184 = arith.constant 0 : i32
      %dma_wait3A_185 = tpu.memref_slice %arg7[%dma_wait3A_182, %dma_wait3A_183, %dma_wait3A_184] : memref<4x80x128xf32, #tpu.memory_space<vmem>> -> memref<1x80x128xf32, #tpu.memory_space<vmem>>
      %dma_wait3A_186 = tpu.memref_squeeze %dma_wait3A_185 : memref<1x80x128xf32, #tpu.memory_space<vmem>> -> memref<80x128xf32, #tpu.memory_space<vmem>>
      %dma_wait3A_187 = arith.constant 0 : i32
      %dma_wait3A_188 = tpu.memref_slice %arg8[%dma_wait3A_181, %dma_wait3A_187] : memref<32x80xi32, #tpu.memory_space<vmem>> -> memref<1x80xi32, #tpu.memory_space<vmem>>
      %dma_wait3A_189 = tpu.memref_squeeze %dma_wait3A_188 : memref<1x80xi32, #tpu.memory_space<vmem>> -> memref<80xi32, #tpu.memory_space<vmem>>
      %dma_wait3A_190 = arith.constant 0 : i32
      %dma_wait3A_191 = arith.constant 0 : i32
      %dma_wait3A_192 = tpu.memref_slice %arg2[%dma_wait3A_190, %dma_wait3A_191] : memref<10240x128xf32, #tpu.memory_space<hbm>> -> memref<10240x128xf32, #tpu.memory_space<hbm>>
      tpu.wait_indirect_dma semaphore(%arg11 : memref<!tpu.dma_semaphore, #tpu.memory_space<semaphore_mem>>) src(%dma_wait3A_192 : memref<10240x128xf32, #tpu.memory_space<hbm>>) dst(%dma_wait3A_186 : memref<80x128xf32, #tpu.memory_space<vmem>>)
      %dma_start3A_193 = arith.constant 1 : i32
      %dma_start3A_194 = arith.constant 29 : i32
      %dma_start3A_195 = arith.constant 0 : i32
      %dma_start3A_196 = arith.constant 0 : i32
      %dma_start3A_197 = tpu.memref_slice %arg7[%dma_start3A_193, %dma_start3A_195, %dma_start3A_196] : memref<4x80x128xf32, #tpu.memory_space<vmem>> -> memref<1x80x128xf32, #tpu.memory_space<vmem>>
      %dma_start3A_198 = tpu.memref_squeeze %dma_start3A_197 : memref<1x80x128xf32, #tpu.memory_space<vmem>> -> memref<80x128xf32, #tpu.memory_space<vmem>>
      %dma_start3A_199 = arith.constant 0 : i32
      %dma_start3A_200 = tpu.memref_slice %arg9[%dma_start3A_194, %dma_start3A_199] : memref<32x80xi32, #tpu.memory_space<vmem>> -> memref<1x80xi32, #tpu.memory_space<vmem>>
      %dma_start3A_201 = tpu.memref_squeeze %dma_start3A_200 : memref<1x80xi32, #tpu.memory_space<vmem>> -> memref<80xi32, #tpu.memory_space<vmem>>
      %dma_start3A_202 = arith.constant 0 : i32
      %dma_start3A_203 = arith.constant 0 : i32
      %dma_start3A_204 = tpu.memref_slice %arg6[%dma_start3A_202, %dma_start3A_203] : memref<10240x128xf32, #tpu.memory_space<vmem_shared>> -> memref<10240x128xf32, #tpu.memory_space<vmem_shared>>
      tpu.enqueue_indirect_dma source(%dma_start3A_198 : memref<80x128xf32, #tpu.memory_space<vmem>>) target(%dma_start3A_204 : memref<10240x128xf32, #tpu.memory_space<vmem_shared>>) offsets(%dma_start3A_201 : memref<80xi32, #tpu.memory_space<vmem>>) semaphore(%arg15 : memref<!tpu.dma_semaphore, #tpu.memory_space<semaphore_mem>>) {add = true}
      %dma_wait3A_205 = arith.constant 30 : i32
      %dma_wait3A_206 = arith.constant 2 : i32
      %dma_wait3A_207 = arith.constant 0 : i32
      %dma_wait3A_208 = arith.constant 0 : i32
      %dma_wait3A_209 = tpu.memref_slice %arg7[%dma_wait3A_206, %dma_wait3A_207, %dma_wait3A_208] : memref<4x80x128xf32, #tpu.memory_space<vmem>> -> memref<1x80x128xf32, #tpu.memory_space<vmem>>
      %dma_wait3A_210 = tpu.memref_squeeze %dma_wait3A_209 : memref<1x80x128xf32, #tpu.memory_space<vmem>> -> memref<80x128xf32, #tpu.memory_space<vmem>>
      %dma_wait3A_211 = arith.constant 0 : i32
      %dma_wait3A_212 = tpu.memref_slice %arg8[%dma_wait3A_205, %dma_wait3A_211] : memref<32x80xi32, #tpu.memory_space<vmem>> -> memref<1x80xi32, #tpu.memory_space<vmem>>
      %dma_wait3A_213 = tpu.memref_squeeze %dma_wait3A_212 : memref<1x80xi32, #tpu.memory_space<vmem>> -> memref<80xi32, #tpu.memory_space<vmem>>
      %dma_wait3A_214 = arith.constant 0 : i32
      %dma_wait3A_215 = arith.constant 0 : i32
      %dma_wait3A_216 = tpu.memref_slice %arg2[%dma_wait3A_214, %dma_wait3A_215] : memref<10240x128xf32, #tpu.memory_space<hbm>> -> memref<10240x128xf32, #tpu.memory_space<hbm>>
      tpu.wait_indirect_dma semaphore(%arg12 : memref<!tpu.dma_semaphore, #tpu.memory_space<semaphore_mem>>) src(%dma_wait3A_216 : memref<10240x128xf32, #tpu.memory_space<hbm>>) dst(%dma_wait3A_210 : memref<80x128xf32, #tpu.memory_space<vmem>>)
      %dma_start3A_217 = arith.constant 2 : i32
      %dma_start3A_218 = arith.constant 30 : i32
      %dma_start3A_219 = arith.constant 0 : i32
      %dma_start3A_220 = arith.constant 0 : i32
      %dma_start3A_221 = tpu.memref_slice %arg7[%dma_start3A_217, %dma_start3A_219, %dma_start3A_220] : memref<4x80x128xf32, #tpu.memory_space<vmem>> -> memref<1x80x128xf32, #tpu.memory_space<vmem>>
      %dma_start3A_222 = tpu.memref_squeeze %dma_start3A_221 : memref<1x80x128xf32, #tpu.memory_space<vmem>> -> memref<80x128xf32, #tpu.memory_space<vmem>>
      %dma_start3A_223 = arith.constant 0 : i32
      %dma_start3A_224 = tpu.memref_slice %arg9[%dma_start3A_218, %dma_start3A_223] : memref<32x80xi32, #tpu.memory_space<vmem>> -> memref<1x80xi32, #tpu.memory_space<vmem>>
      %dma_start3A_225 = tpu.memref_squeeze %dma_start3A_224 : memref<1x80xi32, #tpu.memory_space<vmem>> -> memref<80xi32, #tpu.memory_space<vmem>>
      %dma_start3A_226 = arith.constant 0 : i32
      %dma_start3A_227 = arith.constant 0 : i32
      %dma_start3A_228 = tpu.memref_slice %arg6[%dma_start3A_226, %dma_start3A_227] : memref<10240x128xf32, #tpu.memory_space<vmem_shared>> -> memref<10240x128xf32, #tpu.memory_space<vmem_shared>>
      tpu.enqueue_indirect_dma source(%dma_start3A_222 : memref<80x128xf32, #tpu.memory_space<vmem>>) target(%dma_start3A_228 : memref<10240x128xf32, #tpu.memory_space<vmem_shared>>) offsets(%dma_start3A_225 : memref<80xi32, #tpu.memory_space<vmem>>) semaphore(%arg16 : memref<!tpu.dma_semaphore, #tpu.memory_space<semaphore_mem>>) {add = true}
      %dma_wait3A_229 = arith.constant 31 : i32
      %dma_wait3A_230 = arith.constant 3 : i32
      %dma_wait3A_231 = arith.constant 0 : i32
      %dma_wait3A_232 = arith.constant 0 : i32
      %dma_wait3A_233 = tpu.memref_slice %arg7[%dma_wait3A_230, %dma_wait3A_231, %dma_wait3A_232] : memref<4x80x128xf32, #tpu.memory_space<vmem>> -> memref<1x80x128xf32, #tpu.memory_space<vmem>>
      %dma_wait3A_234 = tpu.memref_squeeze %dma_wait3A_233 : memref<1x80x128xf32, #tpu.memory_space<vmem>> -> memref<80x128xf32, #tpu.memory_space<vmem>>
      %dma_wait3A_235 = arith.constant 0 : i32
      %dma_wait3A_236 = tpu.memref_slice %arg8[%dma_wait3A_229, %dma_wait3A_235] : memref<32x80xi32, #tpu.memory_space<vmem>> -> memref<1x80xi32, #tpu.memory_space<vmem>>
      %dma_wait3A_237 = tpu.memref_squeeze %dma_wait3A_236 : memref<1x80xi32, #tpu.memory_space<vmem>> -> memref<80xi32, #tpu.memory_space<vmem>>
      %dma_wait3A_238 = arith.constant 0 : i32
      %dma_wait3A_239 = arith.constant 0 : i32
      %dma_wait3A_240 = tpu.memref_slice %arg2[%dma_wait3A_238, %dma_wait3A_239] : memref<10240x128xf32, #tpu.memory_space<hbm>> -> memref<10240x128xf32, #tpu.memory_space<hbm>>
      tpu.wait_indirect_dma semaphore(%arg13 : memref<!tpu.dma_semaphore, #tpu.memory_space<semaphore_mem>>) src(%dma_wait3A_240 : memref<10240x128xf32, #tpu.memory_space<hbm>>) dst(%dma_wait3A_234 : memref<80x128xf32, #tpu.memory_space<vmem>>)
      %dma_start3A_241 = arith.constant 3 : i32
      %dma_start3A_242 = arith.constant 31 : i32
      %dma_start3A_243 = arith.constant 0 : i32
      %dma_start3A_244 = arith.constant 0 : i32
      %dma_start3A_245 = tpu.memref_slice %arg7[%dma_start3A_241, %dma_start3A_243, %dma_start3A_244] : memref<4x80x128xf32, #tpu.memory_space<vmem>> -> memref<1x80x128xf32, #tpu.memory_space<vmem>>
      %dma_start3A_246 = tpu.memref_squeeze %dma_start3A_245 : memref<1x80x128xf32, #tpu.memory_space<vmem>> -> memref<80x128xf32, #tpu.memory_space<vmem>>
      %dma_start3A_247 = arith.constant 0 : i32
      %dma_start3A_248 = tpu.memref_slice %arg9[%dma_start3A_242, %dma_start3A_247] : memref<32x80xi32, #tpu.memory_space<vmem>> -> memref<1x80xi32, #tpu.memory_space<vmem>>
      %dma_start3A_249 = tpu.memref_squeeze %dma_start3A_248 : memref<1x80xi32, #tpu.memory_space<vmem>> -> memref<80xi32, #tpu.memory_space<vmem>>
      %dma_start3A_250 = arith.constant 0 : i32
      %dma_start3A_251 = arith.constant 0 : i32
      %dma_start3A_252 = tpu.memref_slice %arg6[%dma_start3A_250, %dma_start3A_251] : memref<10240x128xf32, #tpu.memory_space<vmem_shared>> -> memref<10240x128xf32, #tpu.memory_space<vmem_shared>>
      tpu.enqueue_indirect_dma source(%dma_start3A_246 : memref<80x128xf32, #tpu.memory_space<vmem>>) target(%dma_start3A_252 : memref<10240x128xf32, #tpu.memory_space<vmem_shared>>) offsets(%dma_start3A_249 : memref<80xi32, #tpu.memory_space<vmem>>) semaphore(%arg17 : memref<!tpu.dma_semaphore, #tpu.memory_space<semaphore_mem>>) {add = true}
      %dma_wait3A_253 = arith.constant 0 : i32
      %dma_wait3A_254 = arith.constant 28 : i32
      %dma_wait3A_255 = arith.constant 0 : i32
      %dma_wait3A_256 = arith.constant 0 : i32
      %dma_wait3A_257 = tpu.memref_slice %arg7[%dma_wait3A_253, %dma_wait3A_255, %dma_wait3A_256] : memref<4x80x128xf32, #tpu.memory_space<vmem>> -> memref<1x80x128xf32, #tpu.memory_space<vmem>>
      %dma_wait3A_258 = tpu.memref_squeeze %dma_wait3A_257 : memref<1x80x128xf32, #tpu.memory_space<vmem>> -> memref<80x128xf32, #tpu.memory_space<vmem>>
      %dma_wait3A_259 = arith.constant 0 : i32
      %dma_wait3A_260 = tpu.memref_slice %arg9[%dma_wait3A_254, %dma_wait3A_259] : memref<32x80xi32, #tpu.memory_space<vmem>> -> memref<1x80xi32, #tpu.memory_space<vmem>>
      %dma_wait3A_261 = tpu.memref_squeeze %dma_wait3A_260 : memref<1x80xi32, #tpu.memory_space<vmem>> -> memref<80xi32, #tpu.memory_space<vmem>>
      %dma_wait3A_262 = arith.constant 0 : i32
      %dma_wait3A_263 = arith.constant 0 : i32
      %dma_wait3A_264 = tpu.memref_slice %arg6[%dma_wait3A_262, %dma_wait3A_263] : memref<10240x128xf32, #tpu.memory_space<vmem_shared>> -> memref<10240x128xf32, #tpu.memory_space<vmem_shared>>
      tpu.wait_indirect_dma semaphore(%arg14 : memref<!tpu.dma_semaphore, #tpu.memory_space<semaphore_mem>>) src(%dma_wait3A_258 : memref<80x128xf32, #tpu.memory_space<vmem>>) dst(%dma_wait3A_264 : memref<10240x128xf32, #tpu.memory_space<vmem_shared>>)
      %dma_wait3A_265 = arith.constant 1 : i32
      %dma_wait3A_266 = arith.constant 29 : i32
      %dma_wait3A_267 = arith.constant 0 : i32
      %dma_wait3A_268 = arith.constant 0 : i32
      %dma_wait3A_269 = tpu.memref_slice %arg7[%dma_wait3A_265, %dma_wait3A_267, %dma_wait3A_268] : memref<4x80x128xf32, #tpu.memory_space<vmem>> -> memref<1x80x128xf32, #tpu.memory_space<vmem>>
      %dma_wait3A_270 = tpu.memref_squeeze %dma_wait3A_269 : memref<1x80x128xf32, #tpu.memory_space<vmem>> -> memref<80x128xf32, #tpu.memory_space<vmem>>
      %dma_wait3A_271 = arith.constant 0 : i32
      %dma_wait3A_272 = tpu.memref_slice %arg9[%dma_wait3A_266, %dma_wait3A_271] : memref<32x80xi32, #tpu.memory_space<vmem>> -> memref<1x80xi32, #tpu.memory_space<vmem>>
      %dma_wait3A_273 = tpu.memref_squeeze %dma_wait3A_272 : memref<1x80xi32, #tpu.memory_space<vmem>> -> memref<80xi32, #tpu.memory_space<vmem>>
      %dma_wait3A_274 = arith.constant 0 : i32
      %dma_wait3A_275 = arith.constant 0 : i32
      %dma_wait3A_276 = tpu.memref_slice %arg6[%dma_wait3A_274, %dma_wait3A_275] : memref<10240x128xf32, #tpu.memory_space<vmem_shared>> -> memref<10240x128xf32, #tpu.memory_space<vmem_shared>>
      tpu.wait_indirect_dma semaphore(%arg15 : memref<!tpu.dma_semaphore, #tpu.memory_space<semaphore_mem>>) src(%dma_wait3A_270 : memref<80x128xf32, #tpu.memory_space<vmem>>) dst(%dma_wait3A_276 : memref<10240x128xf32, #tpu.memory_space<vmem_shared>>)
      %dma_wait3A_277 = arith.constant 2 : i32
      %dma_wait3A_278 = arith.constant 30 : i32
      %dma_wait3A_279 = arith.constant 0 : i32
      %dma_wait3A_280 = arith.constant 0 : i32
      %dma_wait3A_281 = tpu.memref_slice %arg7[%dma_wait3A_277, %dma_wait3A_279, %dma_wait3A_280] : memref<4x80x128xf32, #tpu.memory_space<vmem>> -> memref<1x80x128xf32, #tpu.memory_space<vmem>>
      %dma_wait3A_282 = tpu.memref_squeeze %dma_wait3A_281 : memref<1x80x128xf32, #tpu.memory_space<vmem>> -> memref<80x128xf32, #tpu.memory_space<vmem>>
      %dma_wait3A_283 = arith.constant 0 : i32
      %dma_wait3A_284 = tpu.memref_slice %arg9[%dma_wait3A_278, %dma_wait3A_283] : memref<32x80xi32, #tpu.memory_space<vmem>> -> memref<1x80xi32, #tpu.memory_space<vmem>>
      %dma_wait3A_285 = tpu.memref_squeeze %dma_wait3A_284 : memref<1x80xi32, #tpu.memory_space<vmem>> -> memref<80xi32, #tpu.memory_space<vmem>>
      %dma_wait3A_286 = arith.constant 0 : i32
      %dma_wait3A_287 = arith.constant 0 : i32
      %dma_wait3A_288 = tpu.memref_slice %arg6[%dma_wait3A_286, %dma_wait3A_287] : memref<10240x128xf32, #tpu.memory_space<vmem_shared>> -> memref<10240x128xf32, #tpu.memory_space<vmem_shared>>
      tpu.wait_indirect_dma semaphore(%arg16 : memref<!tpu.dma_semaphore, #tpu.memory_space<semaphore_mem>>) src(%dma_wait3A_282 : memref<80x128xf32, #tpu.memory_space<vmem>>) dst(%dma_wait3A_288 : memref<10240x128xf32, #tpu.memory_space<vmem_shared>>)
      %dma_wait3A_289 = arith.constant 3 : i32
      %dma_wait3A_290 = arith.constant 31 : i32
      %dma_wait3A_291 = arith.constant 0 : i32
      %dma_wait3A_292 = arith.constant 0 : i32
      %dma_wait3A_293 = tpu.memref_slice %arg7[%dma_wait3A_289, %dma_wait3A_291, %dma_wait3A_292] : memref<4x80x128xf32, #tpu.memory_space<vmem>> -> memref<1x80x128xf32, #tpu.memory_space<vmem>>
      %dma_wait3A_294 = tpu.memref_squeeze %dma_wait3A_293 : memref<1x80x128xf32, #tpu.memory_space<vmem>> -> memref<80x128xf32, #tpu.memory_space<vmem>>
      %dma_wait3A_295 = arith.constant 0 : i32
      %dma_wait3A_296 = tpu.memref_slice %arg9[%dma_wait3A_290, %dma_wait3A_295] : memref<32x80xi32, #tpu.memory_space<vmem>> -> memref<1x80xi32, #tpu.memory_space<vmem>>
      %dma_wait3A_297 = tpu.memref_squeeze %dma_wait3A_296 : memref<1x80xi32, #tpu.memory_space<vmem>> -> memref<80xi32, #tpu.memory_space<vmem>>
      %dma_wait3A_298 = arith.constant 0 : i32
      %dma_wait3A_299 = arith.constant 0 : i32
      %dma_wait3A_300 = tpu.memref_slice %arg6[%dma_wait3A_298, %dma_wait3A_299] : memref<10240x128xf32, #tpu.memory_space<vmem_shared>> -> memref<10240x128xf32, #tpu.memory_space<vmem_shared>>
      tpu.wait_indirect_dma semaphore(%arg17 : memref<!tpu.dma_semaphore, #tpu.memory_space<semaphore_mem>>) src(%dma_wait3A_294 : memref<80x128xf32, #tpu.memory_space<vmem>>) dst(%dma_wait3A_300 : memref<10240x128xf32, #tpu.memory_space<vmem_shared>>)
      %while3A_301 = arith.constant 0 : i32
      scf.yield %while3A_301 : i32
    }
    %while3A_64 = arith.constant 1 : i32
    %while3A_65 = scf.for %while3A_99 = %while3A_61 to %while3A_57 step %while3A_64 iter_args(%while3A_100 = %while3A_63) -> (i32)  : i32 {
      %mul3A_101 = arith.constant 32 : i32
      %mul3A_102 = arith.muli %while3A_99, %mul3A_101 : i32
      %add3A_103 = arith.addi %select_n3A_8, %mul3A_102 : i32
      "tpu.region"() ({
        %run_scoped3A_302 = tpu.sem_alloc : memref<!tpu.dma_semaphore, #tpu.memory_space<semaphore_mem>>
        %dma_start3A_303 = arith.constant 0 : i32
        %dma_start3A_304 = tpu.memref_slice %arg3[%add3A_103, %dma_start3A_303] : memref<4096x80xi32, #tpu.memory_space<hbm>> -> memref<32x80xi32, #tpu.memory_space<hbm>>
        %dma_start3A_305 = arith.constant 0 : i32
        %dma_start3A_306 = tpu.memref_slice %arg3[%add3A_103, %dma_start3A_305] : memref<4096x80xi32, #tpu.memory_space<hbm>> -> memref<32x80xi32, #tpu.memory_space<hbm>>
        tpu.enqueue_dma source(%dma_start3A_306 : memref<32x80xi32, #tpu.memory_space<hbm>>) target(%arg8 : memref<32x80xi32, #tpu.memory_space<vmem>>) target_semaphore(%run_scoped3A_302 : memref<!tpu.dma_semaphore, #tpu.memory_space<semaphore_mem>>)
        %dma_wait3A_307 = arith.constant 0 : i32
        %dma_wait3A_308 = tpu.memref_slice %arg3[%add3A_103, %dma_wait3A_307] : memref<4096x80xi32, #tpu.memory_space<hbm>> -> memref<32x80xi32, #tpu.memory_space<hbm>>
        %dma_wait3A_309 = arith.constant 0 : i32
        %dma_wait3A_310 = tpu.memref_slice %arg3[%add3A_103, %dma_wait3A_309] : memref<4096x80xi32, #tpu.memory_space<hbm>> -> memref<32x80xi32, #tpu.memory_space<hbm>>
        tpu.wait_dma2 semaphore(%run_scoped3A_302 : memref<!tpu.dma_semaphore, #tpu.memory_space<semaphore_mem>>) src(%dma_wait3A_310 : memref<32x80xi32, #tpu.memory_space<hbm>>) dst(%arg8 : memref<32x80xi32, #tpu.memory_space<vmem>>)
        tpu.yield
      }) : () -> ()
      "tpu.region"() ({
        %run_scoped3A_302 = tpu.sem_alloc : memref<!tpu.dma_semaphore, #tpu.memory_space<semaphore_mem>>
        %dma_start3A_303 = arith.constant 0 : i32
        %dma_start3A_304 = tpu.memref_slice %arg4[%add3A_103, %dma_start3A_303] : memref<4096x80xi32, #tpu.memory_space<hbm>> -> memref<32x80xi32, #tpu.memory_space<hbm>>
        %dma_start3A_305 = arith.constant 0 : i32
        %dma_start3A_306 = tpu.memref_slice %arg4[%add3A_103, %dma_start3A_305] : memref<4096x80xi32, #tpu.memory_space<hbm>> -> memref<32x80xi32, #tpu.memory_space<hbm>>
        tpu.enqueue_dma source(%dma_start3A_306 : memref<32x80xi32, #tpu.memory_space<hbm>>) target(%arg9 : memref<32x80xi32, #tpu.memory_space<vmem>>) target_semaphore(%run_scoped3A_302 : memref<!tpu.dma_semaphore, #tpu.memory_space<semaphore_mem>>)
        %dma_wait3A_307 = arith.constant 0 : i32
        %dma_wait3A_308 = tpu.memref_slice %arg4[%add3A_103, %dma_wait3A_307] : memref<4096x80xi32, #tpu.memory_space<hbm>> -> memref<32x80xi32, #tpu.memory_space<hbm>>
        %dma_wait3A_309 = arith.constant 0 : i32
        %dma_wait3A_310 = tpu.memref_slice %arg4[%add3A_103, %dma_wait3A_309] : memref<4096x80xi32, #tpu.memory_space<hbm>> -> memref<32x80xi32, #tpu.memory_space<hbm>>
        tpu.wait_dma2 semaphore(%run_scoped3A_302 : memref<!tpu.dma_semaphore, #tpu.memory_space<semaphore_mem>>) src(%dma_wait3A_310 : memref<32x80xi32, #tpu.memory_space<hbm>>) dst(%arg9 : memref<32x80xi32, #tpu.memory_space<vmem>>)
        tpu.yield
      }) : () -> ()
      %dma_start3A = arith.constant 0 : i32
      %dma_start3A_104 = arith.constant 0 : i32
      %dma_start3A_105 = arith.constant 0 : i32
      %dma_start3A_106 = arith.constant 0 : i32
      %dma_start3A_107 = tpu.memref_slice %arg7[%dma_start3A_104, %dma_start3A_105, %dma_start3A_106] : memref<4x80x128xf32, #tpu.memory_space<vmem>> -> memref<1x80x128xf32, #tpu.memory_space<vmem>>
      %dma_start3A_108 = tpu.memref_squeeze %dma_start3A_107 : memref<1x80x128xf32, #tpu.memory_space<vmem>> -> memref<80x128xf32, #tpu.memory_space<vmem>>
      %dma_start3A_109 = arith.constant 0 : i32
      %dma_start3A_110 = tpu.memref_slice %arg8[%dma_start3A, %dma_start3A_109] : memref<32x80xi32, #tpu.memory_space<vmem>> -> memref<1x80xi32, #tpu.memory_space<vmem>>
      %dma_start3A_111 = tpu.memref_squeeze %dma_start3A_110 : memref<1x80xi32, #tpu.memory_space<vmem>> -> memref<80xi32, #tpu.memory_space<vmem>>
      %dma_start3A_112 = arith.constant 0 : i32
      %dma_start3A_113 = arith.constant 0 : i32
      %dma_start3A_114 = tpu.memref_slice %arg2[%dma_start3A_112, %dma_start3A_113] : memref<10240x128xf32, #tpu.memory_space<hbm>> -> memref<10240x128xf32, #tpu.memory_space<hbm>>
      tpu.enqueue_indirect_dma source(%dma_start3A_114 : memref<10240x128xf32, #tpu.memory_space<hbm>>) target(%dma_start3A_108 : memref<80x128xf32, #tpu.memory_space<vmem>>) offsets(%dma_start3A_111 : memref<80xi32, #tpu.memory_space<vmem>>) semaphore(%arg10 : memref<!tpu.dma_semaphore, #tpu.memory_space<semaphore_mem>>)
      %dma_start3A_115 = arith.constant 1 : i32
      %dma_start3A_116 = arith.constant 1 : i32
      %dma_start3A_117 = arith.constant 0 : i32
      %dma_start3A_118 = arith.constant 0 : i32
      %dma_start3A_119 = tpu.memref_slice %arg7[%dma_start3A_116, %dma_start3A_117, %dma_start3A_118] : memref<4x80x128xf32, #tpu.memory_space<vmem>> -> memref<1x80x128xf32, #tpu.memory_space<vmem>>
      %dma_start3A_120 = tpu.memref_squeeze %dma_start3A_119 : memref<1x80x128xf32, #tpu.memory_space<vmem>> -> memref<80x128xf32, #tpu.memory_space<vmem>>
      %dma_start3A_121 = arith.constant 0 : i32
      %dma_start3A_122 = tpu.memref_slice %arg8[%dma_start3A_115, %dma_start3A_121] : memref<32x80xi32, #tpu.memory_space<vmem>> -> memref<1x80xi32, #tpu.memory_space<vmem>>
      %dma_start3A_123 = tpu.memref_squeeze %dma_start3A_122 : memref<1x80xi32, #tpu.memory_space<vmem>> -> memref<80xi32, #tpu.memory_space<vmem>>
      %dma_start3A_124 = arith.constant 0 : i32
      %dma_start3A_125 = arith.constant 0 : i32
      %dma_start3A_126 = tpu.memref_slice %arg2[%dma_start3A_124, %dma_start3A_125] : memref<10240x128xf32, #tpu.memory_space<hbm>> -> memref<10240x128xf32, #tpu.memory_space<hbm>>
      tpu.enqueue_indirect_dma source(%dma_start3A_126 : memref<10240x128xf32, #tpu.memory_space<hbm>>) target(%dma_start3A_120 : memref<80x128xf32, #tpu.memory_space<vmem>>) offsets(%dma_start3A_123 : memref<80xi32, #tpu.memory_space<vmem>>) semaphore(%arg11 : memref<!tpu.dma_semaphore, #tpu.memory_space<semaphore_mem>>)
      %dma_start3A_127 = arith.constant 2 : i32
      %dma_start3A_128 = arith.constant 2 : i32
      %dma_start3A_129 = arith.constant 0 : i32
      %dma_start3A_130 = arith.constant 0 : i32
      %dma_start3A_131 = tpu.memref_slice %arg7[%dma_start3A_128, %dma_start3A_129, %dma_start3A_130] : memref<4x80x128xf32, #tpu.memory_space<vmem>> -> memref<1x80x128xf32, #tpu.memory_space<vmem>>
      %dma_start3A_132 = tpu.memref_squeeze %dma_start3A_131 : memref<1x80x128xf32, #tpu.memory_space<vmem>> -> memref<80x128xf32, #tpu.memory_space<vmem>>
      %dma_start3A_133 = arith.constant 0 : i32
      %dma_start3A_134 = tpu.memref_slice %arg8[%dma_start3A_127, %dma_start3A_133] : memref<32x80xi32, #tpu.memory_space<vmem>> -> memref<1x80xi32, #tpu.memory_space<vmem>>
      %dma_start3A_135 = tpu.memref_squeeze %dma_start3A_134 : memref<1x80xi32, #tpu.memory_space<vmem>> -> memref<80xi32, #tpu.memory_space<vmem>>
      %dma_start3A_136 = arith.constant 0 : i32
      %dma_start3A_137 = arith.constant 0 : i32
      %dma_start3A_138 = tpu.memref_slice %arg2[%dma_start3A_136, %dma_start3A_137] : memref<10240x128xf32, #tpu.memory_space<hbm>> -> memref<10240x128xf32, #tpu.memory_space<hbm>>
      tpu.enqueue_indirect_dma source(%dma_start3A_138 : memref<10240x128xf32, #tpu.memory_space<hbm>>) target(%dma_start3A_132 : memref<80x128xf32, #tpu.memory_space<vmem>>) offsets(%dma_start3A_135 : memref<80xi32, #tpu.memory_space<vmem>>) semaphore(%arg12 : memref<!tpu.dma_semaphore, #tpu.memory_space<semaphore_mem>>)
      %dma_start3A_139 = arith.constant 3 : i32
      %dma_start3A_140 = arith.constant 3 : i32
      %dma_start3A_141 = arith.constant 0 : i32
      %dma_start3A_142 = arith.constant 0 : i32
      %dma_start3A_143 = tpu.memref_slice %arg7[%dma_start3A_140, %dma_start3A_141, %dma_start3A_142] : memref<4x80x128xf32, #tpu.memory_space<vmem>> -> memref<1x80x128xf32, #tpu.memory_space<vmem>>
      %dma_start3A_144 = tpu.memref_squeeze %dma_start3A_143 : memref<1x80x128xf32, #tpu.memory_space<vmem>> -> memref<80x128xf32, #tpu.memory_space<vmem>>
      %dma_start3A_145 = arith.constant 0 : i32
      %dma_start3A_146 = tpu.memref_slice %arg8[%dma_start3A_139, %dma_start3A_145] : memref<32x80xi32, #tpu.memory_space<vmem>> -> memref<1x80xi32, #tpu.memory_space<vmem>>
      %dma_start3A_147 = tpu.memref_squeeze %dma_start3A_146 : memref<1x80xi32, #tpu.memory_space<vmem>> -> memref<80xi32, #tpu.memory_space<vmem>>
      %dma_start3A_148 = arith.constant 0 : i32
      %dma_start3A_149 = arith.constant 0 : i32
      %dma_start3A_150 = tpu.memref_slice %arg2[%dma_start3A_148, %dma_start3A_149] : memref<10240x128xf32, #tpu.memory_space<hbm>> -> memref<10240x128xf32, #tpu.memory_space<hbm>>
      tpu.enqueue_indirect_dma source(%dma_start3A_150 : memref<10240x128xf32, #tpu.memory_space<hbm>>) target(%dma_start3A_144 : memref<80x128xf32, #tpu.memory_space<vmem>>) offsets(%dma_start3A_147 : memref<80xi32, #tpu.memory_space<vmem>>) semaphore(%arg13 : memref<!tpu.dma_semaphore, #tpu.memory_space<semaphore_mem>>)
      %scan3A_151 = arith.constant 0 : i32
      %scan3A_152 = arith.constant 0 : i32
      %scan3A_153 = arith.constant 7 : i32
      %scan3A_154 = arith.addi %scan3A_152, %scan3A_153 : i32
      %scan3A_155 = arith.constant 1 : i32
      %scan3A_156 = scf.for %scan3A_302 = %scan3A_152 to %scan3A_154 step %scan3A_155 iter_args(%scan3A_303 = %scan3A_151) -> (i32)  : i32 {
        %mul3A_304 = arith.constant 4 : i32
        %mul3A_305 = arith.muli %scan3A_302, %mul3A_304 : i32
        %add3A_306 = arith.constant 0 : i32
        %add3A_307 = arith.addi %mul3A_305, %add3A_306 : i32
        %dma_wait3A_308 = arith.constant 0 : i32
        %dma_wait3A_309 = arith.constant 0 : i32
        %dma_wait3A_310 = arith.constant 0 : i32
        %dma_wait3A_311 = tpu.memref_slice %arg7[%dma_wait3A_308, %dma_wait3A_309, %dma_wait3A_310] : memref<4x80x128xf32, #tpu.memory_space<vmem>> -> memref<1x80x128xf32, #tpu.memory_space<vmem>>
        %dma_wait3A_312 = tpu.memref_squeeze %dma_wait3A_311 : memref<1x80x128xf32, #tpu.memory_space<vmem>> -> memref<80x128xf32, #tpu.memory_space<vmem>>
        %dma_wait3A_313 = arith.constant 0 : i32
        %dma_wait3A_314 = tpu.memref_slice %arg8[%add3A_307, %dma_wait3A_313] : memref<32x80xi32, #tpu.memory_space<vmem>> -> memref<1x80xi32, #tpu.memory_space<vmem>>
        %dma_wait3A_315 = tpu.memref_squeeze %dma_wait3A_314 : memref<1x80xi32, #tpu.memory_space<vmem>> -> memref<80xi32, #tpu.memory_space<vmem>>
        %dma_wait3A_316 = arith.constant 0 : i32
        %dma_wait3A_317 = arith.constant 0 : i32
        %dma_wait3A_318 = tpu.memref_slice %arg2[%dma_wait3A_316, %dma_wait3A_317] : memref<10240x128xf32, #tpu.memory_space<hbm>> -> memref<10240x128xf32, #tpu.memory_space<hbm>>
        tpu.wait_indirect_dma semaphore(%arg10 : memref<!tpu.dma_semaphore, #tpu.memory_space<semaphore_mem>>) src(%dma_wait3A_318 : memref<10240x128xf32, #tpu.memory_space<hbm>>) dst(%dma_wait3A_312 : memref<80x128xf32, #tpu.memory_space<vmem>>)
        %dma_start3A_319 = arith.constant 0 : i32
        %dma_start3A_320 = arith.constant 0 : i32
        %dma_start3A_321 = arith.constant 0 : i32
        %dma_start3A_322 = tpu.memref_slice %arg7[%dma_start3A_319, %dma_start3A_320, %dma_start3A_321] : memref<4x80x128xf32, #tpu.memory_space<vmem>> -> memref<1x80x128xf32, #tpu.memory_space<vmem>>
        %dma_start3A_323 = tpu.memref_squeeze %dma_start3A_322 : memref<1x80x128xf32, #tpu.memory_space<vmem>> -> memref<80x128xf32, #tpu.memory_space<vmem>>
        %dma_start3A_324 = arith.constant 0 : i32
        %dma_start3A_325 = tpu.memref_slice %arg9[%add3A_307, %dma_start3A_324] : memref<32x80xi32, #tpu.memory_space<vmem>> -> memref<1x80xi32, #tpu.memory_space<vmem>>
        %dma_start3A_326 = tpu.memref_squeeze %dma_start3A_325 : memref<1x80xi32, #tpu.memory_space<vmem>> -> memref<80xi32, #tpu.memory_space<vmem>>
        %dma_start3A_327 = arith.constant 0 : i32
        %dma_start3A_328 = arith.constant 0 : i32
        %dma_start3A_329 = tpu.memref_slice %arg6[%dma_start3A_327, %dma_start3A_328] : memref<10240x128xf32, #tpu.memory_space<vmem_shared>> -> memref<10240x128xf32, #tpu.memory_space<vmem_shared>>
        tpu.enqueue_indirect_dma source(%dma_start3A_323 : memref<80x128xf32, #tpu.memory_space<vmem>>) target(%dma_start3A_329 : memref<10240x128xf32, #tpu.memory_space<vmem_shared>>) offsets(%dma_start3A_326 : memref<80xi32, #tpu.memory_space<vmem>>) semaphore(%arg14 : memref<!tpu.dma_semaphore, #tpu.memory_space<semaphore_mem>>) {add = true}
        %add3A_330 = arith.constant 1 : i32
        %add3A_331 = arith.addi %mul3A_305, %add3A_330 : i32
        %dma_wait3A_332 = arith.constant 1 : i32
        %dma_wait3A_333 = arith.constant 0 : i32
        %dma_wait3A_334 = arith.constant 0 : i32
        %dma_wait3A_335 = tpu.memref_slice %arg7[%dma_wait3A_332, %dma_wait3A_333, %dma_wait3A_334] : memref<4x80x128xf32, #tpu.memory_space<vmem>> -> memref<1x80x128xf32, #tpu.memory_space<vmem>>
        %dma_wait3A_336 = tpu.memref_squeeze %dma_wait3A_335 : memref<1x80x128xf32, #tpu.memory_space<vmem>> -> memref<80x128xf32, #tpu.memory_space<vmem>>
        %dma_wait3A_337 = arith.constant 0 : i32
        %dma_wait3A_338 = tpu.memref_slice %arg8[%add3A_331, %dma_wait3A_337] : memref<32x80xi32, #tpu.memory_space<vmem>> -> memref<1x80xi32, #tpu.memory_space<vmem>>
        %dma_wait3A_339 = tpu.memref_squeeze %dma_wait3A_338 : memref<1x80xi32, #tpu.memory_space<vmem>> -> memref<80xi32, #tpu.memory_space<vmem>>
        %dma_wait3A_340 = arith.constant 0 : i32
        %dma_wait3A_341 = arith.constant 0 : i32
        %dma_wait3A_342 = tpu.memref_slice %arg2[%dma_wait3A_340, %dma_wait3A_341] : memref<10240x128xf32, #tpu.memory_space<hbm>> -> memref<10240x128xf32, #tpu.memory_space<hbm>>
        tpu.wait_indirect_dma semaphore(%arg11 : memref<!tpu.dma_semaphore, #tpu.memory_space<semaphore_mem>>) src(%dma_wait3A_342 : memref<10240x128xf32, #tpu.memory_space<hbm>>) dst(%dma_wait3A_336 : memref<80x128xf32, #tpu.memory_space<vmem>>)
        %dma_start3A_343 = arith.constant 1 : i32
        %dma_start3A_344 = arith.constant 0 : i32
        %dma_start3A_345 = arith.constant 0 : i32
        %dma_start3A_346 = tpu.memref_slice %arg7[%dma_start3A_343, %dma_start3A_344, %dma_start3A_345] : memref<4x80x128xf32, #tpu.memory_space<vmem>> -> memref<1x80x128xf32, #tpu.memory_space<vmem>>
        %dma_start3A_347 = tpu.memref_squeeze %dma_start3A_346 : memref<1x80x128xf32, #tpu.memory_space<vmem>> -> memref<80x128xf32, #tpu.memory_space<vmem>>
        %dma_start3A_348 = arith.constant 0 : i32
        %dma_start3A_349 = tpu.memref_slice %arg9[%add3A_331, %dma_start3A_348] : memref<32x80xi32, #tpu.memory_space<vmem>> -> memref<1x80xi32, #tpu.memory_space<vmem>>
        %dma_start3A_350 = tpu.memref_squeeze %dma_start3A_349 : memref<1x80xi32, #tpu.memory_space<vmem>> -> memref<80xi32, #tpu.memory_space<vmem>>
        %dma_start3A_351 = arith.constant 0 : i32
        %dma_start3A_352 = arith.constant 0 : i32
        %dma_start3A_353 = tpu.memref_slice %arg6[%dma_start3A_351, %dma_start3A_352] : memref<10240x128xf32, #tpu.memory_space<vmem_shared>> -> memref<10240x128xf32, #tpu.memory_space<vmem_shared>>
        tpu.enqueue_indirect_dma source(%dma_start3A_347 : memref<80x128xf32, #tpu.memory_space<vmem>>) target(%dma_start3A_353 : memref<10240x128xf32, #tpu.memory_space<vmem_shared>>) offsets(%dma_start3A_350 : memref<80xi32, #tpu.memory_space<vmem>>) semaphore(%arg15 : memref<!tpu.dma_semaphore, #tpu.memory_space<semaphore_mem>>) {add = true}
        %add3A_354 = arith.constant 2 : i32
        %add3A_355 = arith.addi %mul3A_305, %add3A_354 : i32
        %dma_wait3A_356 = arith.constant 2 : i32
        %dma_wait3A_357 = arith.constant 0 : i32
        %dma_wait3A_358 = arith.constant 0 : i32
        %dma_wait3A_359 = tpu.memref_slice %arg7[%dma_wait3A_356, %dma_wait3A_357, %dma_wait3A_358] : memref<4x80x128xf32, #tpu.memory_space<vmem>> -> memref<1x80x128xf32, #tpu.memory_space<vmem>>
        %dma_wait3A_360 = tpu.memref_squeeze %dma_wait3A_359 : memref<1x80x128xf32, #tpu.memory_space<vmem>> -> memref<80x128xf32, #tpu.memory_space<vmem>>
        %dma_wait3A_361 = arith.constant 0 : i32
        %dma_wait3A_362 = tpu.memref_slice %arg8[%add3A_355, %dma_wait3A_361] : memref<32x80xi32, #tpu.memory_space<vmem>> -> memref<1x80xi32, #tpu.memory_space<vmem>>
        %dma_wait3A_363 = tpu.memref_squeeze %dma_wait3A_362 : memref<1x80xi32, #tpu.memory_space<vmem>> -> memref<80xi32, #tpu.memory_space<vmem>>
        %dma_wait3A_364 = arith.constant 0 : i32
        %dma_wait3A_365 = arith.constant 0 : i32
        %dma_wait3A_366 = tpu.memref_slice %arg2[%dma_wait3A_364, %dma_wait3A_365] : memref<10240x128xf32, #tpu.memory_space<hbm>> -> memref<10240x128xf32, #tpu.memory_space<hbm>>
        tpu.wait_indirect_dma semaphore(%arg12 : memref<!tpu.dma_semaphore, #tpu.memory_space<semaphore_mem>>) src(%dma_wait3A_366 : memref<10240x128xf32, #tpu.memory_space<hbm>>) dst(%dma_wait3A_360 : memref<80x128xf32, #tpu.memory_space<vmem>>)
        %dma_start3A_367 = arith.constant 2 : i32
        %dma_start3A_368 = arith.constant 0 : i32
        %dma_start3A_369 = arith.constant 0 : i32
        %dma_start3A_370 = tpu.memref_slice %arg7[%dma_start3A_367, %dma_start3A_368, %dma_start3A_369] : memref<4x80x128xf32, #tpu.memory_space<vmem>> -> memref<1x80x128xf32, #tpu.memory_space<vmem>>
        %dma_start3A_371 = tpu.memref_squeeze %dma_start3A_370 : memref<1x80x128xf32, #tpu.memory_space<vmem>> -> memref<80x128xf32, #tpu.memory_space<vmem>>
        %dma_start3A_372 = arith.constant 0 : i32
        %dma_start3A_373 = tpu.memref_slice %arg9[%add3A_355, %dma_start3A_372] : memref<32x80xi32, #tpu.memory_space<vmem>> -> memref<1x80xi32, #tpu.memory_space<vmem>>
        %dma_start3A_374 = tpu.memref_squeeze %dma_start3A_373 : memref<1x80xi32, #tpu.memory_space<vmem>> -> memref<80xi32, #tpu.memory_space<vmem>>
        %dma_start3A_375 = arith.constant 0 : i32
        %dma_start3A_376 = arith.constant 0 : i32
        %dma_start3A_377 = tpu.memref_slice %arg6[%dma_start3A_375, %dma_start3A_376] : memref<10240x128xf32, #tpu.memory_space<vmem_shared>> -> memref<10240x128xf32, #tpu.memory_space<vmem_shared>>
        tpu.enqueue_indirect_dma source(%dma_start3A_371 : memref<80x128xf32, #tpu.memory_space<vmem>>) target(%dma_start3A_377 : memref<10240x128xf32, #tpu.memory_space<vmem_shared>>) offsets(%dma_start3A_374 : memref<80xi32, #tpu.memory_space<vmem>>) semaphore(%arg16 : memref<!tpu.dma_semaphore, #tpu.memory_space<semaphore_mem>>) {add = true}
        %add3A_378 = arith.constant 3 : i32
        %add3A_379 = arith.addi %mul3A_305, %add3A_378 : i32
        %dma_wait3A_380 = arith.constant 3 : i32
        %dma_wait3A_381 = arith.constant 0 : i32
        %dma_wait3A_382 = arith.constant 0 : i32
        %dma_wait3A_383 = tpu.memref_slice %arg7[%dma_wait3A_380, %dma_wait3A_381, %dma_wait3A_382] : memref<4x80x128xf32, #tpu.memory_space<vmem>> -> memref<1x80x128xf32, #tpu.memory_space<vmem>>
        %dma_wait3A_384 = tpu.memref_squeeze %dma_wait3A_383 : memref<1x80x128xf32, #tpu.memory_space<vmem>> -> memref<80x128xf32, #tpu.memory_space<vmem>>
        %dma_wait3A_385 = arith.constant 0 : i32
        %dma_wait3A_386 = tpu.memref_slice %arg8[%add3A_379, %dma_wait3A_385] : memref<32x80xi32, #tpu.memory_space<vmem>> -> memref<1x80xi32, #tpu.memory_space<vmem>>
        %dma_wait3A_387 = tpu.memref_squeeze %dma_wait3A_386 : memref<1x80xi32, #tpu.memory_space<vmem>> -> memref<80xi32, #tpu.memory_space<vmem>>
        %dma_wait3A_388 = arith.constant 0 : i32
        %dma_wait3A_389 = arith.constant 0 : i32
        %dma_wait3A_390 = tpu.memref_slice %arg2[%dma_wait3A_388, %dma_wait3A_389] : memref<10240x128xf32, #tpu.memory_space<hbm>> -> memref<10240x128xf32, #tpu.memory_space<hbm>>
        tpu.wait_indirect_dma semaphore(%arg13 : memref<!tpu.dma_semaphore, #tpu.memory_space<semaphore_mem>>) src(%dma_wait3A_390 : memref<10240x128xf32, #tpu.memory_space<hbm>>) dst(%dma_wait3A_384 : memref<80x128xf32, #tpu.memory_space<vmem>>)
        %dma_start3A_391 = arith.constant 3 : i32
        %dma_start3A_392 = arith.constant 0 : i32
        %dma_start3A_393 = arith.constant 0 : i32
        %dma_start3A_394 = tpu.memref_slice %arg7[%dma_start3A_391, %dma_start3A_392, %dma_start3A_393] : memref<4x80x128xf32, #tpu.memory_space<vmem>> -> memref<1x80x128xf32, #tpu.memory_space<vmem>>
        %dma_start3A_395 = tpu.memref_squeeze %dma_start3A_394 : memref<1x80x128xf32, #tpu.memory_space<vmem>> -> memref<80x128xf32, #tpu.memory_space<vmem>>
        %dma_start3A_396 = arith.constant 0 : i32
        %dma_start3A_397 = tpu.memref_slice %arg9[%add3A_379, %dma_start3A_396] : memref<32x80xi32, #tpu.memory_space<vmem>> -> memref<1x80xi32, #tpu.memory_space<vmem>>
        %dma_start3A_398 = tpu.memref_squeeze %dma_start3A_397 : memref<1x80xi32, #tpu.memory_space<vmem>> -> memref<80xi32, #tpu.memory_space<vmem>>
        %dma_start3A_399 = arith.constant 0 : i32
        %dma_start3A_400 = arith.constant 0 : i32
        %dma_start3A_401 = tpu.memref_slice %arg6[%dma_start3A_399, %dma_start3A_400] : memref<10240x128xf32, #tpu.memory_space<vmem_shared>> -> memref<10240x128xf32, #tpu.memory_space<vmem_shared>>
        tpu.enqueue_indirect_dma source(%dma_start3A_395 : memref<80x128xf32, #tpu.memory_space<vmem>>) target(%dma_start3A_401 : memref<10240x128xf32, #tpu.memory_space<vmem_shared>>) offsets(%dma_start3A_398 : memref<80xi32, #tpu.memory_space<vmem>>) semaphore(%arg17 : memref<!tpu.dma_semaphore, #tpu.memory_space<semaphore_mem>>) {add = true}
        %add3A_402 = arith.constant 0 : i32
        %add3A_403 = arith.addi %mul3A_305, %add3A_402 : i32
        %dma_wait3A_404 = arith.constant 0 : i32
        %dma_wait3A_405 = arith.constant 0 : i32
        %dma_wait3A_406 = arith.constant 0 : i32
        %dma_wait3A_407 = tpu.memref_slice %arg7[%dma_wait3A_404, %dma_wait3A_405, %dma_wait3A_406] : memref<4x80x128xf32, #tpu.memory_space<vmem>> -> memref<1x80x128xf32, #tpu.memory_space<vmem>>
        %dma_wait3A_408 = tpu.memref_squeeze %dma_wait3A_407 : memref<1x80x128xf32, #tpu.memory_space<vmem>> -> memref<80x128xf32, #tpu.memory_space<vmem>>
        %dma_wait3A_409 = arith.constant 0 : i32
        %dma_wait3A_410 = tpu.memref_slice %arg9[%add3A_403, %dma_wait3A_409] : memref<32x80xi32, #tpu.memory_space<vmem>> -> memref<1x80xi32, #tpu.memory_space<vmem>>
        %dma_wait3A_411 = tpu.memref_squeeze %dma_wait3A_410 : memref<1x80xi32, #tpu.memory_space<vmem>> -> memref<80xi32, #tpu.memory_space<vmem>>
        %dma_wait3A_412 = arith.constant 0 : i32
        %dma_wait3A_413 = arith.constant 0 : i32
        %dma_wait3A_414 = tpu.memref_slice %arg6[%dma_wait3A_412, %dma_wait3A_413] : memref<10240x128xf32, #tpu.memory_space<vmem_shared>> -> memref<10240x128xf32, #tpu.memory_space<vmem_shared>>
        tpu.wait_indirect_dma semaphore(%arg14 : memref<!tpu.dma_semaphore, #tpu.memory_space<semaphore_mem>>) src(%dma_wait3A_408 : memref<80x128xf32, #tpu.memory_space<vmem>>) dst(%dma_wait3A_414 : memref<10240x128xf32, #tpu.memory_space<vmem_shared>>)
        %add3A_415 = arith.constant 4 : i32
        %add3A_416 = arith.addi %mul3A_305, %add3A_415 : i32
        %add3A_417 = arith.constant 0 : i32
        %add3A_418 = arith.addi %add3A_416, %add3A_417 : i32
        %dma_start3A_419 = arith.constant 0 : i32
        %dma_start3A_420 = arith.constant 0 : i32
        %dma_start3A_421 = arith.constant 0 : i32
        %dma_start3A_422 = tpu.memref_slice %arg7[%dma_start3A_419, %dma_start3A_420, %dma_start3A_421] : memref<4x80x128xf32, #tpu.memory_space<vmem>> -> memref<1x80x128xf32, #tpu.memory_space<vmem>>
        %dma_start3A_423 = tpu.memref_squeeze %dma_start3A_422 : memref<1x80x128xf32, #tpu.memory_space<vmem>> -> memref<80x128xf32, #tpu.memory_space<vmem>>
        %dma_start3A_424 = arith.constant 0 : i32
        %dma_start3A_425 = tpu.memref_slice %arg8[%add3A_418, %dma_start3A_424] : memref<32x80xi32, #tpu.memory_space<vmem>> -> memref<1x80xi32, #tpu.memory_space<vmem>>
        %dma_start3A_426 = tpu.memref_squeeze %dma_start3A_425 : memref<1x80xi32, #tpu.memory_space<vmem>> -> memref<80xi32, #tpu.memory_space<vmem>>
        %dma_start3A_427 = arith.constant 0 : i32
        %dma_start3A_428 = arith.constant 0 : i32
        %dma_start3A_429 = tpu.memref_slice %arg2[%dma_start3A_427, %dma_start3A_428] : memref<10240x128xf32, #tpu.memory_space<hbm>> -> memref<10240x128xf32, #tpu.memory_space<hbm>>
        tpu.enqueue_indirect_dma source(%dma_start3A_429 : memref<10240x128xf32, #tpu.memory_space<hbm>>) target(%dma_start3A_423 : memref<80x128xf32, #tpu.memory_space<vmem>>) offsets(%dma_start3A_426 : memref<80xi32, #tpu.memory_space<vmem>>) semaphore(%arg10 : memref<!tpu.dma_semaphore, #tpu.memory_space<semaphore_mem>>)
        %add3A_430 = arith.constant 1 : i32
        %add3A_431 = arith.addi %mul3A_305, %add3A_430 : i32
        %dma_wait3A_432 = arith.constant 1 : i32
        %dma_wait3A_433 = arith.constant 0 : i32
        %dma_wait3A_434 = arith.constant 0 : i32
        %dma_wait3A_435 = tpu.memref_slice %arg7[%dma_wait3A_432, %dma_wait3A_433, %dma_wait3A_434] : memref<4x80x128xf32, #tpu.memory_space<vmem>> -> memref<1x80x128xf32, #tpu.memory_space<vmem>>
        %dma_wait3A_436 = tpu.memref_squeeze %dma_wait3A_435 : memref<1x80x128xf32, #tpu.memory_space<vmem>> -> memref<80x128xf32, #tpu.memory_space<vmem>>
        %dma_wait3A_437 = arith.constant 0 : i32
        %dma_wait3A_438 = tpu.memref_slice %arg9[%add3A_431, %dma_wait3A_437] : memref<32x80xi32, #tpu.memory_space<vmem>> -> memref<1x80xi32, #tpu.memory_space<vmem>>
        %dma_wait3A_439 = tpu.memref_squeeze %dma_wait3A_438 : memref<1x80xi32, #tpu.memory_space<vmem>> -> memref<80xi32, #tpu.memory_space<vmem>>
        %dma_wait3A_440 = arith.constant 0 : i32
        %dma_wait3A_441 = arith.constant 0 : i32
        %dma_wait3A_442 = tpu.memref_slice %arg6[%dma_wait3A_440, %dma_wait3A_441] : memref<10240x128xf32, #tpu.memory_space<vmem_shared>> -> memref<10240x128xf32, #tpu.memory_space<vmem_shared>>
        tpu.wait_indirect_dma semaphore(%arg15 : memref<!tpu.dma_semaphore, #tpu.memory_space<semaphore_mem>>) src(%dma_wait3A_436 : memref<80x128xf32, #tpu.memory_space<vmem>>) dst(%dma_wait3A_442 : memref<10240x128xf32, #tpu.memory_space<vmem_shared>>)
        %add3A_443 = arith.constant 4 : i32
        %add3A_444 = arith.addi %mul3A_305, %add3A_443 : i32
        %add3A_445 = arith.constant 1 : i32
        %add3A_446 = arith.addi %add3A_444, %add3A_445 : i32
        %dma_start3A_447 = arith.constant 1 : i32
        %dma_start3A_448 = arith.constant 0 : i32
        %dma_start3A_449 = arith.constant 0 : i32
        %dma_start3A_450 = tpu.memref_slice %arg7[%dma_start3A_447, %dma_start3A_448, %dma_start3A_449] : memref<4x80x128xf32, #tpu.memory_space<vmem>> -> memref<1x80x128xf32, #tpu.memory_space<vmem>>
        %dma_start3A_451 = tpu.memref_squeeze %dma_start3A_450 : memref<1x80x128xf32, #tpu.memory_space<vmem>> -> memref<80x128xf32, #tpu.memory_space<vmem>>
        %dma_start3A_452 = arith.constant 0 : i32
        %dma_start3A_453 = tpu.memref_slice %arg8[%add3A_446, %dma_start3A_452] : memref<32x80xi32, #tpu.memory_space<vmem>> -> memref<1x80xi32, #tpu.memory_space<vmem>>
        %dma_start3A_454 = tpu.memref_squeeze %dma_start3A_453 : memref<1x80xi32, #tpu.memory_space<vmem>> -> memref<80xi32, #tpu.memory_space<vmem>>
        %dma_start3A_455 = arith.constant 0 : i32
        %dma_start3A_456 = arith.constant 0 : i32
        %dma_start3A_457 = tpu.memref_slice %arg2[%dma_start3A_455, %dma_start3A_456] : memref<10240x128xf32, #tpu.memory_space<hbm>> -> memref<10240x128xf32, #tpu.memory_space<hbm>>
        tpu.enqueue_indirect_dma source(%dma_start3A_457 : memref<10240x128xf32, #tpu.memory_space<hbm>>) target(%dma_start3A_451 : memref<80x128xf32, #tpu.memory_space<vmem>>) offsets(%dma_start3A_454 : memref<80xi32, #tpu.memory_space<vmem>>) semaphore(%arg11 : memref<!tpu.dma_semaphore, #tpu.memory_space<semaphore_mem>>)
        %add3A_458 = arith.constant 2 : i32
        %add3A_459 = arith.addi %mul3A_305, %add3A_458 : i32
        %dma_wait3A_460 = arith.constant 2 : i32
        %dma_wait3A_461 = arith.constant 0 : i32
        %dma_wait3A_462 = arith.constant 0 : i32
        %dma_wait3A_463 = tpu.memref_slice %arg7[%dma_wait3A_460, %dma_wait3A_461, %dma_wait3A_462] : memref<4x80x128xf32, #tpu.memory_space<vmem>> -> memref<1x80x128xf32, #tpu.memory_space<vmem>>
        %dma_wait3A_464 = tpu.memref_squeeze %dma_wait3A_463 : memref<1x80x128xf32, #tpu.memory_space<vmem>> -> memref<80x128xf32, #tpu.memory_space<vmem>>
        %dma_wait3A_465 = arith.constant 0 : i32
        %dma_wait3A_466 = tpu.memref_slice %arg9[%add3A_459, %dma_wait3A_465] : memref<32x80xi32, #tpu.memory_space<vmem>> -> memref<1x80xi32, #tpu.memory_space<vmem>>
        %dma_wait3A_467 = tpu.memref_squeeze %dma_wait3A_466 : memref<1x80xi32, #tpu.memory_space<vmem>> -> memref<80xi32, #tpu.memory_space<vmem>>
        %dma_wait3A_468 = arith.constant 0 : i32
        %dma_wait3A_469 = arith.constant 0 : i32
        %dma_wait3A_470 = tpu.memref_slice %arg6[%dma_wait3A_468, %dma_wait3A_469] : memref<10240x128xf32, #tpu.memory_space<vmem_shared>> -> memref<10240x128xf32, #tpu.memory_space<vmem_shared>>
        tpu.wait_indirect_dma semaphore(%arg16 : memref<!tpu.dma_semaphore, #tpu.memory_space<semaphore_mem>>) src(%dma_wait3A_464 : memref<80x128xf32, #tpu.memory_space<vmem>>) dst(%dma_wait3A_470 : memref<10240x128xf32, #tpu.memory_space<vmem_shared>>)
        %add3A_471 = arith.constant 4 : i32
        %add3A_472 = arith.addi %mul3A_305, %add3A_471 : i32
        %add3A_473 = arith.constant 2 : i32
        %add3A_474 = arith.addi %add3A_472, %add3A_473 : i32
        %dma_start3A_475 = arith.constant 2 : i32
        %dma_start3A_476 = arith.constant 0 : i32
        %dma_start3A_477 = arith.constant 0 : i32
        %dma_start3A_478 = tpu.memref_slice %arg7[%dma_start3A_475, %dma_start3A_476, %dma_start3A_477] : memref<4x80x128xf32, #tpu.memory_space<vmem>> -> memref<1x80x128xf32, #tpu.memory_space<vmem>>
        %dma_start3A_479 = tpu.memref_squeeze %dma_start3A_478 : memref<1x80x128xf32, #tpu.memory_space<vmem>> -> memref<80x128xf32, #tpu.memory_space<vmem>>
        %dma_start3A_480 = arith.constant 0 : i32
        %dma_start3A_481 = tpu.memref_slice %arg8[%add3A_474, %dma_start3A_480] : memref<32x80xi32, #tpu.memory_space<vmem>> -> memref<1x80xi32, #tpu.memory_space<vmem>>
        %dma_start3A_482 = tpu.memref_squeeze %dma_start3A_481 : memref<1x80xi32, #tpu.memory_space<vmem>> -> memref<80xi32, #tpu.memory_space<vmem>>
        %dma_start3A_483 = arith.constant 0 : i32
        %dma_start3A_484 = arith.constant 0 : i32
        %dma_start3A_485 = tpu.memref_slice %arg2[%dma_start3A_483, %dma_start3A_484] : memref<10240x128xf32, #tpu.memory_space<hbm>> -> memref<10240x128xf32, #tpu.memory_space<hbm>>
        tpu.enqueue_indirect_dma source(%dma_start3A_485 : memref<10240x128xf32, #tpu.memory_space<hbm>>) target(%dma_start3A_479 : memref<80x128xf32, #tpu.memory_space<vmem>>) offsets(%dma_start3A_482 : memref<80xi32, #tpu.memory_space<vmem>>) semaphore(%arg12 : memref<!tpu.dma_semaphore, #tpu.memory_space<semaphore_mem>>)
        %add3A_486 = arith.constant 3 : i32
        %add3A_487 = arith.addi %mul3A_305, %add3A_486 : i32
        %dma_wait3A_488 = arith.constant 3 : i32
        %dma_wait3A_489 = arith.constant 0 : i32
        %dma_wait3A_490 = arith.constant 0 : i32
        %dma_wait3A_491 = tpu.memref_slice %arg7[%dma_wait3A_488, %dma_wait3A_489, %dma_wait3A_490] : memref<4x80x128xf32, #tpu.memory_space<vmem>> -> memref<1x80x128xf32, #tpu.memory_space<vmem>>
        %dma_wait3A_492 = tpu.memref_squeeze %dma_wait3A_491 : memref<1x80x128xf32, #tpu.memory_space<vmem>> -> memref<80x128xf32, #tpu.memory_space<vmem>>
        %dma_wait3A_493 = arith.constant 0 : i32
        %dma_wait3A_494 = tpu.memref_slice %arg9[%add3A_487, %dma_wait3A_493] : memref<32x80xi32, #tpu.memory_space<vmem>> -> memref<1x80xi32, #tpu.memory_space<vmem>>
        %dma_wait3A_495 = tpu.memref_squeeze %dma_wait3A_494 : memref<1x80xi32, #tpu.memory_space<vmem>> -> memref<80xi32, #tpu.memory_space<vmem>>
        %dma_wait3A_496 = arith.constant 0 : i32
        %dma_wait3A_497 = arith.constant 0 : i32
        %dma_wait3A_498 = tpu.memref_slice %arg6[%dma_wait3A_496, %dma_wait3A_497] : memref<10240x128xf32, #tpu.memory_space<vmem_shared>> -> memref<10240x128xf32, #tpu.memory_space<vmem_shared>>
        tpu.wait_indirect_dma semaphore(%arg17 : memref<!tpu.dma_semaphore, #tpu.memory_space<semaphore_mem>>) src(%dma_wait3A_492 : memref<80x128xf32, #tpu.memory_space<vmem>>) dst(%dma_wait3A_498 : memref<10240x128xf32, #tpu.memory_space<vmem_shared>>)
        %add3A_499 = arith.constant 4 : i32
        %add3A_500 = arith.addi %mul3A_305, %add3A_499 : i32
        %add3A_501 = arith.constant 3 : i32
        %add3A_502 = arith.addi %add3A_500, %add3A_501 : i32
        %dma_start3A_503 = arith.constant 3 : i32
        %dma_start3A_504 = arith.constant 0 : i32
        %dma_start3A_505 = arith.constant 0 : i32
        %dma_start3A_506 = tpu.memref_slice %arg7[%dma_start3A_503, %dma_start3A_504, %dma_start3A_505] : memref<4x80x128xf32, #tpu.memory_space<vmem>> -> memref<1x80x128xf32, #tpu.memory_space<vmem>>
        %dma_start3A_507 = tpu.memref_squeeze %dma_start3A_506 : memref<1x80x128xf32, #tpu.memory_space<vmem>> -> memref<80x128xf32, #tpu.memory_space<vmem>>
        %dma_start3A_508 = arith.constant 0 : i32
        %dma_start3A_509 = tpu.memref_slice %arg8[%add3A_502, %dma_start3A_508] : memref<32x80xi32, #tpu.memory_space<vmem>> -> memref<1x80xi32, #tpu.memory_space<vmem>>
        %dma_start3A_510 = tpu.memref_squeeze %dma_start3A_509 : memref<1x80xi32, #tpu.memory_space<vmem>> -> memref<80xi32, #tpu.memory_space<vmem>>
        %dma_start3A_511 = arith.constant 0 : i32
        %dma_start3A_512 = arith.constant 0 : i32
        %dma_start3A_513 = tpu.memref_slice %arg2[%dma_start3A_511, %dma_start3A_512] : memref<10240x128xf32, #tpu.memory_space<hbm>> -> memref<10240x128xf32, #tpu.memory_space<hbm>>
        tpu.enqueue_indirect_dma source(%dma_start3A_513 : memref<10240x128xf32, #tpu.memory_space<hbm>>) target(%dma_start3A_507 : memref<80x128xf32, #tpu.memory_space<vmem>>) offsets(%dma_start3A_510 : memref<80xi32, #tpu.memory_space<vmem>>) semaphore(%arg13 : memref<!tpu.dma_semaphore, #tpu.memory_space<semaphore_mem>>)
        %scan3A_514 = arith.constant 0 : i32
        scf.yield %scan3A_514 : i32
      }
      %scan3A_157 = arith.constant 7 : i32
      %dma_wait3A = arith.constant 28 : i32
      %dma_wait3A_158 = arith.constant 0 : i32
      %dma_wait3A_159 = arith.constant 0 : i32
      %dma_wait3A_160 = arith.constant 0 : i32
      %dma_wait3A_161 = tpu.memref_slice %arg7[%dma_wait3A_158, %dma_wait3A_159, %dma_wait3A_160] : memref<4x80x128xf32, #tpu.memory_space<vmem>> -> memref<1x80x128xf32, #tpu.memory_space<vmem>>
      %dma_wait3A_162 = tpu.memref_squeeze %dma_wait3A_161 : memref<1x80x128xf32, #tpu.memory_space<vmem>> -> memref<80x128xf32, #tpu.memory_space<vmem>>
      %dma_wait3A_163 = arith.constant 0 : i32
      %dma_wait3A_164 = tpu.memref_slice %arg8[%dma_wait3A, %dma_wait3A_163] : memref<32x80xi32, #tpu.memory_space<vmem>> -> memref<1x80xi32, #tpu.memory_space<vmem>>
      %dma_wait3A_165 = tpu.memref_squeeze %dma_wait3A_164 : memref<1x80xi32, #tpu.memory_space<vmem>> -> memref<80xi32, #tpu.memory_space<vmem>>
      %dma_wait3A_166 = arith.constant 0 : i32
      %dma_wait3A_167 = arith.constant 0 : i32
      %dma_wait3A_168 = tpu.memref_slice %arg2[%dma_wait3A_166, %dma_wait3A_167] : memref<10240x128xf32, #tpu.memory_space<hbm>> -> memref<10240x128xf32, #tpu.memory_space<hbm>>
      tpu.wait_indirect_dma semaphore(%arg10 : memref<!tpu.dma_semaphore, #tpu.memory_space<semaphore_mem>>) src(%dma_wait3A_168 : memref<10240x128xf32, #tpu.memory_space<hbm>>) dst(%dma_wait3A_162 : memref<80x128xf32, #tpu.memory_space<vmem>>)
      %dma_start3A_169 = arith.constant 0 : i32
      %dma_start3A_170 = arith.constant 28 : i32
      %dma_start3A_171 = arith.constant 0 : i32
      %dma_start3A_172 = arith.constant 0 : i32
      %dma_start3A_173 = tpu.memref_slice %arg7[%dma_start3A_169, %dma_start3A_171, %dma_start3A_172] : memref<4x80x128xf32, #tpu.memory_space<vmem>> -> memref<1x80x128xf32, #tpu.memory_space<vmem>>
      %dma_start3A_174 = tpu.memref_squeeze %dma_start3A_173 : memref<1x80x128xf32, #tpu.memory_space<vmem>> -> memref<80x128xf32, #tpu.memory_space<vmem>>
      %dma_start3A_175 = arith.constant 0 : i32
      %dma_start3A_176 = tpu.memref_slice %arg9[%dma_start3A_170, %dma_start3A_175] : memref<32x80xi32, #tpu.memory_space<vmem>> -> memref<1x80xi32, #tpu.memory_space<vmem>>
      %dma_start3A_177 = tpu.memref_squeeze %dma_start3A_176 : memref<1x80xi32, #tpu.memory_space<vmem>> -> memref<80xi32, #tpu.memory_space<vmem>>
      %dma_start3A_178 = arith.constant 0 : i32
      %dma_start3A_179 = arith.constant 0 : i32
      %dma_start3A_180 = tpu.memref_slice %arg6[%dma_start3A_178, %dma_start3A_179] : memref<10240x128xf32, #tpu.memory_space<vmem_shared>> -> memref<10240x128xf32, #tpu.memory_space<vmem_shared>>
      tpu.enqueue_indirect_dma source(%dma_start3A_174 : memref<80x128xf32, #tpu.memory_space<vmem>>) target(%dma_start3A_180 : memref<10240x128xf32, #tpu.memory_space<vmem_shared>>) offsets(%dma_start3A_177 : memref<80xi32, #tpu.memory_space<vmem>>) semaphore(%arg14 : memref<!tpu.dma_semaphore, #tpu.memory_space<semaphore_mem>>) {add = true}
      %dma_wait3A_181 = arith.constant 29 : i32
      %dma_wait3A_182 = arith.constant 1 : i32
      %dma_wait3A_183 = arith.constant 0 : i32
      %dma_wait3A_184 = arith.constant 0 : i32
      %dma_wait3A_185 = tpu.memref_slice %arg7[%dma_wait3A_182, %dma_wait3A_183, %dma_wait3A_184] : memref<4x80x128xf32, #tpu.memory_space<vmem>> -> memref<1x80x128xf32, #tpu.memory_space<vmem>>
      %dma_wait3A_186 = tpu.memref_squeeze %dma_wait3A_185 : memref<1x80x128xf32, #tpu.memory_space<vmem>> -> memref<80x128xf32, #tpu.memory_space<vmem>>
      %dma_wait3A_187 = arith.constant 0 : i32
      %dma_wait3A_188 = tpu.memref_slice %arg8[%dma_wait3A_181, %dma_wait3A_187] : memref<32x80xi32, #tpu.memory_space<vmem>> -> memref<1x80xi32, #tpu.memory_space<vmem>>
      %dma_wait3A_189 = tpu.memref_squeeze %dma_wait3A_188 : memref<1x80xi32, #tpu.memory_space<vmem>> -> memref<80xi32, #tpu.memory_space<vmem>>
      %dma_wait3A_190 = arith.constant 0 : i32
      %dma_wait3A_191 = arith.constant 0 : i32
      %dma_wait3A_192 = tpu.memref_slice %arg2[%dma_wait3A_190, %dma_wait3A_191] : memref<10240x128xf32, #tpu.memory_space<hbm>> -> memref<10240x128xf32, #tpu.memory_space<hbm>>
      tpu.wait_indirect_dma semaphore(%arg11 : memref<!tpu.dma_semaphore, #tpu.memory_space<semaphore_mem>>) src(%dma_wait3A_192 : memref<10240x128xf32, #tpu.memory_space<hbm>>) dst(%dma_wait3A_186 : memref<80x128xf32, #tpu.memory_space<vmem>>)
      %dma_start3A_193 = arith.constant 1 : i32
      %dma_start3A_194 = arith.constant 29 : i32
      %dma_start3A_195 = arith.constant 0 : i32
      %dma_start3A_196 = arith.constant 0 : i32
      %dma_start3A_197 = tpu.memref_slice %arg7[%dma_start3A_193, %dma_start3A_195, %dma_start3A_196] : memref<4x80x128xf32, #tpu.memory_space<vmem>> -> memref<1x80x128xf32, #tpu.memory_space<vmem>>
      %dma_start3A_198 = tpu.memref_squeeze %dma_start3A_197 : memref<1x80x128xf32, #tpu.memory_space<vmem>> -> memref<80x128xf32, #tpu.memory_space<vmem>>
      %dma_start3A_199 = arith.constant 0 : i32
      %dma_start3A_200 = tpu.memref_slice %arg9[%dma_start3A_194, %dma_start3A_199] : memref<32x80xi32, #tpu.memory_space<vmem>> -> memref<1x80xi32, #tpu.memory_space<vmem>>
      %dma_start3A_201 = tpu.memref_squeeze %dma_start3A_200 : memref<1x80xi32, #tpu.memory_space<vmem>> -> memref<80xi32, #tpu.memory_space<vmem>>
      %dma_start3A_202 = arith.constant 0 : i32
      %dma_start3A_203 = arith.constant 0 : i32
      %dma_start3A_204 = tpu.memref_slice %arg6[%dma_start3A_202, %dma_start3A_203] : memref<10240x128xf32, #tpu.memory_space<vmem_shared>> -> memref<10240x128xf32, #tpu.memory_space<vmem_shared>>
      tpu.enqueue_indirect_dma source(%dma_start3A_198 : memref<80x128xf32, #tpu.memory_space<vmem>>) target(%dma_start3A_204 : memref<10240x128xf32, #tpu.memory_space<vmem_shared>>) offsets(%dma_start3A_201 : memref<80xi32, #tpu.memory_space<vmem>>) semaphore(%arg15 : memref<!tpu.dma_semaphore, #tpu.memory_space<semaphore_mem>>) {add = true}
      %dma_wait3A_205 = arith.constant 30 : i32
      %dma_wait3A_206 = arith.constant 2 : i32
      %dma_wait3A_207 = arith.constant 0 : i32
      %dma_wait3A_208 = arith.constant 0 : i32
      %dma_wait3A_209 = tpu.memref_slice %arg7[%dma_wait3A_206, %dma_wait3A_207, %dma_wait3A_208] : memref<4x80x128xf32, #tpu.memory_space<vmem>> -> memref<1x80x128xf32, #tpu.memory_space<vmem>>
      %dma_wait3A_210 = tpu.memref_squeeze %dma_wait3A_209 : memref<1x80x128xf32, #tpu.memory_space<vmem>> -> memref<80x128xf32, #tpu.memory_space<vmem>>
      %dma_wait3A_211 = arith.constant 0 : i32
      %dma_wait3A_212 = tpu.memref_slice %arg8[%dma_wait3A_205, %dma_wait3A_211] : memref<32x80xi32, #tpu.memory_space<vmem>> -> memref<1x80xi32, #tpu.memory_space<vmem>>
      %dma_wait3A_213 = tpu.memref_squeeze %dma_wait3A_212 : memref<1x80xi32, #tpu.memory_space<vmem>> -> memref<80xi32, #tpu.memory_space<vmem>>
      %dma_wait3A_214 = arith.constant 0 : i32
      %dma_wait3A_215 = arith.constant 0 : i32
      %dma_wait3A_216 = tpu.memref_slice %arg2[%dma_wait3A_214, %dma_wait3A_215] : memref<10240x128xf32, #tpu.memory_space<hbm>> -> memref<10240x128xf32, #tpu.memory_space<hbm>>
      tpu.wait_indirect_dma semaphore(%arg12 : memref<!tpu.dma_semaphore, #tpu.memory_space<semaphore_mem>>) src(%dma_wait3A_216 : memref<10240x128xf32, #tpu.memory_space<hbm>>) dst(%dma_wait3A_210 : memref<80x128xf32, #tpu.memory_space<vmem>>)
      %dma_start3A_217 = arith.constant 2 : i32
      %dma_start3A_218 = arith.constant 30 : i32
      %dma_start3A_219 = arith.constant 0 : i32
      %dma_start3A_220 = arith.constant 0 : i32
      %dma_start3A_221 = tpu.memref_slice %arg7[%dma_start3A_217, %dma_start3A_219, %dma_start3A_220] : memref<4x80x128xf32, #tpu.memory_space<vmem>> -> memref<1x80x128xf32, #tpu.memory_space<vmem>>
      %dma_start3A_222 = tpu.memref_squeeze %dma_start3A_221 : memref<1x80x128xf32, #tpu.memory_space<vmem>> -> memref<80x128xf32, #tpu.memory_space<vmem>>
      %dma_start3A_223 = arith.constant 0 : i32
      %dma_start3A_224 = tpu.memref_slice %arg9[%dma_start3A_218, %dma_start3A_223] : memref<32x80xi32, #tpu.memory_space<vmem>> -> memref<1x80xi32, #tpu.memory_space<vmem>>
      %dma_start3A_225 = tpu.memref_squeeze %dma_start3A_224 : memref<1x80xi32, #tpu.memory_space<vmem>> -> memref<80xi32, #tpu.memory_space<vmem>>
      %dma_start3A_226 = arith.constant 0 : i32
      %dma_start3A_227 = arith.constant 0 : i32
      %dma_start3A_228 = tpu.memref_slice %arg6[%dma_start3A_226, %dma_start3A_227] : memref<10240x128xf32, #tpu.memory_space<vmem_shared>> -> memref<10240x128xf32, #tpu.memory_space<vmem_shared>>
      tpu.enqueue_indirect_dma source(%dma_start3A_222 : memref<80x128xf32, #tpu.memory_space<vmem>>) target(%dma_start3A_228 : memref<10240x128xf32, #tpu.memory_space<vmem_shared>>) offsets(%dma_start3A_225 : memref<80xi32, #tpu.memory_space<vmem>>) semaphore(%arg16 : memref<!tpu.dma_semaphore, #tpu.memory_space<semaphore_mem>>) {add = true}
      %dma_wait3A_229 = arith.constant 31 : i32
      %dma_wait3A_230 = arith.constant 3 : i32
      %dma_wait3A_231 = arith.constant 0 : i32
      %dma_wait3A_232 = arith.constant 0 : i32
      %dma_wait3A_233 = tpu.memref_slice %arg7[%dma_wait3A_230, %dma_wait3A_231, %dma_wait3A_232] : memref<4x80x128xf32, #tpu.memory_space<vmem>> -> memref<1x80x128xf32, #tpu.memory_space<vmem>>
      %dma_wait3A_234 = tpu.memref_squeeze %dma_wait3A_233 : memref<1x80x128xf32, #tpu.memory_space<vmem>> -> memref<80x128xf32, #tpu.memory_space<vmem>>
      %dma_wait3A_235 = arith.constant 0 : i32
      %dma_wait3A_236 = tpu.memref_slice %arg8[%dma_wait3A_229, %dma_wait3A_235] : memref<32x80xi32, #tpu.memory_space<vmem>> -> memref<1x80xi32, #tpu.memory_space<vmem>>
      %dma_wait3A_237 = tpu.memref_squeeze %dma_wait3A_236 : memref<1x80xi32, #tpu.memory_space<vmem>> -> memref<80xi32, #tpu.memory_space<vmem>>
      %dma_wait3A_238 = arith.constant 0 : i32
      %dma_wait3A_239 = arith.constant 0 : i32
      %dma_wait3A_240 = tpu.memref_slice %arg2[%dma_wait3A_238, %dma_wait3A_239] : memref<10240x128xf32, #tpu.memory_space<hbm>> -> memref<10240x128xf32, #tpu.memory_space<hbm>>
      tpu.wait_indirect_dma semaphore(%arg13 : memref<!tpu.dma_semaphore, #tpu.memory_space<semaphore_mem>>) src(%dma_wait3A_240 : memref<10240x128xf32, #tpu.memory_space<hbm>>) dst(%dma_wait3A_234 : memref<80x128xf32, #tpu.memory_space<vmem>>)
      %dma_start3A_241 = arith.constant 3 : i32
      %dma_start3A_242 = arith.constant 31 : i32
      %dma_start3A_243 = arith.constant 0 : i32
      %dma_start3A_244 = arith.constant 0 : i32
      %dma_start3A_245 = tpu.memref_slice %arg7[%dma_start3A_241, %dma_start3A_243, %dma_start3A_244] : memref<4x80x128xf32, #tpu.memory_space<vmem>> -> memref<1x80x128xf32, #tpu.memory_space<vmem>>
      %dma_start3A_246 = tpu.memref_squeeze %dma_start3A_245 : memref<1x80x128xf32, #tpu.memory_space<vmem>> -> memref<80x128xf32, #tpu.memory_space<vmem>>
      %dma_start3A_247 = arith.constant 0 : i32
      %dma_start3A_248 = tpu.memref_slice %arg9[%dma_start3A_242, %dma_start3A_247] : memref<32x80xi32, #tpu.memory_space<vmem>> -> memref<1x80xi32, #tpu.memory_space<vmem>>
      %dma_start3A_249 = tpu.memref_squeeze %dma_start3A_248 : memref<1x80xi32, #tpu.memory_space<vmem>> -> memref<80xi32, #tpu.memory_space<vmem>>
      %dma_start3A_250 = arith.constant 0 : i32
      %dma_start3A_251 = arith.constant 0 : i32
      %dma_start3A_252 = tpu.memref_slice %arg6[%dma_start3A_250, %dma_start3A_251] : memref<10240x128xf32, #tpu.memory_space<vmem_shared>> -> memref<10240x128xf32, #tpu.memory_space<vmem_shared>>
      tpu.enqueue_indirect_dma source(%dma_start3A_246 : memref<80x128xf32, #tpu.memory_space<vmem>>) target(%dma_start3A_252 : memref<10240x128xf32, #tpu.memory_space<vmem_shared>>) offsets(%dma_start3A_249 : memref<80xi32, #tpu.memory_space<vmem>>) semaphore(%arg17 : memref<!tpu.dma_semaphore, #tpu.memory_space<semaphore_mem>>) {add = true}
      %dma_wait3A_253 = arith.constant 0 : i32
      %dma_wait3A_254 = arith.constant 28 : i32
      %dma_wait3A_255 = arith.constant 0 : i32
      %dma_wait3A_256 = arith.constant 0 : i32
      %dma_wait3A_257 = tpu.memref_slice %arg7[%dma_wait3A_253, %dma_wait3A_255, %dma_wait3A_256] : memref<4x80x128xf32, #tpu.memory_space<vmem>> -> memref<1x80x128xf32, #tpu.memory_space<vmem>>
      %dma_wait3A_258 = tpu.memref_squeeze %dma_wait3A_257 : memref<1x80x128xf32, #tpu.memory_space<vmem>> -> memref<80x128xf32, #tpu.memory_space<vmem>>
      %dma_wait3A_259 = arith.constant 0 : i32
      %dma_wait3A_260 = tpu.memref_slice %arg9[%dma_wait3A_254, %dma_wait3A_259] : memref<32x80xi32, #tpu.memory_space<vmem>> -> memref<1x80xi32, #tpu.memory_space<vmem>>
      %dma_wait3A_261 = tpu.memref_squeeze %dma_wait3A_260 : memref<1x80xi32, #tpu.memory_space<vmem>> -> memref<80xi32, #tpu.memory_space<vmem>>
      %dma_wait3A_262 = arith.constant 0 : i32
      %dma_wait3A_263 = arith.constant 0 : i32
      %dma_wait3A_264 = tpu.memref_slice %arg6[%dma_wait3A_262, %dma_wait3A_263] : memref<10240x128xf32, #tpu.memory_space<vmem_shared>> -> memref<10240x128xf32, #tpu.memory_space<vmem_shared>>
      tpu.wait_indirect_dma semaphore(%arg14 : memref<!tpu.dma_semaphore, #tpu.memory_space<semaphore_mem>>) src(%dma_wait3A_258 : memref<80x128xf32, #tpu.memory_space<vmem>>) dst(%dma_wait3A_264 : memref<10240x128xf32, #tpu.memory_space<vmem_shared>>)
      %dma_wait3A_265 = arith.constant 1 : i32
      %dma_wait3A_266 = arith.constant 29 : i32
      %dma_wait3A_267 = arith.constant 0 : i32
      %dma_wait3A_268 = arith.constant 0 : i32
      %dma_wait3A_269 = tpu.memref_slice %arg7[%dma_wait3A_265, %dma_wait3A_267, %dma_wait3A_268] : memref<4x80x128xf32, #tpu.memory_space<vmem>> -> memref<1x80x128xf32, #tpu.memory_space<vmem>>
      %dma_wait3A_270 = tpu.memref_squeeze %dma_wait3A_269 : memref<1x80x128xf32, #tpu.memory_space<vmem>> -> memref<80x128xf32, #tpu.memory_space<vmem>>
      %dma_wait3A_271 = arith.constant 0 : i32
      %dma_wait3A_272 = tpu.memref_slice %arg9[%dma_wait3A_266, %dma_wait3A_271] : memref<32x80xi32, #tpu.memory_space<vmem>> -> memref<1x80xi32, #tpu.memory_space<vmem>>
      %dma_wait3A_273 = tpu.memref_squeeze %dma_wait3A_272 : memref<1x80xi32, #tpu.memory_space<vmem>> -> memref<80xi32, #tpu.memory_space<vmem>>
      %dma_wait3A_274 = arith.constant 0 : i32
      %dma_wait3A_275 = arith.constant 0 : i32
      %dma_wait3A_276 = tpu.memref_slice %arg6[%dma_wait3A_274, %dma_wait3A_275] : memref<10240x128xf32, #tpu.memory_space<vmem_shared>> -> memref<10240x128xf32, #tpu.memory_space<vmem_shared>>
      tpu.wait_indirect_dma semaphore(%arg15 : memref<!tpu.dma_semaphore, #tpu.memory_space<semaphore_mem>>) src(%dma_wait3A_270 : memref<80x128xf32, #tpu.memory_space<vmem>>) dst(%dma_wait3A_276 : memref<10240x128xf32, #tpu.memory_space<vmem_shared>>)
      %dma_wait3A_277 = arith.constant 2 : i32
      %dma_wait3A_278 = arith.constant 30 : i32
      %dma_wait3A_279 = arith.constant 0 : i32
      %dma_wait3A_280 = arith.constant 0 : i32
      %dma_wait3A_281 = tpu.memref_slice %arg7[%dma_wait3A_277, %dma_wait3A_279, %dma_wait3A_280] : memref<4x80x128xf32, #tpu.memory_space<vmem>> -> memref<1x80x128xf32, #tpu.memory_space<vmem>>
      %dma_wait3A_282 = tpu.memref_squeeze %dma_wait3A_281 : memref<1x80x128xf32, #tpu.memory_space<vmem>> -> memref<80x128xf32, #tpu.memory_space<vmem>>
      %dma_wait3A_283 = arith.constant 0 : i32
      %dma_wait3A_284 = tpu.memref_slice %arg9[%dma_wait3A_278, %dma_wait3A_283] : memref<32x80xi32, #tpu.memory_space<vmem>> -> memref<1x80xi32, #tpu.memory_space<vmem>>
      %dma_wait3A_285 = tpu.memref_squeeze %dma_wait3A_284 : memref<1x80xi32, #tpu.memory_space<vmem>> -> memref<80xi32, #tpu.memory_space<vmem>>
      %dma_wait3A_286 = arith.constant 0 : i32
      %dma_wait3A_287 = arith.constant 0 : i32
      %dma_wait3A_288 = tpu.memref_slice %arg6[%dma_wait3A_286, %dma_wait3A_287] : memref<10240x128xf32, #tpu.memory_space<vmem_shared>> -> memref<10240x128xf32, #tpu.memory_space<vmem_shared>>
      tpu.wait_indirect_dma semaphore(%arg16 : memref<!tpu.dma_semaphore, #tpu.memory_space<semaphore_mem>>) src(%dma_wait3A_282 : memref<80x128xf32, #tpu.memory_space<vmem>>) dst(%dma_wait3A_288 : memref<10240x128xf32, #tpu.memory_space<vmem_shared>>)
      %dma_wait3A_289 = arith.constant 3 : i32
      %dma_wait3A_290 = arith.constant 31 : i32
      %dma_wait3A_291 = arith.constant 0 : i32
      %dma_wait3A_292 = arith.constant 0 : i32
      %dma_wait3A_293 = tpu.memref_slice %arg7[%dma_wait3A_289, %dma_wait3A_291, %dma_wait3A_292] : memref<4x80x128xf32, #tpu.memory_space<vmem>> -> memref<1x80x128xf32, #tpu.memory_space<vmem>>
      %dma_wait3A_294 = tpu.memref_squeeze %dma_wait3A_293 : memref<1x80x128xf32, #tpu.memory_space<vmem>> -> memref<80x128xf32, #tpu.memory_space<vmem>>
      %dma_wait3A_295 = arith.constant 0 : i32
      %dma_wait3A_296 = tpu.memref_slice %arg9[%dma_wait3A_290, %dma_wait3A_295] : memref<32x80xi32, #tpu.memory_space<vmem>> -> memref<1x80xi32, #tpu.memory_space<vmem>>
      %dma_wait3A_297 = tpu.memref_squeeze %dma_wait3A_296 : memref<1x80xi32, #tpu.memory_space<vmem>> -> memref<80xi32, #tpu.memory_space<vmem>>
      %dma_wait3A_298 = arith.constant 0 : i32
      %dma_wait3A_299 = arith.constant 0 : i32
      %dma_wait3A_300 = tpu.memref_slice %arg6[%dma_wait3A_298, %dma_wait3A_299] : memref<10240x128xf32, #tpu.memory_space<vmem_shared>> -> memref<10240x128xf32, #tpu.memory_space<vmem_shared>>
      tpu.wait_indirect_dma semaphore(%arg17 : memref<!tpu.dma_semaphore, #tpu.memory_space<semaphore_mem>>) src(%dma_wait3A_294 : memref<80x128xf32, #tpu.memory_space<vmem>>) dst(%dma_wait3A_300 : memref<10240x128xf32, #tpu.memory_space<vmem_shared>>)
      %while3A_301 = arith.constant 0 : i32
      scf.yield %while3A_301 : i32
    }
    %barrier3A_66 = arith.constant 0 : index
    tpu.barrier barrier_id(%barrier3A_66)
    %mul3A_67 = arith.constant 640 : i32
    %mul3A_68 = arith.muli %arg1, %mul3A_67 : i32
    %add3A_69 = arith.constant 0 : i32
    %add3A_70 = arith.addi %mul3A_68, %add3A_69 : i32
    "tpu.region"() ({
      %run_scoped3A_99 = tpu.sem_alloc : memref<!tpu.dma_semaphore, #tpu.memory_space<semaphore_mem>>
      %dma_start3A = arith.constant 0 : i32
      %dma_start3A_100 = tpu.memref_slice %arg5[%arg0, %add3A_70, %dma_start3A] : memref<2x10240x128xf32, #tpu.memory_space<hbm>> -> memref<1x80x128xf32, #tpu.memory_space<hbm>>
      %dma_start3A_101 = tpu.memref_squeeze %dma_start3A_100 : memref<1x80x128xf32, #tpu.memory_space<hbm>> -> memref<80x128xf32, #tpu.memory_space<hbm>>
      %dma_start3A_102 = arith.constant 0 : i32
      %dma_start3A_103 = tpu.memref_slice %arg6[%add3A_70, %dma_start3A_102] : memref<10240x128xf32, #tpu.memory_space<vmem_shared>> -> memref<80x128xf32, #tpu.memory_space<vmem_shared>>
      tpu.enqueue_dma source(%dma_start3A_103 : memref<80x128xf32, #tpu.memory_space<vmem_shared>>) target(%dma_start3A_101 : memref<80x128xf32, #tpu.memory_space<hbm>>) target_semaphore(%run_scoped3A_99 : memref<!tpu.dma_semaphore, #tpu.memory_space<semaphore_mem>>)
      %dma_wait3A = arith.constant 0 : i32
      %dma_wait3A_104 = tpu.memref_slice %arg5[%arg0, %add3A_70, %dma_wait3A] : memref<2x10240x128xf32, #tpu.memory_space<hbm>> -> memref<1x80x128xf32, #tpu.memory_space<hbm>>
      %dma_wait3A_105 = tpu.memref_squeeze %dma_wait3A_104 : memref<1x80x128xf32, #tpu.memory_space<hbm>> -> memref<80x128xf32, #tpu.memory_space<hbm>>
      %dma_wait3A_106 = arith.constant 0 : i32
      %dma_wait3A_107 = tpu.memref_slice %arg6[%add3A_70, %dma_wait3A_106] : memref<10240x128xf32, #tpu.memory_space<vmem_shared>> -> memref<80x128xf32, #tpu.memory_space<vmem_shared>>
      tpu.wait_dma2 semaphore(%run_scoped3A_99 : memref<!tpu.dma_semaphore, #tpu.memory_space<semaphore_mem>>) src(%dma_wait3A_107 : memref<80x128xf32, #tpu.memory_space<vmem_shared>>) dst(%dma_wait3A_105 : memref<80x128xf32, #tpu.memory_space<hbm>>)
      tpu.yield
    }) : () -> ()
    %mul3A_71 = arith.constant 640 : i32
    %mul3A_72 = arith.muli %arg1, %mul3A_71 : i32
    %add3A_73 = arith.constant 80 : i32
    %add3A_74 = arith.addi %mul3A_72, %add3A_73 : i32
    "tpu.region"() ({
      %run_scoped3A_99 = tpu.sem_alloc : memref<!tpu.dma_semaphore, #tpu.memory_space<semaphore_mem>>
      %dma_start3A = arith.constant 0 : i32
      %dma_start3A_100 = tpu.memref_slice %arg5[%arg0, %add3A_74, %dma_start3A] : memref<2x10240x128xf32, #tpu.memory_space<hbm>> -> memref<1x80x128xf32, #tpu.memory_space<hbm>>
      %dma_start3A_101 = tpu.memref_squeeze %dma_start3A_100 : memref<1x80x128xf32, #tpu.memory_space<hbm>> -> memref<80x128xf32, #tpu.memory_space<hbm>>
      %dma_start3A_102 = arith.constant 0 : i32
      %dma_start3A_103 = tpu.memref_slice %arg6[%add3A_74, %dma_start3A_102] : memref<10240x128xf32, #tpu.memory_space<vmem_shared>> -> memref<80x128xf32, #tpu.memory_space<vmem_shared>>
      tpu.enqueue_dma source(%dma_start3A_103 : memref<80x128xf32, #tpu.memory_space<vmem_shared>>) target(%dma_start3A_101 : memref<80x128xf32, #tpu.memory_space<hbm>>) target_semaphore(%run_scoped3A_99 : memref<!tpu.dma_semaphore, #tpu.memory_space<semaphore_mem>>)
      %dma_wait3A = arith.constant 0 : i32
      %dma_wait3A_104 = tpu.memref_slice %arg5[%arg0, %add3A_74, %dma_wait3A] : memref<2x10240x128xf32, #tpu.memory_space<hbm>> -> memref<1x80x128xf32, #tpu.memory_space<hbm>>
      %dma_wait3A_105 = tpu.memref_squeeze %dma_wait3A_104 : memref<1x80x128xf32, #tpu.memory_space<hbm>> -> memref<80x128xf32, #tpu.memory_space<hbm>>
      %dma_wait3A_106 = arith.constant 0 : i32
      %dma_wait3A_107 = tpu.memref_slice %arg6[%add3A_74, %dma_wait3A_106] : memref<10240x128xf32, #tpu.memory_space<vmem_shared>> -> memref<80x128xf32, #tpu.memory_space<vmem_shared>>
      tpu.wait_dma2 semaphore(%run_scoped3A_99 : memref<!tpu.dma_semaphore, #tpu.memory_space<semaphore_mem>>) src(%dma_wait3A_107 : memref<80x128xf32, #tpu.memory_space<vmem_shared>>) dst(%dma_wait3A_105 : memref<80x128xf32, #tpu.memory_space<hbm>>)
      tpu.yield
    }) : () -> ()
    %mul3A_75 = arith.constant 640 : i32
    %mul3A_76 = arith.muli %arg1, %mul3A_75 : i32
    %add3A_77 = arith.constant 160 : i32
    %add3A_78 = arith.addi %mul3A_76, %add3A_77 : i32
    "tpu.region"() ({
      %run_scoped3A_99 = tpu.sem_alloc : memref<!tpu.dma_semaphore, #tpu.memory_space<semaphore_mem>>
      %dma_start3A = arith.constant 0 : i32
      %dma_start3A_100 = tpu.memref_slice %arg5[%arg0, %add3A_78, %dma_start3A] : memref<2x10240x128xf32, #tpu.memory_space<hbm>> -> memref<1x80x128xf32, #tpu.memory_space<hbm>>
      %dma_start3A_101 = tpu.memref_squeeze %dma_start3A_100 : memref<1x80x128xf32, #tpu.memory_space<hbm>> -> memref<80x128xf32, #tpu.memory_space<hbm>>
      %dma_start3A_102 = arith.constant 0 : i32
      %dma_start3A_103 = tpu.memref_slice %arg6[%add3A_78, %dma_start3A_102] : memref<10240x128xf32, #tpu.memory_space<vmem_shared>> -> memref<80x128xf32, #tpu.memory_space<vmem_shared>>
      tpu.enqueue_dma source(%dma_start3A_103 : memref<80x128xf32, #tpu.memory_space<vmem_shared>>) target(%dma_start3A_101 : memref<80x128xf32, #tpu.memory_space<hbm>>) target_semaphore(%run_scoped3A_99 : memref<!tpu.dma_semaphore, #tpu.memory_space<semaphore_mem>>)
      %dma_wait3A = arith.constant 0 : i32
      %dma_wait3A_104 = tpu.memref_slice %arg5[%arg0, %add3A_78, %dma_wait3A] : memref<2x10240x128xf32, #tpu.memory_space<hbm>> -> memref<1x80x128xf32, #tpu.memory_space<hbm>>
      %dma_wait3A_105 = tpu.memref_squeeze %dma_wait3A_104 : memref<1x80x128xf32, #tpu.memory_space<hbm>> -> memref<80x128xf32, #tpu.memory_space<hbm>>
      %dma_wait3A_106 = arith.constant 0 : i32
      %dma_wait3A_107 = tpu.memref_slice %arg6[%add3A_78, %dma_wait3A_106] : memref<10240x128xf32, #tpu.memory_space<vmem_shared>> -> memref<80x128xf32, #tpu.memory_space<vmem_shared>>
      tpu.wait_dma2 semaphore(%run_scoped3A_99 : memref<!tpu.dma_semaphore, #tpu.memory_space<semaphore_mem>>) src(%dma_wait3A_107 : memref<80x128xf32, #tpu.memory_space<vmem_shared>>) dst(%dma_wait3A_105 : memref<80x128xf32, #tpu.memory_space<hbm>>)
      tpu.yield
    }) : () -> ()
    %mul3A_79 = arith.constant 640 : i32
    %mul3A_80 = arith.muli %arg1, %mul3A_79 : i32
    %add3A_81 = arith.constant 240 : i32
    %add3A_82 = arith.addi %mul3A_80, %add3A_81 : i32
    "tpu.region"() ({
      %run_scoped3A_99 = tpu.sem_alloc : memref<!tpu.dma_semaphore, #tpu.memory_space<semaphore_mem>>
      %dma_start3A = arith.constant 0 : i32
      %dma_start3A_100 = tpu.memref_slice %arg5[%arg0, %add3A_82, %dma_start3A] : memref<2x10240x128xf32, #tpu.memory_space<hbm>> -> memref<1x80x128xf32, #tpu.memory_space<hbm>>
      %dma_start3A_101 = tpu.memref_squeeze %dma_start3A_100 : memref<1x80x128xf32, #tpu.memory_space<hbm>> -> memref<80x128xf32, #tpu.memory_space<hbm>>
      %dma_start3A_102 = arith.constant 0 : i32
      %dma_start3A_103 = tpu.memref_slice %arg6[%add3A_82, %dma_start3A_102] : memref<10240x128xf32, #tpu.memory_space<vmem_shared>> -> memref<80x128xf32, #tpu.memory_space<vmem_shared>>
      tpu.enqueue_dma source(%dma_start3A_103 : memref<80x128xf32, #tpu.memory_space<vmem_shared>>) target(%dma_start3A_101 : memref<80x128xf32, #tpu.memory_space<hbm>>) target_semaphore(%run_scoped3A_99 : memref<!tpu.dma_semaphore, #tpu.memory_space<semaphore_mem>>)
      %dma_wait3A = arith.constant 0 : i32
      %dma_wait3A_104 = tpu.memref_slice %arg5[%arg0, %add3A_82, %dma_wait3A] : memref<2x10240x128xf32, #tpu.memory_space<hbm>> -> memref<1x80x128xf32, #tpu.memory_space<hbm>>
      %dma_wait3A_105 = tpu.memref_squeeze %dma_wait3A_104 : memref<1x80x128xf32, #tpu.memory_space<hbm>> -> memref<80x128xf32, #tpu.memory_space<hbm>>
      %dma_wait3A_106 = arith.constant 0 : i32
      %dma_wait3A_107 = tpu.memref_slice %arg6[%add3A_82, %dma_wait3A_106] : memref<10240x128xf32, #tpu.memory_space<vmem_shared>> -> memref<80x128xf32, #tpu.memory_space<vmem_shared>>
      tpu.wait_dma2 semaphore(%run_scoped3A_99 : memref<!tpu.dma_semaphore, #tpu.memory_space<semaphore_mem>>) src(%dma_wait3A_107 : memref<80x128xf32, #tpu.memory_space<vmem_shared>>) dst(%dma_wait3A_105 : memref<80x128xf32, #tpu.memory_space<hbm>>)
      tpu.yield
    }) : () -> ()
    %mul3A_83 = arith.constant 640 : i32
    %mul3A_84 = arith.muli %arg1, %mul3A_83 : i32
    %add3A_85 = arith.constant 320 : i32
    %add3A_86 = arith.addi %mul3A_84, %add3A_85 : i32
    "tpu.region"() ({
      %run_scoped3A_99 = tpu.sem_alloc : memref<!tpu.dma_semaphore, #tpu.memory_space<semaphore_mem>>
      %dma_start3A = arith.constant 0 : i32
      %dma_start3A_100 = tpu.memref_slice %arg5[%arg0, %add3A_86, %dma_start3A] : memref<2x10240x128xf32, #tpu.memory_space<hbm>> -> memref<1x80x128xf32, #tpu.memory_space<hbm>>
      %dma_start3A_101 = tpu.memref_squeeze %dma_start3A_100 : memref<1x80x128xf32, #tpu.memory_space<hbm>> -> memref<80x128xf32, #tpu.memory_space<hbm>>
      %dma_start3A_102 = arith.constant 0 : i32
      %dma_start3A_103 = tpu.memref_slice %arg6[%add3A_86, %dma_start3A_102] : memref<10240x128xf32, #tpu.memory_space<vmem_shared>> -> memref<80x128xf32, #tpu.memory_space<vmem_shared>>
      tpu.enqueue_dma source(%dma_start3A_103 : memref<80x128xf32, #tpu.memory_space<vmem_shared>>) target(%dma_start3A_101 : memref<80x128xf32, #tpu.memory_space<hbm>>) target_semaphore(%run_scoped3A_99 : memref<!tpu.dma_semaphore, #tpu.memory_space<semaphore_mem>>)
      %dma_wait3A = arith.constant 0 : i32
      %dma_wait3A_104 = tpu.memref_slice %arg5[%arg0, %add3A_86, %dma_wait3A] : memref<2x10240x128xf32, #tpu.memory_space<hbm>> -> memref<1x80x128xf32, #tpu.memory_space<hbm>>
      %dma_wait3A_105 = tpu.memref_squeeze %dma_wait3A_104 : memref<1x80x128xf32, #tpu.memory_space<hbm>> -> memref<80x128xf32, #tpu.memory_space<hbm>>
      %dma_wait3A_106 = arith.constant 0 : i32
      %dma_wait3A_107 = tpu.memref_slice %arg6[%add3A_86, %dma_wait3A_106] : memref<10240x128xf32, #tpu.memory_space<vmem_shared>> -> memref<80x128xf32, #tpu.memory_space<vmem_shared>>
      tpu.wait_dma2 semaphore(%run_scoped3A_99 : memref<!tpu.dma_semaphore, #tpu.memory_space<semaphore_mem>>) src(%dma_wait3A_107 : memref<80x128xf32, #tpu.memory_space<vmem_shared>>) dst(%dma_wait3A_105 : memref<80x128xf32, #tpu.memory_space<hbm>>)
      tpu.yield
    }) : () -> ()
    %mul3A_87 = arith.constant 640 : i32
    %mul3A_88 = arith.muli %arg1, %mul3A_87 : i32
    %add3A_89 = arith.constant 400 : i32
    %add3A_90 = arith.addi %mul3A_88, %add3A_89 : i32
    "tpu.region"() ({
      %run_scoped3A_99 = tpu.sem_alloc : memref<!tpu.dma_semaphore, #tpu.memory_space<semaphore_mem>>
      %dma_start3A = arith.constant 0 : i32
      %dma_start3A_100 = tpu.memref_slice %arg5[%arg0, %add3A_90, %dma_start3A] : memref<2x10240x128xf32, #tpu.memory_space<hbm>> -> memref<1x80x128xf32, #tpu.memory_space<hbm>>
      %dma_start3A_101 = tpu.memref_squeeze %dma_start3A_100 : memref<1x80x128xf32, #tpu.memory_space<hbm>> -> memref<80x128xf32, #tpu.memory_space<hbm>>
      %dma_start3A_102 = arith.constant 0 : i32
      %dma_start3A_103 = tpu.memref_slice %arg6[%add3A_90, %dma_start3A_102] : memref<10240x128xf32, #tpu.memory_space<vmem_shared>> -> memref<80x128xf32, #tpu.memory_space<vmem_shared>>
      tpu.enqueue_dma source(%dma_start3A_103 : memref<80x128xf32, #tpu.memory_space<vmem_shared>>) target(%dma_start3A_101 : memref<80x128xf32, #tpu.memory_space<hbm>>) target_semaphore(%run_scoped3A_99 : memref<!tpu.dma_semaphore, #tpu.memory_space<semaphore_mem>>)
      %dma_wait3A = arith.constant 0 : i32
      %dma_wait3A_104 = tpu.memref_slice %arg5[%arg0, %add3A_90, %dma_wait3A] : memref<2x10240x128xf32, #tpu.memory_space<hbm>> -> memref<1x80x128xf32, #tpu.memory_space<hbm>>
      %dma_wait3A_105 = tpu.memref_squeeze %dma_wait3A_104 : memref<1x80x128xf32, #tpu.memory_space<hbm>> -> memref<80x128xf32, #tpu.memory_space<hbm>>
      %dma_wait3A_106 = arith.constant 0 : i32
      %dma_wait3A_107 = tpu.memref_slice %arg6[%add3A_90, %dma_wait3A_106] : memref<10240x128xf32, #tpu.memory_space<vmem_shared>> -> memref<80x128xf32, #tpu.memory_space<vmem_shared>>
      tpu.wait_dma2 semaphore(%run_scoped3A_99 : memref<!tpu.dma_semaphore, #tpu.memory_space<semaphore_mem>>) src(%dma_wait3A_107 : memref<80x128xf32, #tpu.memory_space<vmem_shared>>) dst(%dma_wait3A_105 : memref<80x128xf32, #tpu.memory_space<hbm>>)
      tpu.yield
    }) : () -> ()
    %mul3A_91 = arith.constant 640 : i32
    %mul3A_92 = arith.muli %arg1, %mul3A_91 : i32
    %add3A_93 = arith.constant 480 : i32
    %add3A_94 = arith.addi %mul3A_92, %add3A_93 : i32
    "tpu.region"() ({
      %run_scoped3A_99 = tpu.sem_alloc : memref<!tpu.dma_semaphore, #tpu.memory_space<semaphore_mem>>
      %dma_start3A = arith.constant 0 : i32
      %dma_start3A_100 = tpu.memref_slice %arg5[%arg0, %add3A_94, %dma_start3A] : memref<2x10240x128xf32, #tpu.memory_space<hbm>> -> memref<1x80x128xf32, #tpu.memory_space<hbm>>
      %dma_start3A_101 = tpu.memref_squeeze %dma_start3A_100 : memref<1x80x128xf32, #tpu.memory_space<hbm>> -> memref<80x128xf32, #tpu.memory_space<hbm>>
      %dma_start3A_102 = arith.constant 0 : i32
      %dma_start3A_103 = tpu.memref_slice %arg6[%add3A_94, %dma_start3A_102] : memref<10240x128xf32, #tpu.memory_space<vmem_shared>> -> memref<80x128xf32, #tpu.memory_space<vmem_shared>>
      tpu.enqueue_dma source(%dma_start3A_103 : memref<80x128xf32, #tpu.memory_space<vmem_shared>>) target(%dma_start3A_101 : memref<80x128xf32, #tpu.memory_space<hbm>>) target_semaphore(%run_scoped3A_99 : memref<!tpu.dma_semaphore, #tpu.memory_space<semaphore_mem>>)
      %dma_wait3A = arith.constant 0 : i32
      %dma_wait3A_104 = tpu.memref_slice %arg5[%arg0, %add3A_94, %dma_wait3A] : memref<2x10240x128xf32, #tpu.memory_space<hbm>> -> memref<1x80x128xf32, #tpu.memory_space<hbm>>
      %dma_wait3A_105 = tpu.memref_squeeze %dma_wait3A_104 : memref<1x80x128xf32, #tpu.memory_space<hbm>> -> memref<80x128xf32, #tpu.memory_space<hbm>>
      %dma_wait3A_106 = arith.constant 0 : i32
      %dma_wait3A_107 = tpu.memref_slice %arg6[%add3A_94, %dma_wait3A_106] : memref<10240x128xf32, #tpu.memory_space<vmem_shared>> -> memref<80x128xf32, #tpu.memory_space<vmem_shared>>
      tpu.wait_dma2 semaphore(%run_scoped3A_99 : memref<!tpu.dma_semaphore, #tpu.memory_space<semaphore_mem>>) src(%dma_wait3A_107 : memref<80x128xf32, #tpu.memory_space<vmem_shared>>) dst(%dma_wait3A_105 : memref<80x128xf32, #tpu.memory_space<hbm>>)
      tpu.yield
    }) : () -> ()
    %mul3A_95 = arith.constant 640 : i32
    %mul3A_96 = arith.muli %arg1, %mul3A_95 : i32
    %add3A_97 = arith.constant 560 : i32
    %add3A_98 = arith.addi %mul3A_96, %add3A_97 : i32
    "tpu.region"() ({
      %run_scoped3A_99 = tpu.sem_alloc : memref<!tpu.dma_semaphore, #tpu.memory_space<semaphore_mem>>
      %dma_start3A = arith.constant 0 : i32
      %dma_start3A_100 = tpu.memref_slice %arg5[%arg0, %add3A_98, %dma_start3A] : memref<2x10240x128xf32, #tpu.memory_space<hbm>> -> memref<1x80x128xf32, #tpu.memory_space<hbm>>
      %dma_start3A_101 = tpu.memref_squeeze %dma_start3A_100 : memref<1x80x128xf32, #tpu.memory_space<hbm>> -> memref<80x128xf32, #tpu.memory_space<hbm>>
      %dma_start3A_102 = arith.constant 0 : i32
      %dma_start3A_103 = tpu.memref_slice %arg6[%add3A_98, %dma_start3A_102] : memref<10240x128xf32, #tpu.memory_space<vmem_shared>> -> memref<80x128xf32, #tpu.memory_space<vmem_shared>>
      tpu.enqueue_dma source(%dma_start3A_103 : memref<80x128xf32, #tpu.memory_space<vmem_shared>>) target(%dma_start3A_101 : memref<80x128xf32, #tpu.memory_space<hbm>>) target_semaphore(%run_scoped3A_99 : memref<!tpu.dma_semaphore, #tpu.memory_space<semaphore_mem>>)
      %dma_wait3A = arith.constant 0 : i32
      %dma_wait3A_104 = tpu.memref_slice %arg5[%arg0, %add3A_98, %dma_wait3A] : memref<2x10240x128xf32, #tpu.memory_space<hbm>> -> memref<1x80x128xf32, #tpu.memory_space<hbm>>
      %dma_wait3A_105 = tpu.memref_squeeze %dma_wait3A_104 : memref<1x80x128xf32, #tpu.memory_space<hbm>> -> memref<80x128xf32, #tpu.memory_space<hbm>>
      %dma_wait3A_106 = arith.constant 0 : i32
      %dma_wait3A_107 = tpu.memref_slice %arg6[%add3A_98, %dma_wait3A_106] : memref<10240x128xf32, #tpu.memory_space<vmem_shared>> -> memref<80x128xf32, #tpu.memory_space<vmem_shared>>
      tpu.wait_dma2 semaphore(%run_scoped3A_99 : memref<!tpu.dma_semaphore, #tpu.memory_space<semaphore_mem>>) src(%dma_wait3A_107 : memref<80x128xf32, #tpu.memory_space<vmem_shared>>) dst(%dma_wait3A_105 : memref<80x128xf32, #tpu.memory_space<hbm>>)
      tpu.yield
    }) : () -> ()
    return
  }
}

#map = affine_map<(d0, d1) -> (0, 0)>
module attributes {stable_mosaic.version = 14 : i64} {
  func.func @_deg_hist(%arg0: i32, %arg1: i32, %arg2: memref<2560x128xi32, #tpu.memory_space<hbm>>, %arg3: memref<2x10240xf32, #tpu.memory_space<hbm>>, %arg4: memref<16x10240xf32, #tpu.memory_space<vmem_shared>>, %arg5: memref<10240xf32, #tpu.memory_space<vmem>>, %arg6: memref<80x128xi32, #tpu.memory_space<vmem>>, %arg7: memref<16x640xf32, #tpu.memory_space<vmem>>, %arg8: memref<640xf32, #tpu.memory_space<vmem>>) attributes {dimension_semantics = [#tpu.dimension_semantics<core_parallel>, #tpu.dimension_semantics<subcore_parallel>], iteration_bounds = array<i64: 2, 16>, scalar_prefetch = 0 : i64, scratch_operands = 5 : i64, tpu.core_type = #tpu.core_type<sc_vector_subcore>, window_params = [{transform_indices = #map}, {transform_indices = #map}]} {
    %mul3A = arith.constant 16 : i32
    %mul3A_0 = arith.muli %arg0, %mul3A : i32
    %add3A = arith.addi %mul3A_0, %arg1 : i32
    %broadcast_in_dim3A = arith.constant 0.000000e+00 : f32
    %broadcast_in_dim3A_1 = vector.broadcast %broadcast_in_dim3A : f32 to vector<16xf32>
    %scan3A = arith.constant 0 : i32
    %scan3A_2 = arith.constant 0 : i32
    %scan3A_3 = arith.constant 640 : i32
    %scan3A_4 = arith.addi %scan3A_2, %scan3A_3 : i32
    %scan3A_5 = arith.constant 1 : i32
    %scan3A_6 = scf.for %scan3A_30 = %scan3A_2 to %scan3A_4 step %scan3A_5 iter_args(%scan3A_31 = %scan3A) -> (i32)  : i32 {
      %mul3A_32 = arith.constant 16 : i32
      %mul3A_33 = arith.muli %scan3A_30, %mul3A_32 : i32
      %swap3A = arith.index_cast %mul3A_33 : i32 to index
      %swap3A_34 = tpu.vector_load %arg5[%swap3A] {strides = array<i32>} : memref<10240xf32, #tpu.memory_space<vmem>>, vector<16xf32>,
      tpu.vector_store %arg5[%swap3A], %broadcast_in_dim3A_1 {strides = array<i32>} : memref<10240xf32, #tpu.memory_space<vmem>>, vector<16xf32>,
      %scan3A_35 = arith.constant 0 : i32
      scf.yield %scan3A_35 : i32
    }
    %scan3A_7 = arith.constant 640 : i32
    %mul3A_8 = arith.constant 80 : i32
    %mul3A_9 = arith.muli %add3A, %mul3A_8 : i32
    "tpu.region"() ({
      %run_scoped3A = tpu.sem_alloc : memref<!tpu.dma_semaphore, #tpu.memory_space<semaphore_mem>>
      %dma_start3A = arith.constant 0 : i32
      %dma_start3A_30 = tpu.memref_slice %arg2[%mul3A_9, %dma_start3A] : memref<2560x128xi32, #tpu.memory_space<hbm>> -> memref<80x128xi32, #tpu.memory_space<hbm>>
      %dma_start3A_31 = arith.constant 0 : i32
      %dma_start3A_32 = tpu.memref_slice %arg2[%mul3A_9, %dma_start3A_31] : memref<2560x128xi32, #tpu.memory_space<hbm>> -> memref<80x128xi32, #tpu.memory_space<hbm>>
      tpu.enqueue_dma source(%dma_start3A_32 : memref<80x128xi32, #tpu.memory_space<hbm>>) target(%arg6 : memref<80x128xi32, #tpu.memory_space<vmem>>) target_semaphore(%run_scoped3A : memref<!tpu.dma_semaphore, #tpu.memory_space<semaphore_mem>>)
      %dma_wait3A = arith.constant 0 : i32
      %dma_wait3A_33 = tpu.memref_slice %arg2[%mul3A_9, %dma_wait3A] : memref<2560x128xi32, #tpu.memory_space<hbm>> -> memref<80x128xi32, #tpu.memory_space<hbm>>
      %dma_wait3A_34 = arith.constant 0 : i32
      %dma_wait3A_35 = tpu.memref_slice %arg2[%mul3A_9, %dma_wait3A_34] : memref<2560x128xi32, #tpu.memory_space<hbm>> -> memref<80x128xi32, #tpu.memory_space<hbm>>
      tpu.wait_dma2 semaphore(%run_scoped3A : memref<!tpu.dma_semaphore, #tpu.memory_space<semaphore_mem>>) src(%dma_wait3A_35 : memref<80x128xi32, #tpu.memory_space<hbm>>) dst(%arg6 : memref<80x128xi32, #tpu.memory_space<vmem>>)
      tpu.yield
    }) : () -> ()
    %broadcast_in_dim3A_10 = arith.constant 1.000000e+00 : f32
    %broadcast_in_dim3A_11 = vector.broadcast %broadcast_in_dim3A_10 : f32 to vector<16xf32>
    %scan3A_12 = arith.constant 0 : i32
    %scan3A_13 = arith.constant 0 : i32
    %scan3A_14 = arith.constant 80 : i32
    %scan3A_15 = arith.addi %scan3A_13, %scan3A_14 : i32
    %scan3A_16 = arith.constant 1 : i32
    %scan3A_17 = scf.for %scan3A_30 = %scan3A_13 to %scan3A_15 step %scan3A_16 iter_args(%scan3A_31 = %scan3A_12) -> (i32)  : i32 {
      %get3A = arith.index_cast %scan3A_30 : i32 to index
      %get3A_32 = arith.constant 0 : index
      %get3A_33 = tpu.vector_load %arg6[%get3A, %get3A_32] {strides = array<i32>} : memref<80x128xi32, #tpu.memory_space<vmem>>, vector<16xi32>,
      tpu.vector_store_idx %arg5[%get3A_33], %broadcast_in_dim3A_11 {add = true} : memref<10240xf32, #tpu.memory_space<vmem>>[vector<16xi32>], vector<16xf32>,
      %get3A_34 = arith.index_cast %scan3A_30 : i32 to index
      %get3A_35 = arith.constant 16 : index
      %get3A_36 = tpu.vector_load %arg6[%get3A_34, %get3A_35] {strides = array<i32>} : memref<80x128xi32, #tpu.memory_space<vmem>>, vector<16xi32>,
      tpu.vector_store_idx %arg5[%get3A_36], %broadcast_in_dim3A_11 {add = true} : memref<10240xf32, #tpu.memory_space<vmem>>[vector<16xi32>], vector<16xf32>,
      %get3A_37 = arith.index_cast %scan3A_30 : i32 to index
      %get3A_38 = arith.constant 32 : index
      %get3A_39 = tpu.vector_load %arg6[%get3A_37, %get3A_38] {strides = array<i32>} : memref<80x128xi32, #tpu.memory_space<vmem>>, vector<16xi32>,
      tpu.vector_store_idx %arg5[%get3A_39], %broadcast_in_dim3A_11 {add = true} : memref<10240xf32, #tpu.memory_space<vmem>>[vector<16xi32>], vector<16xf32>,
      %get3A_40 = arith.index_cast %scan3A_30 : i32 to index
      %get3A_41 = arith.constant 48 : index
      %get3A_42 = tpu.vector_load %arg6[%get3A_40, %get3A_41] {strides = array<i32>} : memref<80x128xi32, #tpu.memory_space<vmem>>, vector<16xi32>,
      tpu.vector_store_idx %arg5[%get3A_42], %broadcast_in_dim3A_11 {add = true} : memref<10240xf32, #tpu.memory_space<vmem>>[vector<16xi32>], vector<16xf32>,
      %get3A_43 = arith.index_cast %scan3A_30 : i32 to index
      %get3A_44 = arith.constant 64 : index
      %get3A_45 = tpu.vector_load %arg6[%get3A_43, %get3A_44] {strides = array<i32>} : memref<80x128xi32, #tpu.memory_space<vmem>>, vector<16xi32>,
      tpu.vector_store_idx %arg5[%get3A_45], %broadcast_in_dim3A_11 {add = true} : memref<10240xf32, #tpu.memory_space<vmem>>[vector<16xi32>], vector<16xf32>,
      %get3A_46 = arith.index_cast %scan3A_30 : i32 to index
      %get3A_47 = arith.constant 80 : index
      %get3A_48 = tpu.vector_load %arg6[%get3A_46, %get3A_47] {strides = array<i32>} : memref<80x128xi32, #tpu.memory_space<vmem>>, vector<16xi32>,
      tpu.vector_store_idx %arg5[%get3A_48], %broadcast_in_dim3A_11 {add = true} : memref<10240xf32, #tpu.memory_space<vmem>>[vector<16xi32>], vector<16xf32>,
      %get3A_49 = arith.index_cast %scan3A_30 : i32 to index
      %get3A_50 = arith.constant 96 : index
      %get3A_51 = tpu.vector_load %arg6[%get3A_49, %get3A_50] {strides = array<i32>} : memref<80x128xi32, #tpu.memory_space<vmem>>, vector<16xi32>,
      tpu.vector_store_idx %arg5[%get3A_51], %broadcast_in_dim3A_11 {add = true} : memref<10240xf32, #tpu.memory_space<vmem>>[vector<16xi32>], vector<16xf32>,
      %get3A_52 = arith.index_cast %scan3A_30 : i32 to index
      %get3A_53 = arith.constant 112 : index
      %get3A_54 = tpu.vector_load %arg6[%get3A_52, %get3A_53] {strides = array<i32>} : memref<80x128xi32, #tpu.memory_space<vmem>>, vector<16xi32>,
      tpu.vector_store_idx %arg5[%get3A_54], %broadcast_in_dim3A_11 {add = true} : memref<10240xf32, #tpu.memory_space<vmem>>[vector<16xi32>], vector<16xf32>,
      %scan3A_55 = arith.constant 0 : i32
      scf.yield %scan3A_55 : i32
    }
    %scan3A_18 = arith.constant 80 : i32
    "tpu.region"() ({
      %run_scoped3A = tpu.sem_alloc : memref<!tpu.dma_semaphore, #tpu.memory_space<semaphore_mem>>
      %dma_start3A = arith.constant 0 : i32
      %dma_start3A_30 = tpu.memref_slice %arg4[%arg1, %dma_start3A] : memref<16x10240xf32, #tpu.memory_space<vmem_shared>> -> memref<1x10240xf32, #tpu.memory_space<vmem_shared>>
      %dma_start3A_31 = tpu.memref_squeeze %dma_start3A_30 : memref<1x10240xf32, #tpu.memory_space<vmem_shared>> -> memref<10240xf32, #tpu.memory_space<vmem_shared>>
      %dma_start3A_32 = arith.constant 0 : i32
      %dma_start3A_33 = tpu.memref_slice %arg4[%arg1, %dma_start3A_32] : memref<16x10240xf32, #tpu.memory_space<vmem_shared>> -> memref<1x10240xf32, #tpu.memory_space<vmem_shared>>
      %dma_start3A_34 = tpu.memref_squeeze %dma_start3A_33 : memref<1x10240xf32, #tpu.memory_space<vmem_shared>> -> memref<10240xf32, #tpu.memory_space<vmem_shared>>
      tpu.enqueue_dma source(%arg5 : memref<10240xf32, #tpu.memory_space<vmem>>) target(%dma_start3A_34 : memref<10240xf32, #tpu.memory_space<vmem_shared>>) target_semaphore(%run_scoped3A : memref<!tpu.dma_semaphore, #tpu.memory_space<semaphore_mem>>)
      %dma_wait3A = arith.constant 0 : i32
      %dma_wait3A_35 = tpu.memref_slice %arg4[%arg1, %dma_wait3A] : memref<16x10240xf32, #tpu.memory_space<vmem_shared>> -> memref<1x10240xf32, #tpu.memory_space<vmem_shared>>
      %dma_wait3A_36 = tpu.memref_squeeze %dma_wait3A_35 : memref<1x10240xf32, #tpu.memory_space<vmem_shared>> -> memref<10240xf32, #tpu.memory_space<vmem_shared>>
      %dma_wait3A_37 = arith.constant 0 : i32
      %dma_wait3A_38 = tpu.memref_slice %arg4[%arg1, %dma_wait3A_37] : memref<16x10240xf32, #tpu.memory_space<vmem_shared>> -> memref<1x10240xf32, #tpu.memory_space<vmem_shared>>
      %dma_wait3A_39 = tpu.memref_squeeze %dma_wait3A_38 : memref<1x10240xf32, #tpu.memory_space<vmem_shared>> -> memref<10240xf32, #tpu.memory_space<vmem_shared>>
      tpu.wait_dma2 semaphore(%run_scoped3A : memref<!tpu.dma_semaphore, #tpu.memory_space<semaphore_mem>>) src(%arg5 : memref<10240xf32, #tpu.memory_space<vmem>>) dst(%dma_wait3A_39 : memref<10240xf32, #tpu.memory_space<vmem_shared>>)
      tpu.yield
    }) : () -> ()
    %barrier3A = arith.constant 0 : index
    tpu.barrier barrier_id(%barrier3A)
    %mul3A_19 = arith.constant 640 : i32
    %mul3A_20 = arith.muli %arg1, %mul3A_19 : i32
    "tpu.region"() ({
      %run_scoped3A = tpu.sem_alloc : memref<!tpu.dma_semaphore, #tpu.memory_space<semaphore_mem>>
      %dma_start3A = arith.constant 0 : i32
      %dma_start3A_30 = tpu.memref_slice %arg4[%dma_start3A, %mul3A_20] : memref<16x10240xf32, #tpu.memory_space<vmem_shared>> -> memref<16x640xf32, #tpu.memory_space<vmem_shared>>
      %dma_start3A_31 = arith.constant 0 : i32
      %dma_start3A_32 = tpu.memref_slice %arg4[%dma_start3A_31, %mul3A_20] : memref<16x10240xf32, #tpu.memory_space<vmem_shared>> -> memref<16x640xf32, #tpu.memory_space<vmem_shared>>
      tpu.enqueue_dma source(%dma_start3A_32 : memref<16x640xf32, #tpu.memory_space<vmem_shared>>) target(%arg7 : memref<16x640xf32, #tpu.memory_space<vmem>>) target_semaphore(%run_scoped3A : memref<!tpu.dma_semaphore, #tpu.memory_space<semaphore_mem>>)
      %dma_wait3A = arith.constant 0 : i32
      %dma_wait3A_33 = tpu.memref_slice %arg4[%dma_wait3A, %mul3A_20] : memref<16x10240xf32, #tpu.memory_space<vmem_shared>> -> memref<16x640xf32, #tpu.memory_space<vmem_shared>>
      %dma_wait3A_34 = arith.constant 0 : i32
      %dma_wait3A_35 = tpu.memref_slice %arg4[%dma_wait3A_34, %mul3A_20] : memref<16x10240xf32, #tpu.memory_space<vmem_shared>> -> memref<16x640xf32, #tpu.memory_space<vmem_shared>>
      tpu.wait_dma2 semaphore(%run_scoped3A : memref<!tpu.dma_semaphore, #tpu.memory_space<semaphore_mem>>) src(%dma_wait3A_35 : memref<16x640xf32, #tpu.memory_space<vmem_shared>>) dst(%arg7 : memref<16x640xf32, #tpu.memory_space<vmem>>)
      tpu.yield
    }) : () -> ()
    %scan3A_21 = arith.constant 0 : i32
    %scan3A_22 = arith.constant 0 : i32
    %scan3A_23 = arith.constant 40 : i32
    %scan3A_24 = arith.addi %scan3A_22, %scan3A_23 : i32
    %scan3A_25 = arith.constant 1 : i32
    %scan3A_26 = scf.for %scan3A_30 = %scan3A_22 to %scan3A_24 step %scan3A_25 iter_args(%scan3A_31 = %scan3A_21) -> (i32)  : i32 {
      %mul3A_32 = arith.constant 16 : i32
      %mul3A_33 = arith.muli %scan3A_30, %mul3A_32 : i32
      %get3A = arith.constant 0 : i32
      %get3A_34 = arith.index_cast %get3A : i32 to index
      %get3A_35 = arith.index_cast %mul3A_33 : i32 to index
      %get3A_36 = tpu.vector_load %arg7[%get3A_34, %get3A_35] {strides = array<i32>} : memref<16x640xf32, #tpu.memory_space<vmem>>, vector<16xf32>,
      %mul3A_37 = arith.constant 16 : i32
      %mul3A_38 = arith.muli %scan3A_30, %mul3A_37 : i32
      %get3A_39 = arith.constant 1 : i32
      %get3A_40 = arith.index_cast %get3A_39 : i32 to index
      %get3A_41 = arith.index_cast %mul3A_38 : i32 to index
      %get3A_42 = tpu.vector_load %arg7[%get3A_40, %get3A_41] {strides = array<i32>} : memref<16x640xf32, #tpu.memory_space<vmem>>, vector<16xf32>,
      %add3A_43 = arith.addf %get3A_36, %get3A_42 : vector<16xf32>
      %mul3A_44 = arith.constant 16 : i32
      %mul3A_45 = arith.muli %scan3A_30, %mul3A_44 : i32
      %get3A_46 = arith.constant 2 : i32
      %get3A_47 = arith.index_cast %get3A_46 : i32 to index
      %get3A_48 = arith.index_cast %mul3A_45 : i32 to index
      %get3A_49 = tpu.vector_load %arg7[%get3A_47, %get3A_48] {strides = array<i32>} : memref<16x640xf32, #tpu.memory_space<vmem>>, vector<16xf32>,
      %add3A_50 = arith.addf %add3A_43, %get3A_49 : vector<16xf32>
      %mul3A_51 = arith.constant 16 : i32
      %mul3A_52 = arith.muli %scan3A_30, %mul3A_51 : i32
      %get3A_53 = arith.constant 3 : i32
      %get3A_54 = arith.index_cast %get3A_53 : i32 to index
      %get3A_55 = arith.index_cast %mul3A_52 : i32 to index
      %get3A_56 = tpu.vector_load %arg7[%get3A_54, %get3A_55] {strides = array<i32>} : memref<16x640xf32, #tpu.memory_space<vmem>>, vector<16xf32>,
      %add3A_57 = arith.addf %add3A_50, %get3A_56 : vector<16xf32>
      %mul3A_58 = arith.constant 16 : i32
      %mul3A_59 = arith.muli %scan3A_30, %mul3A_58 : i32
      %get3A_60 = arith.constant 4 : i32
      %get3A_61 = arith.index_cast %get3A_60 : i32 to index
      %get3A_62 = arith.index_cast %mul3A_59 : i32 to index
      %get3A_63 = tpu.vector_load %arg7[%get3A_61, %get3A_62] {strides = array<i32>} : memref<16x640xf32, #tpu.memory_space<vmem>>, vector<16xf32>,
      %add3A_64 = arith.addf %add3A_57, %get3A_63 : vector<16xf32>
      %mul3A_65 = arith.constant 16 : i32
      %mul3A_66 = arith.muli %scan3A_30, %mul3A_65 : i32
      %get3A_67 = arith.constant 5 : i32
      %get3A_68 = arith.index_cast %get3A_67 : i32 to index
      %get3A_69 = arith.index_cast %mul3A_66 : i32 to index
      %get3A_70 = tpu.vector_load %arg7[%get3A_68, %get3A_69] {strides = array<i32>} : memref<16x640xf32, #tpu.memory_space<vmem>>, vector<16xf32>,
      %add3A_71 = arith.addf %add3A_64, %get3A_70 : vector<16xf32>
      %mul3A_72 = arith.constant 16 : i32
      %mul3A_73 = arith.muli %scan3A_30, %mul3A_72 : i32
      %get3A_74 = arith.constant 6 : i32
      %get3A_75 = arith.index_cast %get3A_74 : i32 to index
      %get3A_76 = arith.index_cast %mul3A_73 : i32 to index
      %get3A_77 = tpu.vector_load %arg7[%get3A_75, %get3A_76] {strides = array<i32>} : memref<16x640xf32, #tpu.memory_space<vmem>>, vector<16xf32>,
      %add3A_78 = arith.addf %add3A_71, %get3A_77 : vector<16xf32>
      %mul3A_79 = arith.constant 16 : i32
      %mul3A_80 = arith.muli %scan3A_30, %mul3A_79 : i32
      %get3A_81 = arith.constant 7 : i32
      %get3A_82 = arith.index_cast %get3A_81 : i32 to index
      %get3A_83 = arith.index_cast %mul3A_80 : i32 to index
      %get3A_84 = tpu.vector_load %arg7[%get3A_82, %get3A_83] {strides = array<i32>} : memref<16x640xf32, #tpu.memory_space<vmem>>, vector<16xf32>,
      %add3A_85 = arith.addf %add3A_78, %get3A_84 : vector<16xf32>
      %mul3A_86 = arith.constant 16 : i32
      %mul3A_87 = arith.muli %scan3A_30, %mul3A_86 : i32
      %get3A_88 = arith.constant 8 : i32
      %get3A_89 = arith.index_cast %get3A_88 : i32 to index
      %get3A_90 = arith.index_cast %mul3A_87 : i32 to index
      %get3A_91 = tpu.vector_load %arg7[%get3A_89, %get3A_90] {strides = array<i32>} : memref<16x640xf32, #tpu.memory_space<vmem>>, vector<16xf32>,
      %add3A_92 = arith.addf %add3A_85, %get3A_91 : vector<16xf32>
      %mul3A_93 = arith.constant 16 : i32
      %mul3A_94 = arith.muli %scan3A_30, %mul3A_93 : i32
      %get3A_95 = arith.constant 9 : i32
      %get3A_96 = arith.index_cast %get3A_95 : i32 to index
      %get3A_97 = arith.index_cast %mul3A_94 : i32 to index
      %get3A_98 = tpu.vector_load %arg7[%get3A_96, %get3A_97] {strides = array<i32>} : memref<16x640xf32, #tpu.memory_space<vmem>>, vector<16xf32>,
      %add3A_99 = arith.addf %add3A_92, %get3A_98 : vector<16xf32>
      %mul3A_100 = arith.constant 16 : i32
      %mul3A_101 = arith.muli %scan3A_30, %mul3A_100 : i32
      %get3A_102 = arith.constant 10 : i32
      %get3A_103 = arith.index_cast %get3A_102 : i32 to index
      %get3A_104 = arith.index_cast %mul3A_101 : i32 to index
      %get3A_105 = tpu.vector_load %arg7[%get3A_103, %get3A_104] {strides = array<i32>} : memref<16x640xf32, #tpu.memory_space<vmem>>, vector<16xf32>,
      %add3A_106 = arith.addf %add3A_99, %get3A_105 : vector<16xf32>
      %mul3A_107 = arith.constant 16 : i32
      %mul3A_108 = arith.muli %scan3A_30, %mul3A_107 : i32
      %get3A_109 = arith.constant 11 : i32
      %get3A_110 = arith.index_cast %get3A_109 : i32 to index
      %get3A_111 = arith.index_cast %mul3A_108 : i32 to index
      %get3A_112 = tpu.vector_load %arg7[%get3A_110, %get3A_111] {strides = array<i32>} : memref<16x640xf32, #tpu.memory_space<vmem>>, vector<16xf32>,
      %add3A_113 = arith.addf %add3A_106, %get3A_112 : vector<16xf32>
      %mul3A_114 = arith.constant 16 : i32
      %mul3A_115 = arith.muli %scan3A_30, %mul3A_114 : i32
      %get3A_116 = arith.constant 12 : i32
      %get3A_117 = arith.index_cast %get3A_116 : i32 to index
      %get3A_118 = arith.index_cast %mul3A_115 : i32 to index
      %get3A_119 = tpu.vector_load %arg7[%get3A_117, %get3A_118] {strides = array<i32>} : memref<16x640xf32, #tpu.memory_space<vmem>>, vector<16xf32>,
      %add3A_120 = arith.addf %add3A_113, %get3A_119 : vector<16xf32>
      %mul3A_121 = arith.constant 16 : i32
      %mul3A_122 = arith.muli %scan3A_30, %mul3A_121 : i32
      %get3A_123 = arith.constant 13 : i32
      %get3A_124 = arith.index_cast %get3A_123 : i32 to index
      %get3A_125 = arith.index_cast %mul3A_122 : i32 to index
      %get3A_126 = tpu.vector_load %arg7[%get3A_124, %get3A_125] {strides = array<i32>} : memref<16x640xf32, #tpu.memory_space<vmem>>, vector<16xf32>,
      %add3A_127 = arith.addf %add3A_120, %get3A_126 : vector<16xf32>
      %mul3A_128 = arith.constant 16 : i32
      %mul3A_129 = arith.muli %scan3A_30, %mul3A_128 : i32
      %get3A_130 = arith.constant 14 : i32
      %get3A_131 = arith.index_cast %get3A_130 : i32 to index
      %get3A_132 = arith.index_cast %mul3A_129 : i32 to index
      %get3A_133 = tpu.vector_load %arg7[%get3A_131, %get3A_132] {strides = array<i32>} : memref<16x640xf32, #tpu.memory_space<vmem>>, vector<16xf32>,
      %add3A_134 = arith.addf %add3A_127, %get3A_133 : vector<16xf32>
      %mul3A_135 = arith.constant 16 : i32
      %mul3A_136 = arith.muli %scan3A_30, %mul3A_135 : i32
      %get3A_137 = arith.constant 15 : i32
      %get3A_138 = arith.index_cast %get3A_137 : i32 to index
      %get3A_139 = arith.index_cast %mul3A_136 : i32 to index
      %get3A_140 = tpu.vector_load %arg7[%get3A_138, %get3A_139] {strides = array<i32>} : memref<16x640xf32, #tpu.memory_space<vmem>>, vector<16xf32>,
      %add3A_141 = arith.addf %add3A_134, %get3A_140 : vector<16xf32>
      %mul3A_142 = arith.constant 16 : i32
      %mul3A_143 = arith.muli %scan3A_30, %mul3A_142 : i32
      %swap3A = arith.index_cast %mul3A_143 : i32 to index
      %swap3A_144 = tpu.vector_load %arg8[%swap3A] {strides = array<i32>} : memref<640xf32, #tpu.memory_space<vmem>>, vector<16xf32>,
      tpu.vector_store %arg8[%swap3A], %add3A_141 {strides = array<i32>} : memref<640xf32, #tpu.memory_space<vmem>>, vector<16xf32>,
      %scan3A_145 = arith.constant 0 : i32
      scf.yield %scan3A_145 : i32
    }
    %scan3A_27 = arith.constant 40 : i32
    %mul3A_28 = arith.constant 640 : i32
    %mul3A_29 = arith.muli %arg1, %mul3A_28 : i32
    "tpu.region"() ({
      %run_scoped3A = tpu.sem_alloc : memref<!tpu.dma_semaphore, #tpu.memory_space<semaphore_mem>>
      %dma_start3A = tpu.memref_slice %arg3[%arg0, %mul3A_29] : memref<2x10240xf32, #tpu.memory_space<hbm>> -> memref<1x640xf32, #tpu.memory_space<hbm>>
      %dma_start3A_30 = tpu.memref_squeeze %dma_start3A : memref<1x640xf32, #tpu.memory_space<hbm>> -> memref<640xf32, #tpu.memory_space<hbm>>
      %dma_start3A_31 = tpu.memref_slice %arg3[%arg0, %mul3A_29] : memref<2x10240xf32, #tpu.memory_space<hbm>> -> memref<1x640xf32, #tpu.memory_space<hbm>>
      %dma_start3A_32 = tpu.memref_squeeze %dma_start3A_31 : memref<1x640xf32, #tpu.memory_space<hbm>> -> memref<640xf32, #tpu.memory_space<hbm>>
      tpu.enqueue_dma source(%arg8 : memref<640xf32, #tpu.memory_space<vmem>>) target(%dma_start3A_32 : memref<640xf32, #tpu.memory_space<hbm>>) target_semaphore(%run_scoped3A : memref<!tpu.dma_semaphore, #tpu.memory_space<semaphore_mem>>)
      %dma_wait3A = tpu.memref_slice %arg3[%arg0, %mul3A_29] : memref<2x10240xf32, #tpu.memory_space<hbm>> -> memref<1x640xf32, #tpu.memory_space<hbm>>
      %dma_wait3A_33 = tpu.memref_squeeze %dma_wait3A : memref<1x640xf32, #tpu.memory_space<hbm>> -> memref<640xf32, #tpu.memory_space<hbm>>
      %dma_wait3A_34 = tpu.memref_slice %arg3[%arg0, %mul3A_29] : memref<2x10240xf32, #tpu.memory_space<hbm>> -> memref<1x640xf32, #tpu.memory_space<hbm>>
      %dma_wait3A_35 = tpu.memref_squeeze %dma_wait3A_34 : memref<1x640xf32, #tpu.memory_space<hbm>> -> memref<640xf32, #tpu.memory_space<hbm>>
      tpu.wait_dma2 semaphore(%run_scoped3A : memref<!tpu.dma_semaphore, #tpu.memory_space<semaphore_mem>>) src(%arg8 : memref<640xf32, #tpu.memory_space<vmem>>) dst(%dma_wait3A_35 : memref<640xf32, #tpu.memory_space<hbm>>)
      tpu.yield
    }) : () -> ()
    return
  }
}

#map = affine_map<(d0, d1) -> (0, 0)>
#map1 = affine_map<(d0, d1) -> (0, 0, 0)>
module attributes {stable_mosaic.version = 14 : i64} {
  func.func @_edge_agg(%arg0: i32, %arg1: i32, %arg2: memref<10240x128xf32, #tpu.memory_space<hbm>>, %arg3: memref<4096x80xi32, #tpu.memory_space<hbm>>, %arg4: memref<4096x80xi32, #tpu.memory_space<hbm>>, %arg5: memref<2x10240x128xf32, #tpu.memory_space<hbm>>, %arg6: memref<10240x128xf32, #tpu.memory_space<vmem_shared>>, %arg7: memref<4x80x128xf32, #tpu.memory_space<vmem>>, %arg8: memref<32x80xi32, #tpu.memory_space<vmem>>, %arg9: memref<32x80xi32, #tpu.memory_space<vmem>>, %arg10: memref<!tpu.dma_semaphore, #tpu.memory_space<semaphore_mem>>, %arg11: memref<!tpu.dma_semaphore, #tpu.memory_space<semaphore_mem>>, %arg12: memref<!tpu.dma_semaphore, #tpu.memory_space<semaphore_mem>>, %arg13: memref<!tpu.dma_semaphore, #tpu.memory_space<semaphore_mem>>, %arg14: memref<!tpu.dma_semaphore, #tpu.memory_space<semaphore_mem>>, %arg15: memref<!tpu.dma_semaphore, #tpu.memory_space<semaphore_mem>>, %arg16: memref<!tpu.dma_semaphore, #tpu.memory_space<semaphore_mem>>, %arg17: memref<!tpu.dma_semaphore, #tpu.memory_space<semaphore_mem>>) attributes {dimension_semantics = [#tpu.dimension_semantics<core_parallel>, #tpu.dimension_semantics<subcore_parallel>], iteration_bounds = array<i64: 2, 16>, scalar_prefetch = 0 : i64, scratch_operands = 12 : i64, tpu.core_type = #tpu.core_type<sc_vector_subcore>, window_params = [{transform_indices = #map}, {transform_indices = #map}, {transform_indices = #map}, {transform_indices = #map1}]} {
    %eq3A = arith.constant 0 : i32
    %eq3A_0 = arith.cmpi eq, %arg0, %eq3A : i32
    %jit3A = arith.constant 4 : i32
    %jit3A_1 = arith.constant 4 : i32
    %select_n3A = arith.select %eq3A_0, %jit3A, %jit3A_1 : i32
    %eq3A_2 = arith.constant 0 : i32
    %eq3A_3 = arith.cmpi eq, %arg0, %eq3A_2 : i32
    %mul3A = arith.constant 128 : i32
    %mul3A_4 = arith.muli %arg1, %mul3A : i32
    %mul3A_5 = arith.constant 128 : i32
    %mul3A_6 = arith.muli %arg1, %mul3A_5 : i32
    %add3A = arith.constant 2048 : i32
    %add3A_7 = arith.addi %add3A, %mul3A_6 : i32
    %select_n3A_8 = arith.select %eq3A_3, %mul3A_4, %add3A_7 : i32
    %broadcast_in_dim3A = arith.constant 0.000000e+00 : f32
    %broadcast_in_dim3A_9 = vector.broadcast %broadcast_in_dim3A : f32 to vector<16xf32>
    %scan3A = arith.constant 0 : i32
    %scan3A_10 = arith.constant 0 : i32
    %scan3A_11 = arith.constant 80 : i32
    %scan3A_12 = arith.addi %scan3A_10, %scan3A_11 : i32
    %scan3A_13 = arith.constant 1 : i32
    %scan3A_14 = scf.for %scan3A_99 = %scan3A_10 to %scan3A_12 step %scan3A_13 iter_args(%scan3A_100 = %scan3A) -> (i32)  : i32 {
      %swap3A = arith.constant 0 : i32
      %swap3A_101 = arith.index_cast %swap3A : i32 to index
      %swap3A_102 = arith.index_cast %scan3A_99 : i32 to index
      %swap3A_103 = arith.constant 0 : index
      %swap3A_104 = tpu.vector_load %arg7[%swap3A_101, %swap3A_102, %swap3A_103] {strides = array<i32>} : memref<4x80x128xf32, #tpu.memory_space<vmem>>, vector<16xf32>,
      tpu.vector_store %arg7[%swap3A_101, %swap3A_102, %swap3A_103], %broadcast_in_dim3A_9 {strides = array<i32>} : memref<4x80x128xf32, #tpu.memory_space<vmem>>, vector<16xf32>,
      %swap3A_105 = arith.constant 0 : i32
      %swap3A_106 = arith.index_cast %swap3A_105 : i32 to index
      %swap3A_107 = arith.index_cast %scan3A_99 : i32 to index
      %swap3A_108 = arith.constant 16 : index
      %swap3A_109 = tpu.vector_load %arg7[%swap3A_106, %swap3A_107, %swap3A_108] {strides = array<i32>} : memref<4x80x128xf32, #tpu.memory_space<vmem>>, vector<16xf32>,
      tpu.vector_store %arg7[%swap3A_106, %swap3A_107, %swap3A_108], %broadcast_in_dim3A_9 {strides = array<i32>} : memref<4x80x128xf32, #tpu.memory_space<vmem>>, vector<16xf32>,
      %swap3A_110 = arith.constant 0 : i32
      %swap3A_111 = arith.index_cast %swap3A_110 : i32 to index
      %swap3A_112 = arith.index_cast %scan3A_99 : i32 to index
      %swap3A_113 = arith.constant 32 : index
      %swap3A_114 = tpu.vector_load %arg7[%swap3A_111, %swap3A_112, %swap3A_113] {strides = array<i32>} : memref<4x80x128xf32, #tpu.memory_space<vmem>>, vector<16xf32>,
      tpu.vector_store %arg7[%swap3A_111, %swap3A_112, %swap3A_113], %broadcast_in_dim3A_9 {strides = array<i32>} : memref<4x80x128xf32, #tpu.memory_space<vmem>>, vector<16xf32>,
      %swap3A_115 = arith.constant 0 : i32
      %swap3A_116 = arith.index_cast %swap3A_115 : i32 to index
      %swap3A_117 = arith.index_cast %scan3A_99 : i32 to index
      %swap3A_118 = arith.constant 48 : index
      %swap3A_119 = tpu.vector_load %arg7[%swap3A_116, %swap3A_117, %swap3A_118] {strides = array<i32>} : memref<4x80x128xf32, #tpu.memory_space<vmem>>, vector<16xf32>,
      tpu.vector_store %arg7[%swap3A_116, %swap3A_117, %swap3A_118], %broadcast_in_dim3A_9 {strides = array<i32>} : memref<4x80x128xf32, #tpu.memory_space<vmem>>, vector<16xf32>,
      %swap3A_120 = arith.constant 0 : i32
      %swap3A_121 = arith.index_cast %swap3A_120 : i32 to index
      %swap3A_122 = arith.index_cast %scan3A_99 : i32 to index
      %swap3A_123 = arith.constant 64 : index
      %swap3A_124 = tpu.vector_load %arg7[%swap3A_121, %swap3A_122, %swap3A_123] {strides = array<i32>} : memref<4x80x128xf32, #tpu.memory_space<vmem>>, vector<16xf32>,
      tpu.vector_store %arg7[%swap3A_121, %swap3A_122, %swap3A_123], %broadcast_in_dim3A_9 {strides = array<i32>} : memref<4x80x128xf32, #tpu.memory_space<vmem>>, vector<16xf32>,
      %swap3A_125 = arith.constant 0 : i32
      %swap3A_126 = arith.index_cast %swap3A_125 : i32 to index
      %swap3A_127 = arith.index_cast %scan3A_99 : i32 to index
      %swap3A_128 = arith.constant 80 : index
      %swap3A_129 = tpu.vector_load %arg7[%swap3A_126, %swap3A_127, %swap3A_128] {strides = array<i32>} : memref<4x80x128xf32, #tpu.memory_space<vmem>>, vector<16xf32>,
      tpu.vector_store %arg7[%swap3A_126, %swap3A_127, %swap3A_128], %broadcast_in_dim3A_9 {strides = array<i32>} : memref<4x80x128xf32, #tpu.memory_space<vmem>>, vector<16xf32>,
      %swap3A_130 = arith.constant 0 : i32
      %swap3A_131 = arith.index_cast %swap3A_130 : i32 to index
      %swap3A_132 = arith.index_cast %scan3A_99 : i32 to index
      %swap3A_133 = arith.constant 96 : index
      %swap3A_134 = tpu.vector_load %arg7[%swap3A_131, %swap3A_132, %swap3A_133] {strides = array<i32>} : memref<4x80x128xf32, #tpu.memory_space<vmem>>, vector<16xf32>,
      tpu.vector_store %arg7[%swap3A_131, %swap3A_132, %swap3A_133], %broadcast_in_dim3A_9 {strides = array<i32>} : memref<4x80x128xf32, #tpu.memory_space<vmem>>, vector<16xf32>,
      %swap3A_135 = arith.constant 0 : i32
      %swap3A_136 = arith.index_cast %swap3A_135 : i32 to index
      %swap3A_137 = arith.index_cast %scan3A_99 : i32 to index
      %swap3A_138 = arith.constant 112 : index
      %swap3A_139 = tpu.vector_load %arg7[%swap3A_136, %swap3A_137, %swap3A_138] {strides = array<i32>} : memref<4x80x128xf32, #tpu.memory_space<vmem>>, vector<16xf32>,
      tpu.vector_store %arg7[%swap3A_136, %swap3A_137, %swap3A_138], %broadcast_in_dim3A_9 {strides = array<i32>} : memref<4x80x128xf32, #tpu.memory_space<vmem>>, vector<16xf32>,
      %scan3A_140 = arith.constant 0 : i32
      scf.yield %scan3A_140 : i32
    }
    %scan3A_15 = arith.constant 80 : i32
    %mul3A_16 = arith.constant 640 : i32
    %mul3A_17 = arith.muli %arg1, %mul3A_16 : i32
    %add3A_18 = arith.constant 0 : i32
    %add3A_19 = arith.addi %mul3A_17, %add3A_18 : i32
    %run_scoped3A = arith.constant 0 : i32
    "tpu.region"() ({
      %run_scoped3A_99 = tpu.sem_alloc : memref<!tpu.dma_semaphore, #tpu.memory_space<semaphore_mem>>
      %dma_start3A = arith.constant 0 : i32
      %dma_start3A_100 = arith.constant 0 : i32
      %dma_start3A_101 = tpu.memref_slice %arg7[%run_scoped3A, %dma_start3A, %dma_start3A_100] : memref<4x80x128xf32, #tpu.memory_space<vmem>> -> memref<1x80x128xf32, #tpu.memory_space<vmem>>
      %dma_start3A_102 = tpu.memref_squeeze %dma_start3A_101 : memref<1x80x128xf32, #tpu.memory_space<vmem>> -> memref<80x128xf32, #tpu.memory_space<vmem>>
      %dma_start3A_103 = arith.constant 0 : i32
      %dma_start3A_104 = tpu.memref_slice %arg6[%add3A_19, %dma_start3A_103] : memref<10240x128xf32, #tpu.memory_space<vmem_shared>> -> memref<80x128xf32, #tpu.memory_space<vmem_shared>>
      %dma_start3A_105 = arith.constant 0 : i32
      %dma_start3A_106 = tpu.memref_slice %arg6[%add3A_19, %dma_start3A_105] : memref<10240x128xf32, #tpu.memory_space<vmem_shared>> -> memref<80x128xf32, #tpu.memory_space<vmem_shared>>
      %dma_start3A_107 = arith.constant 0 : i32
      %dma_start3A_108 = arith.constant 0 : i32
      %dma_start3A_109 = tpu.memref_slice %arg7[%run_scoped3A, %dma_start3A_107, %dma_start3A_108] : memref<4x80x128xf32, #tpu.memory_space<vmem>> -> memref<1x80x128xf32, #tpu.memory_space<vmem>>
      %dma_start3A_110 = tpu.memref_squeeze %dma_start3A_109 : memref<1x80x128xf32, #tpu.memory_space<vmem>> -> memref<80x128xf32, #tpu.memory_space<vmem>>
      tpu.enqueue_dma source(%dma_start3A_110 : memref<80x128xf32, #tpu.memory_space<vmem>>) target(%dma_start3A_106 : memref<80x128xf32, #tpu.memory_space<vmem_shared>>) target_semaphore(%run_scoped3A_99 : memref<!tpu.dma_semaphore, #tpu.memory_space<semaphore_mem>>)
      %dma_wait3A = arith.constant 0 : i32
      %dma_wait3A_111 = arith.constant 0 : i32
      %dma_wait3A_112 = tpu.memref_slice %arg7[%run_scoped3A, %dma_wait3A, %dma_wait3A_111] : memref<4x80x128xf32, #tpu.memory_space<vmem>> -> memref<1x80x128xf32, #tpu.memory_space<vmem>>
      %dma_wait3A_113 = tpu.memref_squeeze %dma_wait3A_112 : memref<1x80x128xf32, #tpu.memory_space<vmem>> -> memref<80x128xf32, #tpu.memory_space<vmem>>
      %dma_wait3A_114 = arith.constant 0 : i32
      %dma_wait3A_115 = tpu.memref_slice %arg6[%add3A_19, %dma_wait3A_114] : memref<10240x128xf32, #tpu.memory_space<vmem_shared>> -> memref<80x128xf32, #tpu.memory_space<vmem_shared>>
      %dma_wait3A_116 = arith.constant 0 : i32
      %dma_wait3A_117 = tpu.memref_slice %arg6[%add3A_19, %dma_wait3A_116] : memref<10240x128xf32, #tpu.memory_space<vmem_shared>> -> memref<80x128xf32, #tpu.memory_space<vmem_shared>>
      %dma_wait3A_118 = arith.constant 0 : i32
      %dma_wait3A_119 = arith.constant 0 : i32
      %dma_wait3A_120 = tpu.memref_slice %arg7[%run_scoped3A, %dma_wait3A_118, %dma_wait3A_119] : memref<4x80x128xf32, #tpu.memory_space<vmem>> -> memref<1x80x128xf32, #tpu.memory_space<vmem>>
      %dma_wait3A_121 = tpu.memref_squeeze %dma_wait3A_120 : memref<1x80x128xf32, #tpu.memory_space<vmem>> -> memref<80x128xf32, #tpu.memory_space<vmem>>
      tpu.wait_dma2 semaphore(%run_scoped3A_99 : memref<!tpu.dma_semaphore, #tpu.memory_space<semaphore_mem>>) src(%dma_wait3A_121 : memref<80x128xf32, #tpu.memory_space<vmem>>) dst(%dma_wait3A_117 : memref<80x128xf32, #tpu.memory_space<vmem_shared>>)
      tpu.yield
    }) : () -> ()
    %mul3A_20 = arith.constant 640 : i32
    %mul3A_21 = arith.muli %arg1, %mul3A_20 : i32
    %add3A_22 = arith.constant 80 : i32
    %add3A_23 = arith.addi %mul3A_21, %add3A_22 : i32
    %run_scoped3A_24 = arith.constant 0 : i32
    "tpu.region"() ({
      %run_scoped3A_99 = tpu.sem_alloc : memref<!tpu.dma_semaphore, #tpu.memory_space<semaphore_mem>>
      %dma_start3A = arith.constant 0 : i32
      %dma_start3A_100 = arith.constant 0 : i32
      %dma_start3A_101 = tpu.memref_slice %arg7[%run_scoped3A_24, %dma_start3A, %dma_start3A_100] : memref<4x80x128xf32, #tpu.memory_space<vmem>> -> memref<1x80x128xf32, #tpu.memory_space<vmem>>
      %dma_start3A_102 = tpu.memref_squeeze %dma_start3A_101 : memref<1x80x128xf32, #tpu.memory_space<vmem>> -> memref<80x128xf32, #tpu.memory_space<vmem>>
      %dma_start3A_103 = arith.constant 0 : i32
      %dma_start3A_104 = tpu.memref_slice %arg6[%add3A_23, %dma_start3A_103] : memref<10240x128xf32, #tpu.memory_space<vmem_shared>> -> memref<80x128xf32, #tpu.memory_space<vmem_shared>>
      %dma_start3A_105 = arith.constant 0 : i32
      %dma_start3A_106 = tpu.memref_slice %arg6[%add3A_23, %dma_start3A_105] : memref<10240x128xf32, #tpu.memory_space<vmem_shared>> -> memref<80x128xf32, #tpu.memory_space<vmem_shared>>
      %dma_start3A_107 = arith.constant 0 : i32
      %dma_start3A_108 = arith.constant 0 : i32
      %dma_start3A_109 = tpu.memref_slice %arg7[%run_scoped3A_24, %dma_start3A_107, %dma_start3A_108] : memref<4x80x128xf32, #tpu.memory_space<vmem>> -> memref<1x80x128xf32, #tpu.memory_space<vmem>>
      %dma_start3A_110 = tpu.memref_squeeze %dma_start3A_109 : memref<1x80x128xf32, #tpu.memory_space<vmem>> -> memref<80x128xf32, #tpu.memory_space<vmem>>
      tpu.enqueue_dma source(%dma_start3A_110 : memref<80x128xf32, #tpu.memory_space<vmem>>) target(%dma_start3A_106 : memref<80x128xf32, #tpu.memory_space<vmem_shared>>) target_semaphore(%run_scoped3A_99 : memref<!tpu.dma_semaphore, #tpu.memory_space<semaphore_mem>>)
      %dma_wait3A = arith.constant 0 : i32
      %dma_wait3A_111 = arith.constant 0 : i32
      %dma_wait3A_112 = tpu.memref_slice %arg7[%run_scoped3A_24, %dma_wait3A, %dma_wait3A_111] : memref<4x80x128xf32, #tpu.memory_space<vmem>> -> memref<1x80x128xf32, #tpu.memory_space<vmem>>
      %dma_wait3A_113 = tpu.memref_squeeze %dma_wait3A_112 : memref<1x80x128xf32, #tpu.memory_space<vmem>> -> memref<80x128xf32, #tpu.memory_space<vmem>>
      %dma_wait3A_114 = arith.constant 0 : i32
      %dma_wait3A_115 = tpu.memref_slice %arg6[%add3A_23, %dma_wait3A_114] : memref<10240x128xf32, #tpu.memory_space<vmem_shared>> -> memref<80x128xf32, #tpu.memory_space<vmem_shared>>
      %dma_wait3A_116 = arith.constant 0 : i32
      %dma_wait3A_117 = tpu.memref_slice %arg6[%add3A_23, %dma_wait3A_116] : memref<10240x128xf32, #tpu.memory_space<vmem_shared>> -> memref<80x128xf32, #tpu.memory_space<vmem_shared>>
      %dma_wait3A_118 = arith.constant 0 : i32
      %dma_wait3A_119 = arith.constant 0 : i32
      %dma_wait3A_120 = tpu.memref_slice %arg7[%run_scoped3A_24, %dma_wait3A_118, %dma_wait3A_119] : memref<4x80x128xf32, #tpu.memory_space<vmem>> -> memref<1x80x128xf32, #tpu.memory_space<vmem>>
      %dma_wait3A_121 = tpu.memref_squeeze %dma_wait3A_120 : memref<1x80x128xf32, #tpu.memory_space<vmem>> -> memref<80x128xf32, #tpu.memory_space<vmem>>
      tpu.wait_dma2 semaphore(%run_scoped3A_99 : memref<!tpu.dma_semaphore, #tpu.memory_space<semaphore_mem>>) src(%dma_wait3A_121 : memref<80x128xf32, #tpu.memory_space<vmem>>) dst(%dma_wait3A_117 : memref<80x128xf32, #tpu.memory_space<vmem_shared>>)
      tpu.yield
    }) : () -> ()
    %mul3A_25 = arith.constant 640 : i32
    %mul3A_26 = arith.muli %arg1, %mul3A_25 : i32
    %add3A_27 = arith.constant 160 : i32
    %add3A_28 = arith.addi %mul3A_26, %add3A_27 : i32
    %run_scoped3A_29 = arith.constant 0 : i32
    "tpu.region"() ({
      %run_scoped3A_99 = tpu.sem_alloc : memref<!tpu.dma_semaphore, #tpu.memory_space<semaphore_mem>>
      %dma_start3A = arith.constant 0 : i32
      %dma_start3A_100 = arith.constant 0 : i32
      %dma_start3A_101 = tpu.memref_slice %arg7[%run_scoped3A_29, %dma_start3A, %dma_start3A_100] : memref<4x80x128xf32, #tpu.memory_space<vmem>> -> memref<1x80x128xf32, #tpu.memory_space<vmem>>
      %dma_start3A_102 = tpu.memref_squeeze %dma_start3A_101 : memref<1x80x128xf32, #tpu.memory_space<vmem>> -> memref<80x128xf32, #tpu.memory_space<vmem>>
      %dma_start3A_103 = arith.constant 0 : i32
      %dma_start3A_104 = tpu.memref_slice %arg6[%add3A_28, %dma_start3A_103] : memref<10240x128xf32, #tpu.memory_space<vmem_shared>> -> memref<80x128xf32, #tpu.memory_space<vmem_shared>>
      %dma_start3A_105 = arith.constant 0 : i32
      %dma_start3A_106 = tpu.memref_slice %arg6[%add3A_28, %dma_start3A_105] : memref<10240x128xf32, #tpu.memory_space<vmem_shared>> -> memref<80x128xf32, #tpu.memory_space<vmem_shared>>
      %dma_start3A_107 = arith.constant 0 : i32
      %dma_start3A_108 = arith.constant 0 : i32
      %dma_start3A_109 = tpu.memref_slice %arg7[%run_scoped3A_29, %dma_start3A_107, %dma_start3A_108] : memref<4x80x128xf32, #tpu.memory_space<vmem>> -> memref<1x80x128xf32, #tpu.memory_space<vmem>>
      %dma_start3A_110 = tpu.memref_squeeze %dma_start3A_109 : memref<1x80x128xf32, #tpu.memory_space<vmem>> -> memref<80x128xf32, #tpu.memory_space<vmem>>
      tpu.enqueue_dma source(%dma_start3A_110 : memref<80x128xf32, #tpu.memory_space<vmem>>) target(%dma_start3A_106 : memref<80x128xf32, #tpu.memory_space<vmem_shared>>) target_semaphore(%run_scoped3A_99 : memref<!tpu.dma_semaphore, #tpu.memory_space<semaphore_mem>>)
      %dma_wait3A = arith.constant 0 : i32
      %dma_wait3A_111 = arith.constant 0 : i32
      %dma_wait3A_112 = tpu.memref_slice %arg7[%run_scoped3A_29, %dma_wait3A, %dma_wait3A_111] : memref<4x80x128xf32, #tpu.memory_space<vmem>> -> memref<1x80x128xf32, #tpu.memory_space<vmem>>
      %dma_wait3A_113 = tpu.memref_squeeze %dma_wait3A_112 : memref<1x80x128xf32, #tpu.memory_space<vmem>> -> memref<80x128xf32, #tpu.memory_space<vmem>>
      %dma_wait3A_114 = arith.constant 0 : i32
      %dma_wait3A_115 = tpu.memref_slice %arg6[%add3A_28, %dma_wait3A_114] : memref<10240x128xf32, #tpu.memory_space<vmem_shared>> -> memref<80x128xf32, #tpu.memory_space<vmem_shared>>
      %dma_wait3A_116 = arith.constant 0 : i32
      %dma_wait3A_117 = tpu.memref_slice %arg6[%add3A_28, %dma_wait3A_116] : memref<10240x128xf32, #tpu.memory_space<vmem_shared>> -> memref<80x128xf32, #tpu.memory_space<vmem_shared>>
      %dma_wait3A_118 = arith.constant 0 : i32
      %dma_wait3A_119 = arith.constant 0 : i32
      %dma_wait3A_120 = tpu.memref_slice %arg7[%run_scoped3A_29, %dma_wait3A_118, %dma_wait3A_119] : memref<4x80x128xf32, #tpu.memory_space<vmem>> -> memref<1x80x128xf32, #tpu.memory_space<vmem>>
      %dma_wait3A_121 = tpu.memref_squeeze %dma_wait3A_120 : memref<1x80x128xf32, #tpu.memory_space<vmem>> -> memref<80x128xf32, #tpu.memory_space<vmem>>
      tpu.wait_dma2 semaphore(%run_scoped3A_99 : memref<!tpu.dma_semaphore, #tpu.memory_space<semaphore_mem>>) src(%dma_wait3A_121 : memref<80x128xf32, #tpu.memory_space<vmem>>) dst(%dma_wait3A_117 : memref<80x128xf32, #tpu.memory_space<vmem_shared>>)
      tpu.yield
    }) : () -> ()
    %mul3A_30 = arith.constant 640 : i32
    %mul3A_31 = arith.muli %arg1, %mul3A_30 : i32
    %add3A_32 = arith.constant 240 : i32
    %add3A_33 = arith.addi %mul3A_31, %add3A_32 : i32
    %run_scoped3A_34 = arith.constant 0 : i32
    "tpu.region"() ({
      %run_scoped3A_99 = tpu.sem_alloc : memref<!tpu.dma_semaphore, #tpu.memory_space<semaphore_mem>>
      %dma_start3A = arith.constant 0 : i32
      %dma_start3A_100 = arith.constant 0 : i32
      %dma_start3A_101 = tpu.memref_slice %arg7[%run_scoped3A_34, %dma_start3A, %dma_start3A_100] : memref<4x80x128xf32, #tpu.memory_space<vmem>> -> memref<1x80x128xf32, #tpu.memory_space<vmem>>
      %dma_start3A_102 = tpu.memref_squeeze %dma_start3A_101 : memref<1x80x128xf32, #tpu.memory_space<vmem>> -> memref<80x128xf32, #tpu.memory_space<vmem>>
      %dma_start3A_103 = arith.constant 0 : i32
      %dma_start3A_104 = tpu.memref_slice %arg6[%add3A_33, %dma_start3A_103] : memref<10240x128xf32, #tpu.memory_space<vmem_shared>> -> memref<80x128xf32, #tpu.memory_space<vmem_shared>>
      %dma_start3A_105 = arith.constant 0 : i32
      %dma_start3A_106 = tpu.memref_slice %arg6[%add3A_33, %dma_start3A_105] : memref<10240x128xf32, #tpu.memory_space<vmem_shared>> -> memref<80x128xf32, #tpu.memory_space<vmem_shared>>
      %dma_start3A_107 = arith.constant 0 : i32
      %dma_start3A_108 = arith.constant 0 : i32
      %dma_start3A_109 = tpu.memref_slice %arg7[%run_scoped3A_34, %dma_start3A_107, %dma_start3A_108] : memref<4x80x128xf32, #tpu.memory_space<vmem>> -> memref<1x80x128xf32, #tpu.memory_space<vmem>>
      %dma_start3A_110 = tpu.memref_squeeze %dma_start3A_109 : memref<1x80x128xf32, #tpu.memory_space<vmem>> -> memref<80x128xf32, #tpu.memory_space<vmem>>
      tpu.enqueue_dma source(%dma_start3A_110 : memref<80x128xf32, #tpu.memory_space<vmem>>) target(%dma_start3A_106 : memref<80x128xf32, #tpu.memory_space<vmem_shared>>) target_semaphore(%run_scoped3A_99 : memref<!tpu.dma_semaphore, #tpu.memory_space<semaphore_mem>>)
      %dma_wait3A = arith.constant 0 : i32
      %dma_wait3A_111 = arith.constant 0 : i32
      %dma_wait3A_112 = tpu.memref_slice %arg7[%run_scoped3A_34, %dma_wait3A, %dma_wait3A_111] : memref<4x80x128xf32, #tpu.memory_space<vmem>> -> memref<1x80x128xf32, #tpu.memory_space<vmem>>
      %dma_wait3A_113 = tpu.memref_squeeze %dma_wait3A_112 : memref<1x80x128xf32, #tpu.memory_space<vmem>> -> memref<80x128xf32, #tpu.memory_space<vmem>>
      %dma_wait3A_114 = arith.constant 0 : i32
      %dma_wait3A_115 = tpu.memref_slice %arg6[%add3A_33, %dma_wait3A_114] : memref<10240x128xf32, #tpu.memory_space<vmem_shared>> -> memref<80x128xf32, #tpu.memory_space<vmem_shared>>
      %dma_wait3A_116 = arith.constant 0 : i32
      %dma_wait3A_117 = tpu.memref_slice %arg6[%add3A_33, %dma_wait3A_116] : memref<10240x128xf32, #tpu.memory_space<vmem_shared>> -> memref<80x128xf32, #tpu.memory_space<vmem_shared>>
      %dma_wait3A_118 = arith.constant 0 : i32
      %dma_wait3A_119 = arith.constant 0 : i32
      %dma_wait3A_120 = tpu.memref_slice %arg7[%run_scoped3A_34, %dma_wait3A_118, %dma_wait3A_119] : memref<4x80x128xf32, #tpu.memory_space<vmem>> -> memref<1x80x128xf32, #tpu.memory_space<vmem>>
      %dma_wait3A_121 = tpu.memref_squeeze %dma_wait3A_120 : memref<1x80x128xf32, #tpu.memory_space<vmem>> -> memref<80x128xf32, #tpu.memory_space<vmem>>
      tpu.wait_dma2 semaphore(%run_scoped3A_99 : memref<!tpu.dma_semaphore, #tpu.memory_space<semaphore_mem>>) src(%dma_wait3A_121 : memref<80x128xf32, #tpu.memory_space<vmem>>) dst(%dma_wait3A_117 : memref<80x128xf32, #tpu.memory_space<vmem_shared>>)
      tpu.yield
    }) : () -> ()
    %mul3A_35 = arith.constant 640 : i32
    %mul3A_36 = arith.muli %arg1, %mul3A_35 : i32
    %add3A_37 = arith.constant 320 : i32
    %add3A_38 = arith.addi %mul3A_36, %add3A_37 : i32
    %run_scoped3A_39 = arith.constant 0 : i32
    "tpu.region"() ({
      %run_scoped3A_99 = tpu.sem_alloc : memref<!tpu.dma_semaphore, #tpu.memory_space<semaphore_mem>>
      %dma_start3A = arith.constant 0 : i32
      %dma_start3A_100 = arith.constant 0 : i32
      %dma_start3A_101 = tpu.memref_slice %arg7[%run_scoped3A_39, %dma_start3A, %dma_start3A_100] : memref<4x80x128xf32, #tpu.memory_space<vmem>> -> memref<1x80x128xf32, #tpu.memory_space<vmem>>
      %dma_start3A_102 = tpu.memref_squeeze %dma_start3A_101 : memref<1x80x128xf32, #tpu.memory_space<vmem>> -> memref<80x128xf32, #tpu.memory_space<vmem>>
      %dma_start3A_103 = arith.constant 0 : i32
      %dma_start3A_104 = tpu.memref_slice %arg6[%add3A_38, %dma_start3A_103] : memref<10240x128xf32, #tpu.memory_space<vmem_shared>> -> memref<80x128xf32, #tpu.memory_space<vmem_shared>>
      %dma_start3A_105 = arith.constant 0 : i32
      %dma_start3A_106 = tpu.memref_slice %arg6[%add3A_38, %dma_start3A_105] : memref<10240x128xf32, #tpu.memory_space<vmem_shared>> -> memref<80x128xf32, #tpu.memory_space<vmem_shared>>
      %dma_start3A_107 = arith.constant 0 : i32
      %dma_start3A_108 = arith.constant 0 : i32
      %dma_start3A_109 = tpu.memref_slice %arg7[%run_scoped3A_39, %dma_start3A_107, %dma_start3A_108] : memref<4x80x128xf32, #tpu.memory_space<vmem>> -> memref<1x80x128xf32, #tpu.memory_space<vmem>>
      %dma_start3A_110 = tpu.memref_squeeze %dma_start3A_109 : memref<1x80x128xf32, #tpu.memory_space<vmem>> -> memref<80x128xf32, #tpu.memory_space<vmem>>
      tpu.enqueue_dma source(%dma_start3A_110 : memref<80x128xf32, #tpu.memory_space<vmem>>) target(%dma_start3A_106 : memref<80x128xf32, #tpu.memory_space<vmem_shared>>) target_semaphore(%run_scoped3A_99 : memref<!tpu.dma_semaphore, #tpu.memory_space<semaphore_mem>>)
      %dma_wait3A = arith.constant 0 : i32
      %dma_wait3A_111 = arith.constant 0 : i32
      %dma_wait3A_112 = tpu.memref_slice %arg7[%run_scoped3A_39, %dma_wait3A, %dma_wait3A_111] : memref<4x80x128xf32, #tpu.memory_space<vmem>> -> memref<1x80x128xf32, #tpu.memory_space<vmem>>
      %dma_wait3A_113 = tpu.memref_squeeze %dma_wait3A_112 : memref<1x80x128xf32, #tpu.memory_space<vmem>> -> memref<80x128xf32, #tpu.memory_space<vmem>>
      %dma_wait3A_114 = arith.constant 0 : i32
      %dma_wait3A_115 = tpu.memref_slice %arg6[%add3A_38, %dma_wait3A_114] : memref<10240x128xf32, #tpu.memory_space<vmem_shared>> -> memref<80x128xf32, #tpu.memory_space<vmem_shared>>
      %dma_wait3A_116 = arith.constant 0 : i32
      %dma_wait3A_117 = tpu.memref_slice %arg6[%add3A_38, %dma_wait3A_116] : memref<10240x128xf32, #tpu.memory_space<vmem_shared>> -> memref<80x128xf32, #tpu.memory_space<vmem_shared>>
      %dma_wait3A_118 = arith.constant 0 : i32
      %dma_wait3A_119 = arith.constant 0 : i32
      %dma_wait3A_120 = tpu.memref_slice %arg7[%run_scoped3A_39, %dma_wait3A_118, %dma_wait3A_119] : memref<4x80x128xf32, #tpu.memory_space<vmem>> -> memref<1x80x128xf32, #tpu.memory_space<vmem>>
      %dma_wait3A_121 = tpu.memref_squeeze %dma_wait3A_120 : memref<1x80x128xf32, #tpu.memory_space<vmem>> -> memref<80x128xf32, #tpu.memory_space<vmem>>
      tpu.wait_dma2 semaphore(%run_scoped3A_99 : memref<!tpu.dma_semaphore, #tpu.memory_space<semaphore_mem>>) src(%dma_wait3A_121 : memref<80x128xf32, #tpu.memory_space<vmem>>) dst(%dma_wait3A_117 : memref<80x128xf32, #tpu.memory_space<vmem_shared>>)
      tpu.yield
    }) : () -> ()
    %mul3A_40 = arith.constant 640 : i32
    %mul3A_41 = arith.muli %arg1, %mul3A_40 : i32
    %add3A_42 = arith.constant 400 : i32
    %add3A_43 = arith.addi %mul3A_41, %add3A_42 : i32
    %run_scoped3A_44 = arith.constant 0 : i32
    "tpu.region"() ({
      %run_scoped3A_99 = tpu.sem_alloc : memref<!tpu.dma_semaphore, #tpu.memory_space<semaphore_mem>>
      %dma_start3A = arith.constant 0 : i32
      %dma_start3A_100 = arith.constant 0 : i32
      %dma_start3A_101 = tpu.memref_slice %arg7[%run_scoped3A_44, %dma_start3A, %dma_start3A_100] : memref<4x80x128xf32, #tpu.memory_space<vmem>> -> memref<1x80x128xf32, #tpu.memory_space<vmem>>
      %dma_start3A_102 = tpu.memref_squeeze %dma_start3A_101 : memref<1x80x128xf32, #tpu.memory_space<vmem>> -> memref<80x128xf32, #tpu.memory_space<vmem>>
      %dma_start3A_103 = arith.constant 0 : i32
      %dma_start3A_104 = tpu.memref_slice %arg6[%add3A_43, %dma_start3A_103] : memref<10240x128xf32, #tpu.memory_space<vmem_shared>> -> memref<80x128xf32, #tpu.memory_space<vmem_shared>>
      %dma_start3A_105 = arith.constant 0 : i32
      %dma_start3A_106 = tpu.memref_slice %arg6[%add3A_43, %dma_start3A_105] : memref<10240x128xf32, #tpu.memory_space<vmem_shared>> -> memref<80x128xf32, #tpu.memory_space<vmem_shared>>
      %dma_start3A_107 = arith.constant 0 : i32
      %dma_start3A_108 = arith.constant 0 : i32
      %dma_start3A_109 = tpu.memref_slice %arg7[%run_scoped3A_44, %dma_start3A_107, %dma_start3A_108] : memref<4x80x128xf32, #tpu.memory_space<vmem>> -> memref<1x80x128xf32, #tpu.memory_space<vmem>>
      %dma_start3A_110 = tpu.memref_squeeze %dma_start3A_109 : memref<1x80x128xf32, #tpu.memory_space<vmem>> -> memref<80x128xf32, #tpu.memory_space<vmem>>
      tpu.enqueue_dma source(%dma_start3A_110 : memref<80x128xf32, #tpu.memory_space<vmem>>) target(%dma_start3A_106 : memref<80x128xf32, #tpu.memory_space<vmem_shared>>) target_semaphore(%run_scoped3A_99 : memref<!tpu.dma_semaphore, #tpu.memory_space<semaphore_mem>>)
      %dma_wait3A = arith.constant 0 : i32
      %dma_wait3A_111 = arith.constant 0 : i32
      %dma_wait3A_112 = tpu.memref_slice %arg7[%run_scoped3A_44, %dma_wait3A, %dma_wait3A_111] : memref<4x80x128xf32, #tpu.memory_space<vmem>> -> memref<1x80x128xf32, #tpu.memory_space<vmem>>
      %dma_wait3A_113 = tpu.memref_squeeze %dma_wait3A_112 : memref<1x80x128xf32, #tpu.memory_space<vmem>> -> memref<80x128xf32, #tpu.memory_space<vmem>>
      %dma_wait3A_114 = arith.constant 0 : i32
      %dma_wait3A_115 = tpu.memref_slice %arg6[%add3A_43, %dma_wait3A_114] : memref<10240x128xf32, #tpu.memory_space<vmem_shared>> -> memref<80x128xf32, #tpu.memory_space<vmem_shared>>
      %dma_wait3A_116 = arith.constant 0 : i32
      %dma_wait3A_117 = tpu.memref_slice %arg6[%add3A_43, %dma_wait3A_116] : memref<10240x128xf32, #tpu.memory_space<vmem_shared>> -> memref<80x128xf32, #tpu.memory_space<vmem_shared>>
      %dma_wait3A_118 = arith.constant 0 : i32
      %dma_wait3A_119 = arith.constant 0 : i32
      %dma_wait3A_120 = tpu.memref_slice %arg7[%run_scoped3A_44, %dma_wait3A_118, %dma_wait3A_119] : memref<4x80x128xf32, #tpu.memory_space<vmem>> -> memref<1x80x128xf32, #tpu.memory_space<vmem>>
      %dma_wait3A_121 = tpu.memref_squeeze %dma_wait3A_120 : memref<1x80x128xf32, #tpu.memory_space<vmem>> -> memref<80x128xf32, #tpu.memory_space<vmem>>
      tpu.wait_dma2 semaphore(%run_scoped3A_99 : memref<!tpu.dma_semaphore, #tpu.memory_space<semaphore_mem>>) src(%dma_wait3A_121 : memref<80x128xf32, #tpu.memory_space<vmem>>) dst(%dma_wait3A_117 : memref<80x128xf32, #tpu.memory_space<vmem_shared>>)
      tpu.yield
    }) : () -> ()
    %mul3A_45 = arith.constant 640 : i32
    %mul3A_46 = arith.muli %arg1, %mul3A_45 : i32
    %add3A_47 = arith.constant 480 : i32
    %add3A_48 = arith.addi %mul3A_46, %add3A_47 : i32
    %run_scoped3A_49 = arith.constant 0 : i32
    "tpu.region"() ({
      %run_scoped3A_99 = tpu.sem_alloc : memref<!tpu.dma_semaphore, #tpu.memory_space<semaphore_mem>>
      %dma_start3A = arith.constant 0 : i32
      %dma_start3A_100 = arith.constant 0 : i32
      %dma_start3A_101 = tpu.memref_slice %arg7[%run_scoped3A_49, %dma_start3A, %dma_start3A_100] : memref<4x80x128xf32, #tpu.memory_space<vmem>> -> memref<1x80x128xf32, #tpu.memory_space<vmem>>
      %dma_start3A_102 = tpu.memref_squeeze %dma_start3A_101 : memref<1x80x128xf32, #tpu.memory_space<vmem>> -> memref<80x128xf32, #tpu.memory_space<vmem>>
      %dma_start3A_103 = arith.constant 0 : i32
      %dma_start3A_104 = tpu.memref_slice %arg6[%add3A_48, %dma_start3A_103] : memref<10240x128xf32, #tpu.memory_space<vmem_shared>> -> memref<80x128xf32, #tpu.memory_space<vmem_shared>>
      %dma_start3A_105 = arith.constant 0 : i32
      %dma_start3A_106 = tpu.memref_slice %arg6[%add3A_48, %dma_start3A_105] : memref<10240x128xf32, #tpu.memory_space<vmem_shared>> -> memref<80x128xf32, #tpu.memory_space<vmem_shared>>
      %dma_start3A_107 = arith.constant 0 : i32
      %dma_start3A_108 = arith.constant 0 : i32
      %dma_start3A_109 = tpu.memref_slice %arg7[%run_scoped3A_49, %dma_start3A_107, %dma_start3A_108] : memref<4x80x128xf32, #tpu.memory_space<vmem>> -> memref<1x80x128xf32, #tpu.memory_space<vmem>>
      %dma_start3A_110 = tpu.memref_squeeze %dma_start3A_109 : memref<1x80x128xf32, #tpu.memory_space<vmem>> -> memref<80x128xf32, #tpu.memory_space<vmem>>
      tpu.enqueue_dma source(%dma_start3A_110 : memref<80x128xf32, #tpu.memory_space<vmem>>) target(%dma_start3A_106 : memref<80x128xf32, #tpu.memory_space<vmem_shared>>) target_semaphore(%run_scoped3A_99 : memref<!tpu.dma_semaphore, #tpu.memory_space<semaphore_mem>>)
      %dma_wait3A = arith.constant 0 : i32
      %dma_wait3A_111 = arith.constant 0 : i32
      %dma_wait3A_112 = tpu.memref_slice %arg7[%run_scoped3A_49, %dma_wait3A, %dma_wait3A_111] : memref<4x80x128xf32, #tpu.memory_space<vmem>> -> memref<1x80x128xf32, #tpu.memory_space<vmem>>
      %dma_wait3A_113 = tpu.memref_squeeze %dma_wait3A_112 : memref<1x80x128xf32, #tpu.memory_space<vmem>> -> memref<80x128xf32, #tpu.memory_space<vmem>>
      %dma_wait3A_114 = arith.constant 0 : i32
      %dma_wait3A_115 = tpu.memref_slice %arg6[%add3A_48, %dma_wait3A_114] : memref<10240x128xf32, #tpu.memory_space<vmem_shared>> -> memref<80x128xf32, #tpu.memory_space<vmem_shared>>
      %dma_wait3A_116 = arith.constant 0 : i32
      %dma_wait3A_117 = tpu.memref_slice %arg6[%add3A_48, %dma_wait3A_116] : memref<10240x128xf32, #tpu.memory_space<vmem_shared>> -> memref<80x128xf32, #tpu.memory_space<vmem_shared>>
      %dma_wait3A_118 = arith.constant 0 : i32
      %dma_wait3A_119 = arith.constant 0 : i32
      %dma_wait3A_120 = tpu.memref_slice %arg7[%run_scoped3A_49, %dma_wait3A_118, %dma_wait3A_119] : memref<4x80x128xf32, #tpu.memory_space<vmem>> -> memref<1x80x128xf32, #tpu.memory_space<vmem>>
      %dma_wait3A_121 = tpu.memref_squeeze %dma_wait3A_120 : memref<1x80x128xf32, #tpu.memory_space<vmem>> -> memref<80x128xf32, #tpu.memory_space<vmem>>
      tpu.wait_dma2 semaphore(%run_scoped3A_99 : memref<!tpu.dma_semaphore, #tpu.memory_space<semaphore_mem>>) src(%dma_wait3A_121 : memref<80x128xf32, #tpu.memory_space<vmem>>) dst(%dma_wait3A_117 : memref<80x128xf32, #tpu.memory_space<vmem_shared>>)
      tpu.yield
    }) : () -> ()
    %mul3A_50 = arith.constant 640 : i32
    %mul3A_51 = arith.muli %arg1, %mul3A_50 : i32
    %add3A_52 = arith.constant 560 : i32
    %add3A_53 = arith.addi %mul3A_51, %add3A_52 : i32
    %run_scoped3A_54 = arith.constant 0 : i32
    "tpu.region"() ({
      %run_scoped3A_99 = tpu.sem_alloc : memref<!tpu.dma_semaphore, #tpu.memory_space<semaphore_mem>>
      %dma_start3A = arith.constant 0 : i32
      %dma_start3A_100 = arith.constant 0 : i32
      %dma_start3A_101 = tpu.memref_slice %arg7[%run_scoped3A_54, %dma_start3A, %dma_start3A_100] : memref<4x80x128xf32, #tpu.memory_space<vmem>> -> memref<1x80x128xf32, #tpu.memory_space<vmem>>
      %dma_start3A_102 = tpu.memref_squeeze %dma_start3A_101 : memref<1x80x128xf32, #tpu.memory_space<vmem>> -> memref<80x128xf32, #tpu.memory_space<vmem>>
      %dma_start3A_103 = arith.constant 0 : i32
      %dma_start3A_104 = tpu.memref_slice %arg6[%add3A_53, %dma_start3A_103] : memref<10240x128xf32, #tpu.memory_space<vmem_shared>> -> memref<80x128xf32, #tpu.memory_space<vmem_shared>>
      %dma_start3A_105 = arith.constant 0 : i32
      %dma_start3A_106 = tpu.memref_slice %arg6[%add3A_53, %dma_start3A_105] : memref<10240x128xf32, #tpu.memory_space<vmem_shared>> -> memref<80x128xf32, #tpu.memory_space<vmem_shared>>
      %dma_start3A_107 = arith.constant 0 : i32
      %dma_start3A_108 = arith.constant 0 : i32
      %dma_start3A_109 = tpu.memref_slice %arg7[%run_scoped3A_54, %dma_start3A_107, %dma_start3A_108] : memref<4x80x128xf32, #tpu.memory_space<vmem>> -> memref<1x80x128xf32, #tpu.memory_space<vmem>>
      %dma_start3A_110 = tpu.memref_squeeze %dma_start3A_109 : memref<1x80x128xf32, #tpu.memory_space<vmem>> -> memref<80x128xf32, #tpu.memory_space<vmem>>
      tpu.enqueue_dma source(%dma_start3A_110 : memref<80x128xf32, #tpu.memory_space<vmem>>) target(%dma_start3A_106 : memref<80x128xf32, #tpu.memory_space<vmem_shared>>) target_semaphore(%run_scoped3A_99 : memref<!tpu.dma_semaphore, #tpu.memory_space<semaphore_mem>>)
      %dma_wait3A = arith.constant 0 : i32
      %dma_wait3A_111 = arith.constant 0 : i32
      %dma_wait3A_112 = tpu.memref_slice %arg7[%run_scoped3A_54, %dma_wait3A, %dma_wait3A_111] : memref<4x80x128xf32, #tpu.memory_space<vmem>> -> memref<1x80x128xf32, #tpu.memory_space<vmem>>
      %dma_wait3A_113 = tpu.memref_squeeze %dma_wait3A_112 : memref<1x80x128xf32, #tpu.memory_space<vmem>> -> memref<80x128xf32, #tpu.memory_space<vmem>>
      %dma_wait3A_114 = arith.constant 0 : i32
      %dma_wait3A_115 = tpu.memref_slice %arg6[%add3A_53, %dma_wait3A_114] : memref<10240x128xf32, #tpu.memory_space<vmem_shared>> -> memref<80x128xf32, #tpu.memory_space<vmem_shared>>
      %dma_wait3A_116 = arith.constant 0 : i32
      %dma_wait3A_117 = tpu.memref_slice %arg6[%add3A_53, %dma_wait3A_116] : memref<10240x128xf32, #tpu.memory_space<vmem_shared>> -> memref<80x128xf32, #tpu.memory_space<vmem_shared>>
      %dma_wait3A_118 = arith.constant 0 : i32
      %dma_wait3A_119 = arith.constant 0 : i32
      %dma_wait3A_120 = tpu.memref_slice %arg7[%run_scoped3A_54, %dma_wait3A_118, %dma_wait3A_119] : memref<4x80x128xf32, #tpu.memory_space<vmem>> -> memref<1x80x128xf32, #tpu.memory_space<vmem>>
      %dma_wait3A_121 = tpu.memref_squeeze %dma_wait3A_120 : memref<1x80x128xf32, #tpu.memory_space<vmem>> -> memref<80x128xf32, #tpu.memory_space<vmem>>
      tpu.wait_dma2 semaphore(%run_scoped3A_99 : memref<!tpu.dma_semaphore, #tpu.memory_space<semaphore_mem>>) src(%dma_wait3A_121 : memref<80x128xf32, #tpu.memory_space<vmem>>) dst(%dma_wait3A_117 : memref<80x128xf32, #tpu.memory_space<vmem_shared>>)
      tpu.yield
    }) : () -> ()
    %barrier3A = arith.constant 0 : index
    tpu.barrier barrier_id(%barrier3A)
    %while3A = arith.constant 0 : i32
    %while3A_55 = arith.constant 0 : i32
    %while3A_56 = arith.subi %select_n3A, %while3A : i32
    %while3A_57 = arith.addi %while3A, %while3A_56 : i32
    %while3A_58 = arith.constant 1 : i32
    %while3A_59 = arith.divsi %while3A_56, %while3A_58 : i32
    %while3A_60 = arith.muli %while3A_59, %while3A_58 : i32
    %while3A_61 = arith.addi %while3A, %while3A_60 : i32
    %while3A_62 = arith.constant 1 : i32
    %while3A_63 = scf.for %while3A_99 = %while3A to %while3A_61 step %while3A_62 iter_args(%while3A_100 = %while3A_55) -> (i32)  : i32 {
      %mul3A_101 = arith.constant 32 : i32
      %mul3A_102 = arith.muli %while3A_99, %mul3A_101 : i32
      %add3A_103 = arith.addi %select_n3A_8, %mul3A_102 : i32
      "tpu.region"() ({
        %run_scoped3A_302 = tpu.sem_alloc : memref<!tpu.dma_semaphore, #tpu.memory_space<semaphore_mem>>
        %dma_start3A_303 = arith.constant 0 : i32
        %dma_start3A_304 = tpu.memref_slice %arg3[%add3A_103, %dma_start3A_303] : memref<4096x80xi32, #tpu.memory_space<hbm>> -> memref<32x80xi32, #tpu.memory_space<hbm>>
        %dma_start3A_305 = arith.constant 0 : i32
        %dma_start3A_306 = tpu.memref_slice %arg3[%add3A_103, %dma_start3A_305] : memref<4096x80xi32, #tpu.memory_space<hbm>> -> memref<32x80xi32, #tpu.memory_space<hbm>>
        tpu.enqueue_dma source(%dma_start3A_306 : memref<32x80xi32, #tpu.memory_space<hbm>>) target(%arg8 : memref<32x80xi32, #tpu.memory_space<vmem>>) target_semaphore(%run_scoped3A_302 : memref<!tpu.dma_semaphore, #tpu.memory_space<semaphore_mem>>)
        %dma_wait3A_307 = arith.constant 0 : i32
        %dma_wait3A_308 = tpu.memref_slice %arg3[%add3A_103, %dma_wait3A_307] : memref<4096x80xi32, #tpu.memory_space<hbm>> -> memref<32x80xi32, #tpu.memory_space<hbm>>
        %dma_wait3A_309 = arith.constant 0 : i32
        %dma_wait3A_310 = tpu.memref_slice %arg3[%add3A_103, %dma_wait3A_309] : memref<4096x80xi32, #tpu.memory_space<hbm>> -> memref<32x80xi32, #tpu.memory_space<hbm>>
        tpu.wait_dma2 semaphore(%run_scoped3A_302 : memref<!tpu.dma_semaphore, #tpu.memory_space<semaphore_mem>>) src(%dma_wait3A_310 : memref<32x80xi32, #tpu.memory_space<hbm>>) dst(%arg8 : memref<32x80xi32, #tpu.memory_space<vmem>>)
        tpu.yield
      }) : () -> ()
      "tpu.region"() ({
        %run_scoped3A_302 = tpu.sem_alloc : memref<!tpu.dma_semaphore, #tpu.memory_space<semaphore_mem>>
        %dma_start3A_303 = arith.constant 0 : i32
        %dma_start3A_304 = tpu.memref_slice %arg4[%add3A_103, %dma_start3A_303] : memref<4096x80xi32, #tpu.memory_space<hbm>> -> memref<32x80xi32, #tpu.memory_space<hbm>>
        %dma_start3A_305 = arith.constant 0 : i32
        %dma_start3A_306 = tpu.memref_slice %arg4[%add3A_103, %dma_start3A_305] : memref<4096x80xi32, #tpu.memory_space<hbm>> -> memref<32x80xi32, #tpu.memory_space<hbm>>
        tpu.enqueue_dma source(%dma_start3A_306 : memref<32x80xi32, #tpu.memory_space<hbm>>) target(%arg9 : memref<32x80xi32, #tpu.memory_space<vmem>>) target_semaphore(%run_scoped3A_302 : memref<!tpu.dma_semaphore, #tpu.memory_space<semaphore_mem>>)
        %dma_wait3A_307 = arith.constant 0 : i32
        %dma_wait3A_308 = tpu.memref_slice %arg4[%add3A_103, %dma_wait3A_307] : memref<4096x80xi32, #tpu.memory_space<hbm>> -> memref<32x80xi32, #tpu.memory_space<hbm>>
        %dma_wait3A_309 = arith.constant 0 : i32
        %dma_wait3A_310 = tpu.memref_slice %arg4[%add3A_103, %dma_wait3A_309] : memref<4096x80xi32, #tpu.memory_space<hbm>> -> memref<32x80xi32, #tpu.memory_space<hbm>>
        tpu.wait_dma2 semaphore(%run_scoped3A_302 : memref<!tpu.dma_semaphore, #tpu.memory_space<semaphore_mem>>) src(%dma_wait3A_310 : memref<32x80xi32, #tpu.memory_space<hbm>>) dst(%arg9 : memref<32x80xi32, #tpu.memory_space<vmem>>)
        tpu.yield
      }) : () -> ()
      %dma_start3A = arith.constant 0 : i32
      %dma_start3A_104 = arith.constant 0 : i32
      %dma_start3A_105 = arith.constant 0 : i32
      %dma_start3A_106 = arith.constant 0 : i32
      %dma_start3A_107 = tpu.memref_slice %arg7[%dma_start3A_104, %dma_start3A_105, %dma_start3A_106] : memref<4x80x128xf32, #tpu.memory_space<vmem>> -> memref<1x80x128xf32, #tpu.memory_space<vmem>>
      %dma_start3A_108 = tpu.memref_squeeze %dma_start3A_107 : memref<1x80x128xf32, #tpu.memory_space<vmem>> -> memref<80x128xf32, #tpu.memory_space<vmem>>
      %dma_start3A_109 = arith.constant 0 : i32
      %dma_start3A_110 = tpu.memref_slice %arg8[%dma_start3A, %dma_start3A_109] : memref<32x80xi32, #tpu.memory_space<vmem>> -> memref<1x80xi32, #tpu.memory_space<vmem>>
      %dma_start3A_111 = tpu.memref_squeeze %dma_start3A_110 : memref<1x80xi32, #tpu.memory_space<vmem>> -> memref<80xi32, #tpu.memory_space<vmem>>
      %dma_start3A_112 = arith.constant 0 : i32
      %dma_start3A_113 = arith.constant 0 : i32
      %dma_start3A_114 = tpu.memref_slice %arg2[%dma_start3A_112, %dma_start3A_113] : memref<10240x128xf32, #tpu.memory_space<hbm>> -> memref<10240x128xf32, #tpu.memory_space<hbm>>
      tpu.enqueue_indirect_dma source(%dma_start3A_114 : memref<10240x128xf32, #tpu.memory_space<hbm>>) target(%dma_start3A_108 : memref<80x128xf32, #tpu.memory_space<vmem>>) offsets(%dma_start3A_111 : memref<80xi32, #tpu.memory_space<vmem>>) semaphore(%arg10 : memref<!tpu.dma_semaphore, #tpu.memory_space<semaphore_mem>>)
      %dma_start3A_115 = arith.constant 1 : i32
      %dma_start3A_116 = arith.constant 1 : i32
      %dma_start3A_117 = arith.constant 0 : i32
      %dma_start3A_118 = arith.constant 0 : i32
      %dma_start3A_119 = tpu.memref_slice %arg7[%dma_start3A_116, %dma_start3A_117, %dma_start3A_118] : memref<4x80x128xf32, #tpu.memory_space<vmem>> -> memref<1x80x128xf32, #tpu.memory_space<vmem>>
      %dma_start3A_120 = tpu.memref_squeeze %dma_start3A_119 : memref<1x80x128xf32, #tpu.memory_space<vmem>> -> memref<80x128xf32, #tpu.memory_space<vmem>>
      %dma_start3A_121 = arith.constant 0 : i32
      %dma_start3A_122 = tpu.memref_slice %arg8[%dma_start3A_115, %dma_start3A_121] : memref<32x80xi32, #tpu.memory_space<vmem>> -> memref<1x80xi32, #tpu.memory_space<vmem>>
      %dma_start3A_123 = tpu.memref_squeeze %dma_start3A_122 : memref<1x80xi32, #tpu.memory_space<vmem>> -> memref<80xi32, #tpu.memory_space<vmem>>
      %dma_start3A_124 = arith.constant 0 : i32
      %dma_start3A_125 = arith.constant 0 : i32
      %dma_start3A_126 = tpu.memref_slice %arg2[%dma_start3A_124, %dma_start3A_125] : memref<10240x128xf32, #tpu.memory_space<hbm>> -> memref<10240x128xf32, #tpu.memory_space<hbm>>
      tpu.enqueue_indirect_dma source(%dma_start3A_126 : memref<10240x128xf32, #tpu.memory_space<hbm>>) target(%dma_start3A_120 : memref<80x128xf32, #tpu.memory_space<vmem>>) offsets(%dma_start3A_123 : memref<80xi32, #tpu.memory_space<vmem>>) semaphore(%arg11 : memref<!tpu.dma_semaphore, #tpu.memory_space<semaphore_mem>>)
      %dma_start3A_127 = arith.constant 2 : i32
      %dma_start3A_128 = arith.constant 2 : i32
      %dma_start3A_129 = arith.constant 0 : i32
      %dma_start3A_130 = arith.constant 0 : i32
      %dma_start3A_131 = tpu.memref_slice %arg7[%dma_start3A_128, %dma_start3A_129, %dma_start3A_130] : memref<4x80x128xf32, #tpu.memory_space<vmem>> -> memref<1x80x128xf32, #tpu.memory_space<vmem>>
      %dma_start3A_132 = tpu.memref_squeeze %dma_start3A_131 : memref<1x80x128xf32, #tpu.memory_space<vmem>> -> memref<80x128xf32, #tpu.memory_space<vmem>>
      %dma_start3A_133 = arith.constant 0 : i32
      %dma_start3A_134 = tpu.memref_slice %arg8[%dma_start3A_127, %dma_start3A_133] : memref<32x80xi32, #tpu.memory_space<vmem>> -> memref<1x80xi32, #tpu.memory_space<vmem>>
      %dma_start3A_135 = tpu.memref_squeeze %dma_start3A_134 : memref<1x80xi32, #tpu.memory_space<vmem>> -> memref<80xi32, #tpu.memory_space<vmem>>
      %dma_start3A_136 = arith.constant 0 : i32
      %dma_start3A_137 = arith.constant 0 : i32
      %dma_start3A_138 = tpu.memref_slice %arg2[%dma_start3A_136, %dma_start3A_137] : memref<10240x128xf32, #tpu.memory_space<hbm>> -> memref<10240x128xf32, #tpu.memory_space<hbm>>
      tpu.enqueue_indirect_dma source(%dma_start3A_138 : memref<10240x128xf32, #tpu.memory_space<hbm>>) target(%dma_start3A_132 : memref<80x128xf32, #tpu.memory_space<vmem>>) offsets(%dma_start3A_135 : memref<80xi32, #tpu.memory_space<vmem>>) semaphore(%arg12 : memref<!tpu.dma_semaphore, #tpu.memory_space<semaphore_mem>>)
      %dma_start3A_139 = arith.constant 3 : i32
      %dma_start3A_140 = arith.constant 3 : i32
      %dma_start3A_141 = arith.constant 0 : i32
      %dma_start3A_142 = arith.constant 0 : i32
      %dma_start3A_143 = tpu.memref_slice %arg7[%dma_start3A_140, %dma_start3A_141, %dma_start3A_142] : memref<4x80x128xf32, #tpu.memory_space<vmem>> -> memref<1x80x128xf32, #tpu.memory_space<vmem>>
      %dma_start3A_144 = tpu.memref_squeeze %dma_start3A_143 : memref<1x80x128xf32, #tpu.memory_space<vmem>> -> memref<80x128xf32, #tpu.memory_space<vmem>>
      %dma_start3A_145 = arith.constant 0 : i32
      %dma_start3A_146 = tpu.memref_slice %arg8[%dma_start3A_139, %dma_start3A_145] : memref<32x80xi32, #tpu.memory_space<vmem>> -> memref<1x80xi32, #tpu.memory_space<vmem>>
      %dma_start3A_147 = tpu.memref_squeeze %dma_start3A_146 : memref<1x80xi32, #tpu.memory_space<vmem>> -> memref<80xi32, #tpu.memory_space<vmem>>
      %dma_start3A_148 = arith.constant 0 : i32
      %dma_start3A_149 = arith.constant 0 : i32
      %dma_start3A_150 = tpu.memref_slice %arg2[%dma_start3A_148, %dma_start3A_149] : memref<10240x128xf32, #tpu.memory_space<hbm>> -> memref<10240x128xf32, #tpu.memory_space<hbm>>
      tpu.enqueue_indirect_dma source(%dma_start3A_150 : memref<10240x128xf32, #tpu.memory_space<hbm>>) target(%dma_start3A_144 : memref<80x128xf32, #tpu.memory_space<vmem>>) offsets(%dma_start3A_147 : memref<80xi32, #tpu.memory_space<vmem>>) semaphore(%arg13 : memref<!tpu.dma_semaphore, #tpu.memory_space<semaphore_mem>>)
      %scan3A_151 = arith.constant 0 : i32
      %scan3A_152 = arith.constant 0 : i32
      %scan3A_153 = arith.constant 7 : i32
      %scan3A_154 = arith.addi %scan3A_152, %scan3A_153 : i32
      %scan3A_155 = arith.constant 1 : i32
      %scan3A_156 = scf.for %scan3A_302 = %scan3A_152 to %scan3A_154 step %scan3A_155 iter_args(%scan3A_303 = %scan3A_151) -> (i32)  : i32 {
        %mul3A_304 = arith.constant 4 : i32
        %mul3A_305 = arith.muli %scan3A_302, %mul3A_304 : i32
        %add3A_306 = arith.constant 0 : i32
        %add3A_307 = arith.addi %mul3A_305, %add3A_306 : i32
        %dma_wait3A_308 = arith.constant 0 : i32
        %dma_wait3A_309 = arith.constant 0 : i32
        %dma_wait3A_310 = arith.constant 0 : i32
        %dma_wait3A_311 = tpu.memref_slice %arg7[%dma_wait3A_308, %dma_wait3A_309, %dma_wait3A_310] : memref<4x80x128xf32, #tpu.memory_space<vmem>> -> memref<1x80x128xf32, #tpu.memory_space<vmem>>
        %dma_wait3A_312 = tpu.memref_squeeze %dma_wait3A_311 : memref<1x80x128xf32, #tpu.memory_space<vmem>> -> memref<80x128xf32, #tpu.memory_space<vmem>>
        %dma_wait3A_313 = arith.constant 0 : i32
        %dma_wait3A_314 = tpu.memref_slice %arg8[%add3A_307, %dma_wait3A_313] : memref<32x80xi32, #tpu.memory_space<vmem>> -> memref<1x80xi32, #tpu.memory_space<vmem>>
        %dma_wait3A_315 = tpu.memref_squeeze %dma_wait3A_314 : memref<1x80xi32, #tpu.memory_space<vmem>> -> memref<80xi32, #tpu.memory_space<vmem>>
        %dma_wait3A_316 = arith.constant 0 : i32
        %dma_wait3A_317 = arith.constant 0 : i32
        %dma_wait3A_318 = tpu.memref_slice %arg2[%dma_wait3A_316, %dma_wait3A_317] : memref<10240x128xf32, #tpu.memory_space<hbm>> -> memref<10240x128xf32, #tpu.memory_space<hbm>>
        tpu.wait_indirect_dma semaphore(%arg10 : memref<!tpu.dma_semaphore, #tpu.memory_space<semaphore_mem>>) src(%dma_wait3A_318 : memref<10240x128xf32, #tpu.memory_space<hbm>>) dst(%dma_wait3A_312 : memref<80x128xf32, #tpu.memory_space<vmem>>)
        %dma_start3A_319 = arith.constant 0 : i32
        %dma_start3A_320 = arith.constant 0 : i32
        %dma_start3A_321 = arith.constant 0 : i32
        %dma_start3A_322 = tpu.memref_slice %arg7[%dma_start3A_319, %dma_start3A_320, %dma_start3A_321] : memref<4x80x128xf32, #tpu.memory_space<vmem>> -> memref<1x80x128xf32, #tpu.memory_space<vmem>>
        %dma_start3A_323 = tpu.memref_squeeze %dma_start3A_322 : memref<1x80x128xf32, #tpu.memory_space<vmem>> -> memref<80x128xf32, #tpu.memory_space<vmem>>
        %dma_start3A_324 = arith.constant 0 : i32
        %dma_start3A_325 = tpu.memref_slice %arg9[%add3A_307, %dma_start3A_324] : memref<32x80xi32, #tpu.memory_space<vmem>> -> memref<1x80xi32, #tpu.memory_space<vmem>>
        %dma_start3A_326 = tpu.memref_squeeze %dma_start3A_325 : memref<1x80xi32, #tpu.memory_space<vmem>> -> memref<80xi32, #tpu.memory_space<vmem>>
        %dma_start3A_327 = arith.constant 0 : i32
        %dma_start3A_328 = arith.constant 0 : i32
        %dma_start3A_329 = tpu.memref_slice %arg6[%dma_start3A_327, %dma_start3A_328] : memref<10240x128xf32, #tpu.memory_space<vmem_shared>> -> memref<10240x128xf32, #tpu.memory_space<vmem_shared>>
        tpu.enqueue_indirect_dma source(%dma_start3A_323 : memref<80x128xf32, #tpu.memory_space<vmem>>) target(%dma_start3A_329 : memref<10240x128xf32, #tpu.memory_space<vmem_shared>>) offsets(%dma_start3A_326 : memref<80xi32, #tpu.memory_space<vmem>>) semaphore(%arg14 : memref<!tpu.dma_semaphore, #tpu.memory_space<semaphore_mem>>) {add = true}
        %add3A_330 = arith.constant 1 : i32
        %add3A_331 = arith.addi %mul3A_305, %add3A_330 : i32
        %dma_wait3A_332 = arith.constant 1 : i32
        %dma_wait3A_333 = arith.constant 0 : i32
        %dma_wait3A_334 = arith.constant 0 : i32
        %dma_wait3A_335 = tpu.memref_slice %arg7[%dma_wait3A_332, %dma_wait3A_333, %dma_wait3A_334] : memref<4x80x128xf32, #tpu.memory_space<vmem>> -> memref<1x80x128xf32, #tpu.memory_space<vmem>>
        %dma_wait3A_336 = tpu.memref_squeeze %dma_wait3A_335 : memref<1x80x128xf32, #tpu.memory_space<vmem>> -> memref<80x128xf32, #tpu.memory_space<vmem>>
        %dma_wait3A_337 = arith.constant 0 : i32
        %dma_wait3A_338 = tpu.memref_slice %arg8[%add3A_331, %dma_wait3A_337] : memref<32x80xi32, #tpu.memory_space<vmem>> -> memref<1x80xi32, #tpu.memory_space<vmem>>
        %dma_wait3A_339 = tpu.memref_squeeze %dma_wait3A_338 : memref<1x80xi32, #tpu.memory_space<vmem>> -> memref<80xi32, #tpu.memory_space<vmem>>
        %dma_wait3A_340 = arith.constant 0 : i32
        %dma_wait3A_341 = arith.constant 0 : i32
        %dma_wait3A_342 = tpu.memref_slice %arg2[%dma_wait3A_340, %dma_wait3A_341] : memref<10240x128xf32, #tpu.memory_space<hbm>> -> memref<10240x128xf32, #tpu.memory_space<hbm>>
        tpu.wait_indirect_dma semaphore(%arg11 : memref<!tpu.dma_semaphore, #tpu.memory_space<semaphore_mem>>) src(%dma_wait3A_342 : memref<10240x128xf32, #tpu.memory_space<hbm>>) dst(%dma_wait3A_336 : memref<80x128xf32, #tpu.memory_space<vmem>>)
        %dma_start3A_343 = arith.constant 1 : i32
        %dma_start3A_344 = arith.constant 0 : i32
        %dma_start3A_345 = arith.constant 0 : i32
        %dma_start3A_346 = tpu.memref_slice %arg7[%dma_start3A_343, %dma_start3A_344, %dma_start3A_345] : memref<4x80x128xf32, #tpu.memory_space<vmem>> -> memref<1x80x128xf32, #tpu.memory_space<vmem>>
        %dma_start3A_347 = tpu.memref_squeeze %dma_start3A_346 : memref<1x80x128xf32, #tpu.memory_space<vmem>> -> memref<80x128xf32, #tpu.memory_space<vmem>>
        %dma_start3A_348 = arith.constant 0 : i32
        %dma_start3A_349 = tpu.memref_slice %arg9[%add3A_331, %dma_start3A_348] : memref<32x80xi32, #tpu.memory_space<vmem>> -> memref<1x80xi32, #tpu.memory_space<vmem>>
        %dma_start3A_350 = tpu.memref_squeeze %dma_start3A_349 : memref<1x80xi32, #tpu.memory_space<vmem>> -> memref<80xi32, #tpu.memory_space<vmem>>
        %dma_start3A_351 = arith.constant 0 : i32
        %dma_start3A_352 = arith.constant 0 : i32
        %dma_start3A_353 = tpu.memref_slice %arg6[%dma_start3A_351, %dma_start3A_352] : memref<10240x128xf32, #tpu.memory_space<vmem_shared>> -> memref<10240x128xf32, #tpu.memory_space<vmem_shared>>
        tpu.enqueue_indirect_dma source(%dma_start3A_347 : memref<80x128xf32, #tpu.memory_space<vmem>>) target(%dma_start3A_353 : memref<10240x128xf32, #tpu.memory_space<vmem_shared>>) offsets(%dma_start3A_350 : memref<80xi32, #tpu.memory_space<vmem>>) semaphore(%arg15 : memref<!tpu.dma_semaphore, #tpu.memory_space<semaphore_mem>>) {add = true}
        %add3A_354 = arith.constant 2 : i32
        %add3A_355 = arith.addi %mul3A_305, %add3A_354 : i32
        %dma_wait3A_356 = arith.constant 2 : i32
        %dma_wait3A_357 = arith.constant 0 : i32
        %dma_wait3A_358 = arith.constant 0 : i32
        %dma_wait3A_359 = tpu.memref_slice %arg7[%dma_wait3A_356, %dma_wait3A_357, %dma_wait3A_358] : memref<4x80x128xf32, #tpu.memory_space<vmem>> -> memref<1x80x128xf32, #tpu.memory_space<vmem>>
        %dma_wait3A_360 = tpu.memref_squeeze %dma_wait3A_359 : memref<1x80x128xf32, #tpu.memory_space<vmem>> -> memref<80x128xf32, #tpu.memory_space<vmem>>
        %dma_wait3A_361 = arith.constant 0 : i32
        %dma_wait3A_362 = tpu.memref_slice %arg8[%add3A_355, %dma_wait3A_361] : memref<32x80xi32, #tpu.memory_space<vmem>> -> memref<1x80xi32, #tpu.memory_space<vmem>>
        %dma_wait3A_363 = tpu.memref_squeeze %dma_wait3A_362 : memref<1x80xi32, #tpu.memory_space<vmem>> -> memref<80xi32, #tpu.memory_space<vmem>>
        %dma_wait3A_364 = arith.constant 0 : i32
        %dma_wait3A_365 = arith.constant 0 : i32
        %dma_wait3A_366 = tpu.memref_slice %arg2[%dma_wait3A_364, %dma_wait3A_365] : memref<10240x128xf32, #tpu.memory_space<hbm>> -> memref<10240x128xf32, #tpu.memory_space<hbm>>
        tpu.wait_indirect_dma semaphore(%arg12 : memref<!tpu.dma_semaphore, #tpu.memory_space<semaphore_mem>>) src(%dma_wait3A_366 : memref<10240x128xf32, #tpu.memory_space<hbm>>) dst(%dma_wait3A_360 : memref<80x128xf32, #tpu.memory_space<vmem>>)
        %dma_start3A_367 = arith.constant 2 : i32
        %dma_start3A_368 = arith.constant 0 : i32
        %dma_start3A_369 = arith.constant 0 : i32
        %dma_start3A_370 = tpu.memref_slice %arg7[%dma_start3A_367, %dma_start3A_368, %dma_start3A_369] : memref<4x80x128xf32, #tpu.memory_space<vmem>> -> memref<1x80x128xf32, #tpu.memory_space<vmem>>
        %dma_start3A_371 = tpu.memref_squeeze %dma_start3A_370 : memref<1x80x128xf32, #tpu.memory_space<vmem>> -> memref<80x128xf32, #tpu.memory_space<vmem>>
        %dma_start3A_372 = arith.constant 0 : i32
        %dma_start3A_373 = tpu.memref_slice %arg9[%add3A_355, %dma_start3A_372] : memref<32x80xi32, #tpu.memory_space<vmem>> -> memref<1x80xi32, #tpu.memory_space<vmem>>
        %dma_start3A_374 = tpu.memref_squeeze %dma_start3A_373 : memref<1x80xi32, #tpu.memory_space<vmem>> -> memref<80xi32, #tpu.memory_space<vmem>>
        %dma_start3A_375 = arith.constant 0 : i32
        %dma_start3A_376 = arith.constant 0 : i32
        %dma_start3A_377 = tpu.memref_slice %arg6[%dma_start3A_375, %dma_start3A_376] : memref<10240x128xf32, #tpu.memory_space<vmem_shared>> -> memref<10240x128xf32, #tpu.memory_space<vmem_shared>>
        tpu.enqueue_indirect_dma source(%dma_start3A_371 : memref<80x128xf32, #tpu.memory_space<vmem>>) target(%dma_start3A_377 : memref<10240x128xf32, #tpu.memory_space<vmem_shared>>) offsets(%dma_start3A_374 : memref<80xi32, #tpu.memory_space<vmem>>) semaphore(%arg16 : memref<!tpu.dma_semaphore, #tpu.memory_space<semaphore_mem>>) {add = true}
        %add3A_378 = arith.constant 3 : i32
        %add3A_379 = arith.addi %mul3A_305, %add3A_378 : i32
        %dma_wait3A_380 = arith.constant 3 : i32
        %dma_wait3A_381 = arith.constant 0 : i32
        %dma_wait3A_382 = arith.constant 0 : i32
        %dma_wait3A_383 = tpu.memref_slice %arg7[%dma_wait3A_380, %dma_wait3A_381, %dma_wait3A_382] : memref<4x80x128xf32, #tpu.memory_space<vmem>> -> memref<1x80x128xf32, #tpu.memory_space<vmem>>
        %dma_wait3A_384 = tpu.memref_squeeze %dma_wait3A_383 : memref<1x80x128xf32, #tpu.memory_space<vmem>> -> memref<80x128xf32, #tpu.memory_space<vmem>>
        %dma_wait3A_385 = arith.constant 0 : i32
        %dma_wait3A_386 = tpu.memref_slice %arg8[%add3A_379, %dma_wait3A_385] : memref<32x80xi32, #tpu.memory_space<vmem>> -> memref<1x80xi32, #tpu.memory_space<vmem>>
        %dma_wait3A_387 = tpu.memref_squeeze %dma_wait3A_386 : memref<1x80xi32, #tpu.memory_space<vmem>> -> memref<80xi32, #tpu.memory_space<vmem>>
        %dma_wait3A_388 = arith.constant 0 : i32
        %dma_wait3A_389 = arith.constant 0 : i32
        %dma_wait3A_390 = tpu.memref_slice %arg2[%dma_wait3A_388, %dma_wait3A_389] : memref<10240x128xf32, #tpu.memory_space<hbm>> -> memref<10240x128xf32, #tpu.memory_space<hbm>>
        tpu.wait_indirect_dma semaphore(%arg13 : memref<!tpu.dma_semaphore, #tpu.memory_space<semaphore_mem>>) src(%dma_wait3A_390 : memref<10240x128xf32, #tpu.memory_space<hbm>>) dst(%dma_wait3A_384 : memref<80x128xf32, #tpu.memory_space<vmem>>)
        %dma_start3A_391 = arith.constant 3 : i32
        %dma_start3A_392 = arith.constant 0 : i32
        %dma_start3A_393 = arith.constant 0 : i32
        %dma_start3A_394 = tpu.memref_slice %arg7[%dma_start3A_391, %dma_start3A_392, %dma_start3A_393] : memref<4x80x128xf32, #tpu.memory_space<vmem>> -> memref<1x80x128xf32, #tpu.memory_space<vmem>>
        %dma_start3A_395 = tpu.memref_squeeze %dma_start3A_394 : memref<1x80x128xf32, #tpu.memory_space<vmem>> -> memref<80x128xf32, #tpu.memory_space<vmem>>
        %dma_start3A_396 = arith.constant 0 : i32
        %dma_start3A_397 = tpu.memref_slice %arg9[%add3A_379, %dma_start3A_396] : memref<32x80xi32, #tpu.memory_space<vmem>> -> memref<1x80xi32, #tpu.memory_space<vmem>>
        %dma_start3A_398 = tpu.memref_squeeze %dma_start3A_397 : memref<1x80xi32, #tpu.memory_space<vmem>> -> memref<80xi32, #tpu.memory_space<vmem>>
        %dma_start3A_399 = arith.constant 0 : i32
        %dma_start3A_400 = arith.constant 0 : i32
        %dma_start3A_401 = tpu.memref_slice %arg6[%dma_start3A_399, %dma_start3A_400] : memref<10240x128xf32, #tpu.memory_space<vmem_shared>> -> memref<10240x128xf32, #tpu.memory_space<vmem_shared>>
        tpu.enqueue_indirect_dma source(%dma_start3A_395 : memref<80x128xf32, #tpu.memory_space<vmem>>) target(%dma_start3A_401 : memref<10240x128xf32, #tpu.memory_space<vmem_shared>>) offsets(%dma_start3A_398 : memref<80xi32, #tpu.memory_space<vmem>>) semaphore(%arg17 : memref<!tpu.dma_semaphore, #tpu.memory_space<semaphore_mem>>) {add = true}
        %add3A_402 = arith.constant 0 : i32
        %add3A_403 = arith.addi %mul3A_305, %add3A_402 : i32
        %dma_wait3A_404 = arith.constant 0 : i32
        %dma_wait3A_405 = arith.constant 0 : i32
        %dma_wait3A_406 = arith.constant 0 : i32
        %dma_wait3A_407 = tpu.memref_slice %arg7[%dma_wait3A_404, %dma_wait3A_405, %dma_wait3A_406] : memref<4x80x128xf32, #tpu.memory_space<vmem>> -> memref<1x80x128xf32, #tpu.memory_space<vmem>>
        %dma_wait3A_408 = tpu.memref_squeeze %dma_wait3A_407 : memref<1x80x128xf32, #tpu.memory_space<vmem>> -> memref<80x128xf32, #tpu.memory_space<vmem>>
        %dma_wait3A_409 = arith.constant 0 : i32
        %dma_wait3A_410 = tpu.memref_slice %arg9[%add3A_403, %dma_wait3A_409] : memref<32x80xi32, #tpu.memory_space<vmem>> -> memref<1x80xi32, #tpu.memory_space<vmem>>
        %dma_wait3A_411 = tpu.memref_squeeze %dma_wait3A_410 : memref<1x80xi32, #tpu.memory_space<vmem>> -> memref<80xi32, #tpu.memory_space<vmem>>
        %dma_wait3A_412 = arith.constant 0 : i32
        %dma_wait3A_413 = arith.constant 0 : i32
        %dma_wait3A_414 = tpu.memref_slice %arg6[%dma_wait3A_412, %dma_wait3A_413] : memref<10240x128xf32, #tpu.memory_space<vmem_shared>> -> memref<10240x128xf32, #tpu.memory_space<vmem_shared>>
        tpu.wait_indirect_dma semaphore(%arg14 : memref<!tpu.dma_semaphore, #tpu.memory_space<semaphore_mem>>) src(%dma_wait3A_408 : memref<80x128xf32, #tpu.memory_space<vmem>>) dst(%dma_wait3A_414 : memref<10240x128xf32, #tpu.memory_space<vmem_shared>>)
        %add3A_415 = arith.constant 4 : i32
        %add3A_416 = arith.addi %mul3A_305, %add3A_415 : i32
        %add3A_417 = arith.constant 0 : i32
        %add3A_418 = arith.addi %add3A_416, %add3A_417 : i32
        %dma_start3A_419 = arith.constant 0 : i32
        %dma_start3A_420 = arith.constant 0 : i32
        %dma_start3A_421 = arith.constant 0 : i32
        %dma_start3A_422 = tpu.memref_slice %arg7[%dma_start3A_419, %dma_start3A_420, %dma_start3A_421] : memref<4x80x128xf32, #tpu.memory_space<vmem>> -> memref<1x80x128xf32, #tpu.memory_space<vmem>>
        %dma_start3A_423 = tpu.memref_squeeze %dma_start3A_422 : memref<1x80x128xf32, #tpu.memory_space<vmem>> -> memref<80x128xf32, #tpu.memory_space<vmem>>
        %dma_start3A_424 = arith.constant 0 : i32
        %dma_start3A_425 = tpu.memref_slice %arg8[%add3A_418, %dma_start3A_424] : memref<32x80xi32, #tpu.memory_space<vmem>> -> memref<1x80xi32, #tpu.memory_space<vmem>>
        %dma_start3A_426 = tpu.memref_squeeze %dma_start3A_425 : memref<1x80xi32, #tpu.memory_space<vmem>> -> memref<80xi32, #tpu.memory_space<vmem>>
        %dma_start3A_427 = arith.constant 0 : i32
        %dma_start3A_428 = arith.constant 0 : i32
        %dma_start3A_429 = tpu.memref_slice %arg2[%dma_start3A_427, %dma_start3A_428] : memref<10240x128xf32, #tpu.memory_space<hbm>> -> memref<10240x128xf32, #tpu.memory_space<hbm>>
        tpu.enqueue_indirect_dma source(%dma_start3A_429 : memref<10240x128xf32, #tpu.memory_space<hbm>>) target(%dma_start3A_423 : memref<80x128xf32, #tpu.memory_space<vmem>>) offsets(%dma_start3A_426 : memref<80xi32, #tpu.memory_space<vmem>>) semaphore(%arg10 : memref<!tpu.dma_semaphore, #tpu.memory_space<semaphore_mem>>)
        %add3A_430 = arith.constant 1 : i32
        %add3A_431 = arith.addi %mul3A_305, %add3A_430 : i32
        %dma_wait3A_432 = arith.constant 1 : i32
        %dma_wait3A_433 = arith.constant 0 : i32
        %dma_wait3A_434 = arith.constant 0 : i32
        %dma_wait3A_435 = tpu.memref_slice %arg7[%dma_wait3A_432, %dma_wait3A_433, %dma_wait3A_434] : memref<4x80x128xf32, #tpu.memory_space<vmem>> -> memref<1x80x128xf32, #tpu.memory_space<vmem>>
        %dma_wait3A_436 = tpu.memref_squeeze %dma_wait3A_435 : memref<1x80x128xf32, #tpu.memory_space<vmem>> -> memref<80x128xf32, #tpu.memory_space<vmem>>
        %dma_wait3A_437 = arith.constant 0 : i32
        %dma_wait3A_438 = tpu.memref_slice %arg9[%add3A_431, %dma_wait3A_437] : memref<32x80xi32, #tpu.memory_space<vmem>> -> memref<1x80xi32, #tpu.memory_space<vmem>>
        %dma_wait3A_439 = tpu.memref_squeeze %dma_wait3A_438 : memref<1x80xi32, #tpu.memory_space<vmem>> -> memref<80xi32, #tpu.memory_space<vmem>>
        %dma_wait3A_440 = arith.constant 0 : i32
        %dma_wait3A_441 = arith.constant 0 : i32
        %dma_wait3A_442 = tpu.memref_slice %arg6[%dma_wait3A_440, %dma_wait3A_441] : memref<10240x128xf32, #tpu.memory_space<vmem_shared>> -> memref<10240x128xf32, #tpu.memory_space<vmem_shared>>
        tpu.wait_indirect_dma semaphore(%arg15 : memref<!tpu.dma_semaphore, #tpu.memory_space<semaphore_mem>>) src(%dma_wait3A_436 : memref<80x128xf32, #tpu.memory_space<vmem>>) dst(%dma_wait3A_442 : memref<10240x128xf32, #tpu.memory_space<vmem_shared>>)
        %add3A_443 = arith.constant 4 : i32
        %add3A_444 = arith.addi %mul3A_305, %add3A_443 : i32
        %add3A_445 = arith.constant 1 : i32
        %add3A_446 = arith.addi %add3A_444, %add3A_445 : i32
        %dma_start3A_447 = arith.constant 1 : i32
        %dma_start3A_448 = arith.constant 0 : i32
        %dma_start3A_449 = arith.constant 0 : i32
        %dma_start3A_450 = tpu.memref_slice %arg7[%dma_start3A_447, %dma_start3A_448, %dma_start3A_449] : memref<4x80x128xf32, #tpu.memory_space<vmem>> -> memref<1x80x128xf32, #tpu.memory_space<vmem>>
        %dma_start3A_451 = tpu.memref_squeeze %dma_start3A_450 : memref<1x80x128xf32, #tpu.memory_space<vmem>> -> memref<80x128xf32, #tpu.memory_space<vmem>>
        %dma_start3A_452 = arith.constant 0 : i32
        %dma_start3A_453 = tpu.memref_slice %arg8[%add3A_446, %dma_start3A_452] : memref<32x80xi32, #tpu.memory_space<vmem>> -> memref<1x80xi32, #tpu.memory_space<vmem>>
        %dma_start3A_454 = tpu.memref_squeeze %dma_start3A_453 : memref<1x80xi32, #tpu.memory_space<vmem>> -> memref<80xi32, #tpu.memory_space<vmem>>
        %dma_start3A_455 = arith.constant 0 : i32
        %dma_start3A_456 = arith.constant 0 : i32
        %dma_start3A_457 = tpu.memref_slice %arg2[%dma_start3A_455, %dma_start3A_456] : memref<10240x128xf32, #tpu.memory_space<hbm>> -> memref<10240x128xf32, #tpu.memory_space<hbm>>
        tpu.enqueue_indirect_dma source(%dma_start3A_457 : memref<10240x128xf32, #tpu.memory_space<hbm>>) target(%dma_start3A_451 : memref<80x128xf32, #tpu.memory_space<vmem>>) offsets(%dma_start3A_454 : memref<80xi32, #tpu.memory_space<vmem>>) semaphore(%arg11 : memref<!tpu.dma_semaphore, #tpu.memory_space<semaphore_mem>>)
        %add3A_458 = arith.constant 2 : i32
        %add3A_459 = arith.addi %mul3A_305, %add3A_458 : i32
        %dma_wait3A_460 = arith.constant 2 : i32
        %dma_wait3A_461 = arith.constant 0 : i32
        %dma_wait3A_462 = arith.constant 0 : i32
        %dma_wait3A_463 = tpu.memref_slice %arg7[%dma_wait3A_460, %dma_wait3A_461, %dma_wait3A_462] : memref<4x80x128xf32, #tpu.memory_space<vmem>> -> memref<1x80x128xf32, #tpu.memory_space<vmem>>
        %dma_wait3A_464 = tpu.memref_squeeze %dma_wait3A_463 : memref<1x80x128xf32, #tpu.memory_space<vmem>> -> memref<80x128xf32, #tpu.memory_space<vmem>>
        %dma_wait3A_465 = arith.constant 0 : i32
        %dma_wait3A_466 = tpu.memref_slice %arg9[%add3A_459, %dma_wait3A_465] : memref<32x80xi32, #tpu.memory_space<vmem>> -> memref<1x80xi32, #tpu.memory_space<vmem>>
        %dma_wait3A_467 = tpu.memref_squeeze %dma_wait3A_466 : memref<1x80xi32, #tpu.memory_space<vmem>> -> memref<80xi32, #tpu.memory_space<vmem>>
        %dma_wait3A_468 = arith.constant 0 : i32
        %dma_wait3A_469 = arith.constant 0 : i32
        %dma_wait3A_470 = tpu.memref_slice %arg6[%dma_wait3A_468, %dma_wait3A_469] : memref<10240x128xf32, #tpu.memory_space<vmem_shared>> -> memref<10240x128xf32, #tpu.memory_space<vmem_shared>>
        tpu.wait_indirect_dma semaphore(%arg16 : memref<!tpu.dma_semaphore, #tpu.memory_space<semaphore_mem>>) src(%dma_wait3A_464 : memref<80x128xf32, #tpu.memory_space<vmem>>) dst(%dma_wait3A_470 : memref<10240x128xf32, #tpu.memory_space<vmem_shared>>)
        %add3A_471 = arith.constant 4 : i32
        %add3A_472 = arith.addi %mul3A_305, %add3A_471 : i32
        %add3A_473 = arith.constant 2 : i32
        %add3A_474 = arith.addi %add3A_472, %add3A_473 : i32
        %dma_start3A_475 = arith.constant 2 : i32
        %dma_start3A_476 = arith.constant 0 : i32
        %dma_start3A_477 = arith.constant 0 : i32
        %dma_start3A_478 = tpu.memref_slice %arg7[%dma_start3A_475, %dma_start3A_476, %dma_start3A_477] : memref<4x80x128xf32, #tpu.memory_space<vmem>> -> memref<1x80x128xf32, #tpu.memory_space<vmem>>
        %dma_start3A_479 = tpu.memref_squeeze %dma_start3A_478 : memref<1x80x128xf32, #tpu.memory_space<vmem>> -> memref<80x128xf32, #tpu.memory_space<vmem>>
        %dma_start3A_480 = arith.constant 0 : i32
        %dma_start3A_481 = tpu.memref_slice %arg8[%add3A_474, %dma_start3A_480] : memref<32x80xi32, #tpu.memory_space<vmem>> -> memref<1x80xi32, #tpu.memory_space<vmem>>
        %dma_start3A_482 = tpu.memref_squeeze %dma_start3A_481 : memref<1x80xi32, #tpu.memory_space<vmem>> -> memref<80xi32, #tpu.memory_space<vmem>>
        %dma_start3A_483 = arith.constant 0 : i32
        %dma_start3A_484 = arith.constant 0 : i32
        %dma_start3A_485 = tpu.memref_slice %arg2[%dma_start3A_483, %dma_start3A_484] : memref<10240x128xf32, #tpu.memory_space<hbm>> -> memref<10240x128xf32, #tpu.memory_space<hbm>>
        tpu.enqueue_indirect_dma source(%dma_start3A_485 : memref<10240x128xf32, #tpu.memory_space<hbm>>) target(%dma_start3A_479 : memref<80x128xf32, #tpu.memory_space<vmem>>) offsets(%dma_start3A_482 : memref<80xi32, #tpu.memory_space<vmem>>) semaphore(%arg12 : memref<!tpu.dma_semaphore, #tpu.memory_space<semaphore_mem>>)
        %add3A_486 = arith.constant 3 : i32
        %add3A_487 = arith.addi %mul3A_305, %add3A_486 : i32
        %dma_wait3A_488 = arith.constant 3 : i32
        %dma_wait3A_489 = arith.constant 0 : i32
        %dma_wait3A_490 = arith.constant 0 : i32
        %dma_wait3A_491 = tpu.memref_slice %arg7[%dma_wait3A_488, %dma_wait3A_489, %dma_wait3A_490] : memref<4x80x128xf32, #tpu.memory_space<vmem>> -> memref<1x80x128xf32, #tpu.memory_space<vmem>>
        %dma_wait3A_492 = tpu.memref_squeeze %dma_wait3A_491 : memref<1x80x128xf32, #tpu.memory_space<vmem>> -> memref<80x128xf32, #tpu.memory_space<vmem>>
        %dma_wait3A_493 = arith.constant 0 : i32
        %dma_wait3A_494 = tpu.memref_slice %arg9[%add3A_487, %dma_wait3A_493] : memref<32x80xi32, #tpu.memory_space<vmem>> -> memref<1x80xi32, #tpu.memory_space<vmem>>
        %dma_wait3A_495 = tpu.memref_squeeze %dma_wait3A_494 : memref<1x80xi32, #tpu.memory_space<vmem>> -> memref<80xi32, #tpu.memory_space<vmem>>
        %dma_wait3A_496 = arith.constant 0 : i32
        %dma_wait3A_497 = arith.constant 0 : i32
        %dma_wait3A_498 = tpu.memref_slice %arg6[%dma_wait3A_496, %dma_wait3A_497] : memref<10240x128xf32, #tpu.memory_space<vmem_shared>> -> memref<10240x128xf32, #tpu.memory_space<vmem_shared>>
        tpu.wait_indirect_dma semaphore(%arg17 : memref<!tpu.dma_semaphore, #tpu.memory_space<semaphore_mem>>) src(%dma_wait3A_492 : memref<80x128xf32, #tpu.memory_space<vmem>>) dst(%dma_wait3A_498 : memref<10240x128xf32, #tpu.memory_space<vmem_shared>>)
        %add3A_499 = arith.constant 4 : i32
        %add3A_500 = arith.addi %mul3A_305, %add3A_499 : i32
        %add3A_501 = arith.constant 3 : i32
        %add3A_502 = arith.addi %add3A_500, %add3A_501 : i32
        %dma_start3A_503 = arith.constant 3 : i32
        %dma_start3A_504 = arith.constant 0 : i32
        %dma_start3A_505 = arith.constant 0 : i32
        %dma_start3A_506 = tpu.memref_slice %arg7[%dma_start3A_503, %dma_start3A_504, %dma_start3A_505] : memref<4x80x128xf32, #tpu.memory_space<vmem>> -> memref<1x80x128xf32, #tpu.memory_space<vmem>>
        %dma_start3A_507 = tpu.memref_squeeze %dma_start3A_506 : memref<1x80x128xf32, #tpu.memory_space<vmem>> -> memref<80x128xf32, #tpu.memory_space<vmem>>
        %dma_start3A_508 = arith.constant 0 : i32
        %dma_start3A_509 = tpu.memref_slice %arg8[%add3A_502, %dma_start3A_508] : memref<32x80xi32, #tpu.memory_space<vmem>> -> memref<1x80xi32, #tpu.memory_space<vmem>>
        %dma_start3A_510 = tpu.memref_squeeze %dma_start3A_509 : memref<1x80xi32, #tpu.memory_space<vmem>> -> memref<80xi32, #tpu.memory_space<vmem>>
        %dma_start3A_511 = arith.constant 0 : i32
        %dma_start3A_512 = arith.constant 0 : i32
        %dma_start3A_513 = tpu.memref_slice %arg2[%dma_start3A_511, %dma_start3A_512] : memref<10240x128xf32, #tpu.memory_space<hbm>> -> memref<10240x128xf32, #tpu.memory_space<hbm>>
        tpu.enqueue_indirect_dma source(%dma_start3A_513 : memref<10240x128xf32, #tpu.memory_space<hbm>>) target(%dma_start3A_507 : memref<80x128xf32, #tpu.memory_space<vmem>>) offsets(%dma_start3A_510 : memref<80xi32, #tpu.memory_space<vmem>>) semaphore(%arg13 : memref<!tpu.dma_semaphore, #tpu.memory_space<semaphore_mem>>)
        %scan3A_514 = arith.constant 0 : i32
        scf.yield %scan3A_514 : i32
      }
      %scan3A_157 = arith.constant 7 : i32
      %dma_wait3A = arith.constant 28 : i32
      %dma_wait3A_158 = arith.constant 0 : i32
      %dma_wait3A_159 = arith.constant 0 : i32
      %dma_wait3A_160 = arith.constant 0 : i32
      %dma_wait3A_161 = tpu.memref_slice %arg7[%dma_wait3A_158, %dma_wait3A_159, %dma_wait3A_160] : memref<4x80x128xf32, #tpu.memory_space<vmem>> -> memref<1x80x128xf32, #tpu.memory_space<vmem>>
      %dma_wait3A_162 = tpu.memref_squeeze %dma_wait3A_161 : memref<1x80x128xf32, #tpu.memory_space<vmem>> -> memref<80x128xf32, #tpu.memory_space<vmem>>
      %dma_wait3A_163 = arith.constant 0 : i32
      %dma_wait3A_164 = tpu.memref_slice %arg8[%dma_wait3A, %dma_wait3A_163] : memref<32x80xi32, #tpu.memory_space<vmem>> -> memref<1x80xi32, #tpu.memory_space<vmem>>
      %dma_wait3A_165 = tpu.memref_squeeze %dma_wait3A_164 : memref<1x80xi32, #tpu.memory_space<vmem>> -> memref<80xi32, #tpu.memory_space<vmem>>
      %dma_wait3A_166 = arith.constant 0 : i32
      %dma_wait3A_167 = arith.constant 0 : i32
      %dma_wait3A_168 = tpu.memref_slice %arg2[%dma_wait3A_166, %dma_wait3A_167] : memref<10240x128xf32, #tpu.memory_space<hbm>> -> memref<10240x128xf32, #tpu.memory_space<hbm>>
      tpu.wait_indirect_dma semaphore(%arg10 : memref<!tpu.dma_semaphore, #tpu.memory_space<semaphore_mem>>) src(%dma_wait3A_168 : memref<10240x128xf32, #tpu.memory_space<hbm>>) dst(%dma_wait3A_162 : memref<80x128xf32, #tpu.memory_space<vmem>>)
      %dma_start3A_169 = arith.constant 0 : i32
      %dma_start3A_170 = arith.constant 28 : i32
      %dma_start3A_171 = arith.constant 0 : i32
      %dma_start3A_172 = arith.constant 0 : i32
      %dma_start3A_173 = tpu.memref_slice %arg7[%dma_start3A_169, %dma_start3A_171, %dma_start3A_172] : memref<4x80x128xf32, #tpu.memory_space<vmem>> -> memref<1x80x128xf32, #tpu.memory_space<vmem>>
      %dma_start3A_174 = tpu.memref_squeeze %dma_start3A_173 : memref<1x80x128xf32, #tpu.memory_space<vmem>> -> memref<80x128xf32, #tpu.memory_space<vmem>>
      %dma_start3A_175 = arith.constant 0 : i32
      %dma_start3A_176 = tpu.memref_slice %arg9[%dma_start3A_170, %dma_start3A_175] : memref<32x80xi32, #tpu.memory_space<vmem>> -> memref<1x80xi32, #tpu.memory_space<vmem>>
      %dma_start3A_177 = tpu.memref_squeeze %dma_start3A_176 : memref<1x80xi32, #tpu.memory_space<vmem>> -> memref<80xi32, #tpu.memory_space<vmem>>
      %dma_start3A_178 = arith.constant 0 : i32
      %dma_start3A_179 = arith.constant 0 : i32
      %dma_start3A_180 = tpu.memref_slice %arg6[%dma_start3A_178, %dma_start3A_179] : memref<10240x128xf32, #tpu.memory_space<vmem_shared>> -> memref<10240x128xf32, #tpu.memory_space<vmem_shared>>
      tpu.enqueue_indirect_dma source(%dma_start3A_174 : memref<80x128xf32, #tpu.memory_space<vmem>>) target(%dma_start3A_180 : memref<10240x128xf32, #tpu.memory_space<vmem_shared>>) offsets(%dma_start3A_177 : memref<80xi32, #tpu.memory_space<vmem>>) semaphore(%arg14 : memref<!tpu.dma_semaphore, #tpu.memory_space<semaphore_mem>>) {add = true}
      %dma_wait3A_181 = arith.constant 29 : i32
      %dma_wait3A_182 = arith.constant 1 : i32
      %dma_wait3A_183 = arith.constant 0 : i32
      %dma_wait3A_184 = arith.constant 0 : i32
      %dma_wait3A_185 = tpu.memref_slice %arg7[%dma_wait3A_182, %dma_wait3A_183, %dma_wait3A_184] : memref<4x80x128xf32, #tpu.memory_space<vmem>> -> memref<1x80x128xf32, #tpu.memory_space<vmem>>
      %dma_wait3A_186 = tpu.memref_squeeze %dma_wait3A_185 : memref<1x80x128xf32, #tpu.memory_space<vmem>> -> memref<80x128xf32, #tpu.memory_space<vmem>>
      %dma_wait3A_187 = arith.constant 0 : i32
      %dma_wait3A_188 = tpu.memref_slice %arg8[%dma_wait3A_181, %dma_wait3A_187] : memref<32x80xi32, #tpu.memory_space<vmem>> -> memref<1x80xi32, #tpu.memory_space<vmem>>
      %dma_wait3A_189 = tpu.memref_squeeze %dma_wait3A_188 : memref<1x80xi32, #tpu.memory_space<vmem>> -> memref<80xi32, #tpu.memory_space<vmem>>
      %dma_wait3A_190 = arith.constant 0 : i32
      %dma_wait3A_191 = arith.constant 0 : i32
      %dma_wait3A_192 = tpu.memref_slice %arg2[%dma_wait3A_190, %dma_wait3A_191] : memref<10240x128xf32, #tpu.memory_space<hbm>> -> memref<10240x128xf32, #tpu.memory_space<hbm>>
      tpu.wait_indirect_dma semaphore(%arg11 : memref<!tpu.dma_semaphore, #tpu.memory_space<semaphore_mem>>) src(%dma_wait3A_192 : memref<10240x128xf32, #tpu.memory_space<hbm>>) dst(%dma_wait3A_186 : memref<80x128xf32, #tpu.memory_space<vmem>>)
      %dma_start3A_193 = arith.constant 1 : i32
      %dma_start3A_194 = arith.constant 29 : i32
      %dma_start3A_195 = arith.constant 0 : i32
      %dma_start3A_196 = arith.constant 0 : i32
      %dma_start3A_197 = tpu.memref_slice %arg7[%dma_start3A_193, %dma_start3A_195, %dma_start3A_196] : memref<4x80x128xf32, #tpu.memory_space<vmem>> -> memref<1x80x128xf32, #tpu.memory_space<vmem>>
      %dma_start3A_198 = tpu.memref_squeeze %dma_start3A_197 : memref<1x80x128xf32, #tpu.memory_space<vmem>> -> memref<80x128xf32, #tpu.memory_space<vmem>>
      %dma_start3A_199 = arith.constant 0 : i32
      %dma_start3A_200 = tpu.memref_slice %arg9[%dma_start3A_194, %dma_start3A_199] : memref<32x80xi32, #tpu.memory_space<vmem>> -> memref<1x80xi32, #tpu.memory_space<vmem>>
      %dma_start3A_201 = tpu.memref_squeeze %dma_start3A_200 : memref<1x80xi32, #tpu.memory_space<vmem>> -> memref<80xi32, #tpu.memory_space<vmem>>
      %dma_start3A_202 = arith.constant 0 : i32
      %dma_start3A_203 = arith.constant 0 : i32
      %dma_start3A_204 = tpu.memref_slice %arg6[%dma_start3A_202, %dma_start3A_203] : memref<10240x128xf32, #tpu.memory_space<vmem_shared>> -> memref<10240x128xf32, #tpu.memory_space<vmem_shared>>
      tpu.enqueue_indirect_dma source(%dma_start3A_198 : memref<80x128xf32, #tpu.memory_space<vmem>>) target(%dma_start3A_204 : memref<10240x128xf32, #tpu.memory_space<vmem_shared>>) offsets(%dma_start3A_201 : memref<80xi32, #tpu.memory_space<vmem>>) semaphore(%arg15 : memref<!tpu.dma_semaphore, #tpu.memory_space<semaphore_mem>>) {add = true}
      %dma_wait3A_205 = arith.constant 30 : i32
      %dma_wait3A_206 = arith.constant 2 : i32
      %dma_wait3A_207 = arith.constant 0 : i32
      %dma_wait3A_208 = arith.constant 0 : i32
      %dma_wait3A_209 = tpu.memref_slice %arg7[%dma_wait3A_206, %dma_wait3A_207, %dma_wait3A_208] : memref<4x80x128xf32, #tpu.memory_space<vmem>> -> memref<1x80x128xf32, #tpu.memory_space<vmem>>
      %dma_wait3A_210 = tpu.memref_squeeze %dma_wait3A_209 : memref<1x80x128xf32, #tpu.memory_space<vmem>> -> memref<80x128xf32, #tpu.memory_space<vmem>>
      %dma_wait3A_211 = arith.constant 0 : i32
      %dma_wait3A_212 = tpu.memref_slice %arg8[%dma_wait3A_205, %dma_wait3A_211] : memref<32x80xi32, #tpu.memory_space<vmem>> -> memref<1x80xi32, #tpu.memory_space<vmem>>
      %dma_wait3A_213 = tpu.memref_squeeze %dma_wait3A_212 : memref<1x80xi32, #tpu.memory_space<vmem>> -> memref<80xi32, #tpu.memory_space<vmem>>
      %dma_wait3A_214 = arith.constant 0 : i32
      %dma_wait3A_215 = arith.constant 0 : i32
      %dma_wait3A_216 = tpu.memref_slice %arg2[%dma_wait3A_214, %dma_wait3A_215] : memref<10240x128xf32, #tpu.memory_space<hbm>> -> memref<10240x128xf32, #tpu.memory_space<hbm>>
      tpu.wait_indirect_dma semaphore(%arg12 : memref<!tpu.dma_semaphore, #tpu.memory_space<semaphore_mem>>) src(%dma_wait3A_216 : memref<10240x128xf32, #tpu.memory_space<hbm>>) dst(%dma_wait3A_210 : memref<80x128xf32, #tpu.memory_space<vmem>>)
      %dma_start3A_217 = arith.constant 2 : i32
      %dma_start3A_218 = arith.constant 30 : i32
      %dma_start3A_219 = arith.constant 0 : i32
      %dma_start3A_220 = arith.constant 0 : i32
      %dma_start3A_221 = tpu.memref_slice %arg7[%dma_start3A_217, %dma_start3A_219, %dma_start3A_220] : memref<4x80x128xf32, #tpu.memory_space<vmem>> -> memref<1x80x128xf32, #tpu.memory_space<vmem>>
      %dma_start3A_222 = tpu.memref_squeeze %dma_start3A_221 : memref<1x80x128xf32, #tpu.memory_space<vmem>> -> memref<80x128xf32, #tpu.memory_space<vmem>>
      %dma_start3A_223 = arith.constant 0 : i32
      %dma_start3A_224 = tpu.memref_slice %arg9[%dma_start3A_218, %dma_start3A_223] : memref<32x80xi32, #tpu.memory_space<vmem>> -> memref<1x80xi32, #tpu.memory_space<vmem>>
      %dma_start3A_225 = tpu.memref_squeeze %dma_start3A_224 : memref<1x80xi32, #tpu.memory_space<vmem>> -> memref<80xi32, #tpu.memory_space<vmem>>
      %dma_start3A_226 = arith.constant 0 : i32
      %dma_start3A_227 = arith.constant 0 : i32
      %dma_start3A_228 = tpu.memref_slice %arg6[%dma_start3A_226, %dma_start3A_227] : memref<10240x128xf32, #tpu.memory_space<vmem_shared>> -> memref<10240x128xf32, #tpu.memory_space<vmem_shared>>
      tpu.enqueue_indirect_dma source(%dma_start3A_222 : memref<80x128xf32, #tpu.memory_space<vmem>>) target(%dma_start3A_228 : memref<10240x128xf32, #tpu.memory_space<vmem_shared>>) offsets(%dma_start3A_225 : memref<80xi32, #tpu.memory_space<vmem>>) semaphore(%arg16 : memref<!tpu.dma_semaphore, #tpu.memory_space<semaphore_mem>>) {add = true}
      %dma_wait3A_229 = arith.constant 31 : i32
      %dma_wait3A_230 = arith.constant 3 : i32
      %dma_wait3A_231 = arith.constant 0 : i32
      %dma_wait3A_232 = arith.constant 0 : i32
      %dma_wait3A_233 = tpu.memref_slice %arg7[%dma_wait3A_230, %dma_wait3A_231, %dma_wait3A_232] : memref<4x80x128xf32, #tpu.memory_space<vmem>> -> memref<1x80x128xf32, #tpu.memory_space<vmem>>
      %dma_wait3A_234 = tpu.memref_squeeze %dma_wait3A_233 : memref<1x80x128xf32, #tpu.memory_space<vmem>> -> memref<80x128xf32, #tpu.memory_space<vmem>>
      %dma_wait3A_235 = arith.constant 0 : i32
      %dma_wait3A_236 = tpu.memref_slice %arg8[%dma_wait3A_229, %dma_wait3A_235] : memref<32x80xi32, #tpu.memory_space<vmem>> -> memref<1x80xi32, #tpu.memory_space<vmem>>
      %dma_wait3A_237 = tpu.memref_squeeze %dma_wait3A_236 : memref<1x80xi32, #tpu.memory_space<vmem>> -> memref<80xi32, #tpu.memory_space<vmem>>
      %dma_wait3A_238 = arith.constant 0 : i32
      %dma_wait3A_239 = arith.constant 0 : i32
      %dma_wait3A_240 = tpu.memref_slice %arg2[%dma_wait3A_238, %dma_wait3A_239] : memref<10240x128xf32, #tpu.memory_space<hbm>> -> memref<10240x128xf32, #tpu.memory_space<hbm>>
      tpu.wait_indirect_dma semaphore(%arg13 : memref<!tpu.dma_semaphore, #tpu.memory_space<semaphore_mem>>) src(%dma_wait3A_240 : memref<10240x128xf32, #tpu.memory_space<hbm>>) dst(%dma_wait3A_234 : memref<80x128xf32, #tpu.memory_space<vmem>>)
      %dma_start3A_241 = arith.constant 3 : i32
      %dma_start3A_242 = arith.constant 31 : i32
      %dma_start3A_243 = arith.constant 0 : i32
      %dma_start3A_244 = arith.constant 0 : i32
      %dma_start3A_245 = tpu.memref_slice %arg7[%dma_start3A_241, %dma_start3A_243, %dma_start3A_244] : memref<4x80x128xf32, #tpu.memory_space<vmem>> -> memref<1x80x128xf32, #tpu.memory_space<vmem>>
      %dma_start3A_246 = tpu.memref_squeeze %dma_start3A_245 : memref<1x80x128xf32, #tpu.memory_space<vmem>> -> memref<80x128xf32, #tpu.memory_space<vmem>>
      %dma_start3A_247 = arith.constant 0 : i32
      %dma_start3A_248 = tpu.memref_slice %arg9[%dma_start3A_242, %dma_start3A_247] : memref<32x80xi32, #tpu.memory_space<vmem>> -> memref<1x80xi32, #tpu.memory_space<vmem>>
      %dma_start3A_249 = tpu.memref_squeeze %dma_start3A_248 : memref<1x80xi32, #tpu.memory_space<vmem>> -> memref<80xi32, #tpu.memory_space<vmem>>
      %dma_start3A_250 = arith.constant 0 : i32
      %dma_start3A_251 = arith.constant 0 : i32
      %dma_start3A_252 = tpu.memref_slice %arg6[%dma_start3A_250, %dma_start3A_251] : memref<10240x128xf32, #tpu.memory_space<vmem_shared>> -> memref<10240x128xf32, #tpu.memory_space<vmem_shared>>
      tpu.enqueue_indirect_dma source(%dma_start3A_246 : memref<80x128xf32, #tpu.memory_space<vmem>>) target(%dma_start3A_252 : memref<10240x128xf32, #tpu.memory_space<vmem_shared>>) offsets(%dma_start3A_249 : memref<80xi32, #tpu.memory_space<vmem>>) semaphore(%arg17 : memref<!tpu.dma_semaphore, #tpu.memory_space<semaphore_mem>>) {add = true}
      %dma_wait3A_253 = arith.constant 0 : i32
      %dma_wait3A_254 = arith.constant 28 : i32
      %dma_wait3A_255 = arith.constant 0 : i32
      %dma_wait3A_256 = arith.constant 0 : i32
      %dma_wait3A_257 = tpu.memref_slice %arg7[%dma_wait3A_253, %dma_wait3A_255, %dma_wait3A_256] : memref<4x80x128xf32, #tpu.memory_space<vmem>> -> memref<1x80x128xf32, #tpu.memory_space<vmem>>
      %dma_wait3A_258 = tpu.memref_squeeze %dma_wait3A_257 : memref<1x80x128xf32, #tpu.memory_space<vmem>> -> memref<80x128xf32, #tpu.memory_space<vmem>>
      %dma_wait3A_259 = arith.constant 0 : i32
      %dma_wait3A_260 = tpu.memref_slice %arg9[%dma_wait3A_254, %dma_wait3A_259] : memref<32x80xi32, #tpu.memory_space<vmem>> -> memref<1x80xi32, #tpu.memory_space<vmem>>
      %dma_wait3A_261 = tpu.memref_squeeze %dma_wait3A_260 : memref<1x80xi32, #tpu.memory_space<vmem>> -> memref<80xi32, #tpu.memory_space<vmem>>
      %dma_wait3A_262 = arith.constant 0 : i32
      %dma_wait3A_263 = arith.constant 0 : i32
      %dma_wait3A_264 = tpu.memref_slice %arg6[%dma_wait3A_262, %dma_wait3A_263] : memref<10240x128xf32, #tpu.memory_space<vmem_shared>> -> memref<10240x128xf32, #tpu.memory_space<vmem_shared>>
      tpu.wait_indirect_dma semaphore(%arg14 : memref<!tpu.dma_semaphore, #tpu.memory_space<semaphore_mem>>) src(%dma_wait3A_258 : memref<80x128xf32, #tpu.memory_space<vmem>>) dst(%dma_wait3A_264 : memref<10240x128xf32, #tpu.memory_space<vmem_shared>>)
      %dma_wait3A_265 = arith.constant 1 : i32
      %dma_wait3A_266 = arith.constant 29 : i32
      %dma_wait3A_267 = arith.constant 0 : i32
      %dma_wait3A_268 = arith.constant 0 : i32
      %dma_wait3A_269 = tpu.memref_slice %arg7[%dma_wait3A_265, %dma_wait3A_267, %dma_wait3A_268] : memref<4x80x128xf32, #tpu.memory_space<vmem>> -> memref<1x80x128xf32, #tpu.memory_space<vmem>>
      %dma_wait3A_270 = tpu.memref_squeeze %dma_wait3A_269 : memref<1x80x128xf32, #tpu.memory_space<vmem>> -> memref<80x128xf32, #tpu.memory_space<vmem>>
      %dma_wait3A_271 = arith.constant 0 : i32
      %dma_wait3A_272 = tpu.memref_slice %arg9[%dma_wait3A_266, %dma_wait3A_271] : memref<32x80xi32, #tpu.memory_space<vmem>> -> memref<1x80xi32, #tpu.memory_space<vmem>>
      %dma_wait3A_273 = tpu.memref_squeeze %dma_wait3A_272 : memref<1x80xi32, #tpu.memory_space<vmem>> -> memref<80xi32, #tpu.memory_space<vmem>>
      %dma_wait3A_274 = arith.constant 0 : i32
      %dma_wait3A_275 = arith.constant 0 : i32
      %dma_wait3A_276 = tpu.memref_slice %arg6[%dma_wait3A_274, %dma_wait3A_275] : memref<10240x128xf32, #tpu.memory_space<vmem_shared>> -> memref<10240x128xf32, #tpu.memory_space<vmem_shared>>
      tpu.wait_indirect_dma semaphore(%arg15 : memref<!tpu.dma_semaphore, #tpu.memory_space<semaphore_mem>>) src(%dma_wait3A_270 : memref<80x128xf32, #tpu.memory_space<vmem>>) dst(%dma_wait3A_276 : memref<10240x128xf32, #tpu.memory_space<vmem_shared>>)
      %dma_wait3A_277 = arith.constant 2 : i32
      %dma_wait3A_278 = arith.constant 30 : i32
      %dma_wait3A_279 = arith.constant 0 : i32
      %dma_wait3A_280 = arith.constant 0 : i32
      %dma_wait3A_281 = tpu.memref_slice %arg7[%dma_wait3A_277, %dma_wait3A_279, %dma_wait3A_280] : memref<4x80x128xf32, #tpu.memory_space<vmem>> -> memref<1x80x128xf32, #tpu.memory_space<vmem>>
      %dma_wait3A_282 = tpu.memref_squeeze %dma_wait3A_281 : memref<1x80x128xf32, #tpu.memory_space<vmem>> -> memref<80x128xf32, #tpu.memory_space<vmem>>
      %dma_wait3A_283 = arith.constant 0 : i32
      %dma_wait3A_284 = tpu.memref_slice %arg9[%dma_wait3A_278, %dma_wait3A_283] : memref<32x80xi32, #tpu.memory_space<vmem>> -> memref<1x80xi32, #tpu.memory_space<vmem>>
      %dma_wait3A_285 = tpu.memref_squeeze %dma_wait3A_284 : memref<1x80xi32, #tpu.memory_space<vmem>> -> memref<80xi32, #tpu.memory_space<vmem>>
      %dma_wait3A_286 = arith.constant 0 : i32
      %dma_wait3A_287 = arith.constant 0 : i32
      %dma_wait3A_288 = tpu.memref_slice %arg6[%dma_wait3A_286, %dma_wait3A_287] : memref<10240x128xf32, #tpu.memory_space<vmem_shared>> -> memref<10240x128xf32, #tpu.memory_space<vmem_shared>>
      tpu.wait_indirect_dma semaphore(%arg16 : memref<!tpu.dma_semaphore, #tpu.memory_space<semaphore_mem>>) src(%dma_wait3A_282 : memref<80x128xf32, #tpu.memory_space<vmem>>) dst(%dma_wait3A_288 : memref<10240x128xf32, #tpu.memory_space<vmem_shared>>)
      %dma_wait3A_289 = arith.constant 3 : i32
      %dma_wait3A_290 = arith.constant 31 : i32
      %dma_wait3A_291 = arith.constant 0 : i32
      %dma_wait3A_292 = arith.constant 0 : i32
      %dma_wait3A_293 = tpu.memref_slice %arg7[%dma_wait3A_289, %dma_wait3A_291, %dma_wait3A_292] : memref<4x80x128xf32, #tpu.memory_space<vmem>> -> memref<1x80x128xf32, #tpu.memory_space<vmem>>
      %dma_wait3A_294 = tpu.memref_squeeze %dma_wait3A_293 : memref<1x80x128xf32, #tpu.memory_space<vmem>> -> memref<80x128xf32, #tpu.memory_space<vmem>>
      %dma_wait3A_295 = arith.constant 0 : i32
      %dma_wait3A_296 = tpu.memref_slice %arg9[%dma_wait3A_290, %dma_wait3A_295] : memref<32x80xi32, #tpu.memory_space<vmem>> -> memref<1x80xi32, #tpu.memory_space<vmem>>
      %dma_wait3A_297 = tpu.memref_squeeze %dma_wait3A_296 : memref<1x80xi32, #tpu.memory_space<vmem>> -> memref<80xi32, #tpu.memory_space<vmem>>
      %dma_wait3A_298 = arith.constant 0 : i32
      %dma_wait3A_299 = arith.constant 0 : i32
      %dma_wait3A_300 = tpu.memref_slice %arg6[%dma_wait3A_298, %dma_wait3A_299] : memref<10240x128xf32, #tpu.memory_space<vmem_shared>> -> memref<10240x128xf32, #tpu.memory_space<vmem_shared>>
      tpu.wait_indirect_dma semaphore(%arg17 : memref<!tpu.dma_semaphore, #tpu.memory_space<semaphore_mem>>) src(%dma_wait3A_294 : memref<80x128xf32, #tpu.memory_space<vmem>>) dst(%dma_wait3A_300 : memref<10240x128xf32, #tpu.memory_space<vmem_shared>>)
      %while3A_301 = arith.constant 0 : i32
      scf.yield %while3A_301 : i32
    }
    %while3A_64 = arith.constant 1 : i32
    %while3A_65 = scf.for %while3A_99 = %while3A_61 to %while3A_57 step %while3A_64 iter_args(%while3A_100 = %while3A_63) -> (i32)  : i32 {
      %mul3A_101 = arith.constant 32 : i32
      %mul3A_102 = arith.muli %while3A_99, %mul3A_101 : i32
      %add3A_103 = arith.addi %select_n3A_8, %mul3A_102 : i32
      "tpu.region"() ({
        %run_scoped3A_302 = tpu.sem_alloc : memref<!tpu.dma_semaphore, #tpu.memory_space<semaphore_mem>>
        %dma_start3A_303 = arith.constant 0 : i32
        %dma_start3A_304 = tpu.memref_slice %arg3[%add3A_103, %dma_start3A_303] : memref<4096x80xi32, #tpu.memory_space<hbm>> -> memref<32x80xi32, #tpu.memory_space<hbm>>
        %dma_start3A_305 = arith.constant 0 : i32
        %dma_start3A_306 = tpu.memref_slice %arg3[%add3A_103, %dma_start3A_305] : memref<4096x80xi32, #tpu.memory_space<hbm>> -> memref<32x80xi32, #tpu.memory_space<hbm>>
        tpu.enqueue_dma source(%dma_start3A_306 : memref<32x80xi32, #tpu.memory_space<hbm>>) target(%arg8 : memref<32x80xi32, #tpu.memory_space<vmem>>) target_semaphore(%run_scoped3A_302 : memref<!tpu.dma_semaphore, #tpu.memory_space<semaphore_mem>>)
        %dma_wait3A_307 = arith.constant 0 : i32
        %dma_wait3A_308 = tpu.memref_slice %arg3[%add3A_103, %dma_wait3A_307] : memref<4096x80xi32, #tpu.memory_space<hbm>> -> memref<32x80xi32, #tpu.memory_space<hbm>>
        %dma_wait3A_309 = arith.constant 0 : i32
        %dma_wait3A_310 = tpu.memref_slice %arg3[%add3A_103, %dma_wait3A_309] : memref<4096x80xi32, #tpu.memory_space<hbm>> -> memref<32x80xi32, #tpu.memory_space<hbm>>
        tpu.wait_dma2 semaphore(%run_scoped3A_302 : memref<!tpu.dma_semaphore, #tpu.memory_space<semaphore_mem>>) src(%dma_wait3A_310 : memref<32x80xi32, #tpu.memory_space<hbm>>) dst(%arg8 : memref<32x80xi32, #tpu.memory_space<vmem>>)
        tpu.yield
      }) : () -> ()
      "tpu.region"() ({
        %run_scoped3A_302 = tpu.sem_alloc : memref<!tpu.dma_semaphore, #tpu.memory_space<semaphore_mem>>
        %dma_start3A_303 = arith.constant 0 : i32
        %dma_start3A_304 = tpu.memref_slice %arg4[%add3A_103, %dma_start3A_303] : memref<4096x80xi32, #tpu.memory_space<hbm>> -> memref<32x80xi32, #tpu.memory_space<hbm>>
        %dma_start3A_305 = arith.constant 0 : i32
        %dma_start3A_306 = tpu.memref_slice %arg4[%add3A_103, %dma_start3A_305] : memref<4096x80xi32, #tpu.memory_space<hbm>> -> memref<32x80xi32, #tpu.memory_space<hbm>>
        tpu.enqueue_dma source(%dma_start3A_306 : memref<32x80xi32, #tpu.memory_space<hbm>>) target(%arg9 : memref<32x80xi32, #tpu.memory_space<vmem>>) target_semaphore(%run_scoped3A_302 : memref<!tpu.dma_semaphore, #tpu.memory_space<semaphore_mem>>)
        %dma_wait3A_307 = arith.constant 0 : i32
        %dma_wait3A_308 = tpu.memref_slice %arg4[%add3A_103, %dma_wait3A_307] : memref<4096x80xi32, #tpu.memory_space<hbm>> -> memref<32x80xi32, #tpu.memory_space<hbm>>
        %dma_wait3A_309 = arith.constant 0 : i32
        %dma_wait3A_310 = tpu.memref_slice %arg4[%add3A_103, %dma_wait3A_309] : memref<4096x80xi32, #tpu.memory_space<hbm>> -> memref<32x80xi32, #tpu.memory_space<hbm>>
        tpu.wait_dma2 semaphore(%run_scoped3A_302 : memref<!tpu.dma_semaphore, #tpu.memory_space<semaphore_mem>>) src(%dma_wait3A_310 : memref<32x80xi32, #tpu.memory_space<hbm>>) dst(%arg9 : memref<32x80xi32, #tpu.memory_space<vmem>>)
        tpu.yield
      }) : () -> ()
      %dma_start3A = arith.constant 0 : i32
      %dma_start3A_104 = arith.constant 0 : i32
      %dma_start3A_105 = arith.constant 0 : i32
      %dma_start3A_106 = arith.constant 0 : i32
      %dma_start3A_107 = tpu.memref_slice %arg7[%dma_start3A_104, %dma_start3A_105, %dma_start3A_106] : memref<4x80x128xf32, #tpu.memory_space<vmem>> -> memref<1x80x128xf32, #tpu.memory_space<vmem>>
      %dma_start3A_108 = tpu.memref_squeeze %dma_start3A_107 : memref<1x80x128xf32, #tpu.memory_space<vmem>> -> memref<80x128xf32, #tpu.memory_space<vmem>>
      %dma_start3A_109 = arith.constant 0 : i32
      %dma_start3A_110 = tpu.memref_slice %arg8[%dma_start3A, %dma_start3A_109] : memref<32x80xi32, #tpu.memory_space<vmem>> -> memref<1x80xi32, #tpu.memory_space<vmem>>
      %dma_start3A_111 = tpu.memref_squeeze %dma_start3A_110 : memref<1x80xi32, #tpu.memory_space<vmem>> -> memref<80xi32, #tpu.memory_space<vmem>>
      %dma_start3A_112 = arith.constant 0 : i32
      %dma_start3A_113 = arith.constant 0 : i32
      %dma_start3A_114 = tpu.memref_slice %arg2[%dma_start3A_112, %dma_start3A_113] : memref<10240x128xf32, #tpu.memory_space<hbm>> -> memref<10240x128xf32, #tpu.memory_space<hbm>>
      tpu.enqueue_indirect_dma source(%dma_start3A_114 : memref<10240x128xf32, #tpu.memory_space<hbm>>) target(%dma_start3A_108 : memref<80x128xf32, #tpu.memory_space<vmem>>) offsets(%dma_start3A_111 : memref<80xi32, #tpu.memory_space<vmem>>) semaphore(%arg10 : memref<!tpu.dma_semaphore, #tpu.memory_space<semaphore_mem>>)
      %dma_start3A_115 = arith.constant 1 : i32
      %dma_start3A_116 = arith.constant 1 : i32
      %dma_start3A_117 = arith.constant 0 : i32
      %dma_start3A_118 = arith.constant 0 : i32
      %dma_start3A_119 = tpu.memref_slice %arg7[%dma_start3A_116, %dma_start3A_117, %dma_start3A_118] : memref<4x80x128xf32, #tpu.memory_space<vmem>> -> memref<1x80x128xf32, #tpu.memory_space<vmem>>
      %dma_start3A_120 = tpu.memref_squeeze %dma_start3A_119 : memref<1x80x128xf32, #tpu.memory_space<vmem>> -> memref<80x128xf32, #tpu.memory_space<vmem>>
      %dma_start3A_121 = arith.constant 0 : i32
      %dma_start3A_122 = tpu.memref_slice %arg8[%dma_start3A_115, %dma_start3A_121] : memref<32x80xi32, #tpu.memory_space<vmem>> -> memref<1x80xi32, #tpu.memory_space<vmem>>
      %dma_start3A_123 = tpu.memref_squeeze %dma_start3A_122 : memref<1x80xi32, #tpu.memory_space<vmem>> -> memref<80xi32, #tpu.memory_space<vmem>>
      %dma_start3A_124 = arith.constant 0 : i32
      %dma_start3A_125 = arith.constant 0 : i32
      %dma_start3A_126 = tpu.memref_slice %arg2[%dma_start3A_124, %dma_start3A_125] : memref<10240x128xf32, #tpu.memory_space<hbm>> -> memref<10240x128xf32, #tpu.memory_space<hbm>>
      tpu.enqueue_indirect_dma source(%dma_start3A_126 : memref<10240x128xf32, #tpu.memory_space<hbm>>) target(%dma_start3A_120 : memref<80x128xf32, #tpu.memory_space<vmem>>) offsets(%dma_start3A_123 : memref<80xi32, #tpu.memory_space<vmem>>) semaphore(%arg11 : memref<!tpu.dma_semaphore, #tpu.memory_space<semaphore_mem>>)
      %dma_start3A_127 = arith.constant 2 : i32
      %dma_start3A_128 = arith.constant 2 : i32
      %dma_start3A_129 = arith.constant 0 : i32
      %dma_start3A_130 = arith.constant 0 : i32
      %dma_start3A_131 = tpu.memref_slice %arg7[%dma_start3A_128, %dma_start3A_129, %dma_start3A_130] : memref<4x80x128xf32, #tpu.memory_space<vmem>> -> memref<1x80x128xf32, #tpu.memory_space<vmem>>
      %dma_start3A_132 = tpu.memref_squeeze %dma_start3A_131 : memref<1x80x128xf32, #tpu.memory_space<vmem>> -> memref<80x128xf32, #tpu.memory_space<vmem>>
      %dma_start3A_133 = arith.constant 0 : i32
      %dma_start3A_134 = tpu.memref_slice %arg8[%dma_start3A_127, %dma_start3A_133] : memref<32x80xi32, #tpu.memory_space<vmem>> -> memref<1x80xi32, #tpu.memory_space<vmem>>
      %dma_start3A_135 = tpu.memref_squeeze %dma_start3A_134 : memref<1x80xi32, #tpu.memory_space<vmem>> -> memref<80xi32, #tpu.memory_space<vmem>>
      %dma_start3A_136 = arith.constant 0 : i32
      %dma_start3A_137 = arith.constant 0 : i32
      %dma_start3A_138 = tpu.memref_slice %arg2[%dma_start3A_136, %dma_start3A_137] : memref<10240x128xf32, #tpu.memory_space<hbm>> -> memref<10240x128xf32, #tpu.memory_space<hbm>>
      tpu.enqueue_indirect_dma source(%dma_start3A_138 : memref<10240x128xf32, #tpu.memory_space<hbm>>) target(%dma_start3A_132 : memref<80x128xf32, #tpu.memory_space<vmem>>) offsets(%dma_start3A_135 : memref<80xi32, #tpu.memory_space<vmem>>) semaphore(%arg12 : memref<!tpu.dma_semaphore, #tpu.memory_space<semaphore_mem>>)
      %dma_start3A_139 = arith.constant 3 : i32
      %dma_start3A_140 = arith.constant 3 : i32
      %dma_start3A_141 = arith.constant 0 : i32
      %dma_start3A_142 = arith.constant 0 : i32
      %dma_start3A_143 = tpu.memref_slice %arg7[%dma_start3A_140, %dma_start3A_141, %dma_start3A_142] : memref<4x80x128xf32, #tpu.memory_space<vmem>> -> memref<1x80x128xf32, #tpu.memory_space<vmem>>
      %dma_start3A_144 = tpu.memref_squeeze %dma_start3A_143 : memref<1x80x128xf32, #tpu.memory_space<vmem>> -> memref<80x128xf32, #tpu.memory_space<vmem>>
      %dma_start3A_145 = arith.constant 0 : i32
      %dma_start3A_146 = tpu.memref_slice %arg8[%dma_start3A_139, %dma_start3A_145] : memref<32x80xi32, #tpu.memory_space<vmem>> -> memref<1x80xi32, #tpu.memory_space<vmem>>
      %dma_start3A_147 = tpu.memref_squeeze %dma_start3A_146 : memref<1x80xi32, #tpu.memory_space<vmem>> -> memref<80xi32, #tpu.memory_space<vmem>>
      %dma_start3A_148 = arith.constant 0 : i32
      %dma_start3A_149 = arith.constant 0 : i32
      %dma_start3A_150 = tpu.memref_slice %arg2[%dma_start3A_148, %dma_start3A_149] : memref<10240x128xf32, #tpu.memory_space<hbm>> -> memref<10240x128xf32, #tpu.memory_space<hbm>>
      tpu.enqueue_indirect_dma source(%dma_start3A_150 : memref<10240x128xf32, #tpu.memory_space<hbm>>) target(%dma_start3A_144 : memref<80x128xf32, #tpu.memory_space<vmem>>) offsets(%dma_start3A_147 : memref<80xi32, #tpu.memory_space<vmem>>) semaphore(%arg13 : memref<!tpu.dma_semaphore, #tpu.memory_space<semaphore_mem>>)
      %scan3A_151 = arith.constant 0 : i32
      %scan3A_152 = arith.constant 0 : i32
      %scan3A_153 = arith.constant 7 : i32
      %scan3A_154 = arith.addi %scan3A_152, %scan3A_153 : i32
      %scan3A_155 = arith.constant 1 : i32
      %scan3A_156 = scf.for %scan3A_302 = %scan3A_152 to %scan3A_154 step %scan3A_155 iter_args(%scan3A_303 = %scan3A_151) -> (i32)  : i32 {
        %mul3A_304 = arith.constant 4 : i32
        %mul3A_305 = arith.muli %scan3A_302, %mul3A_304 : i32
        %add3A_306 = arith.constant 0 : i32
        %add3A_307 = arith.addi %mul3A_305, %add3A_306 : i32
        %dma_wait3A_308 = arith.constant 0 : i32
        %dma_wait3A_309 = arith.constant 0 : i32
        %dma_wait3A_310 = arith.constant 0 : i32
        %dma_wait3A_311 = tpu.memref_slice %arg7[%dma_wait3A_308, %dma_wait3A_309, %dma_wait3A_310] : memref<4x80x128xf32, #tpu.memory_space<vmem>> -> memref<1x80x128xf32, #tpu.memory_space<vmem>>
        %dma_wait3A_312 = tpu.memref_squeeze %dma_wait3A_311 : memref<1x80x128xf32, #tpu.memory_space<vmem>> -> memref<80x128xf32, #tpu.memory_space<vmem>>
        %dma_wait3A_313 = arith.constant 0 : i32
        %dma_wait3A_314 = tpu.memref_slice %arg8[%add3A_307, %dma_wait3A_313] : memref<32x80xi32, #tpu.memory_space<vmem>> -> memref<1x80xi32, #tpu.memory_space<vmem>>
        %dma_wait3A_315 = tpu.memref_squeeze %dma_wait3A_314 : memref<1x80xi32, #tpu.memory_space<vmem>> -> memref<80xi32, #tpu.memory_space<vmem>>
        %dma_wait3A_316 = arith.constant 0 : i32
        %dma_wait3A_317 = arith.constant 0 : i32
        %dma_wait3A_318 = tpu.memref_slice %arg2[%dma_wait3A_316, %dma_wait3A_317] : memref<10240x128xf32, #tpu.memory_space<hbm>> -> memref<10240x128xf32, #tpu.memory_space<hbm>>
        tpu.wait_indirect_dma semaphore(%arg10 : memref<!tpu.dma_semaphore, #tpu.memory_space<semaphore_mem>>) src(%dma_wait3A_318 : memref<10240x128xf32, #tpu.memory_space<hbm>>) dst(%dma_wait3A_312 : memref<80x128xf32, #tpu.memory_space<vmem>>)
        %dma_start3A_319 = arith.constant 0 : i32
        %dma_start3A_320 = arith.constant 0 : i32
        %dma_start3A_321 = arith.constant 0 : i32
        %dma_start3A_322 = tpu.memref_slice %arg7[%dma_start3A_319, %dma_start3A_320, %dma_start3A_321] : memref<4x80x128xf32, #tpu.memory_space<vmem>> -> memref<1x80x128xf32, #tpu.memory_space<vmem>>
        %dma_start3A_323 = tpu.memref_squeeze %dma_start3A_322 : memref<1x80x128xf32, #tpu.memory_space<vmem>> -> memref<80x128xf32, #tpu.memory_space<vmem>>
        %dma_start3A_324 = arith.constant 0 : i32
        %dma_start3A_325 = tpu.memref_slice %arg9[%add3A_307, %dma_start3A_324] : memref<32x80xi32, #tpu.memory_space<vmem>> -> memref<1x80xi32, #tpu.memory_space<vmem>>
        %dma_start3A_326 = tpu.memref_squeeze %dma_start3A_325 : memref<1x80xi32, #tpu.memory_space<vmem>> -> memref<80xi32, #tpu.memory_space<vmem>>
        %dma_start3A_327 = arith.constant 0 : i32
        %dma_start3A_328 = arith.constant 0 : i32
        %dma_start3A_329 = tpu.memref_slice %arg6[%dma_start3A_327, %dma_start3A_328] : memref<10240x128xf32, #tpu.memory_space<vmem_shared>> -> memref<10240x128xf32, #tpu.memory_space<vmem_shared>>
        tpu.enqueue_indirect_dma source(%dma_start3A_323 : memref<80x128xf32, #tpu.memory_space<vmem>>) target(%dma_start3A_329 : memref<10240x128xf32, #tpu.memory_space<vmem_shared>>) offsets(%dma_start3A_326 : memref<80xi32, #tpu.memory_space<vmem>>) semaphore(%arg14 : memref<!tpu.dma_semaphore, #tpu.memory_space<semaphore_mem>>) {add = true}
        %add3A_330 = arith.constant 1 : i32
        %add3A_331 = arith.addi %mul3A_305, %add3A_330 : i32
        %dma_wait3A_332 = arith.constant 1 : i32
        %dma_wait3A_333 = arith.constant 0 : i32
        %dma_wait3A_334 = arith.constant 0 : i32
        %dma_wait3A_335 = tpu.memref_slice %arg7[%dma_wait3A_332, %dma_wait3A_333, %dma_wait3A_334] : memref<4x80x128xf32, #tpu.memory_space<vmem>> -> memref<1x80x128xf32, #tpu.memory_space<vmem>>
        %dma_wait3A_336 = tpu.memref_squeeze %dma_wait3A_335 : memref<1x80x128xf32, #tpu.memory_space<vmem>> -> memref<80x128xf32, #tpu.memory_space<vmem>>
        %dma_wait3A_337 = arith.constant 0 : i32
        %dma_wait3A_338 = tpu.memref_slice %arg8[%add3A_331, %dma_wait3A_337] : memref<32x80xi32, #tpu.memory_space<vmem>> -> memref<1x80xi32, #tpu.memory_space<vmem>>
        %dma_wait3A_339 = tpu.memref_squeeze %dma_wait3A_338 : memref<1x80xi32, #tpu.memory_space<vmem>> -> memref<80xi32, #tpu.memory_space<vmem>>
        %dma_wait3A_340 = arith.constant 0 : i32
        %dma_wait3A_341 = arith.constant 0 : i32
        %dma_wait3A_342 = tpu.memref_slice %arg2[%dma_wait3A_340, %dma_wait3A_341] : memref<10240x128xf32, #tpu.memory_space<hbm>> -> memref<10240x128xf32, #tpu.memory_space<hbm>>
        tpu.wait_indirect_dma semaphore(%arg11 : memref<!tpu.dma_semaphore, #tpu.memory_space<semaphore_mem>>) src(%dma_wait3A_342 : memref<10240x128xf32, #tpu.memory_space<hbm>>) dst(%dma_wait3A_336 : memref<80x128xf32, #tpu.memory_space<vmem>>)
        %dma_start3A_343 = arith.constant 1 : i32
        %dma_start3A_344 = arith.constant 0 : i32
        %dma_start3A_345 = arith.constant 0 : i32
        %dma_start3A_346 = tpu.memref_slice %arg7[%dma_start3A_343, %dma_start3A_344, %dma_start3A_345] : memref<4x80x128xf32, #tpu.memory_space<vmem>> -> memref<1x80x128xf32, #tpu.memory_space<vmem>>
        %dma_start3A_347 = tpu.memref_squeeze %dma_start3A_346 : memref<1x80x128xf32, #tpu.memory_space<vmem>> -> memref<80x128xf32, #tpu.memory_space<vmem>>
        %dma_start3A_348 = arith.constant 0 : i32
        %dma_start3A_349 = tpu.memref_slice %arg9[%add3A_331, %dma_start3A_348] : memref<32x80xi32, #tpu.memory_space<vmem>> -> memref<1x80xi32, #tpu.memory_space<vmem>>
        %dma_start3A_350 = tpu.memref_squeeze %dma_start3A_349 : memref<1x80xi32, #tpu.memory_space<vmem>> -> memref<80xi32, #tpu.memory_space<vmem>>
        %dma_start3A_351 = arith.constant 0 : i32
        %dma_start3A_352 = arith.constant 0 : i32
        %dma_start3A_353 = tpu.memref_slice %arg6[%dma_start3A_351, %dma_start3A_352] : memref<10240x128xf32, #tpu.memory_space<vmem_shared>> -> memref<10240x128xf32, #tpu.memory_space<vmem_shared>>
        tpu.enqueue_indirect_dma source(%dma_start3A_347 : memref<80x128xf32, #tpu.memory_space<vmem>>) target(%dma_start3A_353 : memref<10240x128xf32, #tpu.memory_space<vmem_shared>>) offsets(%dma_start3A_350 : memref<80xi32, #tpu.memory_space<vmem>>) semaphore(%arg15 : memref<!tpu.dma_semaphore, #tpu.memory_space<semaphore_mem>>) {add = true}
        %add3A_354 = arith.constant 2 : i32
        %add3A_355 = arith.addi %mul3A_305, %add3A_354 : i32
        %dma_wait3A_356 = arith.constant 2 : i32
        %dma_wait3A_357 = arith.constant 0 : i32
        %dma_wait3A_358 = arith.constant 0 : i32
        %dma_wait3A_359 = tpu.memref_slice %arg7[%dma_wait3A_356, %dma_wait3A_357, %dma_wait3A_358] : memref<4x80x128xf32, #tpu.memory_space<vmem>> -> memref<1x80x128xf32, #tpu.memory_space<vmem>>
        %dma_wait3A_360 = tpu.memref_squeeze %dma_wait3A_359 : memref<1x80x128xf32, #tpu.memory_space<vmem>> -> memref<80x128xf32, #tpu.memory_space<vmem>>
        %dma_wait3A_361 = arith.constant 0 : i32
        %dma_wait3A_362 = tpu.memref_slice %arg8[%add3A_355, %dma_wait3A_361] : memref<32x80xi32, #tpu.memory_space<vmem>> -> memref<1x80xi32, #tpu.memory_space<vmem>>
        %dma_wait3A_363 = tpu.memref_squeeze %dma_wait3A_362 : memref<1x80xi32, #tpu.memory_space<vmem>> -> memref<80xi32, #tpu.memory_space<vmem>>
        %dma_wait3A_364 = arith.constant 0 : i32
        %dma_wait3A_365 = arith.constant 0 : i32
        %dma_wait3A_366 = tpu.memref_slice %arg2[%dma_wait3A_364, %dma_wait3A_365] : memref<10240x128xf32, #tpu.memory_space<hbm>> -> memref<10240x128xf32, #tpu.memory_space<hbm>>
        tpu.wait_indirect_dma semaphore(%arg12 : memref<!tpu.dma_semaphore, #tpu.memory_space<semaphore_mem>>) src(%dma_wait3A_366 : memref<10240x128xf32, #tpu.memory_space<hbm>>) dst(%dma_wait3A_360 : memref<80x128xf32, #tpu.memory_space<vmem>>)
        %dma_start3A_367 = arith.constant 2 : i32
        %dma_start3A_368 = arith.constant 0 : i32
        %dma_start3A_369 = arith.constant 0 : i32
        %dma_start3A_370 = tpu.memref_slice %arg7[%dma_start3A_367, %dma_start3A_368, %dma_start3A_369] : memref<4x80x128xf32, #tpu.memory_space<vmem>> -> memref<1x80x128xf32, #tpu.memory_space<vmem>>
        %dma_start3A_371 = tpu.memref_squeeze %dma_start3A_370 : memref<1x80x128xf32, #tpu.memory_space<vmem>> -> memref<80x128xf32, #tpu.memory_space<vmem>>
        %dma_start3A_372 = arith.constant 0 : i32
        %dma_start3A_373 = tpu.memref_slice %arg9[%add3A_355, %dma_start3A_372] : memref<32x80xi32, #tpu.memory_space<vmem>> -> memref<1x80xi32, #tpu.memory_space<vmem>>
        %dma_start3A_374 = tpu.memref_squeeze %dma_start3A_373 : memref<1x80xi32, #tpu.memory_space<vmem>> -> memref<80xi32, #tpu.memory_space<vmem>>
        %dma_start3A_375 = arith.constant 0 : i32
        %dma_start3A_376 = arith.constant 0 : i32
        %dma_start3A_377 = tpu.memref_slice %arg6[%dma_start3A_375, %dma_start3A_376] : memref<10240x128xf32, #tpu.memory_space<vmem_shared>> -> memref<10240x128xf32, #tpu.memory_space<vmem_shared>>
        tpu.enqueue_indirect_dma source(%dma_start3A_371 : memref<80x128xf32, #tpu.memory_space<vmem>>) target(%dma_start3A_377 : memref<10240x128xf32, #tpu.memory_space<vmem_shared>>) offsets(%dma_start3A_374 : memref<80xi32, #tpu.memory_space<vmem>>) semaphore(%arg16 : memref<!tpu.dma_semaphore, #tpu.memory_space<semaphore_mem>>) {add = true}
        %add3A_378 = arith.constant 3 : i32
        %add3A_379 = arith.addi %mul3A_305, %add3A_378 : i32
        %dma_wait3A_380 = arith.constant 3 : i32
        %dma_wait3A_381 = arith.constant 0 : i32
        %dma_wait3A_382 = arith.constant 0 : i32
        %dma_wait3A_383 = tpu.memref_slice %arg7[%dma_wait3A_380, %dma_wait3A_381, %dma_wait3A_382] : memref<4x80x128xf32, #tpu.memory_space<vmem>> -> memref<1x80x128xf32, #tpu.memory_space<vmem>>
        %dma_wait3A_384 = tpu.memref_squeeze %dma_wait3A_383 : memref<1x80x128xf32, #tpu.memory_space<vmem>> -> memref<80x128xf32, #tpu.memory_space<vmem>>
        %dma_wait3A_385 = arith.constant 0 : i32
        %dma_wait3A_386 = tpu.memref_slice %arg8[%add3A_379, %dma_wait3A_385] : memref<32x80xi32, #tpu.memory_space<vmem>> -> memref<1x80xi32, #tpu.memory_space<vmem>>
        %dma_wait3A_387 = tpu.memref_squeeze %dma_wait3A_386 : memref<1x80xi32, #tpu.memory_space<vmem>> -> memref<80xi32, #tpu.memory_space<vmem>>
        %dma_wait3A_388 = arith.constant 0 : i32
        %dma_wait3A_389 = arith.constant 0 : i32
        %dma_wait3A_390 = tpu.memref_slice %arg2[%dma_wait3A_388, %dma_wait3A_389] : memref<10240x128xf32, #tpu.memory_space<hbm>> -> memref<10240x128xf32, #tpu.memory_space<hbm>>
        tpu.wait_indirect_dma semaphore(%arg13 : memref<!tpu.dma_semaphore, #tpu.memory_space<semaphore_mem>>) src(%dma_wait3A_390 : memref<10240x128xf32, #tpu.memory_space<hbm>>) dst(%dma_wait3A_384 : memref<80x128xf32, #tpu.memory_space<vmem>>)
        %dma_start3A_391 = arith.constant 3 : i32
        %dma_start3A_392 = arith.constant 0 : i32
        %dma_start3A_393 = arith.constant 0 : i32
        %dma_start3A_394 = tpu.memref_slice %arg7[%dma_start3A_391, %dma_start3A_392, %dma_start3A_393] : memref<4x80x128xf32, #tpu.memory_space<vmem>> -> memref<1x80x128xf32, #tpu.memory_space<vmem>>
        %dma_start3A_395 = tpu.memref_squeeze %dma_start3A_394 : memref<1x80x128xf32, #tpu.memory_space<vmem>> -> memref<80x128xf32, #tpu.memory_space<vmem>>
        %dma_start3A_396 = arith.constant 0 : i32
        %dma_start3A_397 = tpu.memref_slice %arg9[%add3A_379, %dma_start3A_396] : memref<32x80xi32, #tpu.memory_space<vmem>> -> memref<1x80xi32, #tpu.memory_space<vmem>>
        %dma_start3A_398 = tpu.memref_squeeze %dma_start3A_397 : memref<1x80xi32, #tpu.memory_space<vmem>> -> memref<80xi32, #tpu.memory_space<vmem>>
        %dma_start3A_399 = arith.constant 0 : i32
        %dma_start3A_400 = arith.constant 0 : i32
        %dma_start3A_401 = tpu.memref_slice %arg6[%dma_start3A_399, %dma_start3A_400] : memref<10240x128xf32, #tpu.memory_space<vmem_shared>> -> memref<10240x128xf32, #tpu.memory_space<vmem_shared>>
        tpu.enqueue_indirect_dma source(%dma_start3A_395 : memref<80x128xf32, #tpu.memory_space<vmem>>) target(%dma_start3A_401 : memref<10240x128xf32, #tpu.memory_space<vmem_shared>>) offsets(%dma_start3A_398 : memref<80xi32, #tpu.memory_space<vmem>>) semaphore(%arg17 : memref<!tpu.dma_semaphore, #tpu.memory_space<semaphore_mem>>) {add = true}
        %add3A_402 = arith.constant 0 : i32
        %add3A_403 = arith.addi %mul3A_305, %add3A_402 : i32
        %dma_wait3A_404 = arith.constant 0 : i32
        %dma_wait3A_405 = arith.constant 0 : i32
        %dma_wait3A_406 = arith.constant 0 : i32
        %dma_wait3A_407 = tpu.memref_slice %arg7[%dma_wait3A_404, %dma_wait3A_405, %dma_wait3A_406] : memref<4x80x128xf32, #tpu.memory_space<vmem>> -> memref<1x80x128xf32, #tpu.memory_space<vmem>>
        %dma_wait3A_408 = tpu.memref_squeeze %dma_wait3A_407 : memref<1x80x128xf32, #tpu.memory_space<vmem>> -> memref<80x128xf32, #tpu.memory_space<vmem>>
        %dma_wait3A_409 = arith.constant 0 : i32
        %dma_wait3A_410 = tpu.memref_slice %arg9[%add3A_403, %dma_wait3A_409] : memref<32x80xi32, #tpu.memory_space<vmem>> -> memref<1x80xi32, #tpu.memory_space<vmem>>
        %dma_wait3A_411 = tpu.memref_squeeze %dma_wait3A_410 : memref<1x80xi32, #tpu.memory_space<vmem>> -> memref<80xi32, #tpu.memory_space<vmem>>
        %dma_wait3A_412 = arith.constant 0 : i32
        %dma_wait3A_413 = arith.constant 0 : i32
        %dma_wait3A_414 = tpu.memref_slice %arg6[%dma_wait3A_412, %dma_wait3A_413] : memref<10240x128xf32, #tpu.memory_space<vmem_shared>> -> memref<10240x128xf32, #tpu.memory_space<vmem_shared>>
        tpu.wait_indirect_dma semaphore(%arg14 : memref<!tpu.dma_semaphore, #tpu.memory_space<semaphore_mem>>) src(%dma_wait3A_408 : memref<80x128xf32, #tpu.memory_space<vmem>>) dst(%dma_wait3A_414 : memref<10240x128xf32, #tpu.memory_space<vmem_shared>>)
        %add3A_415 = arith.constant 4 : i32
        %add3A_416 = arith.addi %mul3A_305, %add3A_415 : i32
        %add3A_417 = arith.constant 0 : i32
        %add3A_418 = arith.addi %add3A_416, %add3A_417 : i32
        %dma_start3A_419 = arith.constant 0 : i32
        %dma_start3A_420 = arith.constant 0 : i32
        %dma_start3A_421 = arith.constant 0 : i32
        %dma_start3A_422 = tpu.memref_slice %arg7[%dma_start3A_419, %dma_start3A_420, %dma_start3A_421] : memref<4x80x128xf32, #tpu.memory_space<vmem>> -> memref<1x80x128xf32, #tpu.memory_space<vmem>>
        %dma_start3A_423 = tpu.memref_squeeze %dma_start3A_422 : memref<1x80x128xf32, #tpu.memory_space<vmem>> -> memref<80x128xf32, #tpu.memory_space<vmem>>
        %dma_start3A_424 = arith.constant 0 : i32
        %dma_start3A_425 = tpu.memref_slice %arg8[%add3A_418, %dma_start3A_424] : memref<32x80xi32, #tpu.memory_space<vmem>> -> memref<1x80xi32, #tpu.memory_space<vmem>>
        %dma_start3A_426 = tpu.memref_squeeze %dma_start3A_425 : memref<1x80xi32, #tpu.memory_space<vmem>> -> memref<80xi32, #tpu.memory_space<vmem>>
        %dma_start3A_427 = arith.constant 0 : i32
        %dma_start3A_428 = arith.constant 0 : i32
        %dma_start3A_429 = tpu.memref_slice %arg2[%dma_start3A_427, %dma_start3A_428] : memref<10240x128xf32, #tpu.memory_space<hbm>> -> memref<10240x128xf32, #tpu.memory_space<hbm>>
        tpu.enqueue_indirect_dma source(%dma_start3A_429 : memref<10240x128xf32, #tpu.memory_space<hbm>>) target(%dma_start3A_423 : memref<80x128xf32, #tpu.memory_space<vmem>>) offsets(%dma_start3A_426 : memref<80xi32, #tpu.memory_space<vmem>>) semaphore(%arg10 : memref<!tpu.dma_semaphore, #tpu.memory_space<semaphore_mem>>)
        %add3A_430 = arith.constant 1 : i32
        %add3A_431 = arith.addi %mul3A_305, %add3A_430 : i32
        %dma_wait3A_432 = arith.constant 1 : i32
        %dma_wait3A_433 = arith.constant 0 : i32
        %dma_wait3A_434 = arith.constant 0 : i32
        %dma_wait3A_435 = tpu.memref_slice %arg7[%dma_wait3A_432, %dma_wait3A_433, %dma_wait3A_434] : memref<4x80x128xf32, #tpu.memory_space<vmem>> -> memref<1x80x128xf32, #tpu.memory_space<vmem>>
        %dma_wait3A_436 = tpu.memref_squeeze %dma_wait3A_435 : memref<1x80x128xf32, #tpu.memory_space<vmem>> -> memref<80x128xf32, #tpu.memory_space<vmem>>
        %dma_wait3A_437 = arith.constant 0 : i32
        %dma_wait3A_438 = tpu.memref_slice %arg9[%add3A_431, %dma_wait3A_437] : memref<32x80xi32, #tpu.memory_space<vmem>> -> memref<1x80xi32, #tpu.memory_space<vmem>>
        %dma_wait3A_439 = tpu.memref_squeeze %dma_wait3A_438 : memref<1x80xi32, #tpu.memory_space<vmem>> -> memref<80xi32, #tpu.memory_space<vmem>>
        %dma_wait3A_440 = arith.constant 0 : i32
        %dma_wait3A_441 = arith.constant 0 : i32
        %dma_wait3A_442 = tpu.memref_slice %arg6[%dma_wait3A_440, %dma_wait3A_441] : memref<10240x128xf32, #tpu.memory_space<vmem_shared>> -> memref<10240x128xf32, #tpu.memory_space<vmem_shared>>
        tpu.wait_indirect_dma semaphore(%arg15 : memref<!tpu.dma_semaphore, #tpu.memory_space<semaphore_mem>>) src(%dma_wait3A_436 : memref<80x128xf32, #tpu.memory_space<vmem>>) dst(%dma_wait3A_442 : memref<10240x128xf32, #tpu.memory_space<vmem_shared>>)
        %add3A_443 = arith.constant 4 : i32
        %add3A_444 = arith.addi %mul3A_305, %add3A_443 : i32
        %add3A_445 = arith.constant 1 : i32
        %add3A_446 = arith.addi %add3A_444, %add3A_445 : i32
        %dma_start3A_447 = arith.constant 1 : i32
        %dma_start3A_448 = arith.constant 0 : i32
        %dma_start3A_449 = arith.constant 0 : i32
        %dma_start3A_450 = tpu.memref_slice %arg7[%dma_start3A_447, %dma_start3A_448, %dma_start3A_449] : memref<4x80x128xf32, #tpu.memory_space<vmem>> -> memref<1x80x128xf32, #tpu.memory_space<vmem>>
        %dma_start3A_451 = tpu.memref_squeeze %dma_start3A_450 : memref<1x80x128xf32, #tpu.memory_space<vmem>> -> memref<80x128xf32, #tpu.memory_space<vmem>>
        %dma_start3A_452 = arith.constant 0 : i32
        %dma_start3A_453 = tpu.memref_slice %arg8[%add3A_446, %dma_start3A_452] : memref<32x80xi32, #tpu.memory_space<vmem>> -> memref<1x80xi32, #tpu.memory_space<vmem>>
        %dma_start3A_454 = tpu.memref_squeeze %dma_start3A_453 : memref<1x80xi32, #tpu.memory_space<vmem>> -> memref<80xi32, #tpu.memory_space<vmem>>
        %dma_start3A_455 = arith.constant 0 : i32
        %dma_start3A_456 = arith.constant 0 : i32
        %dma_start3A_457 = tpu.memref_slice %arg2[%dma_start3A_455, %dma_start3A_456] : memref<10240x128xf32, #tpu.memory_space<hbm>> -> memref<10240x128xf32, #tpu.memory_space<hbm>>
        tpu.enqueue_indirect_dma source(%dma_start3A_457 : memref<10240x128xf32, #tpu.memory_space<hbm>>) target(%dma_start3A_451 : memref<80x128xf32, #tpu.memory_space<vmem>>) offsets(%dma_start3A_454 : memref<80xi32, #tpu.memory_space<vmem>>) semaphore(%arg11 : memref<!tpu.dma_semaphore, #tpu.memory_space<semaphore_mem>>)
        %add3A_458 = arith.constant 2 : i32
        %add3A_459 = arith.addi %mul3A_305, %add3A_458 : i32
        %dma_wait3A_460 = arith.constant 2 : i32
        %dma_wait3A_461 = arith.constant 0 : i32
        %dma_wait3A_462 = arith.constant 0 : i32
        %dma_wait3A_463 = tpu.memref_slice %arg7[%dma_wait3A_460, %dma_wait3A_461, %dma_wait3A_462] : memref<4x80x128xf32, #tpu.memory_space<vmem>> -> memref<1x80x128xf32, #tpu.memory_space<vmem>>
        %dma_wait3A_464 = tpu.memref_squeeze %dma_wait3A_463 : memref<1x80x128xf32, #tpu.memory_space<vmem>> -> memref<80x128xf32, #tpu.memory_space<vmem>>
        %dma_wait3A_465 = arith.constant 0 : i32
        %dma_wait3A_466 = tpu.memref_slice %arg9[%add3A_459, %dma_wait3A_465] : memref<32x80xi32, #tpu.memory_space<vmem>> -> memref<1x80xi32, #tpu.memory_space<vmem>>
        %dma_wait3A_467 = tpu.memref_squeeze %dma_wait3A_466 : memref<1x80xi32, #tpu.memory_space<vmem>> -> memref<80xi32, #tpu.memory_space<vmem>>
        %dma_wait3A_468 = arith.constant 0 : i32
        %dma_wait3A_469 = arith.constant 0 : i32
        %dma_wait3A_470 = tpu.memref_slice %arg6[%dma_wait3A_468, %dma_wait3A_469] : memref<10240x128xf32, #tpu.memory_space<vmem_shared>> -> memref<10240x128xf32, #tpu.memory_space<vmem_shared>>
        tpu.wait_indirect_dma semaphore(%arg16 : memref<!tpu.dma_semaphore, #tpu.memory_space<semaphore_mem>>) src(%dma_wait3A_464 : memref<80x128xf32, #tpu.memory_space<vmem>>) dst(%dma_wait3A_470 : memref<10240x128xf32, #tpu.memory_space<vmem_shared>>)
        %add3A_471 = arith.constant 4 : i32
        %add3A_472 = arith.addi %mul3A_305, %add3A_471 : i32
        %add3A_473 = arith.constant 2 : i32
        %add3A_474 = arith.addi %add3A_472, %add3A_473 : i32
        %dma_start3A_475 = arith.constant 2 : i32
        %dma_start3A_476 = arith.constant 0 : i32
        %dma_start3A_477 = arith.constant 0 : i32
        %dma_start3A_478 = tpu.memref_slice %arg7[%dma_start3A_475, %dma_start3A_476, %dma_start3A_477] : memref<4x80x128xf32, #tpu.memory_space<vmem>> -> memref<1x80x128xf32, #tpu.memory_space<vmem>>
        %dma_start3A_479 = tpu.memref_squeeze %dma_start3A_478 : memref<1x80x128xf32, #tpu.memory_space<vmem>> -> memref<80x128xf32, #tpu.memory_space<vmem>>
        %dma_start3A_480 = arith.constant 0 : i32
        %dma_start3A_481 = tpu.memref_slice %arg8[%add3A_474, %dma_start3A_480] : memref<32x80xi32, #tpu.memory_space<vmem>> -> memref<1x80xi32, #tpu.memory_space<vmem>>
        %dma_start3A_482 = tpu.memref_squeeze %dma_start3A_481 : memref<1x80xi32, #tpu.memory_space<vmem>> -> memref<80xi32, #tpu.memory_space<vmem>>
        %dma_start3A_483 = arith.constant 0 : i32
        %dma_start3A_484 = arith.constant 0 : i32
        %dma_start3A_485 = tpu.memref_slice %arg2[%dma_start3A_483, %dma_start3A_484] : memref<10240x128xf32, #tpu.memory_space<hbm>> -> memref<10240x128xf32, #tpu.memory_space<hbm>>
        tpu.enqueue_indirect_dma source(%dma_start3A_485 : memref<10240x128xf32, #tpu.memory_space<hbm>>) target(%dma_start3A_479 : memref<80x128xf32, #tpu.memory_space<vmem>>) offsets(%dma_start3A_482 : memref<80xi32, #tpu.memory_space<vmem>>) semaphore(%arg12 : memref<!tpu.dma_semaphore, #tpu.memory_space<semaphore_mem>>)
        %add3A_486 = arith.constant 3 : i32
        %add3A_487 = arith.addi %mul3A_305, %add3A_486 : i32
        %dma_wait3A_488 = arith.constant 3 : i32
        %dma_wait3A_489 = arith.constant 0 : i32
        %dma_wait3A_490 = arith.constant 0 : i32
        %dma_wait3A_491 = tpu.memref_slice %arg7[%dma_wait3A_488, %dma_wait3A_489, %dma_wait3A_490] : memref<4x80x128xf32, #tpu.memory_space<vmem>> -> memref<1x80x128xf32, #tpu.memory_space<vmem>>
        %dma_wait3A_492 = tpu.memref_squeeze %dma_wait3A_491 : memref<1x80x128xf32, #tpu.memory_space<vmem>> -> memref<80x128xf32, #tpu.memory_space<vmem>>
        %dma_wait3A_493 = arith.constant 0 : i32
        %dma_wait3A_494 = tpu.memref_slice %arg9[%add3A_487, %dma_wait3A_493] : memref<32x80xi32, #tpu.memory_space<vmem>> -> memref<1x80xi32, #tpu.memory_space<vmem>>
        %dma_wait3A_495 = tpu.memref_squeeze %dma_wait3A_494 : memref<1x80xi32, #tpu.memory_space<vmem>> -> memref<80xi32, #tpu.memory_space<vmem>>
        %dma_wait3A_496 = arith.constant 0 : i32
        %dma_wait3A_497 = arith.constant 0 : i32
        %dma_wait3A_498 = tpu.memref_slice %arg6[%dma_wait3A_496, %dma_wait3A_497] : memref<10240x128xf32, #tpu.memory_space<vmem_shared>> -> memref<10240x128xf32, #tpu.memory_space<vmem_shared>>
        tpu.wait_indirect_dma semaphore(%arg17 : memref<!tpu.dma_semaphore, #tpu.memory_space<semaphore_mem>>) src(%dma_wait3A_492 : memref<80x128xf32, #tpu.memory_space<vmem>>) dst(%dma_wait3A_498 : memref<10240x128xf32, #tpu.memory_space<vmem_shared>>)
        %add3A_499 = arith.constant 4 : i32
        %add3A_500 = arith.addi %mul3A_305, %add3A_499 : i32
        %add3A_501 = arith.constant 3 : i32
        %add3A_502 = arith.addi %add3A_500, %add3A_501 : i32
        %dma_start3A_503 = arith.constant 3 : i32
        %dma_start3A_504 = arith.constant 0 : i32
        %dma_start3A_505 = arith.constant 0 : i32
        %dma_start3A_506 = tpu.memref_slice %arg7[%dma_start3A_503, %dma_start3A_504, %dma_start3A_505] : memref<4x80x128xf32, #tpu.memory_space<vmem>> -> memref<1x80x128xf32, #tpu.memory_space<vmem>>
        %dma_start3A_507 = tpu.memref_squeeze %dma_start3A_506 : memref<1x80x128xf32, #tpu.memory_space<vmem>> -> memref<80x128xf32, #tpu.memory_space<vmem>>
        %dma_start3A_508 = arith.constant 0 : i32
        %dma_start3A_509 = tpu.memref_slice %arg8[%add3A_502, %dma_start3A_508] : memref<32x80xi32, #tpu.memory_space<vmem>> -> memref<1x80xi32, #tpu.memory_space<vmem>>
        %dma_start3A_510 = tpu.memref_squeeze %dma_start3A_509 : memref<1x80xi32, #tpu.memory_space<vmem>> -> memref<80xi32, #tpu.memory_space<vmem>>
        %dma_start3A_511 = arith.constant 0 : i32
        %dma_start3A_512 = arith.constant 0 : i32
        %dma_start3A_513 = tpu.memref_slice %arg2[%dma_start3A_511, %dma_start3A_512] : memref<10240x128xf32, #tpu.memory_space<hbm>> -> memref<10240x128xf32, #tpu.memory_space<hbm>>
        tpu.enqueue_indirect_dma source(%dma_start3A_513 : memref<10240x128xf32, #tpu.memory_space<hbm>>) target(%dma_start3A_507 : memref<80x128xf32, #tpu.memory_space<vmem>>) offsets(%dma_start3A_510 : memref<80xi32, #tpu.memory_space<vmem>>) semaphore(%arg13 : memref<!tpu.dma_semaphore, #tpu.memory_space<semaphore_mem>>)
        %scan3A_514 = arith.constant 0 : i32
        scf.yield %scan3A_514 : i32
      }
      %scan3A_157 = arith.constant 7 : i32
      %dma_wait3A = arith.constant 28 : i32
      %dma_wait3A_158 = arith.constant 0 : i32
      %dma_wait3A_159 = arith.constant 0 : i32
      %dma_wait3A_160 = arith.constant 0 : i32
      %dma_wait3A_161 = tpu.memref_slice %arg7[%dma_wait3A_158, %dma_wait3A_159, %dma_wait3A_160] : memref<4x80x128xf32, #tpu.memory_space<vmem>> -> memref<1x80x128xf32, #tpu.memory_space<vmem>>
      %dma_wait3A_162 = tpu.memref_squeeze %dma_wait3A_161 : memref<1x80x128xf32, #tpu.memory_space<vmem>> -> memref<80x128xf32, #tpu.memory_space<vmem>>
      %dma_wait3A_163 = arith.constant 0 : i32
      %dma_wait3A_164 = tpu.memref_slice %arg8[%dma_wait3A, %dma_wait3A_163] : memref<32x80xi32, #tpu.memory_space<vmem>> -> memref<1x80xi32, #tpu.memory_space<vmem>>
      %dma_wait3A_165 = tpu.memref_squeeze %dma_wait3A_164 : memref<1x80xi32, #tpu.memory_space<vmem>> -> memref<80xi32, #tpu.memory_space<vmem>>
      %dma_wait3A_166 = arith.constant 0 : i32
      %dma_wait3A_167 = arith.constant 0 : i32
      %dma_wait3A_168 = tpu.memref_slice %arg2[%dma_wait3A_166, %dma_wait3A_167] : memref<10240x128xf32, #tpu.memory_space<hbm>> -> memref<10240x128xf32, #tpu.memory_space<hbm>>
      tpu.wait_indirect_dma semaphore(%arg10 : memref<!tpu.dma_semaphore, #tpu.memory_space<semaphore_mem>>) src(%dma_wait3A_168 : memref<10240x128xf32, #tpu.memory_space<hbm>>) dst(%dma_wait3A_162 : memref<80x128xf32, #tpu.memory_space<vmem>>)
      %dma_start3A_169 = arith.constant 0 : i32
      %dma_start3A_170 = arith.constant 28 : i32
      %dma_start3A_171 = arith.constant 0 : i32
      %dma_start3A_172 = arith.constant 0 : i32
      %dma_start3A_173 = tpu.memref_slice %arg7[%dma_start3A_169, %dma_start3A_171, %dma_start3A_172] : memref<4x80x128xf32, #tpu.memory_space<vmem>> -> memref<1x80x128xf32, #tpu.memory_space<vmem>>
      %dma_start3A_174 = tpu.memref_squeeze %dma_start3A_173 : memref<1x80x128xf32, #tpu.memory_space<vmem>> -> memref<80x128xf32, #tpu.memory_space<vmem>>
      %dma_start3A_175 = arith.constant 0 : i32
      %dma_start3A_176 = tpu.memref_slice %arg9[%dma_start3A_170, %dma_start3A_175] : memref<32x80xi32, #tpu.memory_space<vmem>> -> memref<1x80xi32, #tpu.memory_space<vmem>>
      %dma_start3A_177 = tpu.memref_squeeze %dma_start3A_176 : memref<1x80xi32, #tpu.memory_space<vmem>> -> memref<80xi32, #tpu.memory_space<vmem>>
      %dma_start3A_178 = arith.constant 0 : i32
      %dma_start3A_179 = arith.constant 0 : i32
      %dma_start3A_180 = tpu.memref_slice %arg6[%dma_start3A_178, %dma_start3A_179] : memref<10240x128xf32, #tpu.memory_space<vmem_shared>> -> memref<10240x128xf32, #tpu.memory_space<vmem_shared>>
      tpu.enqueue_indirect_dma source(%dma_start3A_174 : memref<80x128xf32, #tpu.memory_space<vmem>>) target(%dma_start3A_180 : memref<10240x128xf32, #tpu.memory_space<vmem_shared>>) offsets(%dma_start3A_177 : memref<80xi32, #tpu.memory_space<vmem>>) semaphore(%arg14 : memref<!tpu.dma_semaphore, #tpu.memory_space<semaphore_mem>>) {add = true}
      %dma_wait3A_181 = arith.constant 29 : i32
      %dma_wait3A_182 = arith.constant 1 : i32
      %dma_wait3A_183 = arith.constant 0 : i32
      %dma_wait3A_184 = arith.constant 0 : i32
      %dma_wait3A_185 = tpu.memref_slice %arg7[%dma_wait3A_182, %dma_wait3A_183, %dma_wait3A_184] : memref<4x80x128xf32, #tpu.memory_space<vmem>> -> memref<1x80x128xf32, #tpu.memory_space<vmem>>
      %dma_wait3A_186 = tpu.memref_squeeze %dma_wait3A_185 : memref<1x80x128xf32, #tpu.memory_space<vmem>> -> memref<80x128xf32, #tpu.memory_space<vmem>>
      %dma_wait3A_187 = arith.constant 0 : i32
      %dma_wait3A_188 = tpu.memref_slice %arg8[%dma_wait3A_181, %dma_wait3A_187] : memref<32x80xi32, #tpu.memory_space<vmem>> -> memref<1x80xi32, #tpu.memory_space<vmem>>
      %dma_wait3A_189 = tpu.memref_squeeze %dma_wait3A_188 : memref<1x80xi32, #tpu.memory_space<vmem>> -> memref<80xi32, #tpu.memory_space<vmem>>
      %dma_wait3A_190 = arith.constant 0 : i32
      %dma_wait3A_191 = arith.constant 0 : i32
      %dma_wait3A_192 = tpu.memref_slice %arg2[%dma_wait3A_190, %dma_wait3A_191] : memref<10240x128xf32, #tpu.memory_space<hbm>> -> memref<10240x128xf32, #tpu.memory_space<hbm>>
      tpu.wait_indirect_dma semaphore(%arg11 : memref<!tpu.dma_semaphore, #tpu.memory_space<semaphore_mem>>) src(%dma_wait3A_192 : memref<10240x128xf32, #tpu.memory_space<hbm>>) dst(%dma_wait3A_186 : memref<80x128xf32, #tpu.memory_space<vmem>>)
      %dma_start3A_193 = arith.constant 1 : i32
      %dma_start3A_194 = arith.constant 29 : i32
      %dma_start3A_195 = arith.constant 0 : i32
      %dma_start3A_196 = arith.constant 0 : i32
      %dma_start3A_197 = tpu.memref_slice %arg7[%dma_start3A_193, %dma_start3A_195, %dma_start3A_196] : memref<4x80x128xf32, #tpu.memory_space<vmem>> -> memref<1x80x128xf32, #tpu.memory_space<vmem>>
      %dma_start3A_198 = tpu.memref_squeeze %dma_start3A_197 : memref<1x80x128xf32, #tpu.memory_space<vmem>> -> memref<80x128xf32, #tpu.memory_space<vmem>>
      %dma_start3A_199 = arith.constant 0 : i32
      %dma_start3A_200 = tpu.memref_slice %arg9[%dma_start3A_194, %dma_start3A_199] : memref<32x80xi32, #tpu.memory_space<vmem>> -> memref<1x80xi32, #tpu.memory_space<vmem>>
      %dma_start3A_201 = tpu.memref_squeeze %dma_start3A_200 : memref<1x80xi32, #tpu.memory_space<vmem>> -> memref<80xi32, #tpu.memory_space<vmem>>
      %dma_start3A_202 = arith.constant 0 : i32
      %dma_start3A_203 = arith.constant 0 : i32
      %dma_start3A_204 = tpu.memref_slice %arg6[%dma_start3A_202, %dma_start3A_203] : memref<10240x128xf32, #tpu.memory_space<vmem_shared>> -> memref<10240x128xf32, #tpu.memory_space<vmem_shared>>
      tpu.enqueue_indirect_dma source(%dma_start3A_198 : memref<80x128xf32, #tpu.memory_space<vmem>>) target(%dma_start3A_204 : memref<10240x128xf32, #tpu.memory_space<vmem_shared>>) offsets(%dma_start3A_201 : memref<80xi32, #tpu.memory_space<vmem>>) semaphore(%arg15 : memref<!tpu.dma_semaphore, #tpu.memory_space<semaphore_mem>>) {add = true}
      %dma_wait3A_205 = arith.constant 30 : i32
      %dma_wait3A_206 = arith.constant 2 : i32
      %dma_wait3A_207 = arith.constant 0 : i32
      %dma_wait3A_208 = arith.constant 0 : i32
      %dma_wait3A_209 = tpu.memref_slice %arg7[%dma_wait3A_206, %dma_wait3A_207, %dma_wait3A_208] : memref<4x80x128xf32, #tpu.memory_space<vmem>> -> memref<1x80x128xf32, #tpu.memory_space<vmem>>
      %dma_wait3A_210 = tpu.memref_squeeze %dma_wait3A_209 : memref<1x80x128xf32, #tpu.memory_space<vmem>> -> memref<80x128xf32, #tpu.memory_space<vmem>>
      %dma_wait3A_211 = arith.constant 0 : i32
      %dma_wait3A_212 = tpu.memref_slice %arg8[%dma_wait3A_205, %dma_wait3A_211] : memref<32x80xi32, #tpu.memory_space<vmem>> -> memref<1x80xi32, #tpu.memory_space<vmem>>
      %dma_wait3A_213 = tpu.memref_squeeze %dma_wait3A_212 : memref<1x80xi32, #tpu.memory_space<vmem>> -> memref<80xi32, #tpu.memory_space<vmem>>
      %dma_wait3A_214 = arith.constant 0 : i32
      %dma_wait3A_215 = arith.constant 0 : i32
      %dma_wait3A_216 = tpu.memref_slice %arg2[%dma_wait3A_214, %dma_wait3A_215] : memref<10240x128xf32, #tpu.memory_space<hbm>> -> memref<10240x128xf32, #tpu.memory_space<hbm>>
      tpu.wait_indirect_dma semaphore(%arg12 : memref<!tpu.dma_semaphore, #tpu.memory_space<semaphore_mem>>) src(%dma_wait3A_216 : memref<10240x128xf32, #tpu.memory_space<hbm>>) dst(%dma_wait3A_210 : memref<80x128xf32, #tpu.memory_space<vmem>>)
      %dma_start3A_217 = arith.constant 2 : i32
      %dma_start3A_218 = arith.constant 30 : i32
      %dma_start3A_219 = arith.constant 0 : i32
      %dma_start3A_220 = arith.constant 0 : i32
      %dma_start3A_221 = tpu.memref_slice %arg7[%dma_start3A_217, %dma_start3A_219, %dma_start3A_220] : memref<4x80x128xf32, #tpu.memory_space<vmem>> -> memref<1x80x128xf32, #tpu.memory_space<vmem>>
      %dma_start3A_222 = tpu.memref_squeeze %dma_start3A_221 : memref<1x80x128xf32, #tpu.memory_space<vmem>> -> memref<80x128xf32, #tpu.memory_space<vmem>>
      %dma_start3A_223 = arith.constant 0 : i32
      %dma_start3A_224 = tpu.memref_slice %arg9[%dma_start3A_218, %dma_start3A_223] : memref<32x80xi32, #tpu.memory_space<vmem>> -> memref<1x80xi32, #tpu.memory_space<vmem>>
      %dma_start3A_225 = tpu.memref_squeeze %dma_start3A_224 : memref<1x80xi32, #tpu.memory_space<vmem>> -> memref<80xi32, #tpu.memory_space<vmem>>
      %dma_start3A_226 = arith.constant 0 : i32
      %dma_start3A_227 = arith.constant 0 : i32
      %dma_start3A_228 = tpu.memref_slice %arg6[%dma_start3A_226, %dma_start3A_227] : memref<10240x128xf32, #tpu.memory_space<vmem_shared>> -> memref<10240x128xf32, #tpu.memory_space<vmem_shared>>
      tpu.enqueue_indirect_dma source(%dma_start3A_222 : memref<80x128xf32, #tpu.memory_space<vmem>>) target(%dma_start3A_228 : memref<10240x128xf32, #tpu.memory_space<vmem_shared>>) offsets(%dma_start3A_225 : memref<80xi32, #tpu.memory_space<vmem>>) semaphore(%arg16 : memref<!tpu.dma_semaphore, #tpu.memory_space<semaphore_mem>>) {add = true}
      %dma_wait3A_229 = arith.constant 31 : i32
      %dma_wait3A_230 = arith.constant 3 : i32
      %dma_wait3A_231 = arith.constant 0 : i32
      %dma_wait3A_232 = arith.constant 0 : i32
      %dma_wait3A_233 = tpu.memref_slice %arg7[%dma_wait3A_230, %dma_wait3A_231, %dma_wait3A_232] : memref<4x80x128xf32, #tpu.memory_space<vmem>> -> memref<1x80x128xf32, #tpu.memory_space<vmem>>
      %dma_wait3A_234 = tpu.memref_squeeze %dma_wait3A_233 : memref<1x80x128xf32, #tpu.memory_space<vmem>> -> memref<80x128xf32, #tpu.memory_space<vmem>>
      %dma_wait3A_235 = arith.constant 0 : i32
      %dma_wait3A_236 = tpu.memref_slice %arg8[%dma_wait3A_229, %dma_wait3A_235] : memref<32x80xi32, #tpu.memory_space<vmem>> -> memref<1x80xi32, #tpu.memory_space<vmem>>
      %dma_wait3A_237 = tpu.memref_squeeze %dma_wait3A_236 : memref<1x80xi32, #tpu.memory_space<vmem>> -> memref<80xi32, #tpu.memory_space<vmem>>
      %dma_wait3A_238 = arith.constant 0 : i32
      %dma_wait3A_239 = arith.constant 0 : i32
      %dma_wait3A_240 = tpu.memref_slice %arg2[%dma_wait3A_238, %dma_wait3A_239] : memref<10240x128xf32, #tpu.memory_space<hbm>> -> memref<10240x128xf32, #tpu.memory_space<hbm>>
      tpu.wait_indirect_dma semaphore(%arg13 : memref<!tpu.dma_semaphore, #tpu.memory_space<semaphore_mem>>) src(%dma_wait3A_240 : memref<10240x128xf32, #tpu.memory_space<hbm>>) dst(%dma_wait3A_234 : memref<80x128xf32, #tpu.memory_space<vmem>>)
      %dma_start3A_241 = arith.constant 3 : i32
      %dma_start3A_242 = arith.constant 31 : i32
      %dma_start3A_243 = arith.constant 0 : i32
      %dma_start3A_244 = arith.constant 0 : i32
      %dma_start3A_245 = tpu.memref_slice %arg7[%dma_start3A_241, %dma_start3A_243, %dma_start3A_244] : memref<4x80x128xf32, #tpu.memory_space<vmem>> -> memref<1x80x128xf32, #tpu.memory_space<vmem>>
      %dma_start3A_246 = tpu.memref_squeeze %dma_start3A_245 : memref<1x80x128xf32, #tpu.memory_space<vmem>> -> memref<80x128xf32, #tpu.memory_space<vmem>>
      %dma_start3A_247 = arith.constant 0 : i32
      %dma_start3A_248 = tpu.memref_slice %arg9[%dma_start3A_242, %dma_start3A_247] : memref<32x80xi32, #tpu.memory_space<vmem>> -> memref<1x80xi32, #tpu.memory_space<vmem>>
      %dma_start3A_249 = tpu.memref_squeeze %dma_start3A_248 : memref<1x80xi32, #tpu.memory_space<vmem>> -> memref<80xi32, #tpu.memory_space<vmem>>
      %dma_start3A_250 = arith.constant 0 : i32
      %dma_start3A_251 = arith.constant 0 : i32
      %dma_start3A_252 = tpu.memref_slice %arg6[%dma_start3A_250, %dma_start3A_251] : memref<10240x128xf32, #tpu.memory_space<vmem_shared>> -> memref<10240x128xf32, #tpu.memory_space<vmem_shared>>
      tpu.enqueue_indirect_dma source(%dma_start3A_246 : memref<80x128xf32, #tpu.memory_space<vmem>>) target(%dma_start3A_252 : memref<10240x128xf32, #tpu.memory_space<vmem_shared>>) offsets(%dma_start3A_249 : memref<80xi32, #tpu.memory_space<vmem>>) semaphore(%arg17 : memref<!tpu.dma_semaphore, #tpu.memory_space<semaphore_mem>>) {add = true}
      %dma_wait3A_253 = arith.constant 0 : i32
      %dma_wait3A_254 = arith.constant 28 : i32
      %dma_wait3A_255 = arith.constant 0 : i32
      %dma_wait3A_256 = arith.constant 0 : i32
      %dma_wait3A_257 = tpu.memref_slice %arg7[%dma_wait3A_253, %dma_wait3A_255, %dma_wait3A_256] : memref<4x80x128xf32, #tpu.memory_space<vmem>> -> memref<1x80x128xf32, #tpu.memory_space<vmem>>
      %dma_wait3A_258 = tpu.memref_squeeze %dma_wait3A_257 : memref<1x80x128xf32, #tpu.memory_space<vmem>> -> memref<80x128xf32, #tpu.memory_space<vmem>>
      %dma_wait3A_259 = arith.constant 0 : i32
      %dma_wait3A_260 = tpu.memref_slice %arg9[%dma_wait3A_254, %dma_wait3A_259] : memref<32x80xi32, #tpu.memory_space<vmem>> -> memref<1x80xi32, #tpu.memory_space<vmem>>
      %dma_wait3A_261 = tpu.memref_squeeze %dma_wait3A_260 : memref<1x80xi32, #tpu.memory_space<vmem>> -> memref<80xi32, #tpu.memory_space<vmem>>
      %dma_wait3A_262 = arith.constant 0 : i32
      %dma_wait3A_263 = arith.constant 0 : i32
      %dma_wait3A_264 = tpu.memref_slice %arg6[%dma_wait3A_262, %dma_wait3A_263] : memref<10240x128xf32, #tpu.memory_space<vmem_shared>> -> memref<10240x128xf32, #tpu.memory_space<vmem_shared>>
      tpu.wait_indirect_dma semaphore(%arg14 : memref<!tpu.dma_semaphore, #tpu.memory_space<semaphore_mem>>) src(%dma_wait3A_258 : memref<80x128xf32, #tpu.memory_space<vmem>>) dst(%dma_wait3A_264 : memref<10240x128xf32, #tpu.memory_space<vmem_shared>>)
      %dma_wait3A_265 = arith.constant 1 : i32
      %dma_wait3A_266 = arith.constant 29 : i32
      %dma_wait3A_267 = arith.constant 0 : i32
      %dma_wait3A_268 = arith.constant 0 : i32
      %dma_wait3A_269 = tpu.memref_slice %arg7[%dma_wait3A_265, %dma_wait3A_267, %dma_wait3A_268] : memref<4x80x128xf32, #tpu.memory_space<vmem>> -> memref<1x80x128xf32, #tpu.memory_space<vmem>>
      %dma_wait3A_270 = tpu.memref_squeeze %dma_wait3A_269 : memref<1x80x128xf32, #tpu.memory_space<vmem>> -> memref<80x128xf32, #tpu.memory_space<vmem>>
      %dma_wait3A_271 = arith.constant 0 : i32
      %dma_wait3A_272 = tpu.memref_slice %arg9[%dma_wait3A_266, %dma_wait3A_271] : memref<32x80xi32, #tpu.memory_space<vmem>> -> memref<1x80xi32, #tpu.memory_space<vmem>>
      %dma_wait3A_273 = tpu.memref_squeeze %dma_wait3A_272 : memref<1x80xi32, #tpu.memory_space<vmem>> -> memref<80xi32, #tpu.memory_space<vmem>>
      %dma_wait3A_274 = arith.constant 0 : i32
      %dma_wait3A_275 = arith.constant 0 : i32
      %dma_wait3A_276 = tpu.memref_slice %arg6[%dma_wait3A_274, %dma_wait3A_275] : memref<10240x128xf32, #tpu.memory_space<vmem_shared>> -> memref<10240x128xf32, #tpu.memory_space<vmem_shared>>
      tpu.wait_indirect_dma semaphore(%arg15 : memref<!tpu.dma_semaphore, #tpu.memory_space<semaphore_mem>>) src(%dma_wait3A_270 : memref<80x128xf32, #tpu.memory_space<vmem>>) dst(%dma_wait3A_276 : memref<10240x128xf32, #tpu.memory_space<vmem_shared>>)
      %dma_wait3A_277 = arith.constant 2 : i32
      %dma_wait3A_278 = arith.constant 30 : i32
      %dma_wait3A_279 = arith.constant 0 : i32
      %dma_wait3A_280 = arith.constant 0 : i32
      %dma_wait3A_281 = tpu.memref_slice %arg7[%dma_wait3A_277, %dma_wait3A_279, %dma_wait3A_280] : memref<4x80x128xf32, #tpu.memory_space<vmem>> -> memref<1x80x128xf32, #tpu.memory_space<vmem>>
      %dma_wait3A_282 = tpu.memref_squeeze %dma_wait3A_281 : memref<1x80x128xf32, #tpu.memory_space<vmem>> -> memref<80x128xf32, #tpu.memory_space<vmem>>
      %dma_wait3A_283 = arith.constant 0 : i32
      %dma_wait3A_284 = tpu.memref_slice %arg9[%dma_wait3A_278, %dma_wait3A_283] : memref<32x80xi32, #tpu.memory_space<vmem>> -> memref<1x80xi32, #tpu.memory_space<vmem>>
      %dma_wait3A_285 = tpu.memref_squeeze %dma_wait3A_284 : memref<1x80xi32, #tpu.memory_space<vmem>> -> memref<80xi32, #tpu.memory_space<vmem>>
      %dma_wait3A_286 = arith.constant 0 : i32
      %dma_wait3A_287 = arith.constant 0 : i32
      %dma_wait3A_288 = tpu.memref_slice %arg6[%dma_wait3A_286, %dma_wait3A_287] : memref<10240x128xf32, #tpu.memory_space<vmem_shared>> -> memref<10240x128xf32, #tpu.memory_space<vmem_shared>>
      tpu.wait_indirect_dma semaphore(%arg16 : memref<!tpu.dma_semaphore, #tpu.memory_space<semaphore_mem>>) src(%dma_wait3A_282 : memref<80x128xf32, #tpu.memory_space<vmem>>) dst(%dma_wait3A_288 : memref<10240x128xf32, #tpu.memory_space<vmem_shared>>)
      %dma_wait3A_289 = arith.constant 3 : i32
      %dma_wait3A_290 = arith.constant 31 : i32
      %dma_wait3A_291 = arith.constant 0 : i32
      %dma_wait3A_292 = arith.constant 0 : i32
      %dma_wait3A_293 = tpu.memref_slice %arg7[%dma_wait3A_289, %dma_wait3A_291, %dma_wait3A_292] : memref<4x80x128xf32, #tpu.memory_space<vmem>> -> memref<1x80x128xf32, #tpu.memory_space<vmem>>
      %dma_wait3A_294 = tpu.memref_squeeze %dma_wait3A_293 : memref<1x80x128xf32, #tpu.memory_space<vmem>> -> memref<80x128xf32, #tpu.memory_space<vmem>>
      %dma_wait3A_295 = arith.constant 0 : i32
      %dma_wait3A_296 = tpu.memref_slice %arg9[%dma_wait3A_290, %dma_wait3A_295] : memref<32x80xi32, #tpu.memory_space<vmem>> -> memref<1x80xi32, #tpu.memory_space<vmem>>
      %dma_wait3A_297 = tpu.memref_squeeze %dma_wait3A_296 : memref<1x80xi32, #tpu.memory_space<vmem>> -> memref<80xi32, #tpu.memory_space<vmem>>
      %dma_wait3A_298 = arith.constant 0 : i32
      %dma_wait3A_299 = arith.constant 0 : i32
      %dma_wait3A_300 = tpu.memref_slice %arg6[%dma_wait3A_298, %dma_wait3A_299] : memref<10240x128xf32, #tpu.memory_space<vmem_shared>> -> memref<10240x128xf32, #tpu.memory_space<vmem_shared>>
      tpu.wait_indirect_dma semaphore(%arg17 : memref<!tpu.dma_semaphore, #tpu.memory_space<semaphore_mem>>) src(%dma_wait3A_294 : memref<80x128xf32, #tpu.memory_space<vmem>>) dst(%dma_wait3A_300 : memref<10240x128xf32, #tpu.memory_space<vmem_shared>>)
      %while3A_301 = arith.constant 0 : i32
      scf.yield %while3A_301 : i32
    }
    %barrier3A_66 = arith.constant 0 : index
    tpu.barrier barrier_id(%barrier3A_66)
    %mul3A_67 = arith.constant 640 : i32
    %mul3A_68 = arith.muli %arg1, %mul3A_67 : i32
    %add3A_69 = arith.constant 0 : i32
    %add3A_70 = arith.addi %mul3A_68, %add3A_69 : i32
    "tpu.region"() ({
      %run_scoped3A_99 = tpu.sem_alloc : memref<!tpu.dma_semaphore, #tpu.memory_space<semaphore_mem>>
      %dma_start3A = arith.constant 0 : i32
      %dma_start3A_100 = tpu.memref_slice %arg5[%arg0, %add3A_70, %dma_start3A] : memref<2x10240x128xf32, #tpu.memory_space<hbm>> -> memref<1x80x128xf32, #tpu.memory_space<hbm>>
      %dma_start3A_101 = tpu.memref_squeeze %dma_start3A_100 : memref<1x80x128xf32, #tpu.memory_space<hbm>> -> memref<80x128xf32, #tpu.memory_space<hbm>>
      %dma_start3A_102 = arith.constant 0 : i32
      %dma_start3A_103 = tpu.memref_slice %arg6[%add3A_70, %dma_start3A_102] : memref<10240x128xf32, #tpu.memory_space<vmem_shared>> -> memref<80x128xf32, #tpu.memory_space<vmem_shared>>
      tpu.enqueue_dma source(%dma_start3A_103 : memref<80x128xf32, #tpu.memory_space<vmem_shared>>) target(%dma_start3A_101 : memref<80x128xf32, #tpu.memory_space<hbm>>) target_semaphore(%run_scoped3A_99 : memref<!tpu.dma_semaphore, #tpu.memory_space<semaphore_mem>>)
      %dma_wait3A = arith.constant 0 : i32
      %dma_wait3A_104 = tpu.memref_slice %arg5[%arg0, %add3A_70, %dma_wait3A] : memref<2x10240x128xf32, #tpu.memory_space<hbm>> -> memref<1x80x128xf32, #tpu.memory_space<hbm>>
      %dma_wait3A_105 = tpu.memref_squeeze %dma_wait3A_104 : memref<1x80x128xf32, #tpu.memory_space<hbm>> -> memref<80x128xf32, #tpu.memory_space<hbm>>
      %dma_wait3A_106 = arith.constant 0 : i32
      %dma_wait3A_107 = tpu.memref_slice %arg6[%add3A_70, %dma_wait3A_106] : memref<10240x128xf32, #tpu.memory_space<vmem_shared>> -> memref<80x128xf32, #tpu.memory_space<vmem_shared>>
      tpu.wait_dma2 semaphore(%run_scoped3A_99 : memref<!tpu.dma_semaphore, #tpu.memory_space<semaphore_mem>>) src(%dma_wait3A_107 : memref<80x128xf32, #tpu.memory_space<vmem_shared>>) dst(%dma_wait3A_105 : memref<80x128xf32, #tpu.memory_space<hbm>>)
      tpu.yield
    }) : () -> ()
    %mul3A_71 = arith.constant 640 : i32
    %mul3A_72 = arith.muli %arg1, %mul3A_71 : i32
    %add3A_73 = arith.constant 80 : i32
    %add3A_74 = arith.addi %mul3A_72, %add3A_73 : i32
    "tpu.region"() ({
      %run_scoped3A_99 = tpu.sem_alloc : memref<!tpu.dma_semaphore, #tpu.memory_space<semaphore_mem>>
      %dma_start3A = arith.constant 0 : i32
      %dma_start3A_100 = tpu.memref_slice %arg5[%arg0, %add3A_74, %dma_start3A] : memref<2x10240x128xf32, #tpu.memory_space<hbm>> -> memref<1x80x128xf32, #tpu.memory_space<hbm>>
      %dma_start3A_101 = tpu.memref_squeeze %dma_start3A_100 : memref<1x80x128xf32, #tpu.memory_space<hbm>> -> memref<80x128xf32, #tpu.memory_space<hbm>>
      %dma_start3A_102 = arith.constant 0 : i32
      %dma_start3A_103 = tpu.memref_slice %arg6[%add3A_74, %dma_start3A_102] : memref<10240x128xf32, #tpu.memory_space<vmem_shared>> -> memref<80x128xf32, #tpu.memory_space<vmem_shared>>
      tpu.enqueue_dma source(%dma_start3A_103 : memref<80x128xf32, #tpu.memory_space<vmem_shared>>) target(%dma_start3A_101 : memref<80x128xf32, #tpu.memory_space<hbm>>) target_semaphore(%run_scoped3A_99 : memref<!tpu.dma_semaphore, #tpu.memory_space<semaphore_mem>>)
      %dma_wait3A = arith.constant 0 : i32
      %dma_wait3A_104 = tpu.memref_slice %arg5[%arg0, %add3A_74, %dma_wait3A] : memref<2x10240x128xf32, #tpu.memory_space<hbm>> -> memref<1x80x128xf32, #tpu.memory_space<hbm>>
      %dma_wait3A_105 = tpu.memref_squeeze %dma_wait3A_104 : memref<1x80x128xf32, #tpu.memory_space<hbm>> -> memref<80x128xf32, #tpu.memory_space<hbm>>
      %dma_wait3A_106 = arith.constant 0 : i32
      %dma_wait3A_107 = tpu.memref_slice %arg6[%add3A_74, %dma_wait3A_106] : memref<10240x128xf32, #tpu.memory_space<vmem_shared>> -> memref<80x128xf32, #tpu.memory_space<vmem_shared>>
      tpu.wait_dma2 semaphore(%run_scoped3A_99 : memref<!tpu.dma_semaphore, #tpu.memory_space<semaphore_mem>>) src(%dma_wait3A_107 : memref<80x128xf32, #tpu.memory_space<vmem_shared>>) dst(%dma_wait3A_105 : memref<80x128xf32, #tpu.memory_space<hbm>>)
      tpu.yield
    }) : () -> ()
    %mul3A_75 = arith.constant 640 : i32
    %mul3A_76 = arith.muli %arg1, %mul3A_75 : i32
    %add3A_77 = arith.constant 160 : i32
    %add3A_78 = arith.addi %mul3A_76, %add3A_77 : i32
    "tpu.region"() ({
      %run_scoped3A_99 = tpu.sem_alloc : memref<!tpu.dma_semaphore, #tpu.memory_space<semaphore_mem>>
      %dma_start3A = arith.constant 0 : i32
      %dma_start3A_100 = tpu.memref_slice %arg5[%arg0, %add3A_78, %dma_start3A] : memref<2x10240x128xf32, #tpu.memory_space<hbm>> -> memref<1x80x128xf32, #tpu.memory_space<hbm>>
      %dma_start3A_101 = tpu.memref_squeeze %dma_start3A_100 : memref<1x80x128xf32, #tpu.memory_space<hbm>> -> memref<80x128xf32, #tpu.memory_space<hbm>>
      %dma_start3A_102 = arith.constant 0 : i32
      %dma_start3A_103 = tpu.memref_slice %arg6[%add3A_78, %dma_start3A_102] : memref<10240x128xf32, #tpu.memory_space<vmem_shared>> -> memref<80x128xf32, #tpu.memory_space<vmem_shared>>
      tpu.enqueue_dma source(%dma_start3A_103 : memref<80x128xf32, #tpu.memory_space<vmem_shared>>) target(%dma_start3A_101 : memref<80x128xf32, #tpu.memory_space<hbm>>) target_semaphore(%run_scoped3A_99 : memref<!tpu.dma_semaphore, #tpu.memory_space<semaphore_mem>>)
      %dma_wait3A = arith.constant 0 : i32
      %dma_wait3A_104 = tpu.memref_slice %arg5[%arg0, %add3A_78, %dma_wait3A] : memref<2x10240x128xf32, #tpu.memory_space<hbm>> -> memref<1x80x128xf32, #tpu.memory_space<hbm>>
      %dma_wait3A_105 = tpu.memref_squeeze %dma_wait3A_104 : memref<1x80x128xf32, #tpu.memory_space<hbm>> -> memref<80x128xf32, #tpu.memory_space<hbm>>
      %dma_wait3A_106 = arith.constant 0 : i32
      %dma_wait3A_107 = tpu.memref_slice %arg6[%add3A_78, %dma_wait3A_106] : memref<10240x128xf32, #tpu.memory_space<vmem_shared>> -> memref<80x128xf32, #tpu.memory_space<vmem_shared>>
      tpu.wait_dma2 semaphore(%run_scoped3A_99 : memref<!tpu.dma_semaphore, #tpu.memory_space<semaphore_mem>>) src(%dma_wait3A_107 : memref<80x128xf32, #tpu.memory_space<vmem_shared>>) dst(%dma_wait3A_105 : memref<80x128xf32, #tpu.memory_space<hbm>>)
      tpu.yield
    }) : () -> ()
    %mul3A_79 = arith.constant 640 : i32
    %mul3A_80 = arith.muli %arg1, %mul3A_79 : i32
    %add3A_81 = arith.constant 240 : i32
    %add3A_82 = arith.addi %mul3A_80, %add3A_81 : i32
    "tpu.region"() ({
      %run_scoped3A_99 = tpu.sem_alloc : memref<!tpu.dma_semaphore, #tpu.memory_space<semaphore_mem>>
      %dma_start3A = arith.constant 0 : i32
      %dma_start3A_100 = tpu.memref_slice %arg5[%arg0, %add3A_82, %dma_start3A] : memref<2x10240x128xf32, #tpu.memory_space<hbm>> -> memref<1x80x128xf32, #tpu.memory_space<hbm>>
      %dma_start3A_101 = tpu.memref_squeeze %dma_start3A_100 : memref<1x80x128xf32, #tpu.memory_space<hbm>> -> memref<80x128xf32, #tpu.memory_space<hbm>>
      %dma_start3A_102 = arith.constant 0 : i32
      %dma_start3A_103 = tpu.memref_slice %arg6[%add3A_82, %dma_start3A_102] : memref<10240x128xf32, #tpu.memory_space<vmem_shared>> -> memref<80x128xf32, #tpu.memory_space<vmem_shared>>
      tpu.enqueue_dma source(%dma_start3A_103 : memref<80x128xf32, #tpu.memory_space<vmem_shared>>) target(%dma_start3A_101 : memref<80x128xf32, #tpu.memory_space<hbm>>) target_semaphore(%run_scoped3A_99 : memref<!tpu.dma_semaphore, #tpu.memory_space<semaphore_mem>>)
      %dma_wait3A = arith.constant 0 : i32
      %dma_wait3A_104 = tpu.memref_slice %arg5[%arg0, %add3A_82, %dma_wait3A] : memref<2x10240x128xf32, #tpu.memory_space<hbm>> -> memref<1x80x128xf32, #tpu.memory_space<hbm>>
      %dma_wait3A_105 = tpu.memref_squeeze %dma_wait3A_104 : memref<1x80x128xf32, #tpu.memory_space<hbm>> -> memref<80x128xf32, #tpu.memory_space<hbm>>
      %dma_wait3A_106 = arith.constant 0 : i32
      %dma_wait3A_107 = tpu.memref_slice %arg6[%add3A_82, %dma_wait3A_106] : memref<10240x128xf32, #tpu.memory_space<vmem_shared>> -> memref<80x128xf32, #tpu.memory_space<vmem_shared>>
      tpu.wait_dma2 semaphore(%run_scoped3A_99 : memref<!tpu.dma_semaphore, #tpu.memory_space<semaphore_mem>>) src(%dma_wait3A_107 : memref<80x128xf32, #tpu.memory_space<vmem_shared>>) dst(%dma_wait3A_105 : memref<80x128xf32, #tpu.memory_space<hbm>>)
      tpu.yield
    }) : () -> ()
    %mul3A_83 = arith.constant 640 : i32
    %mul3A_84 = arith.muli %arg1, %mul3A_83 : i32
    %add3A_85 = arith.constant 320 : i32
    %add3A_86 = arith.addi %mul3A_84, %add3A_85 : i32
    "tpu.region"() ({
      %run_scoped3A_99 = tpu.sem_alloc : memref<!tpu.dma_semaphore, #tpu.memory_space<semaphore_mem>>
      %dma_start3A = arith.constant 0 : i32
      %dma_start3A_100 = tpu.memref_slice %arg5[%arg0, %add3A_86, %dma_start3A] : memref<2x10240x128xf32, #tpu.memory_space<hbm>> -> memref<1x80x128xf32, #tpu.memory_space<hbm>>
      %dma_start3A_101 = tpu.memref_squeeze %dma_start3A_100 : memref<1x80x128xf32, #tpu.memory_space<hbm>> -> memref<80x128xf32, #tpu.memory_space<hbm>>
      %dma_start3A_102 = arith.constant 0 : i32
      %dma_start3A_103 = tpu.memref_slice %arg6[%add3A_86, %dma_start3A_102] : memref<10240x128xf32, #tpu.memory_space<vmem_shared>> -> memref<80x128xf32, #tpu.memory_space<vmem_shared>>
      tpu.enqueue_dma source(%dma_start3A_103 : memref<80x128xf32, #tpu.memory_space<vmem_shared>>) target(%dma_start3A_101 : memref<80x128xf32, #tpu.memory_space<hbm>>) target_semaphore(%run_scoped3A_99 : memref<!tpu.dma_semaphore, #tpu.memory_space<semaphore_mem>>)
      %dma_wait3A = arith.constant 0 : i32
      %dma_wait3A_104 = tpu.memref_slice %arg5[%arg0, %add3A_86, %dma_wait3A] : memref<2x10240x128xf32, #tpu.memory_space<hbm>> -> memref<1x80x128xf32, #tpu.memory_space<hbm>>
      %dma_wait3A_105 = tpu.memref_squeeze %dma_wait3A_104 : memref<1x80x128xf32, #tpu.memory_space<hbm>> -> memref<80x128xf32, #tpu.memory_space<hbm>>
      %dma_wait3A_106 = arith.constant 0 : i32
      %dma_wait3A_107 = tpu.memref_slice %arg6[%add3A_86, %dma_wait3A_106] : memref<10240x128xf32, #tpu.memory_space<vmem_shared>> -> memref<80x128xf32, #tpu.memory_space<vmem_shared>>
      tpu.wait_dma2 semaphore(%run_scoped3A_99 : memref<!tpu.dma_semaphore, #tpu.memory_space<semaphore_mem>>) src(%dma_wait3A_107 : memref<80x128xf32, #tpu.memory_space<vmem_shared>>) dst(%dma_wait3A_105 : memref<80x128xf32, #tpu.memory_space<hbm>>)
      tpu.yield
    }) : () -> ()
    %mul3A_87 = arith.constant 640 : i32
    %mul3A_88 = arith.muli %arg1, %mul3A_87 : i32
    %add3A_89 = arith.constant 400 : i32
    %add3A_90 = arith.addi %mul3A_88, %add3A_89 : i32
    "tpu.region"() ({
      %run_scoped3A_99 = tpu.sem_alloc : memref<!tpu.dma_semaphore, #tpu.memory_space<semaphore_mem>>
      %dma_start3A = arith.constant 0 : i32
      %dma_start3A_100 = tpu.memref_slice %arg5[%arg0, %add3A_90, %dma_start3A] : memref<2x10240x128xf32, #tpu.memory_space<hbm>> -> memref<1x80x128xf32, #tpu.memory_space<hbm>>
      %dma_start3A_101 = tpu.memref_squeeze %dma_start3A_100 : memref<1x80x128xf32, #tpu.memory_space<hbm>> -> memref<80x128xf32, #tpu.memory_space<hbm>>
      %dma_start3A_102 = arith.constant 0 : i32
      %dma_start3A_103 = tpu.memref_slice %arg6[%add3A_90, %dma_start3A_102] : memref<10240x128xf32, #tpu.memory_space<vmem_shared>> -> memref<80x128xf32, #tpu.memory_space<vmem_shared>>
      tpu.enqueue_dma source(%dma_start3A_103 : memref<80x128xf32, #tpu.memory_space<vmem_shared>>) target(%dma_start3A_101 : memref<80x128xf32, #tpu.memory_space<hbm>>) target_semaphore(%run_scoped3A_99 : memref<!tpu.dma_semaphore, #tpu.memory_space<semaphore_mem>>)
      %dma_wait3A = arith.constant 0 : i32
      %dma_wait3A_104 = tpu.memref_slice %arg5[%arg0, %add3A_90, %dma_wait3A] : memref<2x10240x128xf32, #tpu.memory_space<hbm>> -> memref<1x80x128xf32, #tpu.memory_space<hbm>>
      %dma_wait3A_105 = tpu.memref_squeeze %dma_wait3A_104 : memref<1x80x128xf32, #tpu.memory_space<hbm>> -> memref<80x128xf32, #tpu.memory_space<hbm>>
      %dma_wait3A_106 = arith.constant 0 : i32
      %dma_wait3A_107 = tpu.memref_slice %arg6[%add3A_90, %dma_wait3A_106] : memref<10240x128xf32, #tpu.memory_space<vmem_shared>> -> memref<80x128xf32, #tpu.memory_space<vmem_shared>>
      tpu.wait_dma2 semaphore(%run_scoped3A_99 : memref<!tpu.dma_semaphore, #tpu.memory_space<semaphore_mem>>) src(%dma_wait3A_107 : memref<80x128xf32, #tpu.memory_space<vmem_shared>>) dst(%dma_wait3A_105 : memref<80x128xf32, #tpu.memory_space<hbm>>)
      tpu.yield
    }) : () -> ()
    %mul3A_91 = arith.constant 640 : i32
    %mul3A_92 = arith.muli %arg1, %mul3A_91 : i32
    %add3A_93 = arith.constant 480 : i32
    %add3A_94 = arith.addi %mul3A_92, %add3A_93 : i32
    "tpu.region"() ({
      %run_scoped3A_99 = tpu.sem_alloc : memref<!tpu.dma_semaphore, #tpu.memory_space<semaphore_mem>>
      %dma_start3A = arith.constant 0 : i32
      %dma_start3A_100 = tpu.memref_slice %arg5[%arg0, %add3A_94, %dma_start3A] : memref<2x10240x128xf32, #tpu.memory_space<hbm>> -> memref<1x80x128xf32, #tpu.memory_space<hbm>>
      %dma_start3A_101 = tpu.memref_squeeze %dma_start3A_100 : memref<1x80x128xf32, #tpu.memory_space<hbm>> -> memref<80x128xf32, #tpu.memory_space<hbm>>
      %dma_start3A_102 = arith.constant 0 : i32
      %dma_start3A_103 = tpu.memref_slice %arg6[%add3A_94, %dma_start3A_102] : memref<10240x128xf32, #tpu.memory_space<vmem_shared>> -> memref<80x128xf32, #tpu.memory_space<vmem_shared>>
      tpu.enqueue_dma source(%dma_start3A_103 : memref<80x128xf32, #tpu.memory_space<vmem_shared>>) target(%dma_start3A_101 : memref<80x128xf32, #tpu.memory_space<hbm>>) target_semaphore(%run_scoped3A_99 : memref<!tpu.dma_semaphore, #tpu.memory_space<semaphore_mem>>)
      %dma_wait3A = arith.constant 0 : i32
      %dma_wait3A_104 = tpu.memref_slice %arg5[%arg0, %add3A_94, %dma_wait3A] : memref<2x10240x128xf32, #tpu.memory_space<hbm>> -> memref<1x80x128xf32, #tpu.memory_space<hbm>>
      %dma_wait3A_105 = tpu.memref_squeeze %dma_wait3A_104 : memref<1x80x128xf32, #tpu.memory_space<hbm>> -> memref<80x128xf32, #tpu.memory_space<hbm>>
      %dma_wait3A_106 = arith.constant 0 : i32
      %dma_wait3A_107 = tpu.memref_slice %arg6[%add3A_94, %dma_wait3A_106] : memref<10240x128xf32, #tpu.memory_space<vmem_shared>> -> memref<80x128xf32, #tpu.memory_space<vmem_shared>>
      tpu.wait_dma2 semaphore(%run_scoped3A_99 : memref<!tpu.dma_semaphore, #tpu.memory_space<semaphore_mem>>) src(%dma_wait3A_107 : memref<80x128xf32, #tpu.memory_space<vmem_shared>>) dst(%dma_wait3A_105 : memref<80x128xf32, #tpu.memory_space<hbm>>)
      tpu.yield
    }) : () -> ()
    %mul3A_95 = arith.constant 640 : i32
    %mul3A_96 = arith.muli %arg1, %mul3A_95 : i32
    %add3A_97 = arith.constant 560 : i32
    %add3A_98 = arith.addi %mul3A_96, %add3A_97 : i32
    "tpu.region"() ({
      %run_scoped3A_99 = tpu.sem_alloc : memref<!tpu.dma_semaphore, #tpu.memory_space<semaphore_mem>>
      %dma_start3A = arith.constant 0 : i32
      %dma_start3A_100 = tpu.memref_slice %arg5[%arg0, %add3A_98, %dma_start3A] : memref<2x10240x128xf32, #tpu.memory_space<hbm>> -> memref<1x80x128xf32, #tpu.memory_space<hbm>>
      %dma_start3A_101 = tpu.memref_squeeze %dma_start3A_100 : memref<1x80x128xf32, #tpu.memory_space<hbm>> -> memref<80x128xf32, #tpu.memory_space<hbm>>
      %dma_start3A_102 = arith.constant 0 : i32
      %dma_start3A_103 = tpu.memref_slice %arg6[%add3A_98, %dma_start3A_102] : memref<10240x128xf32, #tpu.memory_space<vmem_shared>> -> memref<80x128xf32, #tpu.memory_space<vmem_shared>>
      tpu.enqueue_dma source(%dma_start3A_103 : memref<80x128xf32, #tpu.memory_space<vmem_shared>>) target(%dma_start3A_101 : memref<80x128xf32, #tpu.memory_space<hbm>>) target_semaphore(%run_scoped3A_99 : memref<!tpu.dma_semaphore, #tpu.memory_space<semaphore_mem>>)
      %dma_wait3A = arith.constant 0 : i32
      %dma_wait3A_104 = tpu.memref_slice %arg5[%arg0, %add3A_98, %dma_wait3A] : memref<2x10240x128xf32, #tpu.memory_space<hbm>> -> memref<1x80x128xf32, #tpu.memory_space<hbm>>
      %dma_wait3A_105 = tpu.memref_squeeze %dma_wait3A_104 : memref<1x80x128xf32, #tpu.memory_space<hbm>> -> memref<80x128xf32, #tpu.memory_space<hbm>>
      %dma_wait3A_106 = arith.constant 0 : i32
      %dma_wait3A_107 = tpu.memref_slice %arg6[%add3A_98, %dma_wait3A_106] : memref<10240x128xf32, #tpu.memory_space<vmem_shared>> -> memref<80x128xf32, #tpu.memory_space<vmem_shared>>
      tpu.wait_dma2 semaphore(%run_scoped3A_99 : memref<!tpu.dma_semaphore, #tpu.memory_space<semaphore_mem>>) src(%dma_wait3A_107 : memref<80x128xf32, #tpu.memory_space<vmem_shared>>) dst(%dma_wait3A_105 : memref<80x128xf32, #tpu.memory_space<hbm>>)
      tpu.yield
    }) : () -> ()
    return
  }
}

module attributes {stable_mosaic.version = 14 : i64} {
  func.func @_t1_body(%arg0: i32, %arg1: memref<1024x128xf32, #tpu.memory_space<vmem>>, %arg2: memref<128x128xf32, #tpu.memory_space<vmem>>, %arg3: memref<1024x2xf32, #tpu.memory_space<vmem>>, %arg4: memref<1024x128xf32, #tpu.memory_space<vmem>>, %arg5: memref<1024x1xf32, #tpu.memory_space<vmem>>) attributes {dimension_semantics = [#tpu.dimension_semantics<arbitrary>], iteration_bounds = array<i64: 10>, scalar_prefetch = 0 : i64, scratch_operands = 0 : i64, tpu.core_type = #tpu.core_type<tc>, window_params = [{transform_indices = @transform_0, window_bounds = array<i64: 1024, 128>}, {pipeline_mode = #tpu.pipeline_mode<synchronous>, transform_indices = @transform_1, window_bounds = array<i64: 128, 128>}, {transform_indices = @transform_2, window_bounds = array<i64: 1024, 2>}, {transform_indices = @transform_3, window_bounds = array<i64: 1024, 128>}, {transform_indices = @transform_4, window_bounds = array<i64: 1024, 1>}]} {
    %get3A = arith.constant 0 : index
    %get3A_0 = arith.constant 0 : index
    %get3A_1 = vector.load %arg3[%get3A, %get3A_0] : memref<1024x2xf32, #tpu.memory_space<vmem>>, vector<1024x2xf32>
    %slice3A = vector.extract_strided_slice %get3A_1 {offsets = [0, 0], sizes = [1024, 1], strides = [1, 1]} : vector<1024x2xf32> to vector<1024x1xf32>
    %slice3A_2 = vector.extract_strided_slice %get3A_1 {offsets = [0, 1], sizes = [1024, 1], strides = [1, 1]} : vector<1024x2xf32> to vector<1024x1xf32>
    %add3A = arith.addf %slice3A, %slice3A_2 : vector<1024x1xf32>
    %add3A_3 = arith.constant 1.000000e+00 : f32
    %add3A_4 = vector.broadcast %add3A_3 : f32 to vector<1024x1xf32>
    %add3A_5 = arith.addf %add3A, %add3A_4 : vector<1024x1xf32>
    %rsqrt3A = math.rsqrt %add3A_5 : vector<1024x1xf32>
    %get3A_6 = arith.constant 0 : index
    %get3A_7 = arith.constant 0 : index
    %get3A_8 = vector.load %arg1[%get3A_6, %get3A_7] : memref<1024x128xf32, #tpu.memory_space<vmem>>, vector<1024x128xf32>
    %get3A_9 = arith.constant 0 : index
    %get3A_10 = arith.constant 0 : index
    %get3A_11 = vector.load %arg2[%get3A_9, %get3A_10] : memref<128x128xf32, #tpu.memory_space<vmem>>, vector<128x128xf32>
    %dot_general3A = arith.constant dense<0.000000e+00> : vector<1024x128xf32>
    %dot_general3A_12 = tpu.matmul %get3A_8, %get3A_11, %dot_general3A {dimension_numbers = #tpu.dot_dimension_numbers<[1], [0], [0], [1], [0, 0, 1, 1], [], []>, transpose_lhs_hint = false} : vector<1024x128xf32>, vector<128x128xf32>, vector<1024x128xf32> -> vector<1024x128xf32>
    %mul3A = vector.broadcast %rsqrt3A : vector<1024x1xf32> to vector<1024x128xf32>
    %mul3A_13 = arith.mulf %dot_general3A_12, %mul3A : vector<1024x128xf32>
    %swap3A = arith.constant 0 : index
    %swap3A_14 = arith.constant 0 : index
    %swap3A_15 = vector.load %arg4[%swap3A, %swap3A_14] : memref<1024x128xf32, #tpu.memory_space<vmem>>, vector<1024x128xf32>
    tpu.vector_store %arg4[%swap3A, %swap3A_14], %mul3A_13 {strides = array<i32>} : memref<1024x128xf32, #tpu.memory_space<vmem>>, vector<1024x128xf32>,
    %swap3A_16 = arith.constant 0 : index
    %swap3A_17 = arith.constant 0 : index
    %swap3A_18 = vector.load %arg5[%swap3A_16, %swap3A_17] : memref<1024x1xf32, #tpu.memory_space<vmem>>, vector<1024x1xf32>
    tpu.vector_store %arg5[%swap3A_16, %swap3A_17], %rsqrt3A {strides = array<i32>} : memref<1024x1xf32, #tpu.memory_space<vmem>>, vector<1024x1xf32>,
    return
  }
  func.func @transform_0(%arg0: i32) -> (i32, i32) {
    %c0_i32 = arith.constant 0 : i32
    %c0_i32_0 = arith.constant 0 : i32
    return %arg0, %c0_i32 : i32, i32
  }
  func.func @transform_1(%arg0: i32) -> (i32, i32) {
    %c0_i32 = arith.constant 0 : i32
    %c0_i32_0 = arith.constant 0 : i32
    %c0_i32_1 = arith.constant 0 : i32
    return %c0_i32, %c0_i32_0 : i32, i32
  }
  func.func @transform_2(%arg0: i32) -> (i32, i32) {
    %c0_i32 = arith.constant 0 : i32
    %c0_i32_0 = arith.constant 0 : i32
    return %arg0, %c0_i32 : i32, i32
  }
  func.func @transform_3(%arg0: i32) -> (i32, i32) {
    %c0_i32 = arith.constant 0 : i32
    %c0_i32_0 = arith.constant 0 : i32
    return %arg0, %c0_i32 : i32, i32
  }
  func.func @transform_4(%arg0: i32) -> (i32, i32) {
    %c0_i32 = arith.constant 0 : i32
    %c0_i32_0 = arith.constant 0 : i32
    return %arg0, %c0_i32 : i32, i32
  }
}

module attributes {stable_mosaic.version = 14 : i64} {
  func.func @_t2_body(%arg0: i32, %arg1: memref<2x1024x128xf32, #tpu.memory_space<vmem>>, %arg2: memref<1024x128xf32, #tpu.memory_space<vmem>>, %arg3: memref<1024x1xf32, #tpu.memory_space<vmem>>, %arg4: memref<1x128xf32, #tpu.memory_space<vmem>>, %arg5: memref<128x128xf32, #tpu.memory_space<vmem>>, %arg6: memref<1024x128xf32, #tpu.memory_space<vmem>>) attributes {dimension_semantics = [#tpu.dimension_semantics<arbitrary>], iteration_bounds = array<i64: 10>, scalar_prefetch = 0 : i64, scratch_operands = 0 : i64, tpu.core_type = #tpu.core_type<tc>, window_params = [{transform_indices = @transform_0, window_bounds = array<i64: 2, 1024, 128>}, {transform_indices = @transform_1, window_bounds = array<i64: 1024, 128>}, {transform_indices = @transform_2, window_bounds = array<i64: 1024, 1>}, {pipeline_mode = #tpu.pipeline_mode<synchronous>, transform_indices = @transform_3, window_bounds = array<i64: 1, 128>}, {pipeline_mode = #tpu.pipeline_mode<synchronous>, transform_indices = @transform_4, window_bounds = array<i64: 128, 128>}, {transform_indices = @transform_5, window_bounds = array<i64: 1024, 128>}]} {
    %get3A = arith.constant 0 : index
    %get3A_0 = arith.constant 0 : index
    %get3A_1 = vector.load %arg3[%get3A, %get3A_0] : memref<1024x1xf32, #tpu.memory_space<vmem>>, vector<1024x1xf32>
    %get3A_2 = arith.constant 0 : index
    %get3A_3 = arith.constant 0 : index
    %get3A_4 = arith.constant 0 : index
    %get3A_5 = vector.load %arg1[%get3A_2, %get3A_3, %get3A_4] : memref<2x1024x128xf32, #tpu.memory_space<vmem>>, vector<1x1024x128xf32>
    %get3A_6 = vector.shape_cast %get3A_5 : vector<1x1024x128xf32> to vector<1024x128xf32>
    %get3A_7 = arith.constant 1 : index
    %get3A_8 = arith.constant 0 : index
    %get3A_9 = arith.constant 0 : index
    %get3A_10 = vector.load %arg1[%get3A_7, %get3A_8, %get3A_9] : memref<2x1024x128xf32, #tpu.memory_space<vmem>>, vector<1x1024x128xf32>
    %get3A_11 = vector.shape_cast %get3A_10 : vector<1x1024x128xf32> to vector<1024x128xf32>
    %add3A = arith.addf %get3A_6, %get3A_11 : vector<1024x128xf32>
    %get3A_12 = arith.constant 0 : index
    %get3A_13 = arith.constant 0 : index
    %get3A_14 = vector.load %arg2[%get3A_12, %get3A_13] : memref<1024x128xf32, #tpu.memory_space<vmem>>, vector<1024x128xf32>
    %add3A_15 = arith.addf %add3A, %get3A_14 : vector<1024x128xf32>
    %mul3A = vector.broadcast %get3A_1 : vector<1024x1xf32> to vector<1024x128xf32>
    %mul3A_16 = arith.mulf %add3A_15, %mul3A : vector<1024x128xf32>
    %get3A_17 = arith.constant 0 : index
    %get3A_18 = arith.constant 0 : index
    %get3A_19 = vector.load %arg4[%get3A_17, %get3A_18] : memref<1x128xf32, #tpu.memory_space<vmem>>, vector<1x128xf32>
    %add3A_20 = vector.broadcast %get3A_19 : vector<1x128xf32> to vector<1024x128xf32>
    %add3A_21 = arith.addf %mul3A_16, %add3A_20 : vector<1024x128xf32>
    %max3A = arith.constant 0.000000e+00 : f32
    %max3A_22 = vector.broadcast %max3A : f32 to vector<1024x128xf32>
    %max3A_23 = arith.maximumf %add3A_21, %max3A_22 : vector<1024x128xf32>
    %get3A_24 = arith.constant 0 : index
    %get3A_25 = arith.constant 0 : index
    %get3A_26 = vector.load %arg5[%get3A_24, %get3A_25] : memref<128x128xf32, #tpu.memory_space<vmem>>, vector<128x128xf32>
    %dot_general3A = arith.constant dense<0.000000e+00> : vector<1024x128xf32>
    %dot_general3A_27 = tpu.matmul %max3A_23, %get3A_26, %dot_general3A {dimension_numbers = #tpu.dot_dimension_numbers<[1], [0], [0], [1], [0, 0, 1, 1], [], []>, transpose_lhs_hint = false} : vector<1024x128xf32>, vector<128x128xf32>, vector<1024x128xf32> -> vector<1024x128xf32>
    %mul3A_28 = vector.broadcast %get3A_1 : vector<1024x1xf32> to vector<1024x128xf32>
    %mul3A_29 = arith.mulf %dot_general3A_27, %mul3A_28 : vector<1024x128xf32>
    %swap3A = arith.constant 0 : index
    %swap3A_30 = arith.constant 0 : index
    %swap3A_31 = vector.load %arg6[%swap3A, %swap3A_30] : memref<1024x128xf32, #tpu.memory_space<vmem>>, vector<1024x128xf32>
    tpu.vector_store %arg6[%swap3A, %swap3A_30], %mul3A_29 {strides = array<i32>} : memref<1024x128xf32, #tpu.memory_space<vmem>>, vector<1024x128xf32>,
    return
  }
  func.func @transform_0(%arg0: i32) -> (i32, i32, i32) {
    %c0_i32 = arith.constant 0 : i32
    %c0_i32_0 = arith.constant 0 : i32
    %c0_i32_1 = arith.constant 0 : i32
    return %c0_i32, %arg0, %c0_i32_0 : i32, i32, i32
  }
  func.func @transform_1(%arg0: i32) -> (i32, i32) {
    %c0_i32 = arith.constant 0 : i32
    %c0_i32_0 = arith.constant 0 : i32
    return %arg0, %c0_i32 : i32, i32
  }
  func.func @transform_2(%arg0: i32) -> (i32, i32) {
    %c0_i32 = arith.constant 0 : i32
    %c0_i32_0 = arith.constant 0 : i32
    return %arg0, %c0_i32 : i32, i32
  }
  func.func @transform_3(%arg0: i32) -> (i32, i32) {
    %c0_i32 = arith.constant 0 : i32
    %c0_i32_0 = arith.constant 0 : i32
    %c0_i32_1 = arith.constant 0 : i32
    return %c0_i32, %c0_i32_0 : i32, i32
  }
  func.func @transform_4(%arg0: i32) -> (i32, i32) {
    %c0_i32 = arith.constant 0 : i32
    %c0_i32_0 = arith.constant 0 : i32
    %c0_i32_1 = arith.constant 0 : i32
    return %c0_i32, %c0_i32_0 : i32, i32
  }
  func.func @transform_5(%arg0: i32) -> (i32, i32) {
    %c0_i32 = arith.constant 0 : i32
    %c0_i32_0 = arith.constant 0 : i32
    return %arg0, %c0_i32 : i32, i32
  }
}

module attributes {stable_mosaic.version = 14 : i64} {
  func.func @_t3_body(%arg0: i32, %arg1: memref<2x1024x128xf32, #tpu.memory_space<vmem>>, %arg2: memref<1024x128xf32, #tpu.memory_space<vmem>>, %arg3: memref<1024x1xf32, #tpu.memory_space<vmem>>, %arg4: memref<1x128xf32, #tpu.memory_space<vmem>>, %arg5: memref<1024x128xf32, #tpu.memory_space<vmem>>) attributes {dimension_semantics = [#tpu.dimension_semantics<arbitrary>], iteration_bounds = array<i64: 10>, scalar_prefetch = 0 : i64, scratch_operands = 0 : i64, tpu.core_type = #tpu.core_type<tc>, window_params = [{transform_indices = @transform_0, window_bounds = array<i64: 2, 1024, 128>}, {transform_indices = @transform_1, window_bounds = array<i64: 1024, 128>}, {transform_indices = @transform_2, window_bounds = array<i64: 1024, 1>}, {pipeline_mode = #tpu.pipeline_mode<synchronous>, transform_indices = @transform_3, window_bounds = array<i64: 1, 128>}, {transform_indices = @transform_4, window_bounds = array<i64: 1024, 128>}]} {
    %get3A = arith.constant 0 : index
    %get3A_0 = arith.constant 0 : index
    %get3A_1 = arith.constant 0 : index
    %get3A_2 = vector.load %arg1[%get3A, %get3A_0, %get3A_1] : memref<2x1024x128xf32, #tpu.memory_space<vmem>>, vector<1x1024x128xf32>
    %get3A_3 = vector.shape_cast %get3A_2 : vector<1x1024x128xf32> to vector<1024x128xf32>
    %get3A_4 = arith.constant 1 : index
    %get3A_5 = arith.constant 0 : index
    %get3A_6 = arith.constant 0 : index
    %get3A_7 = vector.load %arg1[%get3A_4, %get3A_5, %get3A_6] : memref<2x1024x128xf32, #tpu.memory_space<vmem>>, vector<1x1024x128xf32>
    %get3A_8 = vector.shape_cast %get3A_7 : vector<1x1024x128xf32> to vector<1024x128xf32>
    %add3A = arith.addf %get3A_3, %get3A_8 : vector<1024x128xf32>
    %get3A_9 = arith.constant 0 : index
    %get3A_10 = arith.constant 0 : index
    %get3A_11 = vector.load %arg2[%get3A_9, %get3A_10] : memref<1024x128xf32, #tpu.memory_space<vmem>>, vector<1024x128xf32>
    %add3A_12 = arith.addf %add3A, %get3A_11 : vector<1024x128xf32>
    %get3A_13 = arith.constant 0 : index
    %get3A_14 = arith.constant 0 : index
    %get3A_15 = vector.load %arg3[%get3A_13, %get3A_14] : memref<1024x1xf32, #tpu.memory_space<vmem>>, vector<1024x1xf32>
    %mul3A = vector.broadcast %get3A_15 : vector<1024x1xf32> to vector<1024x128xf32>
    %mul3A_16 = arith.mulf %add3A_12, %mul3A : vector<1024x128xf32>
    %get3A_17 = arith.constant 0 : index
    %get3A_18 = arith.constant 0 : index
    %get3A_19 = vector.load %arg4[%get3A_17, %get3A_18] : memref<1x128xf32, #tpu.memory_space<vmem>>, vector<1x128xf32>
    %add3A_20 = vector.broadcast %get3A_19 : vector<1x128xf32> to vector<1024x128xf32>
    %add3A_21 = arith.addf %mul3A_16, %add3A_20 : vector<1024x128xf32>
    %swap3A = arith.constant 0 : index
    %swap3A_22 = arith.constant 0 : index
    %swap3A_23 = vector.load %arg5[%swap3A, %swap3A_22] : memref<1024x128xf32, #tpu.memory_space<vmem>>, vector<1024x128xf32>
    tpu.vector_store %arg5[%swap3A, %swap3A_22], %add3A_21 {strides = array<i32>} : memref<1024x128xf32, #tpu.memory_space<vmem>>, vector<1024x128xf32>,
    return
  }
  func.func @transform_0(%arg0: i32) -> (i32, i32, i32) {
    %c0_i32 = arith.constant 0 : i32
    %c0_i32_0 = arith.constant 0 : i32
    %c0_i32_1 = arith.constant 0 : i32
    return %c0_i32, %arg0, %c0_i32_0 : i32, i32, i32
  }
  func.func @transform_1(%arg0: i32) -> (i32, i32) {
    %c0_i32 = arith.constant 0 : i32
    %c0_i32_0 = arith.constant 0 : i32
    return %arg0, %c0_i32 : i32, i32
  }
  func.func @transform_2(%arg0: i32) -> (i32, i32) {
    %c0_i32 = arith.constant 0 : i32
    %c0_i32_0 = arith.constant 0 : i32
    return %arg0, %c0_i32 : i32, i32
  }
  func.func @transform_3(%arg0: i32) -> (i32, i32) {
    %c0_i32 = arith.constant 0 : i32
    %c0_i32_0 = arith.constant 0 : i32
    %c0_i32_1 = arith.constant 0 : i32
    return %c0_i32, %c0_i32_0 : i32, i32
  }
  func.func @transform_4(%arg0: i32) -> (i32, i32) {
    %c0_i32 = arith.constant 0 : i32
    %c0_i32_0 = arith.constant 0 : i32
    return %arg0, %c0_i32 : i32, i32
  }
}

</mosaic_0001>

<sc_bundles>
// kernel: kernel.11.cloned.1.call-start
scs
__scs_entry_jumppad:
0x0: {  	(pc) =	sbr.rel $0x88, $3  }
0x1: {  	(tag) =	ssettag $0x0;
	lr =	simm.s32 $0x1  }
0x2: {  	[smem:$0x3F9B] =	sst lr;
	_ =	strace $0xD0000000  }
0x3: {  	_ = 	snop  }
0x4: {  	_ = 	snop  }
0x5: {  	_ = 	snop  }
0x6: {  	_ = 	snop  }
0x7: {  	_ = 	snop  }
__scs_overlays_trampoline_lowered:
0x8: {  	[smem:$0x3FAA] =	sst s0  }
0x9: {  	[smem:$0x3FAB] =	sst s1  }
0xa: {  	[smem:$0x3FAC] =	sst s2  }
0xb: {  	[smem:$0x3FAD] =	sst s3  }
0xc: {  	[smem:$0x3FAE] =	sst s4  }
0xd: {  	[smem:$0x3FAF] =	sst s5  }
0xe: {  	[smem:$0x3FB0] =	sst s6  }
0xf: {  	[smem:$0x3FB1] =	sst s7  }
0x10: {  	[smem:$0x3FB2] =	sst s8  }
0x11: {  	[smem:$0x3FB3] =	sst s9;
	s0 =	simm.s32 @!p0 $0x0  }
0x12: {  	s1 =	sld [smem:$0x3F99];
	s0 =	simm.s32 @p0 $0x1  }
0x13: {  	[smem:$0x3FB4] =	sst s0;
	s0 =	simm.s32 @!p1 $0x0  }
0x14: {  	s2 =	sld [smem:$0x3F98];
	s0 =	simm.s32 @p1 $0x1  }
0x15: {  	[smem:$0x3FB5] =	sst s0;
	s0 =	simm.s32 @!p2 $0x0  }
0x16: {  	s3 =	sld [smem:$0x3FDB];
	s0 =	simm.s32 @p2 $0x1  }
0x17: {  	s4 =	simm.s32 $0x1BF5;
	[smem:$0x3FB7] =	sst s0  }
0x18: {  	s0 =	sld [smem:$0x3F9A];
	_ =	swait.ge [sflag:s4], $0x0  }
0x19: {  	s7 =	sld [smem:$0x3F9B]  }
0x1a: {  	s8 =	sadd.s32 $0xFFFFE003, lr  }
0x1b: {  	s9 =	sadd.s32 $0xFFFFFEF7, lr;
	s5 =	simm.s32 $0xFFFFFFFF;
	p2 =	slt.u32 s8, $0xFFFFF086  }
0x1c: {  	p1 =	slt.u32 s9, $0xF7A;
	s5 =	simm.s32 @!p2 $0x0  }
0x1d: {  	s5 =	simm.s32 @p1 $0x1;
	p0 =	seq.s32 s7, s2  }
0x1e: {  	s7 =	smul.u32 @!p0 $0xF7A, s2;
	p2 =	seq.s32 @!p0 s5, $0x0  }
0x1f: {  	s9 =	smul.u32 $0xF7A, s1;
	s8 =	simm.s32 @!p0 $0x1BF5;
	p2 =	por !p2, p0  }
0x20: {  	[sflag:s8] =	ssyncset.s32 @!p0 $0xFFFFF086;
	s6 =	sadd.s32 @!p0 s3, s7;
	s7 =	simm.s32 @!p0 $0x108  }
0x21: {  	s3 =	sadd.s32 s3, s9;
	s6 =	sadd.s32 @!p0 $0x88, s6;
	s7 =	simm.s32 @p2 $0x1082  }
0x22: {  	[simem:s7], [sflag:s8] =	dma.local @!p0 [hbm:s6], $0xF7A  }
0x23: {  	s9 =	sor.u32 $0xD0000000, s2;
	s6 =	simm.s32 $0x108;
	_ =	swait.ge @!p0 [sflag:s8], $0x0  }
0x24: {  	s3 =	sadd.s32 $0x88, s3;
	s6 =	simm.s32 @!p1 $0x1082;
	[sflag:s4] =	ssyncset.s32 $0xFFFFF086  }
0x25: {  	[simem:s6], [sflag:s4] =	dma.local [hbm:s3], $0xF7A  }
0x26: {  	[smem:$0x3F9B] =	sst s1;
	(tag) =	ssettag s2;
	_ =	strace s9  }
0x27: {  	s1 =	sld [smem:$0x3FAB]  }
0x28: {  	s2 =	sld [smem:$0x3FAC]  }
0x29: {  	s4 =	sld [smem:$0x3FAE]  }
0x2a: {  	p0 =	seq.s32 s5, $0x0;
	s5 =	sld [smem:$0x3FAF]  }
0x2b: {  	s6 =	sld [smem:$0x3FB0]  }
0x2c: {  	s7 =	sld [smem:$0x3FB1]  }
0x2d: {  	s3 =	simm.s32 $0x108;
	s8 =	sld [smem:$0x3FB2]  }
0x2e: {  	s3 =	simm.s32 @!p0 $0x1082;
	s9 =	sld [smem:$0x3FB3]  }
0x2f: {  	lr =	sadd.s32 s0, s3;
	s0 =	sld [smem:$0x3FAA]  }
0x30: {  	s3 =	sld [smem:$0x3FAD]  }
0x31: {  	[smem:$0x3FB6] =	sst s10  }
0x32: {  	s10 =	sld [smem:$0x3FB4];
	_ =	sdelay $0x3  }
0x33: {  	p0 =	seq.s32 s10, $0x1;
	s10 =	sld [smem:$0x3FB6];
	_ =	sdelay $0x3  }
0x34: {  	[smem:$0x3FB6] =	sst s10  }
0x35: {  	s10 =	sld [smem:$0x3FB5];
	_ =	sdelay $0x3  }
0x36: {  	p1 =	seq.s32 s10, $0x1;
	s10 =	sld [smem:$0x3FB6];
	_ =	sdelay $0x3  }
0x37: {  	[smem:$0x3FB6] =	sst s10  }
0x38: {  	s10 =	sld [smem:$0x3FB7]  }
0x39: {  	_ = 	snop;
	(pc) =	sbr.ind lr, $3  }
0x3a: {  	_ = 	snop  }
0x3b: {  	_ = 	snop  }
0x3c: {  	p2 =	seq.s32 s10, $0x1;
	s10 =	sld [smem:$0x3FB6]  }
0x3d: {  	_ =	shalt  }
0x3e: {  	_ =	shalt  }
0x3f: {  	_ =	shalt  }
0x40: {  	_ =	shalt  }
0x41: {  	_ =	shalt  }
0x42: {  	_ =	shalt  }
0x43: {  	_ =	shalt  }
0x44: {  	_ =	shalt  }
0x45: {  	_ =	shalt  }
0x46: {  	_ =	shalt  }
0x47: {  	_ =	shalt  }
0x48: {  	_ =	shalt  }
0x49: {  	_ =	shalt  }
0x4a: {  	_ =	shalt  }
0x4b: {  	_ =	shalt  }
0x4c: {  	_ =	shalt  }
0x4d: {  	_ =	shalt  }
0x4e: {  	_ =	shalt  }
0x4f: {  	_ =	shalt  }
0x50: {  	_ =	shalt  }
0x51: {  	_ =	shalt  }
0x52: {  	_ =	shalt  }
0x53: {  	_ =	shalt  }
0x54: {  	_ =	shalt  }
0x55: {  	_ =	shalt  }
0x56: {  	_ =	shalt  }
0x57: {  	_ =	shalt  }
0x58: {  	_ =	shalt  }
0x59: {  	_ =	shalt  }
0x5a: {  	_ =	shalt  }
0x5b: {  	_ =	shalt  }
0x5c: {  	_ =	shalt  }
0x5d: {  	_ =	shalt  }
0x5e: {  	_ =	shalt  }
0x5f: {  	_ =	shalt  }
0x60: {  	_ =	shalt  }
0x61: {  	_ =	shalt  }
0x62: {  	_ =	shalt  }
0x63: {  	_ =	shalt  }
0x64: {  	_ =	shalt  }
0x65: {  	_ =	shalt  }
0x66: {  	_ =	shalt  }
0x67: {  	_ =	shalt  }
0x68: {  	_ =	shalt  }
0x69: {  	_ =	shalt  }
0x6a: {  	_ =	shalt  }
0x6b: {  	_ =	shalt  }
0x6c: {  	_ =	shalt  }
0x6d: {  	_ =	shalt  }
0x6e: {  	_ =	shalt  }
0x6f: {  	_ =	shalt  }
0x70: {  	_ =	shalt  }
0x71: {  	_ =	shalt  }
0x72: {  	_ =	shalt  }
0x73: {  	_ =	shalt  }
0x74: {  	_ =	shalt  }
0x75: {  	_ =	shalt  }
0x76: {  	_ =	shalt  }
0x77: {  	_ =	shalt  }
0x78: {  	_ =	shalt  }
0x79: {  	_ =	shalt  }
0x7a: {  	_ =	shalt  }
0x7b: {  	_ =	shalt  }
0x7c: {  	_ =	shalt  }
0x7d: {  	_ =	shalt  }
0x7e: {  	_ =	shalt  }
0x7f: {  	_ =	shalt  }
0x80: {  	_ =	shalt  }
0x81: {  	_ =	shalt  }
0x82: {  	_ =	shalt  }
0x83: {  	_ =	shalt  }
0x84: {  	_ =	shalt  }
0x85: {  	_ =	shalt  }
0x86: {  	_ =	shalt  }
0x87: {  	_ =	shalt  }
.Lfunc_end0:
.L_simem_size_0:
called_computation.1_lowered:
.L_overlay_start_0:
0x88: {  	s2 =	sld [smem:$0x3FD9]  }
0x89: {  	s3 =	sld [smem:$0x3FFE];
	_ =	sdelay $0x1  }
0x8a: {  	s1 =	srdreg.scid  }
0x8b: {  	s0 =	sand.u32 $0x1, s1  }
0x8c: {  	s17 =	sshll.u32 s0, $0xA;
	s2 =	sadd.s32 s3, s2  }
0x8d: {  	s2 =	sadd.s32 s2, s17  }
0x8e: {  	[smem:$0x3FC2] =	sst s2  }
0x8f: {  	_ = 	snop  }
0x90: {  	s2 =	sld [smem:$0x3FD0];
	(tm) =	ssettm $0x1  }
0x91: {  	s18 =	sld [smem:$0x3FFB];
	_ =	sdelay $0x3  }
0x92: {  	_ =	strace s18  }
0x93: {  	s3 =	sld [smem:$0x3FFC];
	_ =	sdelay $0x3  }
0x94: {  	_ =	strace s3  }
0x95: {  	s3 =	sld [smem:$0x3FFD];
	_ =	sdelay $0x3  }
0x96: {  	_ =	strace s3  }
0x97: {  	_ =	strace $0x8FFFFFFF  }
0x98: {  	s19 =	sld [smem:$0x3FDB];
	_ =	sdelay $0x1  }
0x99: {  	s4 =	simm.s32 $_scs_section_size  }
0x9a: {  	s5 =	simm.s32 $_size__tile_overlayer_lowered;
	s6 =	simm.s32 $_tile_overlayer_lowered  }
0x9b: {  	s22 =	simm.s32 $0x1BFF;
	s21 =	sshll.u32 s6, $0x1;
	s3 =	sadd.s32 s4, s19  }
0x9c: {  	s7 =	simm.s32 $0x0;
	s20 =	sshll.u32 s5, $0x1;
	s5 =	sadd.s32 s21, s3  }
0x9d: {  	[timem:s7], [sflag:s22] =	dma.local [hbm:s5], s20  }
0x9e: {  	_ =	swait.ge [sflag:s22], s20  }
0x9f: {  	s4 =	ssub.s32 $0x0, s20;
	[sflag:s22] =	ssyncset.done $0x0  }
0xa0: {  	[sflag:s22] =	ssyncadd.s32 s4;
	_ =	sdelay $0x1  }
0xa1: {  	s23 =	simm.s32 $0x1B8B  }
0xa2: {  	_ =	swait.ge [sflag:s23], $0x1  }
0xa3: {  	[sflag:s23] =	ssyncset.done $0x0  }
0xa4: {  	s25 =	simm.s32 $0x1B8E;
	s24 =	sld [smem:$0x3FFE];
	[sflag:s23] =	ssyncadd.s32 $0xFFFFFFFF  }
0xa5: {  	s26 =	simm.s32 $execute0_lowered;
	[smem:$0x3FD2] =	sst s25  }
0xa6: {  	s5 =	sshll.u32 s26, $0x1;
	_ =	strace $0x80000049;
	[dreg:$0x1] =	wrdreg $0xFFFFFFFF  }
0xa7: {  	s28 =	simm.s32 $_size_execute0_lowered;
	s3 =	sadd.s32 s3, s5;
	[dreg:$0x0] =	wrdreg $0x0  }
0xa8: {  	s5 =	sshll.u32 s28, $0x1;
	[dreg:$0x2] =	wrdreg s3  }
0xa9: {  	[dreg:$0x3] =	wrdreg s5  }
0xaa: {  	[dreg:$0x4] =	wrdreg $0xC0  }
0xab: {  	_ =	task [dreg:s7], $0x5FFFF  }
0xac: {  	[dreg:$0x1] =	wrdreg $0xFFFFFFFF  }
0xad: {  	[dreg:$0x0] =	wrdreg $0x60  }
0xae: {  	[dreg:$0x2] =	wrdreg s24  }
0xaf: {  	[dreg:$0x3] =	wrdreg s2  }
0xb0: {  	[dreg:$0x4] =	wrdreg $0x0  }
0xb1: {  	[dreg:$0x5] =	wrdreg $0x9  }
0xb2: {  	_ =	task.clear_ibuf [dreg:s7], $0x6FFFF;
	_ =	strace $0x90000049  }
0xb3: {  	s29 =	simm.s32 $0x9;
	_ =	strace $0x8000004B  }
0xb4: {  	_ =	swait.ge [sflag:s29], $0x1  }
0xb5: {  	[sflag:s29] =	ssyncadd.s32 $0xFFFFFFFF  }
0xb6: {  	_ =	strace $0x9000004B  }
0xb7: {  	_ =	sfence  }
0xb8: {  	s30 =	sld [smem:$0x0];
	_ =	sdelay $0x2  }
0xb9: {  	s31 =	sshll.u32 s1, $0xD;
	s1 =	sshrl.u32 s1, $0x2  }
0xba: {  	s3 =	sand.u32 $0x4000, s31;
	s1 =	sadd.s32 s1, s30  }
0xbb: {  	s0 =	sor.u32 s3, s0;
	s1 =	sshll.u32 s1, $0x11  }
0xbc: {  	s0 =	sor.u32 s1, s0  }
0xbd: {  	s0 =	sadd.s32 $0x8F2B, s0  }
0xbe: {  	[sflag:s0] =	ssyncadd.remote.s32 $0x1  }
0xbf: {  	_ =	sfence.sel $0xFFFF  }
0xc0: {  	[dreg:$0x0] =	wrdreg $0xFFFFFFFF;
	(pc) =	sbr.abs _section_cstart, $3  }
0xc1: {  	[dreg:$0x1] =	wrdreg $0xFFFFFFFF  }
0xc2: {  	_ =	task.clear_ibuf [dreg:s7], $0x2FFFF;
	_ =	strace $0x9FFFFFFF  }
0xc3: {  	(tm) =	ssettm $0x7FFFFFFF  }
tec
execute0_lowered:
.L_overlay_start_1:
0x0: {  	(tag) =	ssettag $0x1  }
0x1: {  	s0 =	rddreg [dreg:$0x0]  }
0x2: {  	s2 =	rddreg [dreg:$0x2];
	s29 =	simm.s32 $0x0;
	s1 =	srdreg.scid  }
0x3: {  	s9 =	stileid.u32;
	s28 =	simm.s32 $0x1E000;
	s30 =	simm.s32 $0x50  }
0x4: {  	s31 =	simm.s32 $0x1E080;
	[smem:$0x7FF] =	sst s29;
	s3 =	smul.u32 $0x50000, s9  }
0x5: {  	s1 =	sand.u32 $0x1, s1;
	s5 =	sadd.s32 $0x1D200, s0;
	s7 =	smul.u32 $0x14000, s9  }
0x6: {  	s6 =	sadd.s32 $0xD200, s0;
	s0 =	sadd.s32 $0x45200, s0;
	s9 =	sshll.u32 s9, $0xB  }
0x7: {  	_ =	strace $0x8000004A;
	s4 =	ssub.s32 $0x2, s1;
	s3 =	sshrl.u32 s3, $0x2  }
0x8: {  	s8 =	sshrl.u32 s4, $0x1;
	s26 =	sor.u32 $0x2800, s7;
	s3 =	sadd.s32 s3, s2  }
0x9: {  	s16 =	sadd.s32 $0x5000, s7;
	s15 =	sadd.s32 s26, s2;
	[dreg:$0x5] =	wrdreg s3  }
0xa: {  	s10 =	sadd.s32 $0x7800, s7;
	s12 =	sadd.s32 s16, s2;
	[dreg:$0x6] =	wrdreg s15  }
0xb: {  	s11 =	sadd.s32 $0xA000, s7;
	s17 =	sadd.s32 s10, s2;
	[dreg:$0x7] =	wrdreg s12  }
0xc: {  	s19 =	sadd.s32 $0xC800, s7;
	s18 =	sadd.s32 s11, s2;
	[dreg:$0x8] =	wrdreg s17  }
0xd: {  	s13 =	sadd.s32 $0xF000, s7;
	s14 =	sadd.s32 s19, s2;
	[dreg:$0x9] =	wrdreg s18  }
0xe: {  	s4 =	ssub.s32 s4, s8;
	s20 =	sadd.s32 s13, s2;
	[dreg:$0xa] =	wrdreg s14  }
0xf: {  	s15 =	smul.u32 $0x140000, s1;
	[dreg:$0xb] =	wrdreg s20;
	s1 =	sshll.u32 s1, $0xF  }
0x10: {  	s12 =	simm.s32 $0x1FF80;
	s14 =	sor.u32 s1, s9;
	s9 =	simm.s32 $0x1FE00  }
0x11: {  	s21 =	sadd.s32 s7, s15;
	s8 =	sadd.s32 s15, s26;
	s7 =	sadd.s32 $0x11800, s7  }
0x12: {  	s3 =	sadd.s32 s15, s16;
	s22 =	sadd.s32 s15, s10;
	s23 =	sadd.s32 s15, s11  }
0x13: {  	s24 =	sadd.s32 s15, s19;
	s25 =	sadd.s32 s15, s13;
	s10 =	simm.s32 $0x1FE80  }
0x14: {  	s11 =	simm.s32 $0x1FF00;
	s1 =	sshrl.u32 s21, $0x3;
	s8 =	sshrl.u32 s8, $0x3  }
0x15: {  	s26 =	sadd.s32 s15, s7;
	s15 =	sadd.s32 s7, s2;
	s17 =	sshrl.u32 s3, $0x3  }
0x16: {  	s18 =	sshrl.u32 s22, $0x3;
	s19 =	sshrl.u32 s23, $0x3;
	s22 =	sshrl.u32 s24, $0x3  }
0x17: {  	s23 =	sshrl.u32 s25, $0x3;
	s3 =	simm.s32 $0x1E100;
	s7 =	simm.s32 $0x7  }
0x18: {  	s1 =	sadd.s32 s0, s1;
	s16 =	sadd.s32 s0, s8;
	[dreg:$0xc] =	wrdreg s15  }
0x19: {  	s20 =	sadd.s32 s0, s18;
	s21 =	sadd.s32 s0, s19;
	[dreg:$0xd] =	wrdreg s1  }
0x1a: {  	s24 =	sshrl.u32 s26, $0x3;
	s25 =	sadd.s32 s0, s23;
	[dreg:$0xe] =	wrdreg s16  }
0x1b: {  	s26 =	smax.u32 s4, $0x1;
	s18 =	simm.s32 $0x1B800;
	[dreg:$0x10] =	wrdreg s20  }
0x1c: {  	s19 =	simm.s32 $0x1;
	s23 =	simm.s32 $0x5;
	[dreg:$0x11] =	wrdreg s21  }
0x1d: {  	s8 =	simm.s32 $0x8;
	s1 =	sadd.s32 s0, s17;
	[dreg:$0x13] =	wrdreg s25  }
0x1e: {  	[dreg:$0x15] =	wrdreg s26;
	s25 =	simm.s32 $0x14000;
	s26 =	simm.s32 $0x9  }
0x1f: {  	s16 =	simm.s32 $0x19000;
	s17 =	simm.s32 $0x1E180;
	s20 =	simm.s32 $0x2  }
0x20: {  	s21 =	simm.s32 $0x3;
	[dreg:$0xf] =	wrdreg s1;
	s1 =	sadd.s32 s0, s22  }
0x21: {  	s0 =	sadd.s32 s0, s24;
	s22 =	simm.s32 $0x4;
	[dreg:$0x12] =	wrdreg s1  }
0x22: {  	v0 =	vimm.f32 $0.0e+00;
	s24 =	simm.s32 $0x6;
	[dreg:$0x14] =	wrdreg s0;
	s0 =	simm.s32 $0x16800  }
.LBB2_1:
0x23: {  	[dreg:$0x4] =	wrdreg s29;
	s1 =	simm.s32 $0x0;
	s4 =	simm.s32 $0x200  }
.LBB2_2:
0x24: {  	p0 =	sne.s32 s4, $0x9E00;
	[tilespmem:s1+$0x14070] =	vst v0  }
0x25: {  	[tilespmem:s1+$0x14000] =	vst v0  }
0x26: {  	[tilespmem:s1+$0x14010] =	vst v0  }
.Ltmp0:
0x27: {  	[tilespmem:s1+$0x14020] =	vst v0;
	(pc) =	sbr.rel @p0 .LBB2_2-.Ltmp0, $4  }
0x28: {  	[tilespmem:s1+$0x14030] =	vst v0  }
0x29: {  	[tilespmem:s1+$0x14040] =	vst v0  }
0x2a: {  	[tilespmem:s1+$0x14050] =	vst v0  }
0x2b: {  	[tilespmem:s1+$0x14060] =	vst v0;
	s1 =	sshra.s32 s4, $0x2;
	s4 =	sadd.s32 $0x200, s4  }
0x2c: {  	[tilespmem:s1+$0x14070] =	vst v0  }
0x2d: {  	[tilespmem:s1+$0x14000] =	vst v0  }
0x2e: {  	[tilespmem:s1+$0x14010] =	vst v0  }
0x2f: {  	[tilespmem:s1+$0x14020] =	vst v0  }
0x30: {  	[tilespmem:s1+$0x14030] =	vst v0  }
0x31: {  	[tilespmem:s1+$0x14040] =	vst v0  }
0x32: {  	[tilespmem:s1+$0x14050] =	vst v0  }
0x33: {  	[tilespmem:s1+$0x14060] =	vst v0;
	s29 =	rddreg [dreg:$0x5]  }
0x34: {  	[spmem:s29] =	stream.linear.scatter [tilespmem:s25], [sflag:$0x9], $0x2800, $0x38;
	v63 =	vld [tilespmem:$0x0]  }
0x35: {  	_ =	swait.ge [sflag:s26], $0x2800  }
0x36: {  	[sflag:s26] =	ssyncset.done $0x0  }
0x37: {  	s4 =	rddreg [dreg:$0x6];
	[sflag:s26] =	ssyncadd.s32 $0xFFFFD800  }
0x38: {  	[spmem:s4] =	stream.linear.scatter [tilespmem:s25], [sflag:$0x9], $0x2800, $0x38;
	v63 =	vld [tilespmem:$0x0]  }
0x39: {  	_ =	swait.ge [sflag:s26], $0x2800  }
0x3a: {  	[sflag:s26] =	ssyncset.done $0x0  }
0x3b: {  	s13 =	rddreg [dreg:$0x7];
	[sflag:s26] =	ssyncadd.s32 $0xFFFFD800  }
0x3c: {  	[spmem:s13] =	stream.linear.scatter [tilespmem:s25], [sflag:$0x9], $0x2800, $0x38;
	v63 =	vld [tilespmem:$0x0]  }
0x3d: {  	_ =	swait.ge [sflag:s26], $0x2800  }
0x3e: {  	[sflag:s26] =	ssyncset.done $0x0  }
0x3f: {  	s29 =	rddreg [dreg:$0x8];
	[sflag:s26] =	ssyncadd.s32 $0xFFFFD800  }
0x40: {  	[spmem:s29] =	stream.linear.scatter [tilespmem:s25], [sflag:$0x9], $0x2800, $0x38;
	v63 =	vld [tilespmem:$0x0]  }
0x41: {  	_ =	swait.ge [sflag:s26], $0x2800  }
0x42: {  	[sflag:s26] =	ssyncset.done $0x0  }
0x43: {  	s4 =	rddreg [dreg:$0x9];
	[sflag:s26] =	ssyncadd.s32 $0xFFFFD800  }
0x44: {  	[spmem:s4] =	stream.linear.scatter [tilespmem:s25], [sflag:$0x9], $0x2800, $0x38;
	v63 =	vld [tilespmem:$0x0]  }
0x45: {  	_ =	swait.ge [sflag:s26], $0x2800  }
0x46: {  	[sflag:s26] =	ssyncset.done $0x0  }
0x47: {  	s13 =	rddreg [dreg:$0xa];
	[sflag:s26] =	ssyncadd.s32 $0xFFFFD800  }
0x48: {  	[spmem:s13] =	stream.linear.scatter [tilespmem:s25], [sflag:$0x9], $0x2800, $0x38;
	v63 =	vld [tilespmem:$0x0]  }
0x49: {  	_ =	swait.ge [sflag:s26], $0x2800  }
0x4a: {  	[sflag:s26] =	ssyncset.done $0x0  }
0x4b: {  	s29 =	rddreg [dreg:$0xb];
	[sflag:s26] =	ssyncadd.s32 $0xFFFFD800  }
0x4c: {  	[spmem:s29] =	stream.linear.scatter [tilespmem:s25], [sflag:$0x9], $0x2800, $0x38;
	v63 =	vld [tilespmem:$0x0]  }
0x4d: {  	_ =	swait.ge [sflag:s26], $0x2800  }
0x4e: {  	[sflag:s26] =	ssyncset.done $0x0  }
0x4f: {  	[sflag:s26] =	ssyncadd.s32 $0xFFFFD800  }
0x50: {  	[spmem:s15] =	stream.linear.scatter [tilespmem:s25], [sflag:$0x9], $0x2800, $0x38;
	v63 =	vld [tilespmem:$0x0]  }
0x51: {  	_ =	swait.ge [sflag:s26], $0x2800  }
0x52: {  	[sflag:s26] =	ssyncset.done $0x0  }
0x53: {  	[sflag:s26] =	ssyncadd.s32 $0xFFFFD800  }
0x54: {  	s13 =	simm.s32 $0x0;
	s15 =	simm.s32 $0x0;
	[bflag:$0x0] =	sbarrier.arrive $0xFFFF  }
.LBB2_4:
0x55: {  	s1 =	sshll.u32 s15, $0x9  }
0x56: {  	s4 =	rddreg [dreg:$0x1];
	s1 =	sadd.s32 s14, s1  }
0x57: {  	s4 =	sadd.s32 s4, s1  }
0x58: {  	[tilespmem:s28], [sflag:$0x9] =	stream.linear.gather [hbm4b:s4+s13], $0x1000, $0x38;
	v63 =	vld [tilespmem:$0x0]  }
0x59: {  	_ =	swait.ge [sflag:s26], $0x1000  }
0x5a: {  	[sflag:s26] =	ssyncset.done $0x0  }
0x5b: {  	s29 =	simm.s32 $0x1F000;
	s1 =	sadd.s32 s6, s1;
	[sflag:s26] =	ssyncadd.s32 $0xFFFFF000  }
0x5c: {  	[tilespmem:s29], [sflag:$0x9] =	stream.linear.gather [hbm4b:s1+s13], $0x1000, $0x38;
	v63 =	vld [tilespmem:$0x0]  }
0x5d: {  	_ =	swait.ge [sflag:s26], $0x1000  }
0x5e: {  	[sflag:s26] =	ssyncset.done $0x0  }
0x5f: {  	[sflag:s26] =	ssyncadd.s32 $0xFFFFF000  }
0x60: {  	[tilespmem:s25], [sflag:$0x1] =	stream.indirect.gather [hbm4b:s5+s30], $0x80, s28, s30, $0xb8;
	v63 =	vld [tilespmem:$0x0]  }
0x61: {  	_ = 	snop  }
0x62: {  	[tilespmem:s0], [sflag:$0x2] =	stream.indirect.gather [hbm4b:s5+s30], $0x80, s31, s30, $0xb8;
	v63 =	vld [tilespmem:$0x0]  }
0x63: {  	_ = 	snop  }
0x64: {  	[tilespmem:s16], [sflag:$0x3] =	stream.indirect.gather [hbm4b:s5+s30], $0x80, s3, s30, $0xb8;
	v63 =	vld [tilespmem:$0x0]  }
0x65: {  	_ = 	snop  }
0x66: {  	[tilespmem:s18], [sflag:$0x4] =	stream.indirect.gather [hbm4b:s5+s30], $0x80, s17, s30, $0xb8;
	v63 =	vld [tilespmem:$0x0]  }
0x67: {  	_ =	swait.ge [sflag:s19], $0x2800  }
0x68: {  	[sflag:s19] =	ssyncset.done $0x0  }
0x69: {  	s29 =	simm.s32 $0x1F000;
	[sflag:s19] =	ssyncadd.s32 $0xFFFFD800  }
0x6a: {  	[spmem:s2] =	stream.indirect.scatter.add.f32 [tilespmem:s25], [sflag:$0x5], $0x80, s29, s30, $0xb8;
	v63 =	vld [tilespmem:$0x0]  }
0x6b: {  	_ =	swait.ge [sflag:s20], $0x2800  }
0x6c: {  	[sflag:s20] =	ssyncset.done $0x0  }
0x6d: {  	s4 =	simm.s32 $0x1F080;
	[sflag:s20] =	ssyncadd.s32 $0xFFFFD800  }
0x6e: {  	[spmem:s2] =	stream.indirect.scatter.add.f32 [tilespmem:s0], [sflag:$0x6], $0x80, s4, s30, $0xb8;
	v63 =	vld [tilespmem:$0x0]  }
0x6f: {  	_ =	swait.ge [sflag:s21], $0x2800  }
0x70: {  	[sflag:s21] =	ssyncset.done $0x0  }
0x71: {  	s29 =	simm.s32 $0x1F100;
	[sflag:s21] =	ssyncadd.s32 $0xFFFFD800  }
0x72: {  	[spmem:s2] =	stream.indirect.scatter.add.f32 [tilespmem:s16], [sflag:$0x7], $0x80, s29, s30, $0xb8;
	v63 =	vld [tilespmem:$0x0]  }
0x73: {  	_ =	swait.ge [sflag:s22], $0x2800  }
0x74: {  	[sflag:s22] =	ssyncset.done $0x0  }
0x75: {  	s4 =	simm.s32 $0x1F180;
	[sflag:s22] =	ssyncadd.s32 $0xFFFFD800  }
0x76: {  	[spmem:s2] =	stream.indirect.scatter.add.f32 [tilespmem:s18], [sflag:$0x8], $0x80, s4, s30, $0xb8;
	v63 =	vld [tilespmem:$0x0]  }
0x77: {  	_ =	swait.ge [sflag:s23], $0x2800  }
0x78: {  	[sflag:s23] =	ssyncset.done $0x0  }
0x79: {  	s29 =	simm.s32 $0x1E200;
	[sflag:s23] =	ssyncadd.s32 $0xFFFFD800  }
0x7a: {  	[tilespmem:s25], [sflag:$0x1] =	stream.indirect.gather [hbm4b:s5+s30], $0x80, s29, s30, $0xb8;
	v63 =	vld [tilespmem:$0x0]  }
0x7b: {  	_ =	swait.ge [sflag:s24], $0x2800  }
0x7c: {  	[sflag:s24] =	ssyncset.done $0x0  }
0x7d: {  	s4 =	simm.s32 $0x1E280;
	[sflag:s24] =	ssyncadd.s32 $0xFFFFD800  }
0x7e: {  	[tilespmem:s0], [sflag:$0x2] =	stream.indirect.gather [hbm4b:s5+s30], $0x80, s4, s30, $0xb8;
	v63 =	vld [tilespmem:$0x0]  }
0x7f: {  	_ =	swait.ge [sflag:s7], $0x2800  }
0x80: {  	[sflag:s7] =	ssyncset.done $0x0  }
0x81: {  	s29 =	simm.s32 $0x1E300;
	[sflag:s7] =	ssyncadd.s32 $0xFFFFD800  }
0x82: {  	[tilespmem:s16], [sflag:$0x3] =	stream.indirect.gather [hbm4b:s5+s30], $0x80, s29, s30, $0xb8;
	v63 =	vld [tilespmem:$0x0]  }
0x83: {  	_ =	swait.ge [sflag:s8], $0x2800  }
0x84: {  	[sflag:s8] =	ssyncset.done $0x0  }
0x85: {  	s1 =	simm.s32 $0x1E380;
	s4 =	simm.s32 $0x800;
	[sflag:s8] =	ssyncadd.s32 $0xFFFFD800  }
.LBB2_5:
0x86: {  	[tilespmem:s18], [sflag:$0x4] =	stream.indirect.gather [hbm4b:s5+s30], $0x80, s1, s30, $0xb8;
	v63 =	vld [tilespmem:$0x0]  }
0x87: {  	s1 =	smov.u32 s4  }
0x88: {  	p0 =	sne.s32 s4, $0x3000;
	s4 =	sadd.s32 $0x800, s4;
	_ =	swait.ge [sflag:s19], $0x2800  }
0x89: {  	s1 =	sshra.s32 s1, $0x2;
	[sflag:s19] =	ssyncset.done $0x0  }
0x8a: {  	s29 =	sadd.s32 $0x1F000, s1;
	[sflag:s19] =	ssyncadd.s32 $0xFFFFD800  }
0x8b: {  	[spmem:s2] =	stream.indirect.scatter.add.f32 [tilespmem:s25], [sflag:$0x5], $0x80, s29, s30, $0xb8;
	v63 =	vld [tilespmem:$0x0]  }
0x8c: {  	_ =	swait.ge [sflag:s20], $0x2800  }
0x8d: {  	[sflag:s20] =	ssyncset.done $0x0  }
0x8e: {  	s29 =	sadd.s32 $0x1F080, s1;
	[sflag:s20] =	ssyncadd.s32 $0xFFFFD800  }
0x8f: {  	[spmem:s2] =	stream.indirect.scatter.add.f32 [tilespmem:s0], [sflag:$0x6], $0x80, s29, s30, $0xb8;
	v63 =	vld [tilespmem:$0x0]  }
0x90: {  	_ =	swait.ge [sflag:s21], $0x2800  }
0x91: {  	[sflag:s21] =	ssyncset.done $0x0  }
0x92: {  	s29 =	sadd.s32 $0x1F100, s1;
	[sflag:s21] =	ssyncadd.s32 $0xFFFFD800  }
0x93: {  	[spmem:s2] =	stream.indirect.scatter.add.f32 [tilespmem:s16], [sflag:$0x7], $0x80, s29, s30, $0xb8;
	v63 =	vld [tilespmem:$0x0]  }
0x94: {  	_ =	swait.ge [sflag:s22], $0x2800  }
0x95: {  	[sflag:s22] =	ssyncset.done $0x0  }
0x96: {  	s29 =	sadd.s32 $0x1F180, s1;
	[sflag:s22] =	ssyncadd.s32 $0xFFFFD800  }
0x97: {  	[spmem:s2] =	stream.indirect.scatter.add.f32 [tilespmem:s18], [sflag:$0x8], $0x80, s29, s30, $0xb8;
	v63 =	vld [tilespmem:$0x0]  }
0x98: {  	_ =	swait.ge [sflag:s23], $0x2800  }
0x99: {  	[sflag:s23] =	ssyncset.done $0x0  }
0x9a: {  	s29 =	sadd.s32 $0x1E200, s1;
	[sflag:s23] =	ssyncadd.s32 $0xFFFFD800  }
0x9b: {  	[tilespmem:s25], [sflag:$0x1] =	stream.indirect.gather [hbm4b:s5+s30], $0x80, s29, s30, $0xb8;
	v63 =	vld [tilespmem:$0x0]  }
0x9c: {  	_ =	swait.ge [sflag:s24], $0x2800  }
0x9d: {  	[sflag:s24] =	ssyncset.done $0x0  }
0x9e: {  	s29 =	sadd.s32 $0x1E280, s1;
	[sflag:s24] =	ssyncadd.s32 $0xFFFFD800  }
0x9f: {  	[tilespmem:s0], [sflag:$0x2] =	stream.indirect.gather [hbm4b:s5+s30], $0x80, s29, s30, $0xb8;
	v63 =	vld [tilespmem:$0x0]  }
0xa0: {  	_ =	swait.ge [sflag:s7], $0x2800  }
0xa1: {  	[sflag:s7] =	ssyncset.done $0x0  }
.Ltmp1:
0xa2: {  	s29 =	sadd.s32 $0x1E300, s1;
	[sflag:s7] =	ssyncadd.s32 $0xFFFFD800;
	(pc) =	sbr.rel @p0 .LBB2_5-.Ltmp1, $4  }
0xa3: {  	[tilespmem:s16], [sflag:$0x3] =	stream.indirect.gather [hbm4b:s5+s30], $0x80, s29, s30, $0xb8;
	v63 =	vld [tilespmem:$0x0]  }
0xa4: {  	_ =	swait.ge [sflag:s8], $0x2800  }
0xa5: {  	[sflag:s8] =	ssyncset.done $0x0  }
0xa6: {  	s1 =	sadd.s32 $0x1E380, s1;
	[sflag:s8] =	ssyncadd.s32 $0xFFFFD800  }
0xa7: {  	[tilespmem:s18], [sflag:$0x4] =	stream.indirect.gather [hbm4b:s5+s30], $0x80, s1, s30, $0xb8;
	v63 =	vld [tilespmem:$0x0]  }
0xa8: {  	_ =	swait.ge [sflag:s19], $0x2800  }
0xa9: {  	[sflag:s19] =	ssyncset.done $0x0  }
0xaa: {  	[sflag:s19] =	ssyncadd.s32 $0xFFFFD800  }
0xab: {  	[spmem:s2] =	stream.indirect.scatter.add.f32 [tilespmem:s25], [sflag:$0x5], $0x80, s9, s30, $0xb8;
	v63 =	vld [tilespmem:$0x0]  }
0xac: {  	_ =	swait.ge [sflag:s20], $0x2800  }
0xad: {  	[sflag:s20] =	ssyncset.done $0x0  }
0xae: {  	[sflag:s20] =	ssyncadd.s32 $0xFFFFD800  }
0xaf: {  	[spmem:s2] =	stream.indirect.scatter.add.f32 [tilespmem:s0], [sflag:$0x6], $0x80, s10, s30, $0xb8;
	v63 =	vld [tilespmem:$0x0]  }
0xb0: {  	_ =	swait.ge [sflag:s21], $0x2800  }
0xb1: {  	[sflag:s21] =	ssyncset.done $0x0  }
0xb2: {  	[sflag:s21] =	ssyncadd.s32 $0xFFFFD800  }
0xb3: {  	[spmem:s2] =	stream.indirect.scatter.add.f32 [tilespmem:s16], [sflag:$0x7], $0x80, s11, s30, $0xb8;
	v63 =	vld [tilespmem:$0x0]  }
0xb4: {  	_ =	swait.ge [sflag:s22], $0x2800  }
0xb5: {  	[sflag:s22] =	ssyncset.done $0x0  }
0xb6: {  	[sflag:s22] =	ssyncadd.s32 $0xFFFFD800  }
0xb7: {  	[spmem:s2] =	stream.indirect.scatter.add.f32 [tilespmem:s18], [sflag:$0x8], $0x80, s12, s30, $0xb8;
	v63 =	vld [tilespmem:$0x0]  }
0xb8: {  	_ =	swait.ge [sflag:s23], $0x2800  }
0xb9: {  	[sflag:s23] =	ssyncset.done $0x0  }
0xba: {  	[sflag:s23] =	ssyncadd.s32 $0xFFFFD800  }
0xbb: {  	_ =	swait.ge [sflag:s24], $0x2800  }
0xbc: {  	[sflag:s24] =	ssyncset.done $0x0  }
0xbd: {  	s15 =	sadd.s32 $0x1, s15;
	[sflag:s24] =	ssyncadd.s32 $0xFFFFD800  }
0xbe: {  	p0 =	sne.s32 s15, $0x4;
	_ =	swait.ge [sflag:s7], $0x2800  }
.Ltmp2:
0xbf: {  	[sflag:s7] =	ssyncset.done $0x0;
	(pc) =	sbr.rel @p0 .LBB2_4-.Ltmp2, $4  }
0xc0: {  	[sflag:s7] =	ssyncadd.s32 $0xFFFFD800  }
0xc1: {  	_ =	swait.ge [sflag:s8], $0x2800  }
0xc2: {  	[sflag:s8] =	ssyncset.done $0x0  }
0xc3: {  	[sflag:s8] =	ssyncadd.s32 $0xFFFFD800  }
0xc4: {  	s1 =	stileid.u32;
	[bflag:$0x0] =	sbarrier.arrive $0xFFFF  }
0xc5: {  	s1 =	sshll.u32 s1, $0x6;
	s4 =	rddreg [dreg:$0x5]  }
0xc6: {  	s13 =	rddreg [dreg:$0xd];
	s1 =	sor.u32 $0x1C09, s1;
	s4 =	sshrl.u32 s4, $0x3  }
0xc7: {  	[hbm:s13], [sflag:s1] =	dma.local [spmem:s4], $0x500  }
0xc8: {  	_ =	swait.ge [sflag:s26], $0x500  }
0xc9: {  	[sflag:s26] =	ssyncset.done $0x0;
	s13 =	rddreg [dreg:$0x6]  }
0xca: {  	s15 =	rddreg [dreg:$0xe];
	[sflag:s26] =	ssyncadd.s32 $0xFFFFFB00;
	s4 =	sshrl.u32 s13, $0x3  }
0xcb: {  	[hbm:s15], [sflag:s1] =	dma.local [spmem:s4], $0x500  }
0xcc: {  	_ =	swait.ge [sflag:s26], $0x500  }
0xcd: {  	[sflag:s26] =	ssyncset.done $0x0;
	s13 =	rddreg [dreg:$0x7]  }
0xce: {  	s15 =	rddreg [dreg:$0xf];
	[sflag:s26] =	ssyncadd.s32 $0xFFFFFB00;
	s4 =	sshrl.u32 s13, $0x3  }
0xcf: {  	[hbm:s15], [sflag:s1] =	dma.local [spmem:s4], $0x500  }
0xd0: {  	_ =	swait.ge [sflag:s26], $0x500  }
0xd1: {  	[sflag:s26] =	ssyncset.done $0x0;
	s13 =	rddreg [dreg:$0x8]  }
0xd2: {  	s15 =	rddreg [dreg:$0x10];
	[sflag:s26] =	ssyncadd.s32 $0xFFFFFB00;
	s4 =	sshrl.u32 s13, $0x3  }
0xd3: {  	[hbm:s15], [sflag:s1] =	dma.local [spmem:s4], $0x500  }
0xd4: {  	_ =	swait.ge [sflag:s26], $0x500  }
0xd5: {  	[sflag:s26] =	ssyncset.done $0x0;
	s13 =	rddreg [dreg:$0x9]  }
0xd6: {  	s15 =	rddreg [dreg:$0x11];
	[sflag:s26] =	ssyncadd.s32 $0xFFFFFB00;
	s4 =	sshrl.u32 s13, $0x3  }
0xd7: {  	[hbm:s15], [sflag:s1] =	dma.local [spmem:s4], $0x500  }
0xd8: {  	_ =	swait.ge [sflag:s26], $0x500  }
0xd9: {  	[sflag:s26] =	ssyncset.done $0x0;
	s13 =	rddreg [dreg:$0xa]  }
0xda: {  	s15 =	rddreg [dreg:$0x12];
	[sflag:s26] =	ssyncadd.s32 $0xFFFFFB00;
	s4 =	sshrl.u32 s13, $0x3  }
0xdb: {  	[hbm:s15], [sflag:s1] =	dma.local [spmem:s4], $0x500  }
0xdc: {  	_ =	swait.ge [sflag:s26], $0x500  }
0xdd: {  	[sflag:s26] =	ssyncset.done $0x0;
	s13 =	rddreg [dreg:$0xb]  }
0xde: {  	s15 =	rddreg [dreg:$0x13];
	[sflag:s26] =	ssyncadd.s32 $0xFFFFFB00;
	s4 =	sshrl.u32 s13, $0x3  }
0xdf: {  	[hbm:s15], [sflag:s1] =	dma.local [spmem:s4], $0x500  }
0xe0: {  	_ =	swait.ge [sflag:s26], $0x500  }
0xe1: {  	[sflag:s26] =	ssyncset.done $0x0;
	s15 =	rddreg [dreg:$0xc]  }
0xe2: {  	s13 =	rddreg [dreg:$0x14];
	[sflag:s26] =	ssyncadd.s32 $0xFFFFFB00;
	s4 =	sshrl.u32 s15, $0x3  }
0xe3: {  	[hbm:s13], [sflag:s1] =	dma.local [spmem:s4], $0x500  }
0xe4: {  	_ =	swait.ge [sflag:s26], $0x500  }
0xe5: {  	s29 =	rddreg [dreg:$0x4]  }
0xe6: {  	s13 =	rddreg [dreg:$0x15];
	s29 =	sadd.s32 $0x1, s29  }
0xe7: {  	p0 =	sne.s32 s29, s13  }
.Ltmp3:
0xe8: {  	_ = 	snop;
	(pc) =	sbr.rel @p0 .LBB2_1-.Ltmp3, $3  }
0xe9: {  	_ =	sdelay $0x1  }
0xea: {  	[sflag:s26] =	ssyncset.done $0x0  }
0xeb: {  	[sflag:s26] =	ssyncadd.s32 $0xFFFFFB00  }
0xec: {  	_ =	sfence.sel $0x180000  }
0xed: {  	[bflag:$0x0] =	sbarrier.arrive $0xFFFF  }
0xee: {  	_ =	strace $0x9000004A  }
0xef: {  	s0 =	stileid.u32;
	[bflag:$0x2] =	sbarrier.arrive $0xFFFF  }
0xf0: {  	p0 =	sne.s32 s0, $0x0;
	s0 =	rddreg [dreg:$0x3]  }
0xf1: {  	s0 =	sadd.s32 @!p0 $0x100000, s0  }
0xf2: {  	[sflag:s0] =	ssyncadd.tile.s32 @!p0 $0x1;
	_ =	shalt  }
.Lfunc_end2:
_tile_overlayer_lowered:
.L_overlay_start_2:
0xf3: {  	(tag) =	ssettag $0x2  }
0xf4: {  	s0 =	rddreg [dreg:$0x0];
	s2 =	stileid.u32  }
0xf5: {  	s1 =	rddreg [dreg:$0x1];
	p0 =	sne.s32 s2, $0x0  }
0xf6: {  	s3 =	rddreg [dreg:$0x2];
	[bflag:$0x3] =	sbarrier.arrive $0xFFFF;
	s2 =	simm.s32 @!p0 $0x1C09  }
0xf7: {  	[timem:s3], [sflag:s2] =	dma.local @!p0 [hbm:s0], s1  }
0xf8: {  	s0 =	simm.s32 @!p0 $0x9  }
0xf9: {  	_ =	swait.ge @!p0 [sflag:s0], s1  }
0xfa: {  	s1 =	ssub.s32 @!p0 $0x0, s1;
	[sflag:s0] =	ssyncset.done @!p0 $0x0  }
0xfb: {  	[sflag:s0] =	ssyncadd.s32 @!p0 s1  }
0xfc: {  	[bflag:$0x3] =	sbarrier.arrive $0xFFFF  }
0xfd: {  	_ =	shalt  }

// kernel: kernel.14.cloned.1.call-start
scs
__scs_entry_jumppad:
0x0: {  	(pc) =	sbr.rel $0x88, $3  }
0x1: {  	(tag) =	ssettag $0x0;
	lr =	simm.s32 $0x1  }
0x2: {  	[smem:$0x3F9B] =	sst lr;
	_ =	strace $0xD0000000  }
0x3: {  	_ = 	snop  }
0x4: {  	_ = 	snop  }
0x5: {  	_ = 	snop  }
0x6: {  	_ = 	snop  }
0x7: {  	_ = 	snop  }
__scs_overlays_trampoline_lowered:
0x8: {  	[smem:$0x3FAA] =	sst s0  }
0x9: {  	[smem:$0x3FAB] =	sst s1  }
0xa: {  	[smem:$0x3FAC] =	sst s2  }
0xb: {  	[smem:$0x3FAD] =	sst s3  }
0xc: {  	[smem:$0x3FAE] =	sst s4  }
0xd: {  	[smem:$0x3FAF] =	sst s5  }
0xe: {  	[smem:$0x3FB0] =	sst s6  }
0xf: {  	[smem:$0x3FB1] =	sst s7  }
0x10: {  	[smem:$0x3FB2] =	sst s8  }
0x11: {  	[smem:$0x3FB3] =	sst s9;
	s0 =	simm.s32 @!p0 $0x0  }
0x12: {  	s1 =	sld [smem:$0x3F99];
	s0 =	simm.s32 @p0 $0x1  }
0x13: {  	[smem:$0x3FB4] =	sst s0;
	s0 =	simm.s32 @!p1 $0x0  }
0x14: {  	s2 =	sld [smem:$0x3F98];
	s0 =	simm.s32 @p1 $0x1  }
0x15: {  	[smem:$0x3FB5] =	sst s0;
	s0 =	simm.s32 @!p2 $0x0  }
0x16: {  	s3 =	sld [smem:$0x3FDB];
	s0 =	simm.s32 @p2 $0x1  }
0x17: {  	s4 =	simm.s32 $0x1BF5;
	[smem:$0x3FB7] =	sst s0  }
0x18: {  	s0 =	sld [smem:$0x3F9A];
	_ =	swait.ge [sflag:s4], $0x0  }
0x19: {  	s7 =	sld [smem:$0x3F9B]  }
0x1a: {  	s8 =	sadd.s32 $0xFFFFE003, lr  }
0x1b: {  	s9 =	sadd.s32 $0xFFFFFEF7, lr;
	s5 =	simm.s32 $0xFFFFFFFF;
	p2 =	slt.u32 s8, $0xFFFFF086  }
0x1c: {  	p1 =	slt.u32 s9, $0xF7A;
	s5 =	simm.s32 @!p2 $0x0  }
0x1d: {  	s5 =	simm.s32 @p1 $0x1;
	p0 =	seq.s32 s7, s2  }
0x1e: {  	s7 =	smul.u32 @!p0 $0xF7A, s2;
	p2 =	seq.s32 @!p0 s5, $0x0  }
0x1f: {  	s9 =	smul.u32 $0xF7A, s1;
	s8 =	simm.s32 @!p0 $0x1BF5;
	p2 =	por !p2, p0  }
0x20: {  	[sflag:s8] =	ssyncset.s32 @!p0 $0xFFFFF086;
	s6 =	sadd.s32 @!p0 s3, s7;
	s7 =	simm.s32 @!p0 $0x108  }
0x21: {  	s3 =	sadd.s32 s3, s9;
	s6 =	sadd.s32 @!p0 $0x88, s6;
	s7 =	simm.s32 @p2 $0x1082  }
0x22: {  	[simem:s7], [sflag:s8] =	dma.local @!p0 [hbm:s6], $0xF7A  }
0x23: {  	s9 =	sor.u32 $0xD0000000, s2;
	s6 =	simm.s32 $0x108;
	_ =	swait.ge @!p0 [sflag:s8], $0x0  }
0x24: {  	s3 =	sadd.s32 $0x88, s3;
	s6 =	simm.s32 @!p1 $0x1082;
	[sflag:s4] =	ssyncset.s32 $0xFFFFF086  }
0x25: {  	[simem:s6], [sflag:s4] =	dma.local [hbm:s3], $0xF7A  }
0x26: {  	[smem:$0x3F9B] =	sst s1;
	(tag) =	ssettag s2;
	_ =	strace s9  }
0x27: {  	s1 =	sld [smem:$0x3FAB]  }
0x28: {  	s2 =	sld [smem:$0x3FAC]  }
0x29: {  	s4 =	sld [smem:$0x3FAE]  }
0x2a: {  	p0 =	seq.s32 s5, $0x0;
	s5 =	sld [smem:$0x3FAF]  }
0x2b: {  	s6 =	sld [smem:$0x3FB0]  }
0x2c: {  	s7 =	sld [smem:$0x3FB1]  }
0x2d: {  	s3 =	simm.s32 $0x108;
	s8 =	sld [smem:$0x3FB2]  }
0x2e: {  	s3 =	simm.s32 @!p0 $0x1082;
	s9 =	sld [smem:$0x3FB3]  }
0x2f: {  	lr =	sadd.s32 s0, s3;
	s0 =	sld [smem:$0x3FAA]  }
0x30: {  	s3 =	sld [smem:$0x3FAD]  }
0x31: {  	[smem:$0x3FB6] =	sst s10  }
0x32: {  	s10 =	sld [smem:$0x3FB4];
	_ =	sdelay $0x3  }
0x33: {  	p0 =	seq.s32 s10, $0x1;
	s10 =	sld [smem:$0x3FB6];
	_ =	sdelay $0x3  }
0x34: {  	[smem:$0x3FB6] =	sst s10  }
0x35: {  	s10 =	sld [smem:$0x3FB5];
	_ =	sdelay $0x3  }
0x36: {  	p1 =	seq.s32 s10, $0x1;
	s10 =	sld [smem:$0x3FB6];
	_ =	sdelay $0x3  }
0x37: {  	[smem:$0x3FB6] =	sst s10  }
0x38: {  	s10 =	sld [smem:$0x3FB7]  }
0x39: {  	_ = 	snop;
	(pc) =	sbr.ind lr, $3  }
0x3a: {  	_ = 	snop  }
0x3b: {  	_ = 	snop  }
0x3c: {  	p2 =	seq.s32 s10, $0x1;
	s10 =	sld [smem:$0x3FB6]  }
0x3d: {  	_ =	shalt  }
0x3e: {  	_ =	shalt  }
0x3f: {  	_ =	shalt  }
0x40: {  	_ =	shalt  }
0x41: {  	_ =	shalt  }
0x42: {  	_ =	shalt  }
0x43: {  	_ =	shalt  }
0x44: {  	_ =	shalt  }
0x45: {  	_ =	shalt  }
0x46: {  	_ =	shalt  }
0x47: {  	_ =	shalt  }
0x48: {  	_ =	shalt  }
0x49: {  	_ =	shalt  }
0x4a: {  	_ =	shalt  }
0x4b: {  	_ =	shalt  }
0x4c: {  	_ =	shalt  }
0x4d: {  	_ =	shalt  }
0x4e: {  	_ =	shalt  }
0x4f: {  	_ =	shalt  }
0x50: {  	_ =	shalt  }
0x51: {  	_ =	shalt  }
0x52: {  	_ =	shalt  }
0x53: {  	_ =	shalt  }
0x54: {  	_ =	shalt  }
0x55: {  	_ =	shalt  }
0x56: {  	_ =	shalt  }
0x57: {  	_ =	shalt  }
0x58: {  	_ =	shalt  }
0x59: {  	_ =	shalt  }
0x5a: {  	_ =	shalt  }
0x5b: {  	_ =	shalt  }
0x5c: {  	_ =	shalt  }
0x5d: {  	_ =	shalt  }
0x5e: {  	_ =	shalt  }
0x5f: {  	_ =	shalt  }
0x60: {  	_ =	shalt  }
0x61: {  	_ =	shalt  }
0x62: {  	_ =	shalt  }
0x63: {  	_ =	shalt  }
0x64: {  	_ =	shalt  }
0x65: {  	_ =	shalt  }
0x66: {  	_ =	shalt  }
0x67: {  	_ =	shalt  }
0x68: {  	_ =	shalt  }
0x69: {  	_ =	shalt  }
0x6a: {  	_ =	shalt  }
0x6b: {  	_ =	shalt  }
0x6c: {  	_ =	shalt  }
0x6d: {  	_ =	shalt  }
0x6e: {  	_ =	shalt  }
0x6f: {  	_ =	shalt  }
0x70: {  	_ =	shalt  }
0x71: {  	_ =	shalt  }
0x72: {  	_ =	shalt  }
0x73: {  	_ =	shalt  }
0x74: {  	_ =	shalt  }
0x75: {  	_ =	shalt  }
0x76: {  	_ =	shalt  }
0x77: {  	_ =	shalt  }
0x78: {  	_ =	shalt  }
0x79: {  	_ =	shalt  }
0x7a: {  	_ =	shalt  }
0x7b: {  	_ =	shalt  }
0x7c: {  	_ =	shalt  }
0x7d: {  	_ =	shalt  }
0x7e: {  	_ =	shalt  }
0x7f: {  	_ =	shalt  }
0x80: {  	_ =	shalt  }
0x81: {  	_ =	shalt  }
0x82: {  	_ =	shalt  }
0x83: {  	_ =	shalt  }
0x84: {  	_ =	shalt  }
0x85: {  	_ =	shalt  }
0x86: {  	_ =	shalt  }
0x87: {  	_ =	shalt  }
.Lfunc_end0:
.L_simem_size_0:
called_computation.2_lowered:
.L_overlay_start_0:
0x88: {  	s2 =	sld [smem:$0x3FD9]  }
0x89: {  	s3 =	sld [smem:$0x3FFE];
	_ =	sdelay $0x1  }
0x8a: {  	s1 =	srdreg.scid  }
0x8b: {  	s0 =	sand.u32 $0x1, s1  }
0x8c: {  	s17 =	sshll.u32 s0, $0xA;
	s2 =	sadd.s32 s3, s2  }
0x8d: {  	s2 =	sadd.s32 s2, s17  }
0x8e: {  	[smem:$0x3FC2] =	sst s2  }
0x8f: {  	_ = 	snop  }
0x90: {  	s2 =	sld [smem:$0x3FD0];
	(tm) =	ssettm $0x1  }
0x91: {  	s18 =	sld [smem:$0x3FFB];
	_ =	sdelay $0x3  }
0x92: {  	_ =	strace s18  }
0x93: {  	s3 =	sld [smem:$0x3FFC];
	_ =	sdelay $0x3  }
0x94: {  	_ =	strace s3  }
0x95: {  	s3 =	sld [smem:$0x3FFD];
	_ =	sdelay $0x3  }
0x96: {  	_ =	strace s3  }
0x97: {  	_ =	strace $0x8FFFFFFF  }
0x98: {  	s19 =	sld [smem:$0x3FDB];
	_ =	sdelay $0x1  }
0x99: {  	s4 =	simm.s32 $_scs_section_size  }
0x9a: {  	s5 =	simm.s32 $_size__tile_overlayer_lowered;
	s6 =	simm.s32 $_tile_overlayer_lowered  }
0x9b: {  	s22 =	simm.s32 $0x1BFF;
	s21 =	sshll.u32 s6, $0x1;
	s3 =	sadd.s32 s4, s19  }
0x9c: {  	s7 =	simm.s32 $0x0;
	s20 =	sshll.u32 s5, $0x1;
	s5 =	sadd.s32 s21, s3  }
0x9d: {  	[timem:s7], [sflag:s22] =	dma.local [hbm:s5], s20  }
0x9e: {  	_ =	swait.ge [sflag:s22], s20  }
0x9f: {  	s4 =	ssub.s32 $0x0, s20;
	[sflag:s22] =	ssyncset.done $0x0  }
0xa0: {  	[sflag:s22] =	ssyncadd.s32 s4;
	_ =	sdelay $0x1  }
0xa1: {  	s23 =	simm.s32 $0x1B8B  }
0xa2: {  	_ =	swait.ge [sflag:s23], $0x1  }
0xa3: {  	[sflag:s23] =	ssyncset.done $0x0  }
0xa4: {  	s25 =	simm.s32 $0x1B8E;
	s24 =	sld [smem:$0x3FFE];
	[sflag:s23] =	ssyncadd.s32 $0xFFFFFFFF  }
0xa5: {  	s26 =	simm.s32 $execute0_lowered;
	[smem:$0x3FD2] =	sst s25  }
0xa6: {  	s5 =	sshll.u32 s26, $0x1;
	_ =	strace $0x8000004C;
	[dreg:$0x1] =	wrdreg $0xFFFFFFFF  }
0xa7: {  	s28 =	simm.s32 $_size_execute0_lowered;
	s3 =	sadd.s32 s3, s5;
	[dreg:$0x0] =	wrdreg $0x0  }
0xa8: {  	s5 =	sshll.u32 s28, $0x1;
	[dreg:$0x2] =	wrdreg s3  }
0xa9: {  	[dreg:$0x3] =	wrdreg s5  }
0xaa: {  	[dreg:$0x4] =	wrdreg $0xC0  }
0xab: {  	_ =	task [dreg:s7], $0x5FFFF  }
0xac: {  	[dreg:$0x1] =	wrdreg $0xFFFFFFFF  }
0xad: {  	[dreg:$0x0] =	wrdreg $0x60  }
0xae: {  	[dreg:$0x2] =	wrdreg s24  }
0xaf: {  	[dreg:$0x3] =	wrdreg s2  }
0xb0: {  	[dreg:$0x4] =	wrdreg $0x0  }
0xb1: {  	[dreg:$0x5] =	wrdreg $0x9  }
0xb2: {  	_ =	task.clear_ibuf [dreg:s7], $0x6FFFF;
	_ =	strace $0x9000004C  }
0xb3: {  	s29 =	simm.s32 $0x9;
	_ =	strace $0x8000004E  }
0xb4: {  	_ =	swait.ge [sflag:s29], $0x1  }
0xb5: {  	[sflag:s29] =	ssyncadd.s32 $0xFFFFFFFF  }
0xb6: {  	_ =	strace $0x9000004E  }
0xb7: {  	_ =	sfence  }
0xb8: {  	s30 =	sld [smem:$0x0];
	_ =	sdelay $0x2  }
0xb9: {  	s31 =	sshll.u32 s1, $0xD;
	s1 =	sshrl.u32 s1, $0x2  }
0xba: {  	s3 =	sand.u32 $0x4000, s31;
	s1 =	sadd.s32 s1, s30  }
0xbb: {  	s0 =	sor.u32 s3, s0;
	s1 =	sshll.u32 s1, $0x11  }
0xbc: {  	s0 =	sor.u32 s1, s0  }
0xbd: {  	s0 =	sadd.s32 $0x8F2B, s0  }
0xbe: {  	[sflag:s0] =	ssyncadd.remote.s32 $0x1  }
0xbf: {  	_ =	sfence.sel $0xFFFF  }
0xc0: {  	[dreg:$0x0] =	wrdreg $0xFFFFFFFF;
	(pc) =	sbr.abs _section_cstart, $3  }
0xc1: {  	[dreg:$0x1] =	wrdreg $0xFFFFFFFF  }
0xc2: {  	_ =	task.clear_ibuf [dreg:s7], $0x2FFFF;
	_ =	strace $0x9FFFFFFF  }
0xc3: {  	(tm) =	ssettm $0x7FFFFFFF  }
tec
execute0_lowered:
.L_overlay_start_1:
0x0: {  	(tag) =	ssettag $0x1  }
0x1: {  	s0 =	rddreg [dreg:$0x0]  }
0x2: {  	s2 =	rddreg [dreg:$0x2];
	s29 =	simm.s32 $0x0;
	s1 =	srdreg.scid  }
0x3: {  	s9 =	stileid.u32;
	s28 =	simm.s32 $0x1E000;
	s30 =	simm.s32 $0x50  }
0x4: {  	s31 =	simm.s32 $0x1E080;
	[smem:$0x7FF] =	sst s29;
	s3 =	smul.u32 $0x50000, s9  }
0x5: {  	s1 =	sand.u32 $0x1, s1;
	s5 =	sadd.s32 $0x1D200, s0;
	s7 =	smul.u32 $0x14000, s9  }
0x6: {  	s6 =	sadd.s32 $0xD200, s0;
	s0 =	sadd.s32 $0x45200, s0;
	s9 =	sshll.u32 s9, $0xB  }
0x7: {  	_ =	strace $0x8000004D;
	s4 =	ssub.s32 $0x2, s1;
	s3 =	sshrl.u32 s3, $0x2  }
0x8: {  	s8 =	sshrl.u32 s4, $0x1;
	s26 =	sor.u32 $0x2800, s7;
	s3 =	sadd.s32 s3, s2  }
0x9: {  	s16 =	sadd.s32 $0x5000, s7;
	s15 =	sadd.s32 s26, s2;
	[dreg:$0x5] =	wrdreg s3  }
0xa: {  	s10 =	sadd.s32 $0x7800, s7;
	s12 =	sadd.s32 s16, s2;
	[dreg:$0x6] =	wrdreg s15  }
0xb: {  	s11 =	sadd.s32 $0xA000, s7;
	s17 =	sadd.s32 s10, s2;
	[dreg:$0x7] =	wrdreg s12  }
0xc: {  	s19 =	sadd.s32 $0xC800, s7;
	s18 =	sadd.s32 s11, s2;
	[dreg:$0x8] =	wrdreg s17  }
0xd: {  	s13 =	sadd.s32 $0xF000, s7;
	s14 =	sadd.s32 s19, s2;
	[dreg:$0x9] =	wrdreg s18  }
0xe: {  	s4 =	ssub.s32 s4, s8;
	s20 =	sadd.s32 s13, s2;
	[dreg:$0xa] =	wrdreg s14  }
0xf: {  	s15 =	smul.u32 $0x140000, s1;
	[dreg:$0xb] =	wrdreg s20;
	s1 =	sshll.u32 s1, $0xF  }
0x10: {  	s12 =	simm.s32 $0x1FF80;
	s14 =	sor.u32 s1, s9;
	s9 =	simm.s32 $0x1FE00  }
0x11: {  	s21 =	sadd.s32 s7, s15;
	s8 =	sadd.s32 s15, s26;
	s7 =	sadd.s32 $0x11800, s7  }
0x12: {  	s3 =	sadd.s32 s15, s16;
	s22 =	sadd.s32 s15, s10;
	s23 =	sadd.s32 s15, s11  }
0x13: {  	s24 =	sadd.s32 s15, s19;
	s25 =	sadd.s32 s15, s13;
	s10 =	simm.s32 $0x1FE80  }
0x14: {  	s11 =	simm.s32 $0x1FF00;
	s1 =	sshrl.u32 s21, $0x3;
	s8 =	sshrl.u32 s8, $0x3  }
0x15: {  	s26 =	sadd.s32 s15, s7;
	s15 =	sadd.s32 s7, s2;
	s17 =	sshrl.u32 s3, $0x3  }
0x16: {  	s18 =	sshrl.u32 s22, $0x3;
	s19 =	sshrl.u32 s23, $0x3;
	s22 =	sshrl.u32 s24, $0x3  }
0x17: {  	s23 =	sshrl.u32 s25, $0x3;
	s3 =	simm.s32 $0x1E100;
	s7 =	simm.s32 $0x7  }
0x18: {  	s1 =	sadd.s32 s0, s1;
	s16 =	sadd.s32 s0, s8;
	[dreg:$0xc] =	wrdreg s15  }
0x19: {  	s20 =	sadd.s32 s0, s18;
	s21 =	sadd.s32 s0, s19;
	[dreg:$0xd] =	wrdreg s1  }
0x1a: {  	s24 =	sshrl.u32 s26, $0x3;
	s25 =	sadd.s32 s0, s23;
	[dreg:$0xe] =	wrdreg s16  }
0x1b: {  	s26 =	smax.u32 s4, $0x1;
	s18 =	simm.s32 $0x1B800;
	[dreg:$0x10] =	wrdreg s20  }
0x1c: {  	s19 =	simm.s32 $0x1;
	s23 =	simm.s32 $0x5;
	[dreg:$0x11] =	wrdreg s21  }
0x1d: {  	s8 =	simm.s32 $0x8;
	s1 =	sadd.s32 s0, s17;
	[dreg:$0x13] =	wrdreg s25  }
0x1e: {  	[dreg:$0x15] =	wrdreg s26;
	s25 =	simm.s32 $0x14000;
	s26 =	simm.s32 $0x9  }
0x1f: {  	s16 =	simm.s32 $0x19000;
	s17 =	simm.s32 $0x1E180;
	s20 =	simm.s32 $0x2  }
0x20: {  	s21 =	simm.s32 $0x3;
	[dreg:$0xf] =	wrdreg s1;
	s1 =	sadd.s32 s0, s22  }
0x21: {  	s0 =	sadd.s32 s0, s24;
	s22 =	simm.s32 $0x4;
	[dreg:$0x12] =	wrdreg s1  }
0x22: {  	v0 =	vimm.f32 $0.0e+00;
	s24 =	simm.s32 $0x6;
	[dreg:$0x14] =	wrdreg s0;
	s0 =	simm.s32 $0x16800  }
.LBB2_1:
0x23: {  	[dreg:$0x4] =	wrdreg s29;
	s1 =	simm.s32 $0x0;
	s4 =	simm.s32 $0x200  }
.LBB2_2:
0x24: {  	p0 =	sne.s32 s4, $0x9E00;
	[tilespmem:s1+$0x14070] =	vst v0  }
0x25: {  	[tilespmem:s1+$0x14000] =	vst v0  }
0x26: {  	[tilespmem:s1+$0x14010] =	vst v0  }
.Ltmp0:
0x27: {  	[tilespmem:s1+$0x14020] =	vst v0;
	(pc) =	sbr.rel @p0 .LBB2_2-.Ltmp0, $4  }
0x28: {  	[tilespmem:s1+$0x14030] =	vst v0  }
0x29: {  	[tilespmem:s1+$0x14040] =	vst v0  }
0x2a: {  	[tilespmem:s1+$0x14050] =	vst v0  }
0x2b: {  	[tilespmem:s1+$0x14060] =	vst v0;
	s1 =	sshra.s32 s4, $0x2;
	s4 =	sadd.s32 $0x200, s4  }
0x2c: {  	[tilespmem:s1+$0x14070] =	vst v0  }
0x2d: {  	[tilespmem:s1+$0x14000] =	vst v0  }
0x2e: {  	[tilespmem:s1+$0x14010] =	vst v0  }
0x2f: {  	[tilespmem:s1+$0x14020] =	vst v0  }
0x30: {  	[tilespmem:s1+$0x14030] =	vst v0  }
0x31: {  	[tilespmem:s1+$0x14040] =	vst v0  }
0x32: {  	[tilespmem:s1+$0x14050] =	vst v0  }
0x33: {  	[tilespmem:s1+$0x14060] =	vst v0;
	s29 =	rddreg [dreg:$0x5]  }
0x34: {  	[spmem:s29] =	stream.linear.scatter [tilespmem:s25], [sflag:$0x9], $0x2800, $0x38;
	v63 =	vld [tilespmem:$0x0]  }
0x35: {  	_ =	swait.ge [sflag:s26], $0x2800  }
0x36: {  	[sflag:s26] =	ssyncset.done $0x0  }
0x37: {  	s4 =	rddreg [dreg:$0x6];
	[sflag:s26] =	ssyncadd.s32 $0xFFFFD800  }
0x38: {  	[spmem:s4] =	stream.linear.scatter [tilespmem:s25], [sflag:$0x9], $0x2800, $0x38;
	v63 =	vld [tilespmem:$0x0]  }
0x39: {  	_ =	swait.ge [sflag:s26], $0x2800  }
0x3a: {  	[sflag:s26] =	ssyncset.done $0x0  }
0x3b: {  	s13 =	rddreg [dreg:$0x7];
	[sflag:s26] =	ssyncadd.s32 $0xFFFFD800  }
0x3c: {  	[spmem:s13] =	stream.linear.scatter [tilespmem:s25], [sflag:$0x9], $0x2800, $0x38;
	v63 =	vld [tilespmem:$0x0]  }
0x3d: {  	_ =	swait.ge [sflag:s26], $0x2800  }
0x3e: {  	[sflag:s26] =	ssyncset.done $0x0  }
0x3f: {  	s29 =	rddreg [dreg:$0x8];
	[sflag:s26] =	ssyncadd.s32 $0xFFFFD800  }
0x40: {  	[spmem:s29] =	stream.linear.scatter [tilespmem:s25], [sflag:$0x9], $0x2800, $0x38;
	v63 =	vld [tilespmem:$0x0]  }
0x41: {  	_ =	swait.ge [sflag:s26], $0x2800  }
0x42: {  	[sflag:s26] =	ssyncset.done $0x0  }
0x43: {  	s4 =	rddreg [dreg:$0x9];
	[sflag:s26] =	ssyncadd.s32 $0xFFFFD800  }
0x44: {  	[spmem:s4] =	stream.linear.scatter [tilespmem:s25], [sflag:$0x9], $0x2800, $0x38;
	v63 =	vld [tilespmem:$0x0]  }
0x45: {  	_ =	swait.ge [sflag:s26], $0x2800  }
0x46: {  	[sflag:s26] =	ssyncset.done $0x0  }
0x47: {  	s13 =	rddreg [dreg:$0xa];
	[sflag:s26] =	ssyncadd.s32 $0xFFFFD800  }
0x48: {  	[spmem:s13] =	stream.linear.scatter [tilespmem:s25], [sflag:$0x9], $0x2800, $0x38;
	v63 =	vld [tilespmem:$0x0]  }
0x49: {  	_ =	swait.ge [sflag:s26], $0x2800  }
0x4a: {  	[sflag:s26] =	ssyncset.done $0x0  }
0x4b: {  	s29 =	rddreg [dreg:$0xb];
	[sflag:s26] =	ssyncadd.s32 $0xFFFFD800  }
0x4c: {  	[spmem:s29] =	stream.linear.scatter [tilespmem:s25], [sflag:$0x9], $0x2800, $0x38;
	v63 =	vld [tilespmem:$0x0]  }
0x4d: {  	_ =	swait.ge [sflag:s26], $0x2800  }
0x4e: {  	[sflag:s26] =	ssyncset.done $0x0  }
0x4f: {  	[sflag:s26] =	ssyncadd.s32 $0xFFFFD800  }
0x50: {  	[spmem:s15] =	stream.linear.scatter [tilespmem:s25], [sflag:$0x9], $0x2800, $0x38;
	v63 =	vld [tilespmem:$0x0]  }
0x51: {  	_ =	swait.ge [sflag:s26], $0x2800  }
0x52: {  	[sflag:s26] =	ssyncset.done $0x0  }
0x53: {  	[sflag:s26] =	ssyncadd.s32 $0xFFFFD800  }
0x54: {  	s13 =	simm.s32 $0x0;
	s15 =	simm.s32 $0x0;
	[bflag:$0x0] =	sbarrier.arrive $0xFFFF  }
.LBB2_4:
0x55: {  	s1 =	sshll.u32 s15, $0x9  }
0x56: {  	s4 =	rddreg [dreg:$0x1];
	s1 =	sadd.s32 s14, s1  }
0x57: {  	s4 =	sadd.s32 s4, s1  }
0x58: {  	[tilespmem:s28], [sflag:$0x9] =	stream.linear.gather [hbm4b:s4+s13], $0x1000, $0x38;
	v63 =	vld [tilespmem:$0x0]  }
0x59: {  	_ =	swait.ge [sflag:s26], $0x1000  }
0x5a: {  	[sflag:s26] =	ssyncset.done $0x0  }
0x5b: {  	s29 =	simm.s32 $0x1F000;
	s1 =	sadd.s32 s6, s1;
	[sflag:s26] =	ssyncadd.s32 $0xFFFFF000  }
0x5c: {  	[tilespmem:s29], [sflag:$0x9] =	stream.linear.gather [hbm4b:s1+s13], $0x1000, $0x38;
	v63 =	vld [tilespmem:$0x0]  }
0x5d: {  	_ =	swait.ge [sflag:s26], $0x1000  }
0x5e: {  	[sflag:s26] =	ssyncset.done $0x0  }
0x5f: {  	[sflag:s26] =	ssyncadd.s32 $0xFFFFF000  }
0x60: {  	[tilespmem:s25], [sflag:$0x1] =	stream.indirect.gather [hbm4b:s5+s30], $0x80, s28, s30, $0xb8;
	v63 =	vld [tilespmem:$0x0]  }
0x61: {  	_ = 	snop  }
0x62: {  	[tilespmem:s0], [sflag:$0x2] =	stream.indirect.gather [hbm4b:s5+s30], $0x80, s31, s30, $0xb8;
	v63 =	vld [tilespmem:$0x0]  }
0x63: {  	_ = 	snop  }
0x64: {  	[tilespmem:s16], [sflag:$0x3] =	stream.indirect.gather [hbm4b:s5+s30], $0x80, s3, s30, $0xb8;
	v63 =	vld [tilespmem:$0x0]  }
0x65: {  	_ = 	snop  }
0x66: {  	[tilespmem:s18], [sflag:$0x4] =	stream.indirect.gather [hbm4b:s5+s30], $0x80, s17, s30, $0xb8;
	v63 =	vld [tilespmem:$0x0]  }
0x67: {  	_ =	swait.ge [sflag:s19], $0x2800  }
0x68: {  	[sflag:s19] =	ssyncset.done $0x0  }
0x69: {  	s29 =	simm.s32 $0x1F000;
	[sflag:s19] =	ssyncadd.s32 $0xFFFFD800  }
0x6a: {  	[spmem:s2] =	stream.indirect.scatter.add.f32 [tilespmem:s25], [sflag:$0x5], $0x80, s29, s30, $0xb8;
	v63 =	vld [tilespmem:$0x0]  }
0x6b: {  	_ =	swait.ge [sflag:s20], $0x2800  }
0x6c: {  	[sflag:s20] =	ssyncset.done $0x0  }
0x6d: {  	s4 =	simm.s32 $0x1F080;
	[sflag:s20] =	ssyncadd.s32 $0xFFFFD800  }
0x6e: {  	[spmem:s2] =	stream.indirect.scatter.add.f32 [tilespmem:s0], [sflag:$0x6], $0x80, s4, s30, $0xb8;
	v63 =	vld [tilespmem:$0x0]  }
0x6f: {  	_ =	swait.ge [sflag:s21], $0x2800  }
0x70: {  	[sflag:s21] =	ssyncset.done $0x0  }
0x71: {  	s29 =	simm.s32 $0x1F100;
	[sflag:s21] =	ssyncadd.s32 $0xFFFFD800  }
0x72: {  	[spmem:s2] =	stream.indirect.scatter.add.f32 [tilespmem:s16], [sflag:$0x7], $0x80, s29, s30, $0xb8;
	v63 =	vld [tilespmem:$0x0]  }
0x73: {  	_ =	swait.ge [sflag:s22], $0x2800  }
0x74: {  	[sflag:s22] =	ssyncset.done $0x0  }
0x75: {  	s4 =	simm.s32 $0x1F180;
	[sflag:s22] =	ssyncadd.s32 $0xFFFFD800  }
0x76: {  	[spmem:s2] =	stream.indirect.scatter.add.f32 [tilespmem:s18], [sflag:$0x8], $0x80, s4, s30, $0xb8;
	v63 =	vld [tilespmem:$0x0]  }
0x77: {  	_ =	swait.ge [sflag:s23], $0x2800  }
0x78: {  	[sflag:s23] =	ssyncset.done $0x0  }
0x79: {  	s29 =	simm.s32 $0x1E200;
	[sflag:s23] =	ssyncadd.s32 $0xFFFFD800  }
0x7a: {  	[tilespmem:s25], [sflag:$0x1] =	stream.indirect.gather [hbm4b:s5+s30], $0x80, s29, s30, $0xb8;
	v63 =	vld [tilespmem:$0x0]  }
0x7b: {  	_ =	swait.ge [sflag:s24], $0x2800  }
0x7c: {  	[sflag:s24] =	ssyncset.done $0x0  }
0x7d: {  	s4 =	simm.s32 $0x1E280;
	[sflag:s24] =	ssyncadd.s32 $0xFFFFD800  }
0x7e: {  	[tilespmem:s0], [sflag:$0x2] =	stream.indirect.gather [hbm4b:s5+s30], $0x80, s4, s30, $0xb8;
	v63 =	vld [tilespmem:$0x0]  }
0x7f: {  	_ =	swait.ge [sflag:s7], $0x2800  }
0x80: {  	[sflag:s7] =	ssyncset.done $0x0  }
0x81: {  	s29 =	simm.s32 $0x1E300;
	[sflag:s7] =	ssyncadd.s32 $0xFFFFD800  }
0x82: {  	[tilespmem:s16], [sflag:$0x3] =	stream.indirect.gather [hbm4b:s5+s30], $0x80, s29, s30, $0xb8;
	v63 =	vld [tilespmem:$0x0]  }
0x83: {  	_ =	swait.ge [sflag:s8], $0x2800  }
0x84: {  	[sflag:s8] =	ssyncset.done $0x0  }
0x85: {  	s1 =	simm.s32 $0x1E380;
	s4 =	simm.s32 $0x800;
	[sflag:s8] =	ssyncadd.s32 $0xFFFFD800  }
.LBB2_5:
0x86: {  	[tilespmem:s18], [sflag:$0x4] =	stream.indirect.gather [hbm4b:s5+s30], $0x80, s1, s30, $0xb8;
	v63 =	vld [tilespmem:$0x0]  }
0x87: {  	s1 =	smov.u32 s4  }
0x88: {  	p0 =	sne.s32 s4, $0x3000;
	s4 =	sadd.s32 $0x800, s4;
	_ =	swait.ge [sflag:s19], $0x2800  }
0x89: {  	s1 =	sshra.s32 s1, $0x2;
	[sflag:s19] =	ssyncset.done $0x0  }
0x8a: {  	s29 =	sadd.s32 $0x1F000, s1;
	[sflag:s19] =	ssyncadd.s32 $0xFFFFD800  }
0x8b: {  	[spmem:s2] =	stream.indirect.scatter.add.f32 [tilespmem:s25], [sflag:$0x5], $0x80, s29, s30, $0xb8;
	v63 =	vld [tilespmem:$0x0]  }
0x8c: {  	_ =	swait.ge [sflag:s20], $0x2800  }
0x8d: {  	[sflag:s20] =	ssyncset.done $0x0  }
0x8e: {  	s29 =	sadd.s32 $0x1F080, s1;
	[sflag:s20] =	ssyncadd.s32 $0xFFFFD800  }
0x8f: {  	[spmem:s2] =	stream.indirect.scatter.add.f32 [tilespmem:s0], [sflag:$0x6], $0x80, s29, s30, $0xb8;
	v63 =	vld [tilespmem:$0x0]  }
0x90: {  	_ =	swait.ge [sflag:s21], $0x2800  }
0x91: {  	[sflag:s21] =	ssyncset.done $0x0  }
0x92: {  	s29 =	sadd.s32 $0x1F100, s1;
	[sflag:s21] =	ssyncadd.s32 $0xFFFFD800  }
0x93: {  	[spmem:s2] =	stream.indirect.scatter.add.f32 [tilespmem:s16], [sflag:$0x7], $0x80, s29, s30, $0xb8;
	v63 =	vld [tilespmem:$0x0]  }
0x94: {  	_ =	swait.ge [sflag:s22], $0x2800  }
0x95: {  	[sflag:s22] =	ssyncset.done $0x0  }
0x96: {  	s29 =	sadd.s32 $0x1F180, s1;
	[sflag:s22] =	ssyncadd.s32 $0xFFFFD800  }
0x97: {  	[spmem:s2] =	stream.indirect.scatter.add.f32 [tilespmem:s18], [sflag:$0x8], $0x80, s29, s30, $0xb8;
	v63 =	vld [tilespmem:$0x0]  }
0x98: {  	_ =	swait.ge [sflag:s23], $0x2800  }
0x99: {  	[sflag:s23] =	ssyncset.done $0x0  }
0x9a: {  	s29 =	sadd.s32 $0x1E200, s1;
	[sflag:s23] =	ssyncadd.s32 $0xFFFFD800  }
0x9b: {  	[tilespmem:s25], [sflag:$0x1] =	stream.indirect.gather [hbm4b:s5+s30], $0x80, s29, s30, $0xb8;
	v63 =	vld [tilespmem:$0x0]  }
0x9c: {  	_ =	swait.ge [sflag:s24], $0x2800  }
0x9d: {  	[sflag:s24] =	ssyncset.done $0x0  }
0x9e: {  	s29 =	sadd.s32 $0x1E280, s1;
	[sflag:s24] =	ssyncadd.s32 $0xFFFFD800  }
0x9f: {  	[tilespmem:s0], [sflag:$0x2] =	stream.indirect.gather [hbm4b:s5+s30], $0x80, s29, s30, $0xb8;
	v63 =	vld [tilespmem:$0x0]  }
0xa0: {  	_ =	swait.ge [sflag:s7], $0x2800  }
0xa1: {  	[sflag:s7] =	ssyncset.done $0x0  }
.Ltmp1:
0xa2: {  	s29 =	sadd.s32 $0x1E300, s1;
	[sflag:s7] =	ssyncadd.s32 $0xFFFFD800;
	(pc) =	sbr.rel @p0 .LBB2_5-.Ltmp1, $4  }
0xa3: {  	[tilespmem:s16], [sflag:$0x3] =	stream.indirect.gather [hbm4b:s5+s30], $0x80, s29, s30, $0xb8;
	v63 =	vld [tilespmem:$0x0]  }
0xa4: {  	_ =	swait.ge [sflag:s8], $0x2800  }
0xa5: {  	[sflag:s8] =	ssyncset.done $0x0  }
0xa6: {  	s1 =	sadd.s32 $0x1E380, s1;
	[sflag:s8] =	ssyncadd.s32 $0xFFFFD800  }
0xa7: {  	[tilespmem:s18], [sflag:$0x4] =	stream.indirect.gather [hbm4b:s5+s30], $0x80, s1, s30, $0xb8;
	v63 =	vld [tilespmem:$0x0]  }
0xa8: {  	_ =	swait.ge [sflag:s19], $0x2800  }
0xa9: {  	[sflag:s19] =	ssyncset.done $0x0  }
0xaa: {  	[sflag:s19] =	ssyncadd.s32 $0xFFFFD800  }
0xab: {  	[spmem:s2] =	stream.indirect.scatter.add.f32 [tilespmem:s25], [sflag:$0x5], $0x80, s9, s30, $0xb8;
	v63 =	vld [tilespmem:$0x0]  }
0xac: {  	_ =	swait.ge [sflag:s20], $0x2800  }
0xad: {  	[sflag:s20] =	ssyncset.done $0x0  }
0xae: {  	[sflag:s20] =	ssyncadd.s32 $0xFFFFD800  }
0xaf: {  	[spmem:s2] =	stream.indirect.scatter.add.f32 [tilespmem:s0], [sflag:$0x6], $0x80, s10, s30, $0xb8;
	v63 =	vld [tilespmem:$0x0]  }
0xb0: {  	_ =	swait.ge [sflag:s21], $0x2800  }
0xb1: {  	[sflag:s21] =	ssyncset.done $0x0  }
0xb2: {  	[sflag:s21] =	ssyncadd.s32 $0xFFFFD800  }
0xb3: {  	[spmem:s2] =	stream.indirect.scatter.add.f32 [tilespmem:s16], [sflag:$0x7], $0x80, s11, s30, $0xb8;
	v63 =	vld [tilespmem:$0x0]  }
0xb4: {  	_ =	swait.ge [sflag:s22], $0x2800  }
0xb5: {  	[sflag:s22] =	ssyncset.done $0x0  }
0xb6: {  	[sflag:s22] =	ssyncadd.s32 $0xFFFFD800  }
0xb7: {  	[spmem:s2] =	stream.indirect.scatter.add.f32 [tilespmem:s18], [sflag:$0x8], $0x80, s12, s30, $0xb8;
	v63 =	vld [tilespmem:$0x0]  }
0xb8: {  	_ =	swait.ge [sflag:s23], $0x2800  }
0xb9: {  	[sflag:s23] =	ssyncset.done $0x0  }
0xba: {  	[sflag:s23] =	ssyncadd.s32 $0xFFFFD800  }
0xbb: {  	_ =	swait.ge [sflag:s24], $0x2800  }
0xbc: {  	[sflag:s24] =	ssyncset.done $0x0  }
0xbd: {  	s15 =	sadd.s32 $0x1, s15;
	[sflag:s24] =	ssyncadd.s32 $0xFFFFD800  }
0xbe: {  	p0 =	sne.s32 s15, $0x4;
	_ =	swait.ge [sflag:s7], $0x2800  }
.Ltmp2:
0xbf: {  	[sflag:s7] =	ssyncset.done $0x0;
	(pc) =	sbr.rel @p0 .LBB2_4-.Ltmp2, $4  }
0xc0: {  	[sflag:s7] =	ssyncadd.s32 $0xFFFFD800  }
0xc1: {  	_ =	swait.ge [sflag:s8], $0x2800  }
0xc2: {  	[sflag:s8] =	ssyncset.done $0x0  }
0xc3: {  	[sflag:s8] =	ssyncadd.s32 $0xFFFFD800  }
0xc4: {  	s1 =	stileid.u32;
	[bflag:$0x0] =	sbarrier.arrive $0xFFFF  }
0xc5: {  	s1 =	sshll.u32 s1, $0x6;
	s4 =	rddreg [dreg:$0x5]  }
0xc6: {  	s13 =	rddreg [dreg:$0xd];
	s1 =	sor.u32 $0x1C09, s1;
	s4 =	sshrl.u32 s4, $0x3  }
0xc7: {  	[hbm:s13], [sflag:s1] =	dma.local [spmem:s4], $0x500  }
0xc8: {  	_ =	swait.ge [sflag:s26], $0x500  }
0xc9: {  	[sflag:s26] =	ssyncset.done $0x0;
	s13 =	rddreg [dreg:$0x6]  }
0xca: {  	s15 =	rddreg [dreg:$0xe];
	[sflag:s26] =	ssyncadd.s32 $0xFFFFFB00;
	s4 =	sshrl.u32 s13, $0x3  }
0xcb: {  	[hbm:s15], [sflag:s1] =	dma.local [spmem:s4], $0x500  }
0xcc: {  	_ =	swait.ge [sflag:s26], $0x500  }
0xcd: {  	[sflag:s26] =	ssyncset.done $0x0;
	s13 =	rddreg [dreg:$0x7]  }
0xce: {  	s15 =	rddreg [dreg:$0xf];
	[sflag:s26] =	ssyncadd.s32 $0xFFFFFB00;
	s4 =	sshrl.u32 s13, $0x3  }
0xcf: {  	[hbm:s15], [sflag:s1] =	dma.local [spmem:s4], $0x500  }
0xd0: {  	_ =	swait.ge [sflag:s26], $0x500  }
0xd1: {  	[sflag:s26] =	ssyncset.done $0x0;
	s13 =	rddreg [dreg:$0x8]  }
0xd2: {  	s15 =	rddreg [dreg:$0x10];
	[sflag:s26] =	ssyncadd.s32 $0xFFFFFB00;
	s4 =	sshrl.u32 s13, $0x3  }
0xd3: {  	[hbm:s15], [sflag:s1] =	dma.local [spmem:s4], $0x500  }
0xd4: {  	_ =	swait.ge [sflag:s26], $0x500  }
0xd5: {  	[sflag:s26] =	ssyncset.done $0x0;
	s13 =	rddreg [dreg:$0x9]  }
0xd6: {  	s15 =	rddreg [dreg:$0x11];
	[sflag:s26] =	ssyncadd.s32 $0xFFFFFB00;
	s4 =	sshrl.u32 s13, $0x3  }
0xd7: {  	[hbm:s15], [sflag:s1] =	dma.local [spmem:s4], $0x500  }
0xd8: {  	_ =	swait.ge [sflag:s26], $0x500  }
0xd9: {  	[sflag:s26] =	ssyncset.done $0x0;
	s13 =	rddreg [dreg:$0xa]  }
0xda: {  	s15 =	rddreg [dreg:$0x12];
	[sflag:s26] =	ssyncadd.s32 $0xFFFFFB00;
	s4 =	sshrl.u32 s13, $0x3  }
0xdb: {  	[hbm:s15], [sflag:s1] =	dma.local [spmem:s4], $0x500  }
0xdc: {  	_ =	swait.ge [sflag:s26], $0x500  }
0xdd: {  	[sflag:s26] =	ssyncset.done $0x0;
	s13 =	rddreg [dreg:$0xb]  }
0xde: {  	s15 =	rddreg [dreg:$0x13];
	[sflag:s26] =	ssyncadd.s32 $0xFFFFFB00;
	s4 =	sshrl.u32 s13, $0x3  }
0xdf: {  	[hbm:s15], [sflag:s1] =	dma.local [spmem:s4], $0x500  }
0xe0: {  	_ =	swait.ge [sflag:s26], $0x500  }
0xe1: {  	[sflag:s26] =	ssyncset.done $0x0;
	s15 =	rddreg [dreg:$0xc]  }
0xe2: {  	s13 =	rddreg [dreg:$0x14];
	[sflag:s26] =	ssyncadd.s32 $0xFFFFFB00;
	s4 =	sshrl.u32 s15, $0x3  }
0xe3: {  	[hbm:s13], [sflag:s1] =	dma.local [spmem:s4], $0x500  }
0xe4: {  	_ =	swait.ge [sflag:s26], $0x500  }
0xe5: {  	s29 =	rddreg [dreg:$0x4]  }
0xe6: {  	s13 =	rddreg [dreg:$0x15];
	s29 =	sadd.s32 $0x1, s29  }
0xe7: {  	p0 =	sne.s32 s29, s13  }
.Ltmp3:
0xe8: {  	_ = 	snop;
	(pc) =	sbr.rel @p0 .LBB2_1-.Ltmp3, $3  }
0xe9: {  	_ =	sdelay $0x1  }
0xea: {  	[sflag:s26] =	ssyncset.done $0x0  }
0xeb: {  	[sflag:s26] =	ssyncadd.s32 $0xFFFFFB00  }
0xec: {  	_ =	sfence.sel $0x180000  }
0xed: {  	[bflag:$0x0] =	sbarrier.arrive $0xFFFF  }
0xee: {  	_ =	strace $0x9000004D  }
0xef: {  	s0 =	stileid.u32;
	[bflag:$0x2] =	sbarrier.arrive $0xFFFF  }
0xf0: {  	p0 =	sne.s32 s0, $0x0;
	s0 =	rddreg [dreg:$0x3]  }
0xf1: {  	s0 =	sadd.s32 @!p0 $0x100000, s0  }
0xf2: {  	[sflag:s0] =	ssyncadd.tile.s32 @!p0 $0x1;
	_ =	shalt  }
.Lfunc_end2:
_tile_overlayer_lowered:
.L_overlay_start_2:
0xf3: {  	(tag) =	ssettag $0x2  }
0xf4: {  	s0 =	rddreg [dreg:$0x0];
	s2 =	stileid.u32  }
0xf5: {  	s1 =	rddreg [dreg:$0x1];
	p0 =	sne.s32 s2, $0x0  }
0xf6: {  	s3 =	rddreg [dreg:$0x2];
	[bflag:$0x3] =	sbarrier.arrive $0xFFFF;
	s2 =	simm.s32 @!p0 $0x1C09  }
0xf7: {  	[timem:s3], [sflag:s2] =	dma.local @!p0 [hbm:s0], s1  }
0xf8: {  	s0 =	simm.s32 @!p0 $0x9  }
0xf9: {  	_ =	swait.ge @!p0 [sflag:s0], s1  }
0xfa: {  	s1 =	ssub.s32 @!p0 $0x0, s1;
	[sflag:s0] =	ssyncset.done @!p0 $0x0  }
0xfb: {  	[sflag:s0] =	ssyncadd.s32 @!p0 s1  }
0xfc: {  	[bflag:$0x3] =	sbarrier.arrive $0xFFFF  }
0xfd: {  	_ =	shalt  }

// kernel: kernel.8.cloned.1.call-start
scs
__scs_entry_jumppad:
0x0: {  	(pc) =	sbr.rel $0x88, $3  }
0x1: {  	(tag) =	ssettag $0x0;
	lr =	simm.s32 $0x1  }
0x2: {  	[smem:$0x3F9B] =	sst lr;
	_ =	strace $0xD0000000  }
0x3: {  	_ = 	snop  }
0x4: {  	_ = 	snop  }
0x5: {  	_ = 	snop  }
0x6: {  	_ = 	snop  }
0x7: {  	_ = 	snop  }
__scs_overlays_trampoline_lowered:
0x8: {  	[smem:$0x3FAA] =	sst s0  }
0x9: {  	[smem:$0x3FAB] =	sst s1  }
0xa: {  	[smem:$0x3FAC] =	sst s2  }
0xb: {  	[smem:$0x3FAD] =	sst s3  }
0xc: {  	[smem:$0x3FAE] =	sst s4  }
0xd: {  	[smem:$0x3FAF] =	sst s5  }
0xe: {  	[smem:$0x3FB0] =	sst s6  }
0xf: {  	[smem:$0x3FB1] =	sst s7  }
0x10: {  	[smem:$0x3FB2] =	sst s8  }
0x11: {  	[smem:$0x3FB3] =	sst s9;
	s0 =	simm.s32 @!p0 $0x0  }
0x12: {  	s1 =	sld [smem:$0x3F99];
	s0 =	simm.s32 @p0 $0x1  }
0x13: {  	[smem:$0x3FB4] =	sst s0;
	s0 =	simm.s32 @!p1 $0x0  }
0x14: {  	s2 =	sld [smem:$0x3F98];
	s0 =	simm.s32 @p1 $0x1  }
0x15: {  	[smem:$0x3FB5] =	sst s0;
	s0 =	simm.s32 @!p2 $0x0  }
0x16: {  	s3 =	sld [smem:$0x3FDB];
	s0 =	simm.s32 @p2 $0x1  }
0x17: {  	s4 =	simm.s32 $0x1BF5;
	[smem:$0x3FB7] =	sst s0  }
0x18: {  	s0 =	sld [smem:$0x3F9A];
	_ =	swait.ge [sflag:s4], $0x0  }
0x19: {  	s7 =	sld [smem:$0x3F9B]  }
0x1a: {  	s8 =	sadd.s32 $0xFFFFE003, lr  }
0x1b: {  	s9 =	sadd.s32 $0xFFFFFEF7, lr;
	s5 =	simm.s32 $0xFFFFFFFF;
	p2 =	slt.u32 s8, $0xFFFFF086  }
0x1c: {  	p1 =	slt.u32 s9, $0xF7A;
	s5 =	simm.s32 @!p2 $0x0  }
0x1d: {  	s5 =	simm.s32 @p1 $0x1;
	p0 =	seq.s32 s7, s2  }
0x1e: {  	s7 =	smul.u32 @!p0 $0xF7A, s2;
	p2 =	seq.s32 @!p0 s5, $0x0  }
0x1f: {  	s9 =	smul.u32 $0xF7A, s1;
	s8 =	simm.s32 @!p0 $0x1BF5;
	p2 =	por !p2, p0  }
0x20: {  	[sflag:s8] =	ssyncset.s32 @!p0 $0xFFFFF086;
	s6 =	sadd.s32 @!p0 s3, s7;
	s7 =	simm.s32 @!p0 $0x108  }
0x21: {  	s3 =	sadd.s32 s3, s9;
	s6 =	sadd.s32 @!p0 $0x88, s6;
	s7 =	simm.s32 @p2 $0x1082  }
0x22: {  	[simem:s7], [sflag:s8] =	dma.local @!p0 [hbm:s6], $0xF7A  }
0x23: {  	s9 =	sor.u32 $0xD0000000, s2;
	s6 =	simm.s32 $0x108;
	_ =	swait.ge @!p0 [sflag:s8], $0x0  }
0x24: {  	s3 =	sadd.s32 $0x88, s3;
	s6 =	simm.s32 @!p1 $0x1082;
	[sflag:s4] =	ssyncset.s32 $0xFFFFF086  }
0x25: {  	[simem:s6], [sflag:s4] =	dma.local [hbm:s3], $0xF7A  }
0x26: {  	[smem:$0x3F9B] =	sst s1;
	(tag) =	ssettag s2;
	_ =	strace s9  }
0x27: {  	s1 =	sld [smem:$0x3FAB]  }
0x28: {  	s2 =	sld [smem:$0x3FAC]  }
0x29: {  	s4 =	sld [smem:$0x3FAE]  }
0x2a: {  	p0 =	seq.s32 s5, $0x0;
	s5 =	sld [smem:$0x3FAF]  }
0x2b: {  	s6 =	sld [smem:$0x3FB0]  }
0x2c: {  	s7 =	sld [smem:$0x3FB1]  }
0x2d: {  	s3 =	simm.s32 $0x108;
	s8 =	sld [smem:$0x3FB2]  }
0x2e: {  	s3 =	simm.s32 @!p0 $0x1082;
	s9 =	sld [smem:$0x3FB3]  }
0x2f: {  	lr =	sadd.s32 s0, s3;
	s0 =	sld [smem:$0x3FAA]  }
0x30: {  	s3 =	sld [smem:$0x3FAD]  }
0x31: {  	[smem:$0x3FB6] =	sst s10  }
0x32: {  	s10 =	sld [smem:$0x3FB4];
	_ =	sdelay $0x3  }
0x33: {  	p0 =	seq.s32 s10, $0x1;
	s10 =	sld [smem:$0x3FB6];
	_ =	sdelay $0x3  }
0x34: {  	[smem:$0x3FB6] =	sst s10  }
0x35: {  	s10 =	sld [smem:$0x3FB5];
	_ =	sdelay $0x3  }
0x36: {  	p1 =	seq.s32 s10, $0x1;
	s10 =	sld [smem:$0x3FB6];
	_ =	sdelay $0x3  }
0x37: {  	[smem:$0x3FB6] =	sst s10  }
0x38: {  	s10 =	sld [smem:$0x3FB7]  }
0x39: {  	_ = 	snop;
	(pc) =	sbr.ind lr, $3  }
0x3a: {  	_ = 	snop  }
0x3b: {  	_ = 	snop  }
0x3c: {  	p2 =	seq.s32 s10, $0x1;
	s10 =	sld [smem:$0x3FB6]  }
0x3d: {  	_ =	shalt  }
0x3e: {  	_ =	shalt  }
0x3f: {  	_ =	shalt  }
0x40: {  	_ =	shalt  }
0x41: {  	_ =	shalt  }
0x42: {  	_ =	shalt  }
0x43: {  	_ =	shalt  }
0x44: {  	_ =	shalt  }
0x45: {  	_ =	shalt  }
0x46: {  	_ =	shalt  }
0x47: {  	_ =	shalt  }
0x48: {  	_ =	shalt  }
0x49: {  	_ =	shalt  }
0x4a: {  	_ =	shalt  }
0x4b: {  	_ =	shalt  }
0x4c: {  	_ =	shalt  }
0x4d: {  	_ =	shalt  }
0x4e: {  	_ =	shalt  }
0x4f: {  	_ =	shalt  }
0x50: {  	_ =	shalt  }
0x51: {  	_ =	shalt  }
0x52: {  	_ =	shalt  }
0x53: {  	_ =	shalt  }
0x54: {  	_ =	shalt  }
0x55: {  	_ =	shalt  }
0x56: {  	_ =	shalt  }
0x57: {  	_ =	shalt  }
0x58: {  	_ =	shalt  }
0x59: {  	_ =	shalt  }
0x5a: {  	_ =	shalt  }
0x5b: {  	_ =	shalt  }
0x5c: {  	_ =	shalt  }
0x5d: {  	_ =	shalt  }
0x5e: {  	_ =	shalt  }
0x5f: {  	_ =	shalt  }
0x60: {  	_ =	shalt  }
0x61: {  	_ =	shalt  }
0x62: {  	_ =	shalt  }
0x63: {  	_ =	shalt  }
0x64: {  	_ =	shalt  }
0x65: {  	_ =	shalt  }
0x66: {  	_ =	shalt  }
0x67: {  	_ =	shalt  }
0x68: {  	_ =	shalt  }
0x69: {  	_ =	shalt  }
0x6a: {  	_ =	shalt  }
0x6b: {  	_ =	shalt  }
0x6c: {  	_ =	shalt  }
0x6d: {  	_ =	shalt  }
0x6e: {  	_ =	shalt  }
0x6f: {  	_ =	shalt  }
0x70: {  	_ =	shalt  }
0x71: {  	_ =	shalt  }
0x72: {  	_ =	shalt  }
0x73: {  	_ =	shalt  }
0x74: {  	_ =	shalt  }
0x75: {  	_ =	shalt  }
0x76: {  	_ =	shalt  }
0x77: {  	_ =	shalt  }
0x78: {  	_ =	shalt  }
0x79: {  	_ =	shalt  }
0x7a: {  	_ =	shalt  }
0x7b: {  	_ =	shalt  }
0x7c: {  	_ =	shalt  }
0x7d: {  	_ =	shalt  }
0x7e: {  	_ =	shalt  }
0x7f: {  	_ =	shalt  }
0x80: {  	_ =	shalt  }
0x81: {  	_ =	shalt  }
0x82: {  	_ =	shalt  }
0x83: {  	_ =	shalt  }
0x84: {  	_ =	shalt  }
0x85: {  	_ =	shalt  }
0x86: {  	_ =	shalt  }
0x87: {  	_ =	shalt  }
.Lfunc_end0:
.L_simem_size_0:
called_computation_lowered:
.L_overlay_start_0:
0x88: {  	s2 =	sld [smem:$0x3FD9]  }
0x89: {  	s3 =	sld [smem:$0x3FFE];
	_ =	sdelay $0x1  }
0x8a: {  	s1 =	srdreg.scid  }
0x8b: {  	s0 =	sand.u32 $0x1, s1  }
0x8c: {  	s16 =	sshll.u32 s0, $0xA;
	s2 =	sadd.s32 s3, s2  }
0x8d: {  	s2 =	sadd.s32 s2, s16  }
0x8e: {  	[smem:$0x3FC2] =	sst s2  }
0x8f: {  	_ = 	snop  }
0x90: {  	(tm) =	ssettm $0x1  }
0x91: {  	s17 =	sld [smem:$0x3FFB];
	_ =	sdelay $0x3  }
0x92: {  	_ =	strace s17  }
0x93: {  	s2 =	sld [smem:$0x3FFC];
	_ =	sdelay $0x3  }
0x94: {  	_ =	strace s2  }
0x95: {  	s2 =	sld [smem:$0x3FFD];
	_ =	sdelay $0x3  }
0x96: {  	_ =	strace s2  }
0x97: {  	_ =	strace $0x8FFFFFFF  }
0x98: {  	s18 =	sld [smem:$0x3FDB];
	_ =	sdelay $0x1  }
0x99: {  	s19 =	simm.s32 $_scs_section_size  }
0x9a: {  	s4 =	simm.s32 $_size__tile_overlayer_lowered;
	s5 =	simm.s32 $_tile_overlayer_lowered  }
0x9b: {  	s22 =	simm.s32 $0x1BFF;
	s21 =	sshll.u32 s5, $0x1;
	s2 =	sadd.s32 s19, s18  }
0x9c: {  	s6 =	simm.s32 $0x0;
	s20 =	sshll.u32 s4, $0x1;
	s4 =	sadd.s32 s21, s2  }
0x9d: {  	[timem:s6], [sflag:s22] =	dma.local [hbm:s4], s20  }
0x9e: {  	_ =	swait.ge [sflag:s22], s20  }
0x9f: {  	s3 =	ssub.s32 $0x0, s20;
	[sflag:s22] =	ssyncset.done $0x0  }
0xa0: {  	[sflag:s22] =	ssyncadd.s32 s3;
	_ =	sdelay $0x1  }
0xa1: {  	s23 =	simm.s32 $0x1B8B  }
0xa2: {  	_ =	swait.ge [sflag:s23], $0x1  }
0xa3: {  	[sflag:s23] =	ssyncset.done $0x0  }
0xa4: {  	s25 =	simm.s32 $0x1B8E;
	s24 =	sld [smem:$0x3FFE];
	[sflag:s23] =	ssyncadd.s32 $0xFFFFFFFF  }
0xa5: {  	s26 =	simm.s32 $execute0_lowered;
	[smem:$0x3FD2] =	sst s25  }
0xa6: {  	s4 =	sshll.u32 s26, $0x1;
	_ =	strace $0x80000046;
	[dreg:$0x1] =	wrdreg $0xFFFFFFFF  }
0xa7: {  	s28 =	simm.s32 $_size_execute0_lowered;
	s2 =	sadd.s32 s2, s4;
	[dreg:$0x0] =	wrdreg $0x0  }
0xa8: {  	s4 =	sshll.u32 s28, $0x1;
	[dreg:$0x2] =	wrdreg s2  }
0xa9: {  	[dreg:$0x3] =	wrdreg s4  }
0xaa: {  	[dreg:$0x4] =	wrdreg $0xC0  }
0xab: {  	_ =	task [dreg:s6], $0x5FFFF  }
0xac: {  	[dreg:$0x1] =	wrdreg $0xFFFFFFFF  }
0xad: {  	[dreg:$0x0] =	wrdreg $0x60  }
0xae: {  	[dreg:$0x2] =	wrdreg s24  }
0xaf: {  	[dreg:$0x3] =	wrdreg $0x0  }
0xb0: {  	[dreg:$0x4] =	wrdreg $0x9  }
0xb1: {  	_ =	task.clear_ibuf [dreg:s6], $0x5FFFF;
	_ =	strace $0x90000046  }
0xb2: {  	s29 =	simm.s32 $0x9;
	_ =	strace $0x80000048  }
0xb3: {  	_ =	swait.ge [sflag:s29], $0x1  }
0xb4: {  	[sflag:s29] =	ssyncadd.s32 $0xFFFFFFFF  }
0xb5: {  	_ =	strace $0x90000048  }
0xb6: {  	_ =	sfence  }
0xb7: {  	s30 =	sld [smem:$0x0];
	_ =	sdelay $0x2  }
0xb8: {  	s31 =	sshll.u32 s1, $0xD;
	s1 =	sshrl.u32 s1, $0x2  }
0xb9: {  	s3 =	sand.u32 $0x4000, s31;
	s1 =	sadd.s32 s1, s30  }
0xba: {  	s0 =	sor.u32 s3, s0;
	s1 =	sshll.u32 s1, $0x11  }
0xbb: {  	s0 =	sor.u32 s1, s0  }
0xbc: {  	s0 =	sadd.s32 $0x8F2B, s0  }
0xbd: {  	[sflag:s0] =	ssyncadd.remote.s32 $0x1  }
0xbe: {  	_ =	sfence.sel $0xFFFF  }
0xbf: {  	[dreg:$0x0] =	wrdreg $0xFFFFFFFF;
	(pc) =	sbr.abs _section_cstart, $3  }
0xc0: {  	[dreg:$0x1] =	wrdreg $0xFFFFFFFF  }
0xc1: {  	_ =	task.clear_ibuf [dreg:s6], $0x2FFFF;
	_ =	strace $0x9FFFFFFF  }
0xc2: {  	(tm) =	ssettm $0x7FFFFFFF  }
0xc3: {  	_ =	shalt  }
tec
execute0_lowered:
.L_overlay_start_1:
0x0: {  	(tag) =	ssettag $0x1  }
0x1: {  	s0 =	srdreg.scid;
	s4 =	rddreg [dreg:$0x0]  }
0x2: {  	s5 =	rddreg [dreg:$0x1];
	s2 =	simm.s32 $0x0;
	s11 =	simm.s32 $0x80  }
0x3: {  	s12 =	simm.s32 $0x400;
	s13 =	simm.s32 $0x1400;
	s14 =	simm.s32 $0x14000  }
0x4: {  	s15 =	simm.s32 $0x7800;
	s16 =	simm.s32 $0x100;
	s17 =	simm.s32 $0xA000  }
0x5: {  	s3 =	sand.u32 $0x1, s0;
	s0 =	stileid.u32;
	[smem:$0x7FF] =	sst s2  }
0x6: {  	s1 =	sshll.u32 s3, $0x4;
	s7 =	smul.u32 $0x500, s0;
	s8 =	sshll.u32 s3, $0x7  }
0x7: {  	s26 =	sshrl.u32 s0, $0x3;
	s3 =	ssub.s32 $0x2, s3;
	s9 =	smul.u32 $0x5000, s0  }
0x8: {  	s29 =	sshll.u32 s0, $0x7;
	s6 =	sor.u32 s0, s1;
	s1 =	rddreg [dreg:$0x2]  }
0x9: {  	_ =	strace $0x80000047;
	s28 =	sshrl.u32 s3, $0x1;
	s6 =	smul.u32 $0x500, s6  }
0xa: {  	s31 =	sand.u32 $0x380, s29;
	s7 =	sor.u32 s8, s7;
	s8 =	smul.u32 $0x50000, s26  }
0xb: {  	s10 =	ssub.s32 s3, s28;
	s9 =	sshrl.u32 s9, $0x2;
	s7 =	sshrl.u32 s7, $0x3  }
0xc: {  	s6 =	sadd.s32 s6, s4;
	s7 =	sadd.s32 s7, s4;
	s30 =	sshrl.u32 s8, $0x2  }
0xd: {  	s8 =	simm.s32 $0x5000;
	s4 =	sadd.s32 s30, s5;
	s3 =	sadd.s32 $0x2800, s6  }
0xe: {  	s5 =	sadd.s32 s9, s5;
	s6 =	sadd.s32 $0xC800, s7;
	s7 =	smax.u32 s10, $0x1  }
0xf: {  	v0 =	vimm.f32 $0.0e+00;
	v1 =	vimm.f32 $1.000000000e+00;
	s9 =	simm.s32 $0x1;
	s10 =	simm.s32 $0x2800;
	s4 =	sadd.s32 s31, s4  }
.LBB2_1:
0x10: {  	s18 =	simm.s32 $0x40;
	s19 =	simm.s32 $0x0  }
.LBB2_2:
0x11: {  	p0 =	sne.s32 s18, $0x9FC0;
	[tilespmem:s19+$0x2800] =	vst v0;
	s19 =	smov.u32 s18;
	s18 =	sadd.s32 $0x40, s18  }
.Ltmp0:
0x12: {  	(pc) =	sbr.rel @p0 .LBB2_2-.Ltmp0, $2  }
0x13: {  	_ =	sdelay $0x2  }
0x14: {  	s19 =	sshra.s32 s19, $0x2  }
0x15: {  	[tilespmem:s19+$0x2800] =	vst v0;
	s18 =	simm.s32 $0x0  }
0x16: {  	[tilespmem:s8], [sflag:$0x1] =	stream.linear.gather [hbm4b:s3+s18], $0x2800, $0x38;
	[tilespmem:$0xA280] =	vst v63  }
0x17: {  	_ =	swait.ge [sflag:s9], $0x2800  }
0x18: {  	[sflag:s9] =	ssyncset.done $0x0  }
0x19: {  	[sflag:s9] =	ssyncadd.s32 $0xFFFFD800  }
.LBB2_4:
0x1a: {  	s19 =	sshra.s32 s18, $0x2  }
0x1b: {  	v2 =	vld [tilespmem:s19+$0x5000];
	_ =	sdelay $0x7  }
0x1c: {  	[tilespmem:v2+s10+$0x0] =	vst.idx.add.f32.msk $0xffff, v1  }
0x1d: {  	v2 =	vld [tilespmem:s19+$0x5010];
	_ =	sdelay $0x7  }
0x1e: {  	[tilespmem:v2+s10+$0x0] =	vst.idx.add.f32.msk $0xffff, v1  }
0x1f: {  	v2 =	vld [tilespmem:s19+$0x5020];
	_ =	sdelay $0x7  }
0x20: {  	[tilespmem:v2+s10+$0x0] =	vst.idx.add.f32.msk $0xffff, v1  }
0x21: {  	v2 =	vld [tilespmem:s19+$0x5030];
	_ =	sdelay $0x7  }
0x22: {  	[tilespmem:v2+s10+$0x0] =	vst.idx.add.f32.msk $0xffff, v1  }
0x23: {  	v2 =	vld [tilespmem:s19+$0x5040];
	_ =	sdelay $0x7  }
0x24: {  	[tilespmem:v2+s10+$0x0] =	vst.idx.add.f32.msk $0xffff, v1  }
0x25: {  	v2 =	vld [tilespmem:s19+$0x5050];
	_ =	sdelay $0x7  }
0x26: {  	[tilespmem:v2+s10+$0x0] =	vst.idx.add.f32.msk $0xffff, v1  }
0x27: {  	v2 =	vld [tilespmem:s19+$0x5060];
	_ =	sdelay $0x7  }
0x28: {  	[tilespmem:v2+s10+$0x0] =	vst.idx.add.f32.msk $0xffff, v1  }
0x29: {  	v2 =	vld [tilespmem:s19+$0x5070];
	_ =	sdelay $0x2  }
0x2a: {  	p0 =	sne.s32 s18, $0x9E00  }
.Ltmp1:
0x2b: {  	_ = 	snop;
	(pc) =	sbr.rel @p0 .LBB2_4-.Ltmp1, $2  }
0x2c: {  	_ =	sdelay $0x2  }
0x2d: {  	s18 =	sadd.s32 $0x200, s18;
	[tilespmem:v2+s10+$0x0] =	vst.idx.add.f32.msk $0xffff, v1  }
0x2e: {  	[spmem:s4] =	stream.strided.scatter [tilespmem:s10], [sflag:$0x1], $0x2800, s12, s11, $0x38;
	[tilespmem:$0xA280] =	vst v63  }
0x2f: {  	_ =	swait.ge [sflag:s9], $0x2800  }
0x30: {  	[sflag:s9] =	ssyncset.done $0x0  }
0x31: {  	[sflag:s9] =	ssyncadd.s32 $0xFFFFD800  }
0x32: {  	[bflag:$0x0] =	sbarrier.arrive $0xFFFF  }
0x33: {  	[tilespmem:s15], [sflag:$0x1] =	stream.strided.gather [spmem:s5], $0x2800, s14, s13, $0x38;
	[tilespmem:$0xA280] =	vst v63  }
0x34: {  	s18 =	simm.s32 $0x0;
	_ =	swait.ge [sflag:s9], $0x2800  }
0x35: {  	s19 =	sand.u32 $0x70, s18;
	s18 =	sand.u32 $0x1C00, s18;
	[sflag:s9] =	ssyncset.done $0x0  }
0x36: {  	s18 =	sor.u32 s19, s18;
	[sflag:s9] =	ssyncadd.s32 $0xFFFFD800  }
0x37: {  	v2 =	vld [tilespmem:s18+$0x7880]  }
0x38: {  	v3 =	vld [tilespmem:s18+$0x7800];
	_ =	sdelay $0x1  }
0x39: {  	v4 =	vld [tilespmem:s18+$0x7900];
	_ =	sdelay $0x1  }
0x3a: {  	v5 =	vld [tilespmem:s18+$0x7980]  }
0x3b: {  	v2 =	vadd.f32 v2, v3  }
0x3c: {  	v3 =	vld [tilespmem:s18+$0x7A00]  }
0x3d: {  	v2 =	vadd.f32 v4, v2  }
0x3e: {  	v56 =	vld [tilespmem:s18+$0x7A80]  }
0x3f: {  	v2 =	vadd.f32 v5, v2  }
0x40: {  	v57 =	vld [tilespmem:s18+$0x7B00]  }
0x41: {  	v2 =	vadd.f32 v3, v2  }
0x42: {  	v3 =	vld [tilespmem:s18+$0x7B80]  }
0x43: {  	v2 =	vadd.f32 v56, v2  }
0x44: {  	v58 =	vld [tilespmem:s18+$0x8C00]  }
0x45: {  	v2 =	vadd.f32 v57, v2  }
0x46: {  	v59 =	vld [tilespmem:s18+$0x8C80]  }
0x47: {  	v2 =	vadd.f32 v3, v2  }
0x48: {  	v3 =	vld [tilespmem:s18+$0x8D00]  }
0x49: {  	v2 =	vadd.f32 v58, v2  }
0x4a: {  	v60 =	vld [tilespmem:s18+$0x8D80]  }
0x4b: {  	v2 =	vadd.f32 v59, v2  }
0x4c: {  	v61 =	vld [tilespmem:s18+$0x8E00]  }
0x4d: {  	v2 =	vadd.f32 v3, v2  }
0x4e: {  	v3 =	vld [tilespmem:s18+$0x8E80]  }
0x4f: {  	v2 =	vadd.f32 v60, v2  }
0x50: {  	v62 =	vld [tilespmem:s18+$0x8F00]  }
0x51: {  	v2 =	vadd.f32 v61, v2  }
0x52: {  	v63 =	vld [tilespmem:s18+$0x8F80]  }
0x53: {  	v2 =	vadd.f32 v3, v2;
	_ =	sdelay $0x1  }
0x54: {  	v2 =	vadd.f32 v62, v2;
	_ =	sdelay $0x1  }
0x55: {  	s31 =	simm.s32 $0x10;
	s20 =	simm.s32 $0x80;
	v2 =	vadd.f32 v63, v2  }
0x56: {  	s21 =	sand.u32 $0x1C00, s20;
	s19 =	sand.u32 $0x70, s31;
	s18 =	simm.s32 $0xA000  }
0x57: {  	s19 =	sor.u32 s19, s21;
	s21 =	simm.s32 $0x20;
	[tilespmem:s18+$0x0] =	vst v2  }
.LBB2_6:
0x58: {  	p0 =	sne.s32 s21, $0x270;
	v2 =	vld [tilespmem:s19+$0x7880]  }
0x59: {  	v3 =	vld [tilespmem:s19+$0x7800];
	_ =	sdelay $0x1  }
0x5a: {  	v4 =	vld [tilespmem:s19+$0x7900];
	_ =	sdelay $0x1  }
0x5b: {  	v5 =	vld [tilespmem:s19+$0x7980]  }
0x5c: {  	v2 =	vadd.f32 v2, v3  }
0x5d: {  	v3 =	vld [tilespmem:s19+$0x7A00]  }
0x5e: {  	v2 =	vadd.f32 v4, v2  }
0x5f: {  	v4 =	vld [tilespmem:s19+$0x7A80]  }
0x60: {  	v2 =	vadd.f32 v5, v2  }
0x61: {  	v5 =	vld [tilespmem:s19+$0x7B00]  }
0x62: {  	v2 =	vadd.f32 v3, v2  }
0x63: {  	v3 =	vld [tilespmem:s19+$0x7B80]  }
0x64: {  	v2 =	vadd.f32 v4, v2  }
0x65: {  	v4 =	vld [tilespmem:s19+$0x8C00]  }
0x66: {  	v2 =	vadd.f32 v5, v2  }
0x67: {  	v5 =	vld [tilespmem:s19+$0x8C80]  }
0x68: {  	v2 =	vadd.f32 v3, v2  }
0x69: {  	v3 =	vld [tilespmem:s19+$0x8D00]  }
0x6a: {  	v2 =	vadd.f32 v4, v2  }
0x6b: {  	v4 =	vld [tilespmem:s19+$0x8D80]  }
0x6c: {  	v2 =	vadd.f32 v5, v2  }
0x6d: {  	v5 =	vld [tilespmem:s19+$0x8E00]  }
0x6e: {  	v2 =	vadd.f32 v3, v2  }
0x6f: {  	v3 =	vld [tilespmem:s19+$0x8E80]  }
0x70: {  	v2 =	vadd.f32 v4, v2  }
0x71: {  	v4 =	vld [tilespmem:s19+$0x8F00]  }
0x72: {  	v2 =	vadd.f32 v5, v2  }
0x73: {  	v5 =	vld [tilespmem:s19+$0x8F80]  }
0x74: {  	v2 =	vadd.f32 v3, v2;
	_ =	sdelay $0x1  }
.Ltmp2:
0x75: {  	v2 =	vadd.f32 v4, v2;
	(pc) =	sbr.rel @p0 .LBB2_6-.Ltmp2, $4  }
0x76: {  	_ = 	snop  }
0x77: {  	s20 =	sadd.s32 $0x80, s20;
	v2 =	vadd.f32 v5, v2  }
0x78: {  	s18 =	sadd.s32 $0x10, s18;
	s22 =	sand.u32 $0x1C00, s20;
	s19 =	sand.u32 $0x70, s21  }
0x79: {  	s21 =	sadd.s32 $0x10, s21;
	s19 =	sor.u32 s19, s22;
	[tilespmem:s18+$0x0] =	vst v2  }
0x7a: {  	v2 =	vld [tilespmem:s19+$0x7880]  }
0x7b: {  	v3 =	vld [tilespmem:s19+$0x7800];
	_ =	sdelay $0x1  }
0x7c: {  	v4 =	vld [tilespmem:s19+$0x7900];
	_ =	sdelay $0x1  }
0x7d: {  	v5 =	vld [tilespmem:s19+$0x7980]  }
0x7e: {  	v2 =	vadd.f32 v2, v3  }
0x7f: {  	v3 =	vld [tilespmem:s19+$0x7A00]  }
0x80: {  	v2 =	vadd.f32 v4, v2  }
0x81: {  	v56 =	vld [tilespmem:s19+$0x7A80]  }
0x82: {  	v2 =	vadd.f32 v5, v2  }
0x83: {  	v57 =	vld [tilespmem:s19+$0x7B00]  }
0x84: {  	v2 =	vadd.f32 v3, v2  }
0x85: {  	v3 =	vld [tilespmem:s19+$0x7B80]  }
0x86: {  	v2 =	vadd.f32 v56, v2  }
0x87: {  	v58 =	vld [tilespmem:s19+$0x8C00]  }
0x88: {  	v2 =	vadd.f32 v57, v2  }
0x89: {  	v59 =	vld [tilespmem:s19+$0x8C80]  }
0x8a: {  	v2 =	vadd.f32 v3, v2  }
0x8b: {  	v3 =	vld [tilespmem:s19+$0x8D00]  }
0x8c: {  	v2 =	vadd.f32 v58, v2  }
0x8d: {  	v60 =	vld [tilespmem:s19+$0x8D80]  }
0x8e: {  	v2 =	vadd.f32 v59, v2  }
0x8f: {  	v61 =	vld [tilespmem:s19+$0x8E00]  }
0x90: {  	v2 =	vadd.f32 v3, v2  }
0x91: {  	v3 =	vld [tilespmem:s19+$0x8E80]  }
0x92: {  	v2 =	vadd.f32 v60, v2  }
0x93: {  	v62 =	vld [tilespmem:s19+$0x8F00]  }
0x94: {  	v2 =	vadd.f32 v61, v2  }
0x95: {  	v63 =	vld [tilespmem:s19+$0x8F80]  }
0x96: {  	v2 =	vadd.f32 v3, v2;
	_ =	sdelay $0x1  }
0x97: {  	v2 =	vadd.f32 v62, v2;
	_ =	sdelay $0x1  }
0x98: {  	s2 =	sadd.s32 $0x1, s2;
	v2 =	vadd.f32 v63, v2  }
0x99: {  	s18 =	sadd.s32 $0x10, s18;
	p0 =	sne.s32 s2, s7  }
.Ltmp3:
0x9a: {  	[tilespmem:s18+$0x0] =	vst v2;
	(pc) =	sbr.rel @p0 .LBB2_1-.Ltmp3, $4  }
0x9b: {  	[hbm4b:s6+s11] =	stream.strided.scatter [tilespmem:s17], [sflag:$0x1], $0x280, s16, s11, $0x38;
	[tilespmem:$0xA280] =	vst v63  }
0x9c: {  	_ =	swait.ge [sflag:s9], $0x280  }
0x9d: {  	[sflag:s9] =	ssyncset.done $0x0  }
0x9e: {  	[sflag:s9] =	ssyncadd.s32 $0xFFFFFD80  }
0x9f: {  	_ =	sfence.sel $0x180000  }
0xa0: {  	[bflag:$0x0] =	sbarrier.arrive $0xFFFF  }
0xa1: {  	p0 =	sne.s32 s0, $0x0;
	_ =	strace $0x90000047  }
0xa2: {  	s0 =	sadd.s32 @!p0 $0x100000, s1;
	[bflag:$0x2] =	sbarrier.arrive $0xFFFF  }
0xa3: {  	[sflag:s0] =	ssyncadd.tile.s32 @!p0 $0x1;
	_ =	shalt  }
.Lfunc_end2:
_tile_overlayer_lowered:
.L_overlay_start_2:
0xa4: {  	(tag) =	ssettag $0x2  }
0xa5: {  	s0 =	rddreg [dreg:$0x0];
	s2 =	stileid.u32  }
0xa6: {  	s1 =	rddreg [dreg:$0x1];
	p0 =	sne.s32 s2, $0x0  }
0xa7: {  	s3 =	rddreg [dreg:$0x2];
	[bflag:$0x3] =	sbarrier.arrive $0xFFFF;
	s2 =	simm.s32 @!p0 $0x1C01  }
0xa8: {  	[timem:s3], [sflag:s2] =	dma.local @!p0 [hbm:s0], s1  }
0xa9: {  	s0 =	simm.s32 @!p0 $0x1  }
0xaa: {  	_ =	swait.ge @!p0 [sflag:s0], s1  }
0xab: {  	s1 =	ssub.s32 @!p0 $0x0, s1;
	[sflag:s0] =	ssyncset.done @!p0 $0x0  }
0xac: {  	[sflag:s0] =	ssyncadd.s32 @!p0 s1  }
0xad: {  	[bflag:$0x3] =	sbarrier.arrive $0xFFFF  }
0xae: {  	_ =	shalt  }

</sc_bundles>
